<compile_context>
chip_gen: v7x
topology: tpu7x:2x2x1
jax: 0.10.2.dev20260603
libtpu: 0.0.44.dev20260713+nightly
codegen_flags: <defaults>
</compile_context>

<pallas_src>
import jax
import jax.numpy as jnp
from jax import lax
from jax.experimental import pallas as pl
from jax.experimental.pallas import tpu as pltpu
from jax.experimental.pallas import tpu_sc as plsc

NROWS = 4096
NCOLS = 4096
NBINS = 256
NC = 2
NS = 16
L = 16
NW = NC * NS
ROWS_W = NROWS // NW
SLAB = 8
HALF = NCOLS // 2
NCH = ROWS_W // SLAB * 2
NCH1 = ROWS_W // SLAB
NPAIR = NCH // 2
NPAIR1 = NCH1 // 2
VPC = SLAB * NCOLS // L
VPCH = SLAB * HALF // L
UNROLL = 8

_mesh = plsc.VectorSubcoreMesh(core_axis_name="c", subcore_axis_name="s")
_sc_params = pltpu.CompilerParams(
    needs_layout_passes=False,
    use_tc_tiling_on_sc=True,
)


def _worker_id():
    return lax.axis_index("s") * NC + lax.axis_index("c")


def _minmax_tc_body(x_ref, min_ref, max_ref, mn_s, mx_s):
    i = pl.program_id(0)

    @pl.when(i == 0)
    def _():
        mn_s[0] = jnp.inf
        mx_s[0] = -jnp.inf

    mn_s[0] = jnp.minimum(mn_s[0], jnp.min(x_ref[...]))
    mx_s[0] = jnp.maximum(mx_s[0], jnp.max(x_ref[...]))

    @pl.when(i == pl.num_programs(0) - 1)
    def _():
        min_ref[...] = jnp.broadcast_to(mn_s[0], (NW, L))
        max_ref[...] = jnp.broadcast_to(mx_s[0], (NW, L))


MM_BLOCK = 512
_minmax_call = pl.pallas_call(
    _minmax_tc_body,
    grid=(NROWS // MM_BLOCK,),
    in_specs=[pl.BlockSpec((MM_BLOCK, NCOLS), lambda i: (i, 0))],
    out_specs=[
        pl.BlockSpec((NW, L), lambda i: (0, 0)),
        pl.BlockSpec((NW, L), lambda i: (0, 0)),
    ],
    out_shape=[
        jax.ShapeDtypeStruct((NW, L), jnp.float32),
        jax.ShapeDtypeStruct((NW, L), jnp.float32),
    ],
    scratch_shapes=[
        pltpu.SMEM((1,), jnp.float32),
        pltpu.SMEM((1,), jnp.float32),
    ],
)


def _quant_body(x_hbm, pmin_hbm, pmax_hbm, q_hbm, hist_hbm,
                xb0, xb1, qb0, qb1, pbuf, histb, h256,
                g0, g1, s0, s1):
    wid = _worker_id()

    pltpu.sync_copy(pmin_hbm, pbuf)
    mn = pbuf[0, pl.ds(0, L)]
    for w in range(1, NW):
        mn = jnp.minimum(mn, pbuf[w, pl.ds(0, L)])
    gmin = mn[0]
    for i in range(1, L):
        gmin = jnp.minimum(gmin, mn[i])
    pltpu.sync_copy(pmax_hbm, pbuf)
    mx = pbuf[0, pl.ds(0, L)]
    for w in range(1, NW):
        mx = jnp.maximum(mx, pbuf[w, pl.ds(0, L)])
    gmax = mx[0]
    for i in range(1, L):
        gmax = jnp.maximum(gmax, mx[i])

    scale = gmax - gmin
    safe = jnp.where(scale > 0, scale, jnp.float32(1.0))
    safev = jnp.broadcast_to(safe, (L,))
    cmulv_raw = jnp.full((L,), float(NBINS - 1), jnp.float32) / safev
    cmulv = jnp.where(
        jnp.broadcast_to(scale > 0, (L,)), cmulv_raw,
        jnp.zeros((L,), jnp.float32))
    gminv = jnp.broadcast_to(gmin, (L,))
    halfv = jnp.full((L,), 0.5, jnp.float32)
    c0v = halfv - gminv * cmulv
    maxq = jnp.full((L,), NBINS - 1, jnp.int32)
    zeroi = jnp.zeros((L,), jnp.int32)
    ones = jnp.ones((L,), jnp.int32)
    laneoff = lax.iota(jnp.int32, L) * NBINS

    def _zero(i):
        histb[pl.ds(i * L, L)] = zeroi

    plsc.parallel_loop(0, NBINS, 1, unroll=8)(_zero)

    row0 = wid * ROWS_W

    def _slab(ch):
        r = row0 + (ch // 2) * SLAB
        c = (ch % 2) * HALF
        return (pl.ds(r, SLAB), pl.ds(c, HALF))

    def gather(ch, buf, sem):
        return pltpu.async_copy(x_hbm.at[_slab(ch)], buf, sem)

    def gather_wait(ch, buf, sem):
        pltpu.make_async_copy(x_hbm.at[_slab(ch)], buf, sem).wait()

    def scatter(ch, buf, sem):
        return pltpu.async_copy(buf, q_hbm.at[_slab(ch)], sem)

    def scatter_wait(ch, buf, sem):
        pltpu.make_async_copy(buf, q_hbm.at[_slab(ch)], sem).wait()

    def quant_chunk(xb, qb):
        def _loop(i):
            col = i * 2
            for j in range(UNROLL):
                v = xb[j, pl.ds(col, L)]
                t = v * cmulv + c0v
                q = t.astype(jnp.int32)
                q = jnp.minimum(q, maxq)
                qb[j, pl.ds(col, L)] = q
                plsc.addupdate_scatter(histb, [laneoff + q], ones)

        plsc.parallel_loop(0, VPCH, UNROLL)(_loop)

    gather(0, xb0, g0)
    gather(1, xb1, g1)

    def pair_body(t, _):
        ch = t * 2
        gather_wait(ch, xb0, g0)

        @pl.when(t > 0)
        def _():
            scatter_wait(ch - 2, qb0, s0)

        quant_chunk(xb0, qb0)
        scatter(ch, qb0, s0)

        @pl.when(ch + 2 < NCH)
        def _():
            gather(ch + 2, xb0, g0)

        gather_wait(ch + 1, xb1, g1)

        @pl.when(t > 0)
        def _():
            scatter_wait(ch - 1, qb1, s1)

        quant_chunk(xb1, qb1)
        scatter(ch + 1, qb1, s1)

        @pl.when(ch + 3 < NCH)
        def _():
            gather(ch + 3, xb1, g1)

        return 0

    lax.fori_loop(0, NPAIR, pair_body, 0)
    scatter_wait(NCH - 2, qb0, s0)
    scatter_wait(NCH - 1, qb1, s1)

    for c in range(NBINS // L):
        acc = histb[pl.ds(c * L, L)]
        for lane in range(1, L):
            acc = acc + histb[pl.ds(lane * NBINS + c * L, L)]
        h256[pl.ds(c * L, L)] = acc
    pltpu.sync_copy(h256, hist_hbm.at[wid])


_quant_call = pl.kernel(
    _quant_body,
    out_type=[
        jax.ShapeDtypeStruct((NROWS, NCOLS), jnp.int32),
        jax.ShapeDtypeStruct((NW, NBINS), jnp.int32),
    ],
    mesh=_mesh,
    scratch_types=[
        pltpu.VMEM((SLAB, HALF), jnp.float32),
        pltpu.VMEM((SLAB, HALF), jnp.float32),
        pltpu.VMEM((SLAB, HALF), jnp.int32),
        pltpu.VMEM((SLAB, HALF), jnp.int32),
        pltpu.VMEM((NW, L), jnp.float32),
        pltpu.VMEM((NBINS * L,), jnp.int32),
        pltpu.VMEM((NBINS,), jnp.int32),
        pltpu.SemaphoreType.DMA,
        pltpu.SemaphoreType.DMA,
        pltpu.SemaphoreType.DMA,
        pltpu.SemaphoreType.DMA,
    ],
    compiler_params=_sc_params,
)


def _final_body(hist_ref, pmin_ref, pmax_ref, min_ref, max_ref, ent_ref):
    gmin = jnp.min(pmin_ref[...])
    gmax = jnp.max(pmax_ref[...])
    h = jnp.sum(hist_ref[...].astype(jnp.float32), axis=0)
    total = jnp.sum(h)
    p = h / total
    ent = -jnp.sum(p * (jnp.log(p + 1e-10) * jnp.float32(1.4426950408889634)))
    min_ref[...] = jnp.broadcast_to(gmin, (1, 1))
    max_ref[...] = jnp.broadcast_to(gmax, (1, 1))
    ent_ref[...] = jnp.broadcast_to(ent, (1, 1))


_final_call = pl.pallas_call(
    _final_body,
    out_shape=[
        jax.ShapeDtypeStruct((1, 1), jnp.float32),
        jax.ShapeDtypeStruct((1, 1), jnp.float32),
        jax.ShapeDtypeStruct((1, 1), jnp.float32),
    ],
)


def kernel(x):
    pmin, pmax = _minmax_call(x)
    q, hist = _quant_call(x, pmin, pmax)
    minv, maxv, ent = _final_call(hist, pmin, pmax)
    return (q, minv[0, 0], maxv[0, 0], ent[0, 0])

# --- scband reference (transcript-rebuilt; emitter-appended) ---
"""Pipeline reference for scband-py-torch-entropy-encoder-64252710748374 (READ-ONLY COPY).

The authoritative reference and input builder live on the scoring server;
editing this copy changes nothing except your own understanding.
"""

import jax, jax.numpy as jnp
import numpy as np

N_BINS = 256


def setup_inputs(seed: int = 0) -> dict:
    key = jax.random.key(seed)
    x = jax.random.normal(key, (4096, 4096), dtype=jnp.float32)
    return {"x": x}


def reference(x):
    n_bins = N_BINS
    min_val = x.min()
    max_val = x.max()
    scale = max_val - min_val
    # encode: normalize and quantize to [0, n_bins-1]
    normalized = (x - min_val) / jnp.where(scale > 0, scale, 1.0)
    quantized = jnp.where(
        scale > 0,
        jnp.round(normalized * (n_bins - 1)).astype(jnp.int32),
        jnp.zeros(x.shape, dtype=jnp.int32),
    )
    # torch.histc(quantized.float(), bins=n_bins, min=0, max=n_bins-1) on integer
    # values in [0, n_bins-1] is exactly an integer bincount of length n_bins.
    hist = jnp.bincount(quantized.reshape(-1), length=n_bins).astype(jnp.float32)
    probabilities = hist / hist.sum()
    entropy = -jnp.sum(probabilities * jnp.log2(probabilities + 1e-10))
    # metadata scalars returned as arrays: (min_val, max_val, entropy); n_bins is static
    return quantized, min_val, max_val, entropy

if __name__ == "__main__":
    import jax
    _d = setup_inputs()
    print(jax.jit(kernel)(*tuple(_d.values())))

</pallas_src>

<mosaic_0001>
#map = affine_map<(d0, d1) -> (0, 0)>
module attributes {stable_mosaic.version = 14 : i64} {
  func.func @_quant_body(%arg0: i32, %arg1: i32, %arg2: memref<4096x4096xf32, #tpu.memory_space<hbm>>, %arg3: memref<32x16xf32, #tpu.memory_space<hbm>>, %arg4: memref<32x16xf32, #tpu.memory_space<hbm>>, %arg5: memref<4096x4096xi32, #tpu.memory_space<hbm>>, %arg6: memref<32x256xi32, #tpu.memory_space<hbm>>, %arg7: memref<8x2048xf32, #tpu.memory_space<vmem>>, %arg8: memref<8x2048xf32, #tpu.memory_space<vmem>>, %arg9: memref<8x2048xi32, #tpu.memory_space<vmem>>, %arg10: memref<8x2048xi32, #tpu.memory_space<vmem>>, %arg11: memref<32x16xf32, #tpu.memory_space<vmem>>, %arg12: memref<4096xi32, #tpu.memory_space<vmem>>, %arg13: memref<256xi32, #tpu.memory_space<vmem>>, %arg14: memref<!tpu.dma_semaphore, #tpu.memory_space<semaphore_mem>>, %arg15: memref<!tpu.dma_semaphore, #tpu.memory_space<semaphore_mem>>, %arg16: memref<!tpu.dma_semaphore, #tpu.memory_space<semaphore_mem>>, %arg17: memref<!tpu.dma_semaphore, #tpu.memory_space<semaphore_mem>>) attributes {dimension_semantics = [#tpu.dimension_semantics<core_parallel>, #tpu.dimension_semantics<subcore_parallel>], iteration_bounds = array<i64: 2, 16>, scalar_prefetch = 0 : i64, scratch_operands = 11 : i64, tpu.core_type = #tpu.core_type<sc_vector_subcore>, window_params = [{transform_indices = #map}, {transform_indices = #map}, {transform_indices = #map}, {transform_indices = #map}, {transform_indices = #map}]} {
    %mul3A = arith.constant 2 : i32
    %mul3A_0 = arith.muli %arg1, %mul3A : i32
    %add3A = arith.addi %mul3A_0, %arg0 : i32
    "tpu.region"() ({
      %run_scoped3A = tpu.sem_alloc : memref<!tpu.dma_semaphore, #tpu.memory_space<semaphore_mem>>
      tpu.enqueue_dma source(%arg3 : memref<32x16xf32, #tpu.memory_space<hbm>>) target(%arg11 : memref<32x16xf32, #tpu.memory_space<vmem>>) target_semaphore(%run_scoped3A : memref<!tpu.dma_semaphore, #tpu.memory_space<semaphore_mem>>)
      tpu.wait_dma2 semaphore(%run_scoped3A : memref<!tpu.dma_semaphore, #tpu.memory_space<semaphore_mem>>) src(%arg3 : memref<32x16xf32, #tpu.memory_space<hbm>>) dst(%arg11 : memref<32x16xf32, #tpu.memory_space<vmem>>)
      tpu.yield
    }) : () -> ()
    %get3A = arith.constant 0 : i32
    %get3A_1 = arith.index_cast %get3A : i32 to index
    %get3A_2 = arith.constant 0 : index
    %get3A_3 = tpu.vector_load %arg11[%get3A_1, %get3A_2] {strides = array<i32>} : memref<32x16xf32, #tpu.memory_space<vmem>>, vector<16xf32>,
    %get3A_4 = arith.constant 1 : i32
    %get3A_5 = arith.index_cast %get3A_4 : i32 to index
    %get3A_6 = arith.constant 0 : index
    %get3A_7 = tpu.vector_load %arg11[%get3A_5, %get3A_6] {strides = array<i32>} : memref<32x16xf32, #tpu.memory_space<vmem>>, vector<16xf32>,
    %min3A = arith.minimumf %get3A_3, %get3A_7 : vector<16xf32>
    %get3A_8 = arith.constant 2 : i32
    %get3A_9 = arith.index_cast %get3A_8 : i32 to index
    %get3A_10 = arith.constant 0 : index
    %get3A_11 = tpu.vector_load %arg11[%get3A_9, %get3A_10] {strides = array<i32>} : memref<32x16xf32, #tpu.memory_space<vmem>>, vector<16xf32>,
    %min3A_12 = arith.minimumf %min3A, %get3A_11 : vector<16xf32>
    %get3A_13 = arith.constant 3 : i32
    %get3A_14 = arith.index_cast %get3A_13 : i32 to index
    %get3A_15 = arith.constant 0 : index
    %get3A_16 = tpu.vector_load %arg11[%get3A_14, %get3A_15] {strides = array<i32>} : memref<32x16xf32, #tpu.memory_space<vmem>>, vector<16xf32>,
    %min3A_17 = arith.minimumf %min3A_12, %get3A_16 : vector<16xf32>
    %get3A_18 = arith.constant 4 : i32
    %get3A_19 = arith.index_cast %get3A_18 : i32 to index
    %get3A_20 = arith.constant 0 : index
    %get3A_21 = tpu.vector_load %arg11[%get3A_19, %get3A_20] {strides = array<i32>} : memref<32x16xf32, #tpu.memory_space<vmem>>, vector<16xf32>,
    %min3A_22 = arith.minimumf %min3A_17, %get3A_21 : vector<16xf32>
    %get3A_23 = arith.constant 5 : i32
    %get3A_24 = arith.index_cast %get3A_23 : i32 to index
    %get3A_25 = arith.constant 0 : index
    %get3A_26 = tpu.vector_load %arg11[%get3A_24, %get3A_25] {strides = array<i32>} : memref<32x16xf32, #tpu.memory_space<vmem>>, vector<16xf32>,
    %min3A_27 = arith.minimumf %min3A_22, %get3A_26 : vector<16xf32>
    %get3A_28 = arith.constant 6 : i32
    %get3A_29 = arith.index_cast %get3A_28 : i32 to index
    %get3A_30 = arith.constant 0 : index
    %get3A_31 = tpu.vector_load %arg11[%get3A_29, %get3A_30] {strides = array<i32>} : memref<32x16xf32, #tpu.memory_space<vmem>>, vector<16xf32>,
    %min3A_32 = arith.minimumf %min3A_27, %get3A_31 : vector<16xf32>
    %get3A_33 = arith.constant 7 : i32
    %get3A_34 = arith.index_cast %get3A_33 : i32 to index
    %get3A_35 = arith.constant 0 : index
    %get3A_36 = tpu.vector_load %arg11[%get3A_34, %get3A_35] {strides = array<i32>} : memref<32x16xf32, #tpu.memory_space<vmem>>, vector<16xf32>,
    %min3A_37 = arith.minimumf %min3A_32, %get3A_36 : vector<16xf32>
    %get3A_38 = arith.constant 8 : i32
    %get3A_39 = arith.index_cast %get3A_38 : i32 to index
    %get3A_40 = arith.constant 0 : index
    %get3A_41 = tpu.vector_load %arg11[%get3A_39, %get3A_40] {strides = array<i32>} : memref<32x16xf32, #tpu.memory_space<vmem>>, vector<16xf32>,
    %min3A_42 = arith.minimumf %min3A_37, %get3A_41 : vector<16xf32>
    %get3A_43 = arith.constant 9 : i32
    %get3A_44 = arith.index_cast %get3A_43 : i32 to index
    %get3A_45 = arith.constant 0 : index
    %get3A_46 = tpu.vector_load %arg11[%get3A_44, %get3A_45] {strides = array<i32>} : memref<32x16xf32, #tpu.memory_space<vmem>>, vector<16xf32>,
    %min3A_47 = arith.minimumf %min3A_42, %get3A_46 : vector<16xf32>
    %get3A_48 = arith.constant 10 : i32
    %get3A_49 = arith.index_cast %get3A_48 : i32 to index
    %get3A_50 = arith.constant 0 : index
    %get3A_51 = tpu.vector_load %arg11[%get3A_49, %get3A_50] {strides = array<i32>} : memref<32x16xf32, #tpu.memory_space<vmem>>, vector<16xf32>,
    %min3A_52 = arith.minimumf %min3A_47, %get3A_51 : vector<16xf32>
    %get3A_53 = arith.constant 11 : i32
    %get3A_54 = arith.index_cast %get3A_53 : i32 to index
    %get3A_55 = arith.constant 0 : index
    %get3A_56 = tpu.vector_load %arg11[%get3A_54, %get3A_55] {strides = array<i32>} : memref<32x16xf32, #tpu.memory_space<vmem>>, vector<16xf32>,
    %min3A_57 = arith.minimumf %min3A_52, %get3A_56 : vector<16xf32>
    %get3A_58 = arith.constant 12 : i32
    %get3A_59 = arith.index_cast %get3A_58 : i32 to index
    %get3A_60 = arith.constant 0 : index
    %get3A_61 = tpu.vector_load %arg11[%get3A_59, %get3A_60] {strides = array<i32>} : memref<32x16xf32, #tpu.memory_space<vmem>>, vector<16xf32>,
    %min3A_62 = arith.minimumf %min3A_57, %get3A_61 : vector<16xf32>
    %get3A_63 = arith.constant 13 : i32
    %get3A_64 = arith.index_cast %get3A_63 : i32 to index
    %get3A_65 = arith.constant 0 : index
    %get3A_66 = tpu.vector_load %arg11[%get3A_64, %get3A_65] {strides = array<i32>} : memref<32x16xf32, #tpu.memory_space<vmem>>, vector<16xf32>,
    %min3A_67 = arith.minimumf %min3A_62, %get3A_66 : vector<16xf32>
    %get3A_68 = arith.constant 14 : i32
    %get3A_69 = arith.index_cast %get3A_68 : i32 to index
    %get3A_70 = arith.constant 0 : index
    %get3A_71 = tpu.vector_load %arg11[%get3A_69, %get3A_70] {strides = array<i32>} : memref<32x16xf32, #tpu.memory_space<vmem>>, vector<16xf32>,
    %min3A_72 = arith.minimumf %min3A_67, %get3A_71 : vector<16xf32>
    %get3A_73 = arith.constant 15 : i32
    %get3A_74 = arith.index_cast %get3A_73 : i32 to index
    %get3A_75 = arith.constant 0 : index
    %get3A_76 = tpu.vector_load %arg11[%get3A_74, %get3A_75] {strides = array<i32>} : memref<32x16xf32, #tpu.memory_space<vmem>>, vector<16xf32>,
    %min3A_77 = arith.minimumf %min3A_72, %get3A_76 : vector<16xf32>
    %get3A_78 = arith.constant 16 : i32
    %get3A_79 = arith.index_cast %get3A_78 : i32 to index
    %get3A_80 = arith.constant 0 : index
    %get3A_81 = tpu.vector_load %arg11[%get3A_79, %get3A_80] {strides = array<i32>} : memref<32x16xf32, #tpu.memory_space<vmem>>, vector<16xf32>,
    %min3A_82 = arith.minimumf %min3A_77, %get3A_81 : vector<16xf32>
    %get3A_83 = arith.constant 17 : i32
    %get3A_84 = arith.index_cast %get3A_83 : i32 to index
    %get3A_85 = arith.constant 0 : index
    %get3A_86 = tpu.vector_load %arg11[%get3A_84, %get3A_85] {strides = array<i32>} : memref<32x16xf32, #tpu.memory_space<vmem>>, vector<16xf32>,
    %min3A_87 = arith.minimumf %min3A_82, %get3A_86 : vector<16xf32>
    %get3A_88 = arith.constant 18 : i32
    %get3A_89 = arith.index_cast %get3A_88 : i32 to index
    %get3A_90 = arith.constant 0 : index
    %get3A_91 = tpu.vector_load %arg11[%get3A_89, %get3A_90] {strides = array<i32>} : memref<32x16xf32, #tpu.memory_space<vmem>>, vector<16xf32>,
    %min3A_92 = arith.minimumf %min3A_87, %get3A_91 : vector<16xf32>
    %get3A_93 = arith.constant 19 : i32
    %get3A_94 = arith.index_cast %get3A_93 : i32 to index
    %get3A_95 = arith.constant 0 : index
    %get3A_96 = tpu.vector_load %arg11[%get3A_94, %get3A_95] {strides = array<i32>} : memref<32x16xf32, #tpu.memory_space<vmem>>, vector<16xf32>,
    %min3A_97 = arith.minimumf %min3A_92, %get3A_96 : vector<16xf32>
    %get3A_98 = arith.constant 20 : i32
    %get3A_99 = arith.index_cast %get3A_98 : i32 to index
    %get3A_100 = arith.constant 0 : index
    %get3A_101 = tpu.vector_load %arg11[%get3A_99, %get3A_100] {strides = array<i32>} : memref<32x16xf32, #tpu.memory_space<vmem>>, vector<16xf32>,
    %min3A_102 = arith.minimumf %min3A_97, %get3A_101 : vector<16xf32>
    %get3A_103 = arith.constant 21 : i32
    %get3A_104 = arith.index_cast %get3A_103 : i32 to index
    %get3A_105 = arith.constant 0 : index
    %get3A_106 = tpu.vector_load %arg11[%get3A_104, %get3A_105] {strides = array<i32>} : memref<32x16xf32, #tpu.memory_space<vmem>>, vector<16xf32>,
    %min3A_107 = arith.minimumf %min3A_102, %get3A_106 : vector<16xf32>
    %get3A_108 = arith.constant 22 : i32
    %get3A_109 = arith.index_cast %get3A_108 : i32 to index
    %get3A_110 = arith.constant 0 : index
    %get3A_111 = tpu.vector_load %arg11[%get3A_109, %get3A_110] {strides = array<i32>} : memref<32x16xf32, #tpu.memory_space<vmem>>, vector<16xf32>,
    %min3A_112 = arith.minimumf %min3A_107, %get3A_111 : vector<16xf32>
    %get3A_113 = arith.constant 23 : i32
    %get3A_114 = arith.index_cast %get3A_113 : i32 to index
    %get3A_115 = arith.constant 0 : index
    %get3A_116 = tpu.vector_load %arg11[%get3A_114, %get3A_115] {strides = array<i32>} : memref<32x16xf32, #tpu.memory_space<vmem>>, vector<16xf32>,
    %min3A_117 = arith.minimumf %min3A_112, %get3A_116 : vector<16xf32>
    %get3A_118 = arith.constant 24 : i32
    %get3A_119 = arith.index_cast %get3A_118 : i32 to index
    %get3A_120 = arith.constant 0 : index
    %get3A_121 = tpu.vector_load %arg11[%get3A_119, %get3A_120] {strides = array<i32>} : memref<32x16xf32, #tpu.memory_space<vmem>>, vector<16xf32>,
    %min3A_122 = arith.minimumf %min3A_117, %get3A_121 : vector<16xf32>
    %get3A_123 = arith.constant 25 : i32
    %get3A_124 = arith.index_cast %get3A_123 : i32 to index
    %get3A_125 = arith.constant 0 : index
    %get3A_126 = tpu.vector_load %arg11[%get3A_124, %get3A_125] {strides = array<i32>} : memref<32x16xf32, #tpu.memory_space<vmem>>, vector<16xf32>,
    %min3A_127 = arith.minimumf %min3A_122, %get3A_126 : vector<16xf32>
    %get3A_128 = arith.constant 26 : i32
    %get3A_129 = arith.index_cast %get3A_128 : i32 to index
    %get3A_130 = arith.constant 0 : index
    %get3A_131 = tpu.vector_load %arg11[%get3A_129, %get3A_130] {strides = array<i32>} : memref<32x16xf32, #tpu.memory_space<vmem>>, vector<16xf32>,
    %min3A_132 = arith.minimumf %min3A_127, %get3A_131 : vector<16xf32>
    %get3A_133 = arith.constant 27 : i32
    %get3A_134 = arith.index_cast %get3A_133 : i32 to index
    %get3A_135 = arith.constant 0 : index
    %get3A_136 = tpu.vector_load %arg11[%get3A_134, %get3A_135] {strides = array<i32>} : memref<32x16xf32, #tpu.memory_space<vmem>>, vector<16xf32>,
    %min3A_137 = arith.minimumf %min3A_132, %get3A_136 : vector<16xf32>
    %get3A_138 = arith.constant 28 : i32
    %get3A_139 = arith.index_cast %get3A_138 : i32 to index
    %get3A_140 = arith.constant 0 : index
    %get3A_141 = tpu.vector_load %arg11[%get3A_139, %get3A_140] {strides = array<i32>} : memref<32x16xf32, #tpu.memory_space<vmem>>, vector<16xf32>,
    %min3A_142 = arith.minimumf %min3A_137, %get3A_141 : vector<16xf32>
    %get3A_143 = arith.constant 29 : i32
    %get3A_144 = arith.index_cast %get3A_143 : i32 to index
    %get3A_145 = arith.constant 0 : index
    %get3A_146 = tpu.vector_load %arg11[%get3A_144, %get3A_145] {strides = array<i32>} : memref<32x16xf32, #tpu.memory_space<vmem>>, vector<16xf32>,
    %min3A_147 = arith.minimumf %min3A_142, %get3A_146 : vector<16xf32>
    %get3A_148 = arith.constant 30 : i32
    %get3A_149 = arith.index_cast %get3A_148 : i32 to index
    %get3A_150 = arith.constant 0 : index
    %get3A_151 = tpu.vector_load %arg11[%get3A_149, %get3A_150] {strides = array<i32>} : memref<32x16xf32, #tpu.memory_space<vmem>>, vector<16xf32>,
    %min3A_152 = arith.minimumf %min3A_147, %get3A_151 : vector<16xf32>
    %get3A_153 = arith.constant 31 : i32
    %get3A_154 = arith.index_cast %get3A_153 : i32 to index
    %get3A_155 = arith.constant 0 : index
    %get3A_156 = tpu.vector_load %arg11[%get3A_154, %get3A_155] {strides = array<i32>} : memref<32x16xf32, #tpu.memory_space<vmem>>, vector<16xf32>,
    %min3A_157 = arith.minimumf %min3A_152, %get3A_156 : vector<16xf32>
    %slice3A = vector.extract_strided_slice %min3A_157 {offsets = [0], sizes = [1], strides = [1]} : vector<16xf32> to vector<1xf32>
    %squeeze3A = vector.extract %slice3A[0] : f32 from vector<1xf32>
    %slice3A_158 = vector.extract_strided_slice %min3A_157 {offsets = [1], sizes = [1], strides = [1]} : vector<16xf32> to vector<1xf32>
    %squeeze3A_159 = vector.extract %slice3A_158[0] : f32 from vector<1xf32>
    %min3A_160 = arith.minimumf %squeeze3A, %squeeze3A_159 : f32
    %slice3A_161 = vector.extract_strided_slice %min3A_157 {offsets = [2], sizes = [1], strides = [1]} : vector<16xf32> to vector<1xf32>
    %squeeze3A_162 = vector.extract %slice3A_161[0] : f32 from vector<1xf32>
    %min3A_163 = arith.minimumf %min3A_160, %squeeze3A_162 : f32
    %slice3A_164 = vector.extract_strided_slice %min3A_157 {offsets = [3], sizes = [1], strides = [1]} : vector<16xf32> to vector<1xf32>
    %squeeze3A_165 = vector.extract %slice3A_164[0] : f32 from vector<1xf32>
    %min3A_166 = arith.minimumf %min3A_163, %squeeze3A_165 : f32
    %slice3A_167 = vector.extract_strided_slice %min3A_157 {offsets = [4], sizes = [1], strides = [1]} : vector<16xf32> to vector<1xf32>
    %squeeze3A_168 = vector.extract %slice3A_167[0] : f32 from vector<1xf32>
    %min3A_169 = arith.minimumf %min3A_166, %squeeze3A_168 : f32
    %slice3A_170 = vector.extract_strided_slice %min3A_157 {offsets = [5], sizes = [1], strides = [1]} : vector<16xf32> to vector<1xf32>
    %squeeze3A_171 = vector.extract %slice3A_170[0] : f32 from vector<1xf32>
    %min3A_172 = arith.minimumf %min3A_169, %squeeze3A_171 : f32
    %slice3A_173 = vector.extract_strided_slice %min3A_157 {offsets = [6], sizes = [1], strides = [1]} : vector<16xf32> to vector<1xf32>
    %squeeze3A_174 = vector.extract %slice3A_173[0] : f32 from vector<1xf32>
    %min3A_175 = arith.minimumf %min3A_172, %squeeze3A_174 : f32
    %slice3A_176 = vector.extract_strided_slice %min3A_157 {offsets = [7], sizes = [1], strides = [1]} : vector<16xf32> to vector<1xf32>
    %squeeze3A_177 = vector.extract %slice3A_176[0] : f32 from vector<1xf32>
    %min3A_178 = arith.minimumf %min3A_175, %squeeze3A_177 : f32
    %slice3A_179 = vector.extract_strided_slice %min3A_157 {offsets = [8], sizes = [1], strides = [1]} : vector<16xf32> to vector<1xf32>
    %squeeze3A_180 = vector.extract %slice3A_179[0] : f32 from vector<1xf32>
    %min3A_181 = arith.minimumf %min3A_178, %squeeze3A_180 : f32
    %slice3A_182 = vector.extract_strided_slice %min3A_157 {offsets = [9], sizes = [1], strides = [1]} : vector<16xf32> to vector<1xf32>
    %squeeze3A_183 = vector.extract %slice3A_182[0] : f32 from vector<1xf32>
    %min3A_184 = arith.minimumf %min3A_181, %squeeze3A_183 : f32
    %slice3A_185 = vector.extract_strided_slice %min3A_157 {offsets = [10], sizes = [1], strides = [1]} : vector<16xf32> to vector<1xf32>
    %squeeze3A_186 = vector.extract %slice3A_185[0] : f32 from vector<1xf32>
    %min3A_187 = arith.minimumf %min3A_184, %squeeze3A_186 : f32
    %slice3A_188 = vector.extract_strided_slice %min3A_157 {offsets = [11], sizes = [1], strides = [1]} : vector<16xf32> to vector<1xf32>
    %squeeze3A_189 = vector.extract %slice3A_188[0] : f32 from vector<1xf32>
    %min3A_190 = arith.minimumf %min3A_187, %squeeze3A_189 : f32
    %slice3A_191 = vector.extract_strided_slice %min3A_157 {offsets = [12], sizes = [1], strides = [1]} : vector<16xf32> to vector<1xf32>
    %squeeze3A_192 = vector.extract %slice3A_191[0] : f32 from vector<1xf32>
    %min3A_193 = arith.minimumf %min3A_190, %squeeze3A_192 : f32
    %slice3A_194 = vector.extract_strided_slice %min3A_157 {offsets = [13], sizes = [1], strides = [1]} : vector<16xf32> to vector<1xf32>
    %squeeze3A_195 = vector.extract %slice3A_194[0] : f32 from vector<1xf32>
    %min3A_196 = arith.minimumf %min3A_193, %squeeze3A_195 : f32
    %slice3A_197 = vector.extract_strided_slice %min3A_157 {offsets = [14], sizes = [1], strides = [1]} : vector<16xf32> to vector<1xf32>
    %squeeze3A_198 = vector.extract %slice3A_197[0] : f32 from vector<1xf32>
    %min3A_199 = arith.minimumf %min3A_196, %squeeze3A_198 : f32
    %slice3A_200 = vector.extract_strided_slice %min3A_157 {offsets = [15], sizes = [1], strides = [1]} : vector<16xf32> to vector<1xf32>
    %squeeze3A_201 = vector.extract %slice3A_200[0] : f32 from vector<1xf32>
    %min3A_202 = arith.minimumf %min3A_199, %squeeze3A_201 : f32
    "tpu.region"() ({
      %run_scoped3A = tpu.sem_alloc : memref<!tpu.dma_semaphore, #tpu.memory_space<semaphore_mem>>
      tpu.enqueue_dma source(%arg4 : memref<32x16xf32, #tpu.memory_space<hbm>>) target(%arg11 : memref<32x16xf32, #tpu.memory_space<vmem>>) target_semaphore(%run_scoped3A : memref<!tpu.dma_semaphore, #tpu.memory_space<semaphore_mem>>)
      tpu.wait_dma2 semaphore(%run_scoped3A : memref<!tpu.dma_semaphore, #tpu.memory_space<semaphore_mem>>) src(%arg4 : memref<32x16xf32, #tpu.memory_space<hbm>>) dst(%arg11 : memref<32x16xf32, #tpu.memory_space<vmem>>)
      tpu.yield
    }) : () -> ()
    %get3A_203 = arith.constant 0 : i32
    %get3A_204 = arith.index_cast %get3A_203 : i32 to index
    %get3A_205 = arith.constant 0 : index
    %get3A_206 = tpu.vector_load %arg11[%get3A_204, %get3A_205] {strides = array<i32>} : memref<32x16xf32, #tpu.memory_space<vmem>>, vector<16xf32>,
    %get3A_207 = arith.constant 1 : i32
    %get3A_208 = arith.index_cast %get3A_207 : i32 to index
    %get3A_209 = arith.constant 0 : index
    %get3A_210 = tpu.vector_load %arg11[%get3A_208, %get3A_209] {strides = array<i32>} : memref<32x16xf32, #tpu.memory_space<vmem>>, vector<16xf32>,
    %max3A = arith.maximumf %get3A_206, %get3A_210 : vector<16xf32>
    %get3A_211 = arith.constant 2 : i32
    %get3A_212 = arith.index_cast %get3A_211 : i32 to index
    %get3A_213 = arith.constant 0 : index
    %get3A_214 = tpu.vector_load %arg11[%get3A_212, %get3A_213] {strides = array<i32>} : memref<32x16xf32, #tpu.memory_space<vmem>>, vector<16xf32>,
    %max3A_215 = arith.maximumf %max3A, %get3A_214 : vector<16xf32>
    %get3A_216 = arith.constant 3 : i32
    %get3A_217 = arith.index_cast %get3A_216 : i32 to index
    %get3A_218 = arith.constant 0 : index
    %get3A_219 = tpu.vector_load %arg11[%get3A_217, %get3A_218] {strides = array<i32>} : memref<32x16xf32, #tpu.memory_space<vmem>>, vector<16xf32>,
    %max3A_220 = arith.maximumf %max3A_215, %get3A_219 : vector<16xf32>
    %get3A_221 = arith.constant 4 : i32
    %get3A_222 = arith.index_cast %get3A_221 : i32 to index
    %get3A_223 = arith.constant 0 : index
    %get3A_224 = tpu.vector_load %arg11[%get3A_222, %get3A_223] {strides = array<i32>} : memref<32x16xf32, #tpu.memory_space<vmem>>, vector<16xf32>,
    %max3A_225 = arith.maximumf %max3A_220, %get3A_224 : vector<16xf32>
    %get3A_226 = arith.constant 5 : i32
    %get3A_227 = arith.index_cast %get3A_226 : i32 to index
    %get3A_228 = arith.constant 0 : index
    %get3A_229 = tpu.vector_load %arg11[%get3A_227, %get3A_228] {strides = array<i32>} : memref<32x16xf32, #tpu.memory_space<vmem>>, vector<16xf32>,
    %max3A_230 = arith.maximumf %max3A_225, %get3A_229 : vector<16xf32>
    %get3A_231 = arith.constant 6 : i32
    %get3A_232 = arith.index_cast %get3A_231 : i32 to index
    %get3A_233 = arith.constant 0 : index
    %get3A_234 = tpu.vector_load %arg11[%get3A_232, %get3A_233] {strides = array<i32>} : memref<32x16xf32, #tpu.memory_space<vmem>>, vector<16xf32>,
    %max3A_235 = arith.maximumf %max3A_230, %get3A_234 : vector<16xf32>
    %get3A_236 = arith.constant 7 : i32
    %get3A_237 = arith.index_cast %get3A_236 : i32 to index
    %get3A_238 = arith.constant 0 : index
    %get3A_239 = tpu.vector_load %arg11[%get3A_237, %get3A_238] {strides = array<i32>} : memref<32x16xf32, #tpu.memory_space<vmem>>, vector<16xf32>,
    %max3A_240 = arith.maximumf %max3A_235, %get3A_239 : vector<16xf32>
    %get3A_241 = arith.constant 8 : i32
    %get3A_242 = arith.index_cast %get3A_241 : i32 to index
    %get3A_243 = arith.constant 0 : index
    %get3A_244 = tpu.vector_load %arg11[%get3A_242, %get3A_243] {strides = array<i32>} : memref<32x16xf32, #tpu.memory_space<vmem>>, vector<16xf32>,
    %max3A_245 = arith.maximumf %max3A_240, %get3A_244 : vector<16xf32>
    %get3A_246 = arith.constant 9 : i32
    %get3A_247 = arith.index_cast %get3A_246 : i32 to index
    %get3A_248 = arith.constant 0 : index
    %get3A_249 = tpu.vector_load %arg11[%get3A_247, %get3A_248] {strides = array<i32>} : memref<32x16xf32, #tpu.memory_space<vmem>>, vector<16xf32>,
    %max3A_250 = arith.maximumf %max3A_245, %get3A_249 : vector<16xf32>
    %get3A_251 = arith.constant 10 : i32
    %get3A_252 = arith.index_cast %get3A_251 : i32 to index
    %get3A_253 = arith.constant 0 : index
    %get3A_254 = tpu.vector_load %arg11[%get3A_252, %get3A_253] {strides = array<i32>} : memref<32x16xf32, #tpu.memory_space<vmem>>, vector<16xf32>,
    %max3A_255 = arith.maximumf %max3A_250, %get3A_254 : vector<16xf32>
    %get3A_256 = arith.constant 11 : i32
    %get3A_257 = arith.index_cast %get3A_256 : i32 to index
    %get3A_258 = arith.constant 0 : index
    %get3A_259 = tpu.vector_load %arg11[%get3A_257, %get3A_258] {strides = array<i32>} : memref<32x16xf32, #tpu.memory_space<vmem>>, vector<16xf32>,
    %max3A_260 = arith.maximumf %max3A_255, %get3A_259 : vector<16xf32>
    %get3A_261 = arith.constant 12 : i32
    %get3A_262 = arith.index_cast %get3A_261 : i32 to index
    %get3A_263 = arith.constant 0 : index
    %get3A_264 = tpu.vector_load %arg11[%get3A_262, %get3A_263] {strides = array<i32>} : memref<32x16xf32, #tpu.memory_space<vmem>>, vector<16xf32>,
    %max3A_265 = arith.maximumf %max3A_260, %get3A_264 : vector<16xf32>
    %get3A_266 = arith.constant 13 : i32
    %get3A_267 = arith.index_cast %get3A_266 : i32 to index
    %get3A_268 = arith.constant 0 : index
    %get3A_269 = tpu.vector_load %arg11[%get3A_267, %get3A_268] {strides = array<i32>} : memref<32x16xf32, #tpu.memory_space<vmem>>, vector<16xf32>,
    %max3A_270 = arith.maximumf %max3A_265, %get3A_269 : vector<16xf32>
    %get3A_271 = arith.constant 14 : i32
    %get3A_272 = arith.index_cast %get3A_271 : i32 to index
    %get3A_273 = arith.constant 0 : index
    %get3A_274 = tpu.vector_load %arg11[%get3A_272, %get3A_273] {strides = array<i32>} : memref<32x16xf32, #tpu.memory_space<vmem>>, vector<16xf32>,
    %max3A_275 = arith.maximumf %max3A_270, %get3A_274 : vector<16xf32>
    %get3A_276 = arith.constant 15 : i32
    %get3A_277 = arith.index_cast %get3A_276 : i32 to index
    %get3A_278 = arith.constant 0 : index
    %get3A_279 = tpu.vector_load %arg11[%get3A_277, %get3A_278] {strides = array<i32>} : memref<32x16xf32, #tpu.memory_space<vmem>>, vector<16xf32>,
    %max3A_280 = arith.maximumf %max3A_275, %get3A_279 : vector<16xf32>
    %get3A_281 = arith.constant 16 : i32
    %get3A_282 = arith.index_cast %get3A_281 : i32 to index
    %get3A_283 = arith.constant 0 : index
    %get3A_284 = tpu.vector_load %arg11[%get3A_282, %get3A_283] {strides = array<i32>} : memref<32x16xf32, #tpu.memory_space<vmem>>, vector<16xf32>,
    %max3A_285 = arith.maximumf %max3A_280, %get3A_284 : vector<16xf32>
    %get3A_286 = arith.constant 17 : i32
    %get3A_287 = arith.index_cast %get3A_286 : i32 to index
    %get3A_288 = arith.constant 0 : index
    %get3A_289 = tpu.vector_load %arg11[%get3A_287, %get3A_288] {strides = array<i32>} : memref<32x16xf32, #tpu.memory_space<vmem>>, vector<16xf32>,
    %max3A_290 = arith.maximumf %max3A_285, %get3A_289 : vector<16xf32>
    %get3A_291 = arith.constant 18 : i32
    %get3A_292 = arith.index_cast %get3A_291 : i32 to index
    %get3A_293 = arith.constant 0 : index
    %get3A_294 = tpu.vector_load %arg11[%get3A_292, %get3A_293] {strides = array<i32>} : memref<32x16xf32, #tpu.memory_space<vmem>>, vector<16xf32>,
    %max3A_295 = arith.maximumf %max3A_290, %get3A_294 : vector<16xf32>
    %get3A_296 = arith.constant 19 : i32
    %get3A_297 = arith.index_cast %get3A_296 : i32 to index
    %get3A_298 = arith.constant 0 : index
    %get3A_299 = tpu.vector_load %arg11[%get3A_297, %get3A_298] {strides = array<i32>} : memref<32x16xf32, #tpu.memory_space<vmem>>, vector<16xf32>,
    %max3A_300 = arith.maximumf %max3A_295, %get3A_299 : vector<16xf32>
    %get3A_301 = arith.constant 20 : i32
    %get3A_302 = arith.index_cast %get3A_301 : i32 to index
    %get3A_303 = arith.constant 0 : index
    %get3A_304 = tpu.vector_load %arg11[%get3A_302, %get3A_303] {strides = array<i32>} : memref<32x16xf32, #tpu.memory_space<vmem>>, vector<16xf32>,
    %max3A_305 = arith.maximumf %max3A_300, %get3A_304 : vector<16xf32>
    %get3A_306 = arith.constant 21 : i32
    %get3A_307 = arith.index_cast %get3A_306 : i32 to index
    %get3A_308 = arith.constant 0 : index
    %get3A_309 = tpu.vector_load %arg11[%get3A_307, %get3A_308] {strides = array<i32>} : memref<32x16xf32, #tpu.memory_space<vmem>>, vector<16xf32>,
    %max3A_310 = arith.maximumf %max3A_305, %get3A_309 : vector<16xf32>
    %get3A_311 = arith.constant 22 : i32
    %get3A_312 = arith.index_cast %get3A_311 : i32 to index
    %get3A_313 = arith.constant 0 : index
    %get3A_314 = tpu.vector_load %arg11[%get3A_312, %get3A_313] {strides = array<i32>} : memref<32x16xf32, #tpu.memory_space<vmem>>, vector<16xf32>,
    %max3A_315 = arith.maximumf %max3A_310, %get3A_314 : vector<16xf32>
    %get3A_316 = arith.constant 23 : i32
    %get3A_317 = arith.index_cast %get3A_316 : i32 to index
    %get3A_318 = arith.constant 0 : index
    %get3A_319 = tpu.vector_load %arg11[%get3A_317, %get3A_318] {strides = array<i32>} : memref<32x16xf32, #tpu.memory_space<vmem>>, vector<16xf32>,
    %max3A_320 = arith.maximumf %max3A_315, %get3A_319 : vector<16xf32>
    %get3A_321 = arith.constant 24 : i32
    %get3A_322 = arith.index_cast %get3A_321 : i32 to index
    %get3A_323 = arith.constant 0 : index
    %get3A_324 = tpu.vector_load %arg11[%get3A_322, %get3A_323] {strides = array<i32>} : memref<32x16xf32, #tpu.memory_space<vmem>>, vector<16xf32>,
    %max3A_325 = arith.maximumf %max3A_320, %get3A_324 : vector<16xf32>
    %get3A_326 = arith.constant 25 : i32
    %get3A_327 = arith.index_cast %get3A_326 : i32 to index
    %get3A_328 = arith.constant 0 : index
    %get3A_329 = tpu.vector_load %arg11[%get3A_327, %get3A_328] {strides = array<i32>} : memref<32x16xf32, #tpu.memory_space<vmem>>, vector<16xf32>,
    %max3A_330 = arith.maximumf %max3A_325, %get3A_329 : vector<16xf32>
    %get3A_331 = arith.constant 26 : i32
    %get3A_332 = arith.index_cast %get3A_331 : i32 to index
    %get3A_333 = arith.constant 0 : index
    %get3A_334 = tpu.vector_load %arg11[%get3A_332, %get3A_333] {strides = array<i32>} : memref<32x16xf32, #tpu.memory_space<vmem>>, vector<16xf32>,
    %max3A_335 = arith.maximumf %max3A_330, %get3A_334 : vector<16xf32>
    %get3A_336 = arith.constant 27 : i32
    %get3A_337 = arith.index_cast %get3A_336 : i32 to index
    %get3A_338 = arith.constant 0 : index
    %get3A_339 = tpu.vector_load %arg11[%get3A_337, %get3A_338] {strides = array<i32>} : memref<32x16xf32, #tpu.memory_space<vmem>>, vector<16xf32>,
    %max3A_340 = arith.maximumf %max3A_335, %get3A_339 : vector<16xf32>
    %get3A_341 = arith.constant 28 : i32
    %get3A_342 = arith.index_cast %get3A_341 : i32 to index
    %get3A_343 = arith.constant 0 : index
    %get3A_344 = tpu.vector_load %arg11[%get3A_342, %get3A_343] {strides = array<i32>} : memref<32x16xf32, #tpu.memory_space<vmem>>, vector<16xf32>,
    %max3A_345 = arith.maximumf %max3A_340, %get3A_344 : vector<16xf32>
    %get3A_346 = arith.constant 29 : i32
    %get3A_347 = arith.index_cast %get3A_346 : i32 to index
    %get3A_348 = arith.constant 0 : index
    %get3A_349 = tpu.vector_load %arg11[%get3A_347, %get3A_348] {strides = array<i32>} : memref<32x16xf32, #tpu.memory_space<vmem>>, vector<16xf32>,
    %max3A_350 = arith.maximumf %max3A_345, %get3A_349 : vector<16xf32>
    %get3A_351 = arith.constant 30 : i32
    %get3A_352 = arith.index_cast %get3A_351 : i32 to index
    %get3A_353 = arith.constant 0 : index
    %get3A_354 = tpu.vector_load %arg11[%get3A_352, %get3A_353] {strides = array<i32>} : memref<32x16xf32, #tpu.memory_space<vmem>>, vector<16xf32>,
    %max3A_355 = arith.maximumf %max3A_350, %get3A_354 : vector<16xf32>
    %get3A_356 = arith.constant 31 : i32
    %get3A_357 = arith.index_cast %get3A_356 : i32 to index
    %get3A_358 = arith.constant 0 : index
    %get3A_359 = tpu.vector_load %arg11[%get3A_357, %get3A_358] {strides = array<i32>} : memref<32x16xf32, #tpu.memory_space<vmem>>, vector<16xf32>,
    %max3A_360 = arith.maximumf %max3A_355, %get3A_359 : vector<16xf32>
    %slice3A_361 = vector.extract_strided_slice %max3A_360 {offsets = [0], sizes = [1], strides = [1]} : vector<16xf32> to vector<1xf32>
    %squeeze3A_362 = vector.extract %slice3A_361[0] : f32 from vector<1xf32>
    %slice3A_363 = vector.extract_strided_slice %max3A_360 {offsets = [1], sizes = [1], strides = [1]} : vector<16xf32> to vector<1xf32>
    %squeeze3A_364 = vector.extract %slice3A_363[0] : f32 from vector<1xf32>
    %max3A_365 = arith.maximumf %squeeze3A_362, %squeeze3A_364 : f32
    %slice3A_366 = vector.extract_strided_slice %max3A_360 {offsets = [2], sizes = [1], strides = [1]} : vector<16xf32> to vector<1xf32>
    %squeeze3A_367 = vector.extract %slice3A_366[0] : f32 from vector<1xf32>
    %max3A_368 = arith.maximumf %max3A_365, %squeeze3A_367 : f32
    %slice3A_369 = vector.extract_strided_slice %max3A_360 {offsets = [3], sizes = [1], strides = [1]} : vector<16xf32> to vector<1xf32>
    %squeeze3A_370 = vector.extract %slice3A_369[0] : f32 from vector<1xf32>
    %max3A_371 = arith.maximumf %max3A_368, %squeeze3A_370 : f32
    %slice3A_372 = vector.extract_strided_slice %max3A_360 {offsets = [4], sizes = [1], strides = [1]} : vector<16xf32> to vector<1xf32>
    %squeeze3A_373 = vector.extract %slice3A_372[0] : f32 from vector<1xf32>
    %max3A_374 = arith.maximumf %max3A_371, %squeeze3A_373 : f32
    %slice3A_375 = vector.extract_strided_slice %max3A_360 {offsets = [5], sizes = [1], strides = [1]} : vector<16xf32> to vector<1xf32>
    %squeeze3A_376 = vector.extract %slice3A_375[0] : f32 from vector<1xf32>
    %max3A_377 = arith.maximumf %max3A_374, %squeeze3A_376 : f32
    %slice3A_378 = vector.extract_strided_slice %max3A_360 {offsets = [6], sizes = [1], strides = [1]} : vector<16xf32> to vector<1xf32>
    %squeeze3A_379 = vector.extract %slice3A_378[0] : f32 from vector<1xf32>
    %max3A_380 = arith.maximumf %max3A_377, %squeeze3A_379 : f32
    %slice3A_381 = vector.extract_strided_slice %max3A_360 {offsets = [7], sizes = [1], strides = [1]} : vector<16xf32> to vector<1xf32>
    %squeeze3A_382 = vector.extract %slice3A_381[0] : f32 from vector<1xf32>
    %max3A_383 = arith.maximumf %max3A_380, %squeeze3A_382 : f32
    %slice3A_384 = vector.extract_strided_slice %max3A_360 {offsets = [8], sizes = [1], strides = [1]} : vector<16xf32> to vector<1xf32>
    %squeeze3A_385 = vector.extract %slice3A_384[0] : f32 from vector<1xf32>
    %max3A_386 = arith.maximumf %max3A_383, %squeeze3A_385 : f32
    %slice3A_387 = vector.extract_strided_slice %max3A_360 {offsets = [9], sizes = [1], strides = [1]} : vector<16xf32> to vector<1xf32>
    %squeeze3A_388 = vector.extract %slice3A_387[0] : f32 from vector<1xf32>
    %max3A_389 = arith.maximumf %max3A_386, %squeeze3A_388 : f32
    %slice3A_390 = vector.extract_strided_slice %max3A_360 {offsets = [10], sizes = [1], strides = [1]} : vector<16xf32> to vector<1xf32>
    %squeeze3A_391 = vector.extract %slice3A_390[0] : f32 from vector<1xf32>
    %max3A_392 = arith.maximumf %max3A_389, %squeeze3A_391 : f32
    %slice3A_393 = vector.extract_strided_slice %max3A_360 {offsets = [11], sizes = [1], strides = [1]} : vector<16xf32> to vector<1xf32>
    %squeeze3A_394 = vector.extract %slice3A_393[0] : f32 from vector<1xf32>
    %max3A_395 = arith.maximumf %max3A_392, %squeeze3A_394 : f32
    %slice3A_396 = vector.extract_strided_slice %max3A_360 {offsets = [12], sizes = [1], strides = [1]} : vector<16xf32> to vector<1xf32>
    %squeeze3A_397 = vector.extract %slice3A_396[0] : f32 from vector<1xf32>
    %max3A_398 = arith.maximumf %max3A_395, %squeeze3A_397 : f32
    %slice3A_399 = vector.extract_strided_slice %max3A_360 {offsets = [13], sizes = [1], strides = [1]} : vector<16xf32> to vector<1xf32>
    %squeeze3A_400 = vector.extract %slice3A_399[0] : f32 from vector<1xf32>
    %max3A_401 = arith.maximumf %max3A_398, %squeeze3A_400 : f32
    %slice3A_402 = vector.extract_strided_slice %max3A_360 {offsets = [14], sizes = [1], strides = [1]} : vector<16xf32> to vector<1xf32>
    %squeeze3A_403 = vector.extract %slice3A_402[0] : f32 from vector<1xf32>
    %max3A_404 = arith.maximumf %max3A_401, %squeeze3A_403 : f32
    %slice3A_405 = vector.extract_strided_slice %max3A_360 {offsets = [15], sizes = [1], strides = [1]} : vector<16xf32> to vector<1xf32>
    %squeeze3A_406 = vector.extract %slice3A_405[0] : f32 from vector<1xf32>
    %max3A_407 = arith.maximumf %max3A_404, %squeeze3A_406 : f32
    %sub3A = arith.subf %max3A_407, %min3A_202 : f32
    %gt3A = arith.constant 0.000000e+00 : f32
    %gt3A_408 = arith.cmpf ogt, %sub3A, %gt3A : f32
    %jit3A = arith.constant 1.000000e+00 : f32
    %select_n3A = arith.select %gt3A_408, %sub3A, %jit3A : f32
    %broadcast_in_dim3A = vector.broadcast %select_n3A : f32 to vector<16xf32>
    %broadcast_in_dim3A_409 = arith.constant 2.550000e+02 : f32
    %broadcast_in_dim3A_410 = vector.broadcast %broadcast_in_dim3A_409 : f32 to vector<16xf32>
    %div3A = arith.divf %broadcast_in_dim3A_410, %broadcast_in_dim3A : vector<16xf32>
    %gt3A_411 = arith.constant 0.000000e+00 : f32
    %gt3A_412 = arith.cmpf ogt, %sub3A, %gt3A_411 : f32
    %broadcast_in_dim3A_413 = vector.broadcast %gt3A_412 : i1 to vector<16xi1>
    %broadcast_in_dim3A_414 = arith.constant 0.000000e+00 : f32
    %broadcast_in_dim3A_415 = vector.broadcast %broadcast_in_dim3A_414 : f32 to vector<16xf32>
    %select_n3A_416 = arith.select %broadcast_in_dim3A_413, %div3A, %broadcast_in_dim3A_415 : vector<16xi1>, vector<16xf32>
    %broadcast_in_dim3A_417 = vector.broadcast %min3A_202 : f32 to vector<16xf32>
    %broadcast_in_dim3A_418 = arith.constant 5.000000e-01 : f32
    %broadcast_in_dim3A_419 = vector.broadcast %broadcast_in_dim3A_418 : f32 to vector<16xf32>
    %mul3A_420 = arith.mulf %broadcast_in_dim3A_417, %select_n3A_416 : vector<16xf32>
    %sub3A_421 = arith.subf %broadcast_in_dim3A_419, %mul3A_420 : vector<16xf32>
    %broadcast_in_dim3A_422 = arith.constant 255 : i32
    %broadcast_in_dim3A_423 = vector.broadcast %broadcast_in_dim3A_422 : i32 to vector<16xi32>
    %broadcast_in_dim3A_424 = arith.constant 0 : i32
    %broadcast_in_dim3A_425 = vector.broadcast %broadcast_in_dim3A_424 : i32 to vector<16xi32>
    %broadcast_in_dim3A_426 = arith.constant 1 : i32
    %broadcast_in_dim3A_427 = vector.broadcast %broadcast_in_dim3A_426 : i32 to vector<16xi32>
    %iota3A = tpu.iota {dimensions = array<i32: 0>} : vector<16xi32>
    %mul3A_428 = arith.constant 256 : i32
    %mul3A_429 = vector.broadcast %mul3A_428 : i32 to vector<16xi32>
    %mul3A_430 = arith.muli %iota3A, %mul3A_429 : vector<16xi32>
    %parallel_loop3A = arith.constant 0 : i32
    %parallel_loop3A_431 = arith.constant 256 : i32
    %parallel_loop3A_432 = arith.constant 1 : i32
    scf.for %parallel_loop3A_1246 = %parallel_loop3A to %parallel_loop3A_431 step %parallel_loop3A_432  : i32 {
      %parallel_loop3A_1247 = arith.constant 16 : i32
      %parallel_loop3A_1248 = arith.muli %parallel_loop3A_1246, %parallel_loop3A_1247 : i32
      %parallel_loop3A_1249 = arith.index_cast %parallel_loop3A_1248 : i32 to index
      %parallel_loop3A_1250 = tpu.vector_load %arg12[%parallel_loop3A_1249] {strides = array<i32>} : memref<4096xi32, #tpu.memory_space<vmem>>, vector<16xi32>,
      tpu.vector_store %arg12[%parallel_loop3A_1249], %broadcast_in_dim3A_425 {strides = array<i32>} : memref<4096xi32, #tpu.memory_space<vmem>>, vector<16xi32>,
    } {sc.loop_unroll_factor = 8 : i64, sc.parallel_access}
    %mul3A_433 = arith.constant 128 : i32
    %mul3A_434 = arith.muli %add3A, %mul3A_433 : i32
    %add3A_435 = arith.constant 0 : i32
    %add3A_436 = arith.addi %mul3A_434, %add3A_435 : i32
    %dma_start3A = arith.constant 0 : i32
    %dma_start3A_437 = tpu.memref_slice %arg2[%add3A_436, %dma_start3A] : memref<4096x4096xf32, #tpu.memory_space<hbm>> -> memref<8x2048xf32, #tpu.memory_space<hbm>>
    %dma_start3A_438 = arith.constant 0 : i32
    %dma_start3A_439 = tpu.memref_slice %arg2[%add3A_436, %dma_start3A_438] : memref<4096x4096xf32, #tpu.memory_space<hbm>> -> memref<8x2048xf32, #tpu.memory_space<hbm>>
    tpu.enqueue_dma source(%dma_start3A_439 : memref<8x2048xf32, #tpu.memory_space<hbm>>) target(%arg7 : memref<8x2048xf32, #tpu.memory_space<vmem>>) target_semaphore(%arg14 : memref<!tpu.dma_semaphore, #tpu.memory_space<semaphore_mem>>)
    %add3A_440 = arith.constant 0 : i32
    %add3A_441 = arith.addi %mul3A_434, %add3A_440 : i32
    %dma_start3A_442 = arith.constant 2048 : i32
    %dma_start3A_443 = tpu.memref_slice %arg2[%add3A_441, %dma_start3A_442] : memref<4096x4096xf32, #tpu.memory_space<hbm>> -> memref<8x2048xf32, #tpu.memory_space<hbm>>
    %dma_start3A_444 = arith.constant 2048 : i32
    %dma_start3A_445 = tpu.memref_slice %arg2[%add3A_441, %dma_start3A_444] : memref<4096x4096xf32, #tpu.memory_space<hbm>> -> memref<8x2048xf32, #tpu.memory_space<hbm>>
    tpu.enqueue_dma source(%dma_start3A_445 : memref<8x2048xf32, #tpu.memory_space<hbm>>) target(%arg8 : memref<8x2048xf32, #tpu.memory_space<vmem>>) target_semaphore(%arg15 : memref<!tpu.dma_semaphore, #tpu.memory_space<semaphore_mem>>)
    %scan3A = arith.constant 0 : i32
    %scan3A_446 = arith.constant 0 : i32
    %scan3A_447 = arith.constant 16 : i32
    %scan3A_448 = arith.addi %scan3A_446, %scan3A_447 : i32
    %scan3A_449 = arith.constant 1 : i32
    %scan3A_450 = scf.for %scan3A_1246 = %scan3A_446 to %scan3A_448 step %scan3A_449 iter_args(%scan3A_1247 = %scan3A) -> (i32)  : i32 {
      %mul3A_1248 = arith.constant 2 : i32
      %mul3A_1249 = arith.muli %scan3A_1246, %mul3A_1248 : i32
      %jit3A_1250 = arith.constant 2 : i32
      %div3A_1251 = arith.divsi %mul3A_1249, %jit3A_1250 : i32
      %sign3A = arith.constant 0 : i32
      %sign3A_1252 = arith.cmpi sgt, %mul3A_1249, %sign3A : i32
      %sign3A_1253 = arith.extui %sign3A_1252 : i1 to i32
      %sign3A_1254 = arith.constant 0 : i32
      %sign3A_1255 = arith.cmpi slt, %mul3A_1249, %sign3A_1254 : i32
      %sign3A_1256 = arith.extui %sign3A_1255 : i1 to i32
      %sign3A_1257 = arith.subi %sign3A_1253, %sign3A_1256 : i32
      %sign3A_1258 = arith.constant 0 : i32
      %sign3A_1259 = arith.cmpi sgt, %jit3A_1250, %sign3A_1258 : i32
      %sign3A_1260 = arith.extui %sign3A_1259 : i1 to i32
      %sign3A_1261 = arith.constant 0 : i32
      %sign3A_1262 = arith.cmpi slt, %jit3A_1250, %sign3A_1261 : i32
      %sign3A_1263 = arith.extui %sign3A_1262 : i1 to i32
      %sign3A_1264 = arith.subi %sign3A_1260, %sign3A_1263 : i32
      %ne3A = arith.cmpi ne, %sign3A_1257, %sign3A_1264 : i32
      %rem3A = arith.remsi %mul3A_1249, %jit3A_1250 : i32
      %ne3A_1265 = arith.constant 0 : i32
      %ne3A_1266 = arith.cmpi ne, %rem3A, %ne3A_1265 : i32
      %and3A = arith.andi %ne3A, %ne3A_1266 : i1
      %sub3A_1267 = arith.constant 1 : i32
      %sub3A_1268 = arith.subi %div3A_1251, %sub3A_1267 : i32
      %select_n3A_1269 = arith.select %and3A, %sub3A_1268, %div3A_1251 : i32
      %mul3A_1270 = arith.constant 8 : i32
      %mul3A_1271 = arith.muli %select_n3A_1269, %mul3A_1270 : i32
      %add3A_1272 = arith.addi %mul3A_434, %mul3A_1271 : i32
      %jit3A_1273 = arith.constant 2 : i32
      %eq3A = arith.constant 0 : i32
      %eq3A_1274 = arith.cmpi eq, %jit3A_1273, %eq3A : i32
      %jit3A_1275 = arith.constant 1 : i32
      %select_n3A_1276 = arith.select %eq3A_1274, %jit3A_1275, %jit3A_1273 : i32
      %rem3A_1277 = arith.remsi %mul3A_1249, %select_n3A_1276 : i32
      %ne3A_1278 = arith.constant 0 : i32
      %ne3A_1279 = arith.cmpi ne, %rem3A_1277, %ne3A_1278 : i32
      %lt3A = arith.constant 0 : i32
      %lt3A_1280 = arith.cmpi slt, %rem3A_1277, %lt3A : i32
      %lt3A_1281 = arith.constant 0 : i32
      %lt3A_1282 = arith.cmpi slt, %select_n3A_1276, %lt3A_1281 : i32
      %ne3A_1283 = arith.xori %lt3A_1280, %lt3A_1282 : i1
      %and3A_1284 = arith.andi %ne3A_1283, %ne3A_1279 : i1
      %add3A_1285 = arith.addi %rem3A_1277, %select_n3A_1276 : i32
      %select_n3A_1286 = arith.select %and3A_1284, %add3A_1285, %rem3A_1277 : i32
      %mul3A_1287 = arith.constant 2048 : i32
      %mul3A_1288 = arith.muli %select_n3A_1286, %mul3A_1287 : i32
      %dma_wait3A_1289 = tpu.memref_slice %arg2[%add3A_1272, %mul3A_1288] : memref<4096x4096xf32, #tpu.memory_space<hbm>> -> memref<8x2048xf32, #tpu.memory_space<hbm>>
      %dma_wait3A_1290 = tpu.memref_slice %arg2[%add3A_1272, %mul3A_1288] : memref<4096x4096xf32, #tpu.memory_space<hbm>> -> memref<8x2048xf32, #tpu.memory_space<hbm>>
      tpu.wait_dma2 semaphore(%arg14 : memref<!tpu.dma_semaphore, #tpu.memory_space<semaphore_mem>>) src(%dma_wait3A_1290 : memref<8x2048xf32, #tpu.memory_space<hbm>>) dst(%arg7 : memref<8x2048xf32, #tpu.memory_space<vmem>>)
      %gt3A_1291 = arith.constant 0 : i32
      %gt3A_1292 = arith.cmpi sgt, %scan3A_1246, %gt3A_1291 : i32
      %convert_element_type3A = arith.extui %gt3A_1292 : i1 to i32
      %cond3A = arith.constant 0 : i32
      %cond3A_1293 = arith.cmpi ne, %convert_element_type3A, %cond3A : i32
      scf.if %cond3A_1293 {
        %sub3A_1465 = arith.constant 2 : i32
        %sub3A_1466 = arith.subi %mul3A_1249, %sub3A_1465 : i32
        %jit3A_1467 = arith.constant 2 : i32
        %div3A_1468 = arith.divsi %sub3A_1466, %jit3A_1467 : i32
        %sign3A_1469 = arith.constant 0 : i32
        %sign3A_1470 = arith.cmpi sgt, %sub3A_1466, %sign3A_1469 : i32
        %sign3A_1471 = arith.extui %sign3A_1470 : i1 to i32
        %sign3A_1472 = arith.constant 0 : i32
        %sign3A_1473 = arith.cmpi slt, %sub3A_1466, %sign3A_1472 : i32
        %sign3A_1474 = arith.extui %sign3A_1473 : i1 to i32
        %sign3A_1475 = arith.subi %sign3A_1471, %sign3A_1474 : i32
        %sign3A_1476 = arith.constant 0 : i32
        %sign3A_1477 = arith.cmpi sgt, %jit3A_1467, %sign3A_1476 : i32
        %sign3A_1478 = arith.extui %sign3A_1477 : i1 to i32
        %sign3A_1479 = arith.constant 0 : i32
        %sign3A_1480 = arith.cmpi slt, %jit3A_1467, %sign3A_1479 : i32
        %sign3A_1481 = arith.extui %sign3A_1480 : i1 to i32
        %sign3A_1482 = arith.subi %sign3A_1478, %sign3A_1481 : i32
        %ne3A_1483 = arith.cmpi ne, %sign3A_1475, %sign3A_1482 : i32
        %rem3A_1484 = arith.remsi %sub3A_1466, %jit3A_1467 : i32
        %ne3A_1485 = arith.constant 0 : i32
        %ne3A_1486 = arith.cmpi ne, %rem3A_1484, %ne3A_1485 : i32
        %and3A_1487 = arith.andi %ne3A_1483, %ne3A_1486 : i1
        %sub3A_1488 = arith.constant 1 : i32
        %sub3A_1489 = arith.subi %div3A_1468, %sub3A_1488 : i32
        %select_n3A_1490 = arith.select %and3A_1487, %sub3A_1489, %div3A_1468 : i32
        %mul3A_1491 = arith.constant 8 : i32
        %mul3A_1492 = arith.muli %select_n3A_1490, %mul3A_1491 : i32
        %add3A_1493 = arith.addi %mul3A_434, %mul3A_1492 : i32
        %jit3A_1494 = arith.constant 2 : i32
        %eq3A_1495 = arith.constant 0 : i32
        %eq3A_1496 = arith.cmpi eq, %jit3A_1494, %eq3A_1495 : i32
        %jit3A_1497 = arith.constant 1 : i32
        %select_n3A_1498 = arith.select %eq3A_1496, %jit3A_1497, %jit3A_1494 : i32
        %rem3A_1499 = arith.remsi %sub3A_1466, %select_n3A_1498 : i32
        %ne3A_1500 = arith.constant 0 : i32
        %ne3A_1501 = arith.cmpi ne, %rem3A_1499, %ne3A_1500 : i32
        %lt3A_1502 = arith.constant 0 : i32
        %lt3A_1503 = arith.cmpi slt, %rem3A_1499, %lt3A_1502 : i32
        %lt3A_1504 = arith.constant 0 : i32
        %lt3A_1505 = arith.cmpi slt, %select_n3A_1498, %lt3A_1504 : i32
        %ne3A_1506 = arith.xori %lt3A_1503, %lt3A_1505 : i1
        %and3A_1507 = arith.andi %ne3A_1506, %ne3A_1501 : i1
        %add3A_1508 = arith.addi %rem3A_1499, %select_n3A_1498 : i32
        %select_n3A_1509 = arith.select %and3A_1507, %add3A_1508, %rem3A_1499 : i32
        %mul3A_1510 = arith.constant 2048 : i32
        %mul3A_1511 = arith.muli %select_n3A_1509, %mul3A_1510 : i32
        %dma_wait3A_1512 = tpu.memref_slice %arg5[%add3A_1493, %mul3A_1511] : memref<4096x4096xi32, #tpu.memory_space<hbm>> -> memref<8x2048xi32, #tpu.memory_space<hbm>>
        %dma_wait3A_1513 = tpu.memref_slice %arg5[%add3A_1493, %mul3A_1511] : memref<4096x4096xi32, #tpu.memory_space<hbm>> -> memref<8x2048xi32, #tpu.memory_space<hbm>>
        tpu.wait_dma2 semaphore(%arg16 : memref<!tpu.dma_semaphore, #tpu.memory_space<semaphore_mem>>) src(%arg9 : memref<8x2048xi32, #tpu.memory_space<vmem>>) dst(%dma_wait3A_1513 : memref<8x2048xi32, #tpu.memory_space<hbm>>)
      } else {
      }
      %parallel_loop3A_1294 = arith.constant 0 : i32
      %parallel_loop3A_1295 = arith.constant 1024 : i32
      %parallel_loop3A_1296 = arith.constant 8 : i32
      scf.for %parallel_loop3A_1465 = %parallel_loop3A_1294 to %parallel_loop3A_1295 step %parallel_loop3A_1296  : i32 {
        %parallel_loop3A_1466 = arith.constant 2 : i32
        %parallel_loop3A_1467 = arith.muli %parallel_loop3A_1465, %parallel_loop3A_1466 : i32
        %parallel_loop3A_1468 = arith.constant 0 : i32
        %parallel_loop3A_1469 = arith.index_cast %parallel_loop3A_1468 : i32 to index
        %parallel_loop3A_1470 = arith.index_cast %parallel_loop3A_1467 : i32 to index
        %parallel_loop3A_1471 = tpu.vector_load %arg7[%parallel_loop3A_1469, %parallel_loop3A_1470] {strides = array<i32>} : memref<8x2048xf32, #tpu.memory_space<vmem>>, vector<16xf32>,
        %parallel_loop3A_1472 = arith.mulf %parallel_loop3A_1471, %select_n3A_416 : vector<16xf32>
        %parallel_loop3A_1473 = arith.addf %parallel_loop3A_1472, %sub3A_421 : vector<16xf32>
        %parallel_loop3A_1474 = arith.fptosi %parallel_loop3A_1473 : vector<16xf32> to vector<16xi32>
        %parallel_loop3A_1475 = arith.minsi %parallel_loop3A_1474, %broadcast_in_dim3A_423 : vector<16xi32>
        %parallel_loop3A_1476 = arith.constant 0 : i32
        %parallel_loop3A_1477 = arith.index_cast %parallel_loop3A_1476 : i32 to index
        %parallel_loop3A_1478 = arith.index_cast %parallel_loop3A_1467 : i32 to index
        %parallel_loop3A_1479 = tpu.vector_load %arg9[%parallel_loop3A_1477, %parallel_loop3A_1478] {strides = array<i32>} : memref<8x2048xi32, #tpu.memory_space<vmem>>, vector<16xi32>,
        tpu.vector_store %arg9[%parallel_loop3A_1477, %parallel_loop3A_1478], %parallel_loop3A_1475 {strides = array<i32>} : memref<8x2048xi32, #tpu.memory_space<vmem>>, vector<16xi32>,
        %parallel_loop3A_1480 = arith.addi %mul3A_430, %parallel_loop3A_1475 : vector<16xi32>
        tpu.vector_store_idx %arg12[%parallel_loop3A_1480], %broadcast_in_dim3A_427 {add = true} : memref<4096xi32, #tpu.memory_space<vmem>>[vector<16xi32>], vector<16xi32>,
        %parallel_loop3A_1481 = arith.constant 1 : i32
        %parallel_loop3A_1482 = arith.index_cast %parallel_loop3A_1481 : i32 to index
        %parallel_loop3A_1483 = arith.index_cast %parallel_loop3A_1467 : i32 to index
        %parallel_loop3A_1484 = tpu.vector_load %arg7[%parallel_loop3A_1482, %parallel_loop3A_1483] {strides = array<i32>} : memref<8x2048xf32, #tpu.memory_space<vmem>>, vector<16xf32>,
        %parallel_loop3A_1485 = arith.mulf %parallel_loop3A_1484, %select_n3A_416 : vector<16xf32>
        %parallel_loop3A_1486 = arith.addf %parallel_loop3A_1485, %sub3A_421 : vector<16xf32>
        %parallel_loop3A_1487 = arith.fptosi %parallel_loop3A_1486 : vector<16xf32> to vector<16xi32>
        %parallel_loop3A_1488 = arith.minsi %parallel_loop3A_1487, %broadcast_in_dim3A_423 : vector<16xi32>
        %parallel_loop3A_1489 = arith.constant 1 : i32
        %parallel_loop3A_1490 = arith.index_cast %parallel_loop3A_1489 : i32 to index
        %parallel_loop3A_1491 = arith.index_cast %parallel_loop3A_1467 : i32 to index
        %parallel_loop3A_1492 = tpu.vector_load %arg9[%parallel_loop3A_1490, %parallel_loop3A_1491] {strides = array<i32>} : memref<8x2048xi32, #tpu.memory_space<vmem>>, vector<16xi32>,
        tpu.vector_store %arg9[%parallel_loop3A_1490, %parallel_loop3A_1491], %parallel_loop3A_1488 {strides = array<i32>} : memref<8x2048xi32, #tpu.memory_space<vmem>>, vector<16xi32>,
        %parallel_loop3A_1493 = arith.addi %mul3A_430, %parallel_loop3A_1488 : vector<16xi32>
        tpu.vector_store_idx %arg12[%parallel_loop3A_1493], %broadcast_in_dim3A_427 {add = true} : memref<4096xi32, #tpu.memory_space<vmem>>[vector<16xi32>], vector<16xi32>,
        %parallel_loop3A_1494 = arith.constant 2 : i32
        %parallel_loop3A_1495 = arith.index_cast %parallel_loop3A_1494 : i32 to index
        %parallel_loop3A_1496 = arith.index_cast %parallel_loop3A_1467 : i32 to index
        %parallel_loop3A_1497 = tpu.vector_load %arg7[%parallel_loop3A_1495, %parallel_loop3A_1496] {strides = array<i32>} : memref<8x2048xf32, #tpu.memory_space<vmem>>, vector<16xf32>,
        %parallel_loop3A_1498 = arith.mulf %parallel_loop3A_1497, %select_n3A_416 : vector<16xf32>
        %parallel_loop3A_1499 = arith.addf %parallel_loop3A_1498, %sub3A_421 : vector<16xf32>
        %parallel_loop3A_1500 = arith.fptosi %parallel_loop3A_1499 : vector<16xf32> to vector<16xi32>
        %parallel_loop3A_1501 = arith.minsi %parallel_loop3A_1500, %broadcast_in_dim3A_423 : vector<16xi32>
        %parallel_loop3A_1502 = arith.constant 2 : i32
        %parallel_loop3A_1503 = arith.index_cast %parallel_loop3A_1502 : i32 to index
        %parallel_loop3A_1504 = arith.index_cast %parallel_loop3A_1467 : i32 to index
        %parallel_loop3A_1505 = tpu.vector_load %arg9[%parallel_loop3A_1503, %parallel_loop3A_1504] {strides = array<i32>} : memref<8x2048xi32, #tpu.memory_space<vmem>>, vector<16xi32>,
        tpu.vector_store %arg9[%parallel_loop3A_1503, %parallel_loop3A_1504], %parallel_loop3A_1501 {strides = array<i32>} : memref<8x2048xi32, #tpu.memory_space<vmem>>, vector<16xi32>,
        %parallel_loop3A_1506 = arith.addi %mul3A_430, %parallel_loop3A_1501 : vector<16xi32>
        tpu.vector_store_idx %arg12[%parallel_loop3A_1506], %broadcast_in_dim3A_427 {add = true} : memref<4096xi32, #tpu.memory_space<vmem>>[vector<16xi32>], vector<16xi32>,
        %parallel_loop3A_1507 = arith.constant 3 : i32
        %parallel_loop3A_1508 = arith.index_cast %parallel_loop3A_1507 : i32 to index
        %parallel_loop3A_1509 = arith.index_cast %parallel_loop3A_1467 : i32 to index
        %parallel_loop3A_1510 = tpu.vector_load %arg7[%parallel_loop3A_1508, %parallel_loop3A_1509] {strides = array<i32>} : memref<8x2048xf32, #tpu.memory_space<vmem>>, vector<16xf32>,
        %parallel_loop3A_1511 = arith.mulf %parallel_loop3A_1510, %select_n3A_416 : vector<16xf32>
        %parallel_loop3A_1512 = arith.addf %parallel_loop3A_1511, %sub3A_421 : vector<16xf32>
        %parallel_loop3A_1513 = arith.fptosi %parallel_loop3A_1512 : vector<16xf32> to vector<16xi32>
        %parallel_loop3A_1514 = arith.minsi %parallel_loop3A_1513, %broadcast_in_dim3A_423 : vector<16xi32>
        %parallel_loop3A_1515 = arith.constant 3 : i32
        %parallel_loop3A_1516 = arith.index_cast %parallel_loop3A_1515 : i32 to index
        %parallel_loop3A_1517 = arith.index_cast %parallel_loop3A_1467 : i32 to index
        %parallel_loop3A_1518 = tpu.vector_load %arg9[%parallel_loop3A_1516, %parallel_loop3A_1517] {strides = array<i32>} : memref<8x2048xi32, #tpu.memory_space<vmem>>, vector<16xi32>,
        tpu.vector_store %arg9[%parallel_loop3A_1516, %parallel_loop3A_1517], %parallel_loop3A_1514 {strides = array<i32>} : memref<8x2048xi32, #tpu.memory_space<vmem>>, vector<16xi32>,
        %parallel_loop3A_1519 = arith.addi %mul3A_430, %parallel_loop3A_1514 : vector<16xi32>
        tpu.vector_store_idx %arg12[%parallel_loop3A_1519], %broadcast_in_dim3A_427 {add = true} : memref<4096xi32, #tpu.memory_space<vmem>>[vector<16xi32>], vector<16xi32>,
        %parallel_loop3A_1520 = arith.constant 4 : i32
        %parallel_loop3A_1521 = arith.index_cast %parallel_loop3A_1520 : i32 to index
        %parallel_loop3A_1522 = arith.index_cast %parallel_loop3A_1467 : i32 to index
        %parallel_loop3A_1523 = tpu.vector_load %arg7[%parallel_loop3A_1521, %parallel_loop3A_1522] {strides = array<i32>} : memref<8x2048xf32, #tpu.memory_space<vmem>>, vector<16xf32>,
        %parallel_loop3A_1524 = arith.mulf %parallel_loop3A_1523, %select_n3A_416 : vector<16xf32>
        %parallel_loop3A_1525 = arith.addf %parallel_loop3A_1524, %sub3A_421 : vector<16xf32>
        %parallel_loop3A_1526 = arith.fptosi %parallel_loop3A_1525 : vector<16xf32> to vector<16xi32>
        %parallel_loop3A_1527 = arith.minsi %parallel_loop3A_1526, %broadcast_in_dim3A_423 : vector<16xi32>
        %parallel_loop3A_1528 = arith.constant 4 : i32
        %parallel_loop3A_1529 = arith.index_cast %parallel_loop3A_1528 : i32 to index
        %parallel_loop3A_1530 = arith.index_cast %parallel_loop3A_1467 : i32 to index
        %parallel_loop3A_1531 = tpu.vector_load %arg9[%parallel_loop3A_1529, %parallel_loop3A_1530] {strides = array<i32>} : memref<8x2048xi32, #tpu.memory_space<vmem>>, vector<16xi32>,
        tpu.vector_store %arg9[%parallel_loop3A_1529, %parallel_loop3A_1530], %parallel_loop3A_1527 {strides = array<i32>} : memref<8x2048xi32, #tpu.memory_space<vmem>>, vector<16xi32>,
        %parallel_loop3A_1532 = arith.addi %mul3A_430, %parallel_loop3A_1527 : vector<16xi32>
        tpu.vector_store_idx %arg12[%parallel_loop3A_1532], %broadcast_in_dim3A_427 {add = true} : memref<4096xi32, #tpu.memory_space<vmem>>[vector<16xi32>], vector<16xi32>,
        %parallel_loop3A_1533 = arith.constant 5 : i32
        %parallel_loop3A_1534 = arith.index_cast %parallel_loop3A_1533 : i32 to index
        %parallel_loop3A_1535 = arith.index_cast %parallel_loop3A_1467 : i32 to index
        %parallel_loop3A_1536 = tpu.vector_load %arg7[%parallel_loop3A_1534, %parallel_loop3A_1535] {strides = array<i32>} : memref<8x2048xf32, #tpu.memory_space<vmem>>, vector<16xf32>,
        %parallel_loop3A_1537 = arith.mulf %parallel_loop3A_1536, %select_n3A_416 : vector<16xf32>
        %parallel_loop3A_1538 = arith.addf %parallel_loop3A_1537, %sub3A_421 : vector<16xf32>
        %parallel_loop3A_1539 = arith.fptosi %parallel_loop3A_1538 : vector<16xf32> to vector<16xi32>
        %parallel_loop3A_1540 = arith.minsi %parallel_loop3A_1539, %broadcast_in_dim3A_423 : vector<16xi32>
        %parallel_loop3A_1541 = arith.constant 5 : i32
        %parallel_loop3A_1542 = arith.index_cast %parallel_loop3A_1541 : i32 to index
        %parallel_loop3A_1543 = arith.index_cast %parallel_loop3A_1467 : i32 to index
        %parallel_loop3A_1544 = tpu.vector_load %arg9[%parallel_loop3A_1542, %parallel_loop3A_1543] {strides = array<i32>} : memref<8x2048xi32, #tpu.memory_space<vmem>>, vector<16xi32>,
        tpu.vector_store %arg9[%parallel_loop3A_1542, %parallel_loop3A_1543], %parallel_loop3A_1540 {strides = array<i32>} : memref<8x2048xi32, #tpu.memory_space<vmem>>, vector<16xi32>,
        %parallel_loop3A_1545 = arith.addi %mul3A_430, %parallel_loop3A_1540 : vector<16xi32>
        tpu.vector_store_idx %arg12[%parallel_loop3A_1545], %broadcast_in_dim3A_427 {add = true} : memref<4096xi32, #tpu.memory_space<vmem>>[vector<16xi32>], vector<16xi32>,
        %parallel_loop3A_1546 = arith.constant 6 : i32
        %parallel_loop3A_1547 = arith.index_cast %parallel_loop3A_1546 : i32 to index
        %parallel_loop3A_1548 = arith.index_cast %parallel_loop3A_1467 : i32 to index
        %parallel_loop3A_1549 = tpu.vector_load %arg7[%parallel_loop3A_1547, %parallel_loop3A_1548] {strides = array<i32>} : memref<8x2048xf32, #tpu.memory_space<vmem>>, vector<16xf32>,
        %parallel_loop3A_1550 = arith.mulf %parallel_loop3A_1549, %select_n3A_416 : vector<16xf32>
        %parallel_loop3A_1551 = arith.addf %parallel_loop3A_1550, %sub3A_421 : vector<16xf32>
        %parallel_loop3A_1552 = arith.fptosi %parallel_loop3A_1551 : vector<16xf32> to vector<16xi32>
        %parallel_loop3A_1553 = arith.minsi %parallel_loop3A_1552, %broadcast_in_dim3A_423 : vector<16xi32>
        %parallel_loop3A_1554 = arith.constant 6 : i32
        %parallel_loop3A_1555 = arith.index_cast %parallel_loop3A_1554 : i32 to index
        %parallel_loop3A_1556 = arith.index_cast %parallel_loop3A_1467 : i32 to index
        %parallel_loop3A_1557 = tpu.vector_load %arg9[%parallel_loop3A_1555, %parallel_loop3A_1556] {strides = array<i32>} : memref<8x2048xi32, #tpu.memory_space<vmem>>, vector<16xi32>,
        tpu.vector_store %arg9[%parallel_loop3A_1555, %parallel_loop3A_1556], %parallel_loop3A_1553 {strides = array<i32>} : memref<8x2048xi32, #tpu.memory_space<vmem>>, vector<16xi32>,
        %parallel_loop3A_1558 = arith.addi %mul3A_430, %parallel_loop3A_1553 : vector<16xi32>
        tpu.vector_store_idx %arg12[%parallel_loop3A_1558], %broadcast_in_dim3A_427 {add = true} : memref<4096xi32, #tpu.memory_space<vmem>>[vector<16xi32>], vector<16xi32>,
        %parallel_loop3A_1559 = arith.constant 7 : i32
        %parallel_loop3A_1560 = arith.index_cast %parallel_loop3A_1559 : i32 to index
        %parallel_loop3A_1561 = arith.index_cast %parallel_loop3A_1467 : i32 to index
        %parallel_loop3A_1562 = tpu.vector_load %arg7[%parallel_loop3A_1560, %parallel_loop3A_1561] {strides = array<i32>} : memref<8x2048xf32, #tpu.memory_space<vmem>>, vector<16xf32>,
        %parallel_loop3A_1563 = arith.mulf %parallel_loop3A_1562, %select_n3A_416 : vector<16xf32>
        %parallel_loop3A_1564 = arith.addf %parallel_loop3A_1563, %sub3A_421 : vector<16xf32>
        %parallel_loop3A_1565 = arith.fptosi %parallel_loop3A_1564 : vector<16xf32> to vector<16xi32>
        %parallel_loop3A_1566 = arith.minsi %parallel_loop3A_1565, %broadcast_in_dim3A_423 : vector<16xi32>
        %parallel_loop3A_1567 = arith.constant 7 : i32
        %parallel_loop3A_1568 = arith.index_cast %parallel_loop3A_1567 : i32 to index
        %parallel_loop3A_1569 = arith.index_cast %parallel_loop3A_1467 : i32 to index
        %parallel_loop3A_1570 = tpu.vector_load %arg9[%parallel_loop3A_1568, %parallel_loop3A_1569] {strides = array<i32>} : memref<8x2048xi32, #tpu.memory_space<vmem>>, vector<16xi32>,
        tpu.vector_store %arg9[%parallel_loop3A_1568, %parallel_loop3A_1569], %parallel_loop3A_1566 {strides = array<i32>} : memref<8x2048xi32, #tpu.memory_space<vmem>>, vector<16xi32>,
        %parallel_loop3A_1571 = arith.addi %mul3A_430, %parallel_loop3A_1566 : vector<16xi32>
        tpu.vector_store_idx %arg12[%parallel_loop3A_1571], %broadcast_in_dim3A_427 {add = true} : memref<4096xi32, #tpu.memory_space<vmem>>[vector<16xi32>], vector<16xi32>,
      } {sc.loop_unroll_factor = 1 : i64, sc.parallel_access}
      %jit3A_1297 = arith.constant 2 : i32
      %div3A_1298 = arith.divsi %mul3A_1249, %jit3A_1297 : i32
      %sign3A_1299 = arith.constant 0 : i32
      %sign3A_1300 = arith.cmpi sgt, %mul3A_1249, %sign3A_1299 : i32
      %sign3A_1301 = arith.extui %sign3A_1300 : i1 to i32
      %sign3A_1302 = arith.constant 0 : i32
      %sign3A_1303 = arith.cmpi slt, %mul3A_1249, %sign3A_1302 : i32
      %sign3A_1304 = arith.extui %sign3A_1303 : i1 to i32
      %sign3A_1305 = arith.subi %sign3A_1301, %sign3A_1304 : i32
      %sign3A_1306 = arith.constant 0 : i32
      %sign3A_1307 = arith.cmpi sgt, %jit3A_1297, %sign3A_1306 : i32
      %sign3A_1308 = arith.extui %sign3A_1307 : i1 to i32
      %sign3A_1309 = arith.constant 0 : i32
      %sign3A_1310 = arith.cmpi slt, %jit3A_1297, %sign3A_1309 : i32
      %sign3A_1311 = arith.extui %sign3A_1310 : i1 to i32
      %sign3A_1312 = arith.subi %sign3A_1308, %sign3A_1311 : i32
      %ne3A_1313 = arith.cmpi ne, %sign3A_1305, %sign3A_1312 : i32
      %rem3A_1314 = arith.remsi %mul3A_1249, %jit3A_1297 : i32
      %ne3A_1315 = arith.constant 0 : i32
      %ne3A_1316 = arith.cmpi ne, %rem3A_1314, %ne3A_1315 : i32
      %and3A_1317 = arith.andi %ne3A_1313, %ne3A_1316 : i1
      %sub3A_1318 = arith.constant 1 : i32
      %sub3A_1319 = arith.subi %div3A_1298, %sub3A_1318 : i32
      %select_n3A_1320 = arith.select %and3A_1317, %sub3A_1319, %div3A_1298 : i32
      %mul3A_1321 = arith.constant 8 : i32
      %mul3A_1322 = arith.muli %select_n3A_1320, %mul3A_1321 : i32
      %add3A_1323 = arith.addi %mul3A_434, %mul3A_1322 : i32
      %jit3A_1324 = arith.constant 2 : i32
      %eq3A_1325 = arith.constant 0 : i32
      %eq3A_1326 = arith.cmpi eq, %jit3A_1324, %eq3A_1325 : i32
      %jit3A_1327 = arith.constant 1 : i32
      %select_n3A_1328 = arith.select %eq3A_1326, %jit3A_1327, %jit3A_1324 : i32
      %rem3A_1329 = arith.remsi %mul3A_1249, %select_n3A_1328 : i32
      %ne3A_1330 = arith.constant 0 : i32
      %ne3A_1331 = arith.cmpi ne, %rem3A_1329, %ne3A_1330 : i32
      %lt3A_1332 = arith.constant 0 : i32
      %lt3A_1333 = arith.cmpi slt, %rem3A_1329, %lt3A_1332 : i32
      %lt3A_1334 = arith.constant 0 : i32
      %lt3A_1335 = arith.cmpi slt, %select_n3A_1328, %lt3A_1334 : i32
      %ne3A_1336 = arith.xori %lt3A_1333, %lt3A_1335 : i1
      %and3A_1337 = arith.andi %ne3A_1336, %ne3A_1331 : i1
      %add3A_1338 = arith.addi %rem3A_1329, %select_n3A_1328 : i32
      %select_n3A_1339 = arith.select %and3A_1337, %add3A_1338, %rem3A_1329 : i32
      %mul3A_1340 = arith.constant 2048 : i32
      %mul3A_1341 = arith.muli %select_n3A_1339, %mul3A_1340 : i32
      %dma_start3A_1342 = tpu.memref_slice %arg5[%add3A_1323, %mul3A_1341] : memref<4096x4096xi32, #tpu.memory_space<hbm>> -> memref<8x2048xi32, #tpu.memory_space<hbm>>
      %dma_start3A_1343 = tpu.memref_slice %arg5[%add3A_1323, %mul3A_1341] : memref<4096x4096xi32, #tpu.memory_space<hbm>> -> memref<8x2048xi32, #tpu.memory_space<hbm>>
      tpu.enqueue_dma source(%arg9 : memref<8x2048xi32, #tpu.memory_space<vmem>>) target(%dma_start3A_1343 : memref<8x2048xi32, #tpu.memory_space<hbm>>) target_semaphore(%arg16 : memref<!tpu.dma_semaphore, #tpu.memory_space<semaphore_mem>>)
      %add3A_1344 = arith.constant 2 : i32
      %add3A_1345 = arith.addi %mul3A_1249, %add3A_1344 : i32
      %lt3A_1346 = arith.constant 32 : i32
      %lt3A_1347 = arith.cmpi slt, %add3A_1345, %lt3A_1346 : i32
      %convert_element_type3A_1348 = arith.extui %lt3A_1347 : i1 to i32
      %cond3A_1349 = arith.constant 0 : i32
      %cond3A_1350 = arith.cmpi ne, %convert_element_type3A_1348, %cond3A_1349 : i32
      scf.if %cond3A_1350 {
        %add3A_1465 = arith.constant 2 : i32
        %add3A_1466 = arith.addi %mul3A_1249, %add3A_1465 : i32
        %jit3A_1467 = arith.constant 2 : i32
        %div3A_1468 = arith.divsi %add3A_1466, %jit3A_1467 : i32
        %sign3A_1469 = arith.constant 0 : i32
        %sign3A_1470 = arith.cmpi sgt, %add3A_1466, %sign3A_1469 : i32
        %sign3A_1471 = arith.extui %sign3A_1470 : i1 to i32
        %sign3A_1472 = arith.constant 0 : i32
        %sign3A_1473 = arith.cmpi slt, %add3A_1466, %sign3A_1472 : i32
        %sign3A_1474 = arith.extui %sign3A_1473 : i1 to i32
        %sign3A_1475 = arith.subi %sign3A_1471, %sign3A_1474 : i32
        %sign3A_1476 = arith.constant 0 : i32
        %sign3A_1477 = arith.cmpi sgt, %jit3A_1467, %sign3A_1476 : i32
        %sign3A_1478 = arith.extui %sign3A_1477 : i1 to i32
        %sign3A_1479 = arith.constant 0 : i32
        %sign3A_1480 = arith.cmpi slt, %jit3A_1467, %sign3A_1479 : i32
        %sign3A_1481 = arith.extui %sign3A_1480 : i1 to i32
        %sign3A_1482 = arith.subi %sign3A_1478, %sign3A_1481 : i32
        %ne3A_1483 = arith.cmpi ne, %sign3A_1475, %sign3A_1482 : i32
        %rem3A_1484 = arith.remsi %add3A_1466, %jit3A_1467 : i32
        %ne3A_1485 = arith.constant 0 : i32
        %ne3A_1486 = arith.cmpi ne, %rem3A_1484, %ne3A_1485 : i32
        %and3A_1487 = arith.andi %ne3A_1483, %ne3A_1486 : i1
        %sub3A_1488 = arith.constant 1 : i32
        %sub3A_1489 = arith.subi %div3A_1468, %sub3A_1488 : i32
        %select_n3A_1490 = arith.select %and3A_1487, %sub3A_1489, %div3A_1468 : i32
        %mul3A_1491 = arith.constant 8 : i32
        %mul3A_1492 = arith.muli %select_n3A_1490, %mul3A_1491 : i32
        %add3A_1493 = arith.addi %mul3A_434, %mul3A_1492 : i32
        %jit3A_1494 = arith.constant 2 : i32
        %eq3A_1495 = arith.constant 0 : i32
        %eq3A_1496 = arith.cmpi eq, %jit3A_1494, %eq3A_1495 : i32
        %jit3A_1497 = arith.constant 1 : i32
        %select_n3A_1498 = arith.select %eq3A_1496, %jit3A_1497, %jit3A_1494 : i32
        %rem3A_1499 = arith.remsi %add3A_1466, %select_n3A_1498 : i32
        %ne3A_1500 = arith.constant 0 : i32
        %ne3A_1501 = arith.cmpi ne, %rem3A_1499, %ne3A_1500 : i32
        %lt3A_1502 = arith.constant 0 : i32
        %lt3A_1503 = arith.cmpi slt, %rem3A_1499, %lt3A_1502 : i32
        %lt3A_1504 = arith.constant 0 : i32
        %lt3A_1505 = arith.cmpi slt, %select_n3A_1498, %lt3A_1504 : i32
        %ne3A_1506 = arith.xori %lt3A_1503, %lt3A_1505 : i1
        %and3A_1507 = arith.andi %ne3A_1506, %ne3A_1501 : i1
        %add3A_1508 = arith.addi %rem3A_1499, %select_n3A_1498 : i32
        %select_n3A_1509 = arith.select %and3A_1507, %add3A_1508, %rem3A_1499 : i32
        %mul3A_1510 = arith.constant 2048 : i32
        %mul3A_1511 = arith.muli %select_n3A_1509, %mul3A_1510 : i32
        %dma_start3A_1512 = tpu.memref_slice %arg2[%add3A_1493, %mul3A_1511] : memref<4096x4096xf32, #tpu.memory_space<hbm>> -> memref<8x2048xf32, #tpu.memory_space<hbm>>
        %dma_start3A_1513 = tpu.memref_slice %arg2[%add3A_1493, %mul3A_1511] : memref<4096x4096xf32, #tpu.memory_space<hbm>> -> memref<8x2048xf32, #tpu.memory_space<hbm>>
        tpu.enqueue_dma source(%dma_start3A_1513 : memref<8x2048xf32, #tpu.memory_space<hbm>>) target(%arg7 : memref<8x2048xf32, #tpu.memory_space<vmem>>) target_semaphore(%arg14 : memref<!tpu.dma_semaphore, #tpu.memory_space<semaphore_mem>>)
      } else {
      }
      %add3A_1351 = arith.constant 1 : i32
      %add3A_1352 = arith.addi %mul3A_1249, %add3A_1351 : i32
      %jit3A_1353 = arith.constant 2 : i32
      %div3A_1354 = arith.divsi %add3A_1352, %jit3A_1353 : i32
      %sign3A_1355 = arith.constant 0 : i32
      %sign3A_1356 = arith.cmpi sgt, %add3A_1352, %sign3A_1355 : i32
      %sign3A_1357 = arith.extui %sign3A_1356 : i1 to i32
      %sign3A_1358 = arith.constant 0 : i32
      %sign3A_1359 = arith.cmpi slt, %add3A_1352, %sign3A_1358 : i32
      %sign3A_1360 = arith.extui %sign3A_1359 : i1 to i32
      %sign3A_1361 = arith.subi %sign3A_1357, %sign3A_1360 : i32
      %sign3A_1362 = arith.constant 0 : i32
      %sign3A_1363 = arith.cmpi sgt, %jit3A_1353, %sign3A_1362 : i32
      %sign3A_1364 = arith.extui %sign3A_1363 : i1 to i32
      %sign3A_1365 = arith.constant 0 : i32
      %sign3A_1366 = arith.cmpi slt, %jit3A_1353, %sign3A_1365 : i32
      %sign3A_1367 = arith.extui %sign3A_1366 : i1 to i32
      %sign3A_1368 = arith.subi %sign3A_1364, %sign3A_1367 : i32
      %ne3A_1369 = arith.cmpi ne, %sign3A_1361, %sign3A_1368 : i32
      %rem3A_1370 = arith.remsi %add3A_1352, %jit3A_1353 : i32
      %ne3A_1371 = arith.constant 0 : i32
      %ne3A_1372 = arith.cmpi ne, %rem3A_1370, %ne3A_1371 : i32
      %and3A_1373 = arith.andi %ne3A_1369, %ne3A_1372 : i1
      %sub3A_1374 = arith.constant 1 : i32
      %sub3A_1375 = arith.subi %div3A_1354, %sub3A_1374 : i32
      %select_n3A_1376 = arith.select %and3A_1373, %sub3A_1375, %div3A_1354 : i32
      %mul3A_1377 = arith.constant 8 : i32
      %mul3A_1378 = arith.muli %select_n3A_1376, %mul3A_1377 : i32
      %add3A_1379 = arith.addi %mul3A_434, %mul3A_1378 : i32
      %jit3A_1380 = arith.constant 2 : i32
      %eq3A_1381 = arith.constant 0 : i32
      %eq3A_1382 = arith.cmpi eq, %jit3A_1380, %eq3A_1381 : i32
      %jit3A_1383 = arith.constant 1 : i32
      %select_n3A_1384 = arith.select %eq3A_1382, %jit3A_1383, %jit3A_1380 : i32
      %rem3A_1385 = arith.remsi %add3A_1352, %select_n3A_1384 : i32
      %ne3A_1386 = arith.constant 0 : i32
      %ne3A_1387 = arith.cmpi ne, %rem3A_1385, %ne3A_1386 : i32
      %lt3A_1388 = arith.constant 0 : i32
      %lt3A_1389 = arith.cmpi slt, %rem3A_1385, %lt3A_1388 : i32
      %lt3A_1390 = arith.constant 0 : i32
      %lt3A_1391 = arith.cmpi slt, %select_n3A_1384, %lt3A_1390 : i32
      %ne3A_1392 = arith.xori %lt3A_1389, %lt3A_1391 : i1
      %and3A_1393 = arith.andi %ne3A_1392, %ne3A_1387 : i1
      %add3A_1394 = arith.addi %rem3A_1385, %select_n3A_1384 : i32
      %select_n3A_1395 = arith.select %and3A_1393, %add3A_1394, %rem3A_1385 : i32
      %mul3A_1396 = arith.constant 2048 : i32
      %mul3A_1397 = arith.muli %select_n3A_1395, %mul3A_1396 : i32
      %dma_wait3A_1398 = tpu.memref_slice %arg2[%add3A_1379, %mul3A_1397] : memref<4096x4096xf32, #tpu.memory_space<hbm>> -> memref<8x2048xf32, #tpu.memory_space<hbm>>
      %dma_wait3A_1399 = tpu.memref_slice %arg2[%add3A_1379, %mul3A_1397] : memref<4096x4096xf32, #tpu.memory_space<hbm>> -> memref<8x2048xf32, #tpu.memory_space<hbm>>
      tpu.wait_dma2 semaphore(%arg15 : memref<!tpu.dma_semaphore, #tpu.memory_space<semaphore_mem>>) src(%dma_wait3A_1399 : memref<8x2048xf32, #tpu.memory_space<hbm>>) dst(%arg8 : memref<8x2048xf32, #tpu.memory_space<vmem>>)
      %gt3A_1400 = arith.constant 0 : i32
      %gt3A_1401 = arith.cmpi sgt, %scan3A_1246, %gt3A_1400 : i32
      %convert_element_type3A_1402 = arith.extui %gt3A_1401 : i1 to i32
      %cond3A_1403 = arith.constant 0 : i32
      %cond3A_1404 = arith.cmpi ne, %convert_element_type3A_1402, %cond3A_1403 : i32
      scf.if %cond3A_1404 {
        %sub3A_1465 = arith.constant 1 : i32
        %sub3A_1466 = arith.subi %mul3A_1249, %sub3A_1465 : i32
        %jit3A_1467 = arith.constant 2 : i32
        %div3A_1468 = arith.divsi %sub3A_1466, %jit3A_1467 : i32
        %sign3A_1469 = arith.constant 0 : i32
        %sign3A_1470 = arith.cmpi sgt, %sub3A_1466, %sign3A_1469 : i32
        %sign3A_1471 = arith.extui %sign3A_1470 : i1 to i32
        %sign3A_1472 = arith.constant 0 : i32
        %sign3A_1473 = arith.cmpi slt, %sub3A_1466, %sign3A_1472 : i32
        %sign3A_1474 = arith.extui %sign3A_1473 : i1 to i32
        %sign3A_1475 = arith.subi %sign3A_1471, %sign3A_1474 : i32
        %sign3A_1476 = arith.constant 0 : i32
        %sign3A_1477 = arith.cmpi sgt, %jit3A_1467, %sign3A_1476 : i32
        %sign3A_1478 = arith.extui %sign3A_1477 : i1 to i32
        %sign3A_1479 = arith.constant 0 : i32
        %sign3A_1480 = arith.cmpi slt, %jit3A_1467, %sign3A_1479 : i32
        %sign3A_1481 = arith.extui %sign3A_1480 : i1 to i32
        %sign3A_1482 = arith.subi %sign3A_1478, %sign3A_1481 : i32
        %ne3A_1483 = arith.cmpi ne, %sign3A_1475, %sign3A_1482 : i32
        %rem3A_1484 = arith.remsi %sub3A_1466, %jit3A_1467 : i32
        %ne3A_1485 = arith.constant 0 : i32
        %ne3A_1486 = arith.cmpi ne, %rem3A_1484, %ne3A_1485 : i32
        %and3A_1487 = arith.andi %ne3A_1483, %ne3A_1486 : i1
        %sub3A_1488 = arith.constant 1 : i32
        %sub3A_1489 = arith.subi %div3A_1468, %sub3A_1488 : i32
        %select_n3A_1490 = arith.select %and3A_1487, %sub3A_1489, %div3A_1468 : i32
        %mul3A_1491 = arith.constant 8 : i32
        %mul3A_1492 = arith.muli %select_n3A_1490, %mul3A_1491 : i32
        %add3A_1493 = arith.addi %mul3A_434, %mul3A_1492 : i32
        %jit3A_1494 = arith.constant 2 : i32
        %eq3A_1495 = arith.constant 0 : i32
        %eq3A_1496 = arith.cmpi eq, %jit3A_1494, %eq3A_1495 : i32
        %jit3A_1497 = arith.constant 1 : i32
        %select_n3A_1498 = arith.select %eq3A_1496, %jit3A_1497, %jit3A_1494 : i32
        %rem3A_1499 = arith.remsi %sub3A_1466, %select_n3A_1498 : i32
        %ne3A_1500 = arith.constant 0 : i32
        %ne3A_1501 = arith.cmpi ne, %rem3A_1499, %ne3A_1500 : i32
        %lt3A_1502 = arith.constant 0 : i32
        %lt3A_1503 = arith.cmpi slt, %rem3A_1499, %lt3A_1502 : i32
        %lt3A_1504 = arith.constant 0 : i32
        %lt3A_1505 = arith.cmpi slt, %select_n3A_1498, %lt3A_1504 : i32
        %ne3A_1506 = arith.xori %lt3A_1503, %lt3A_1505 : i1
        %and3A_1507 = arith.andi %ne3A_1506, %ne3A_1501 : i1
        %add3A_1508 = arith.addi %rem3A_1499, %select_n3A_1498 : i32
        %select_n3A_1509 = arith.select %and3A_1507, %add3A_1508, %rem3A_1499 : i32
        %mul3A_1510 = arith.constant 2048 : i32
        %mul3A_1511 = arith.muli %select_n3A_1509, %mul3A_1510 : i32
        %dma_wait3A_1512 = tpu.memref_slice %arg5[%add3A_1493, %mul3A_1511] : memref<4096x4096xi32, #tpu.memory_space<hbm>> -> memref<8x2048xi32, #tpu.memory_space<hbm>>
        %dma_wait3A_1513 = tpu.memref_slice %arg5[%add3A_1493, %mul3A_1511] : memref<4096x4096xi32, #tpu.memory_space<hbm>> -> memref<8x2048xi32, #tpu.memory_space<hbm>>
        tpu.wait_dma2 semaphore(%arg17 : memref<!tpu.dma_semaphore, #tpu.memory_space<semaphore_mem>>) src(%arg10 : memref<8x2048xi32, #tpu.memory_space<vmem>>) dst(%dma_wait3A_1513 : memref<8x2048xi32, #tpu.memory_space<hbm>>)
      } else {
      }
      %parallel_loop3A_1405 = arith.constant 0 : i32
      %parallel_loop3A_1406 = arith.constant 1024 : i32
      %parallel_loop3A_1407 = arith.constant 8 : i32
      scf.for %parallel_loop3A_1465 = %parallel_loop3A_1405 to %parallel_loop3A_1406 step %parallel_loop3A_1407  : i32 {
        %parallel_loop3A_1466 = arith.constant 2 : i32
        %parallel_loop3A_1467 = arith.muli %parallel_loop3A_1465, %parallel_loop3A_1466 : i32
        %parallel_loop3A_1468 = arith.constant 0 : i32
        %parallel_loop3A_1469 = arith.index_cast %parallel_loop3A_1468 : i32 to index
        %parallel_loop3A_1470 = arith.index_cast %parallel_loop3A_1467 : i32 to index
        %parallel_loop3A_1471 = tpu.vector_load %arg8[%parallel_loop3A_1469, %parallel_loop3A_1470] {strides = array<i32>} : memref<8x2048xf32, #tpu.memory_space<vmem>>, vector<16xf32>,
        %parallel_loop3A_1472 = arith.mulf %parallel_loop3A_1471, %select_n3A_416 : vector<16xf32>
        %parallel_loop3A_1473 = arith.addf %parallel_loop3A_1472, %sub3A_421 : vector<16xf32>
        %parallel_loop3A_1474 = arith.fptosi %parallel_loop3A_1473 : vector<16xf32> to vector<16xi32>
        %parallel_loop3A_1475 = arith.minsi %parallel_loop3A_1474, %broadcast_in_dim3A_423 : vector<16xi32>
        %parallel_loop3A_1476 = arith.constant 0 : i32
        %parallel_loop3A_1477 = arith.index_cast %parallel_loop3A_1476 : i32 to index
        %parallel_loop3A_1478 = arith.index_cast %parallel_loop3A_1467 : i32 to index
        %parallel_loop3A_1479 = tpu.vector_load %arg10[%parallel_loop3A_1477, %parallel_loop3A_1478] {strides = array<i32>} : memref<8x2048xi32, #tpu.memory_space<vmem>>, vector<16xi32>,
        tpu.vector_store %arg10[%parallel_loop3A_1477, %parallel_loop3A_1478], %parallel_loop3A_1475 {strides = array<i32>} : memref<8x2048xi32, #tpu.memory_space<vmem>>, vector<16xi32>,
        %parallel_loop3A_1480 = arith.addi %mul3A_430, %parallel_loop3A_1475 : vector<16xi32>
        tpu.vector_store_idx %arg12[%parallel_loop3A_1480], %broadcast_in_dim3A_427 {add = true} : memref<4096xi32, #tpu.memory_space<vmem>>[vector<16xi32>], vector<16xi32>,
        %parallel_loop3A_1481 = arith.constant 1 : i32
        %parallel_loop3A_1482 = arith.index_cast %parallel_loop3A_1481 : i32 to index
        %parallel_loop3A_1483 = arith.index_cast %parallel_loop3A_1467 : i32 to index
        %parallel_loop3A_1484 = tpu.vector_load %arg8[%parallel_loop3A_1482, %parallel_loop3A_1483] {strides = array<i32>} : memref<8x2048xf32, #tpu.memory_space<vmem>>, vector<16xf32>,
        %parallel_loop3A_1485 = arith.mulf %parallel_loop3A_1484, %select_n3A_416 : vector<16xf32>
        %parallel_loop3A_1486 = arith.addf %parallel_loop3A_1485, %sub3A_421 : vector<16xf32>
        %parallel_loop3A_1487 = arith.fptosi %parallel_loop3A_1486 : vector<16xf32> to vector<16xi32>
        %parallel_loop3A_1488 = arith.minsi %parallel_loop3A_1487, %broadcast_in_dim3A_423 : vector<16xi32>
        %parallel_loop3A_1489 = arith.constant 1 : i32
        %parallel_loop3A_1490 = arith.index_cast %parallel_loop3A_1489 : i32 to index
        %parallel_loop3A_1491 = arith.index_cast %parallel_loop3A_1467 : i32 to index
        %parallel_loop3A_1492 = tpu.vector_load %arg10[%parallel_loop3A_1490, %parallel_loop3A_1491] {strides = array<i32>} : memref<8x2048xi32, #tpu.memory_space<vmem>>, vector<16xi32>,
        tpu.vector_store %arg10[%parallel_loop3A_1490, %parallel_loop3A_1491], %parallel_loop3A_1488 {strides = array<i32>} : memref<8x2048xi32, #tpu.memory_space<vmem>>, vector<16xi32>,
        %parallel_loop3A_1493 = arith.addi %mul3A_430, %parallel_loop3A_1488 : vector<16xi32>
        tpu.vector_store_idx %arg12[%parallel_loop3A_1493], %broadcast_in_dim3A_427 {add = true} : memref<4096xi32, #tpu.memory_space<vmem>>[vector<16xi32>], vector<16xi32>,
        %parallel_loop3A_1494 = arith.constant 2 : i32
        %parallel_loop3A_1495 = arith.index_cast %parallel_loop3A_1494 : i32 to index
        %parallel_loop3A_1496 = arith.index_cast %parallel_loop3A_1467 : i32 to index
        %parallel_loop3A_1497 = tpu.vector_load %arg8[%parallel_loop3A_1495, %parallel_loop3A_1496] {strides = array<i32>} : memref<8x2048xf32, #tpu.memory_space<vmem>>, vector<16xf32>,
        %parallel_loop3A_1498 = arith.mulf %parallel_loop3A_1497, %select_n3A_416 : vector<16xf32>
        %parallel_loop3A_1499 = arith.addf %parallel_loop3A_1498, %sub3A_421 : vector<16xf32>
        %parallel_loop3A_1500 = arith.fptosi %parallel_loop3A_1499 : vector<16xf32> to vector<16xi32>
        %parallel_loop3A_1501 = arith.minsi %parallel_loop3A_1500, %broadcast_in_dim3A_423 : vector<16xi32>
        %parallel_loop3A_1502 = arith.constant 2 : i32
        %parallel_loop3A_1503 = arith.index_cast %parallel_loop3A_1502 : i32 to index
        %parallel_loop3A_1504 = arith.index_cast %parallel_loop3A_1467 : i32 to index
        %parallel_loop3A_1505 = tpu.vector_load %arg10[%parallel_loop3A_1503, %parallel_loop3A_1504] {strides = array<i32>} : memref<8x2048xi32, #tpu.memory_space<vmem>>, vector<16xi32>,
        tpu.vector_store %arg10[%parallel_loop3A_1503, %parallel_loop3A_1504], %parallel_loop3A_1501 {strides = array<i32>} : memref<8x2048xi32, #tpu.memory_space<vmem>>, vector<16xi32>,
        %parallel_loop3A_1506 = arith.addi %mul3A_430, %parallel_loop3A_1501 : vector<16xi32>
        tpu.vector_store_idx %arg12[%parallel_loop3A_1506], %broadcast_in_dim3A_427 {add = true} : memref<4096xi32, #tpu.memory_space<vmem>>[vector<16xi32>], vector<16xi32>,
        %parallel_loop3A_1507 = arith.constant 3 : i32
        %parallel_loop3A_1508 = arith.index_cast %parallel_loop3A_1507 : i32 to index
        %parallel_loop3A_1509 = arith.index_cast %parallel_loop3A_1467 : i32 to index
        %parallel_loop3A_1510 = tpu.vector_load %arg8[%parallel_loop3A_1508, %parallel_loop3A_1509] {strides = array<i32>} : memref<8x2048xf32, #tpu.memory_space<vmem>>, vector<16xf32>,
        %parallel_loop3A_1511 = arith.mulf %parallel_loop3A_1510, %select_n3A_416 : vector<16xf32>
        %parallel_loop3A_1512 = arith.addf %parallel_loop3A_1511, %sub3A_421 : vector<16xf32>
        %parallel_loop3A_1513 = arith.fptosi %parallel_loop3A_1512 : vector<16xf32> to vector<16xi32>
        %parallel_loop3A_1514 = arith.minsi %parallel_loop3A_1513, %broadcast_in_dim3A_423 : vector<16xi32>
        %parallel_loop3A_1515 = arith.constant 3 : i32
        %parallel_loop3A_1516 = arith.index_cast %parallel_loop3A_1515 : i32 to index
        %parallel_loop3A_1517 = arith.index_cast %parallel_loop3A_1467 : i32 to index
        %parallel_loop3A_1518 = tpu.vector_load %arg10[%parallel_loop3A_1516, %parallel_loop3A_1517] {strides = array<i32>} : memref<8x2048xi32, #tpu.memory_space<vmem>>, vector<16xi32>,
        tpu.vector_store %arg10[%parallel_loop3A_1516, %parallel_loop3A_1517], %parallel_loop3A_1514 {strides = array<i32>} : memref<8x2048xi32, #tpu.memory_space<vmem>>, vector<16xi32>,
        %parallel_loop3A_1519 = arith.addi %mul3A_430, %parallel_loop3A_1514 : vector<16xi32>
        tpu.vector_store_idx %arg12[%parallel_loop3A_1519], %broadcast_in_dim3A_427 {add = true} : memref<4096xi32, #tpu.memory_space<vmem>>[vector<16xi32>], vector<16xi32>,
        %parallel_loop3A_1520 = arith.constant 4 : i32
        %parallel_loop3A_1521 = arith.index_cast %parallel_loop3A_1520 : i32 to index
        %parallel_loop3A_1522 = arith.index_cast %parallel_loop3A_1467 : i32 to index
        %parallel_loop3A_1523 = tpu.vector_load %arg8[%parallel_loop3A_1521, %parallel_loop3A_1522] {strides = array<i32>} : memref<8x2048xf32, #tpu.memory_space<vmem>>, vector<16xf32>,
        %parallel_loop3A_1524 = arith.mulf %parallel_loop3A_1523, %select_n3A_416 : vector<16xf32>
        %parallel_loop3A_1525 = arith.addf %parallel_loop3A_1524, %sub3A_421 : vector<16xf32>
        %parallel_loop3A_1526 = arith.fptosi %parallel_loop3A_1525 : vector<16xf32> to vector<16xi32>
        %parallel_loop3A_1527 = arith.minsi %parallel_loop3A_1526, %broadcast_in_dim3A_423 : vector<16xi32>
        %parallel_loop3A_1528 = arith.constant 4 : i32
        %parallel_loop3A_1529 = arith.index_cast %parallel_loop3A_1528 : i32 to index
        %parallel_loop3A_1530 = arith.index_cast %parallel_loop3A_1467 : i32 to index
        %parallel_loop3A_1531 = tpu.vector_load %arg10[%parallel_loop3A_1529, %parallel_loop3A_1530] {strides = array<i32>} : memref<8x2048xi32, #tpu.memory_space<vmem>>, vector<16xi32>,
        tpu.vector_store %arg10[%parallel_loop3A_1529, %parallel_loop3A_1530], %parallel_loop3A_1527 {strides = array<i32>} : memref<8x2048xi32, #tpu.memory_space<vmem>>, vector<16xi32>,
        %parallel_loop3A_1532 = arith.addi %mul3A_430, %parallel_loop3A_1527 : vector<16xi32>
        tpu.vector_store_idx %arg12[%parallel_loop3A_1532], %broadcast_in_dim3A_427 {add = true} : memref<4096xi32, #tpu.memory_space<vmem>>[vector<16xi32>], vector<16xi32>,
        %parallel_loop3A_1533 = arith.constant 5 : i32
        %parallel_loop3A_1534 = arith.index_cast %parallel_loop3A_1533 : i32 to index
        %parallel_loop3A_1535 = arith.index_cast %parallel_loop3A_1467 : i32 to index
        %parallel_loop3A_1536 = tpu.vector_load %arg8[%parallel_loop3A_1534, %parallel_loop3A_1535] {strides = array<i32>} : memref<8x2048xf32, #tpu.memory_space<vmem>>, vector<16xf32>,
        %parallel_loop3A_1537 = arith.mulf %parallel_loop3A_1536, %select_n3A_416 : vector<16xf32>
        %parallel_loop3A_1538 = arith.addf %parallel_loop3A_1537, %sub3A_421 : vector<16xf32>
        %parallel_loop3A_1539 = arith.fptosi %parallel_loop3A_1538 : vector<16xf32> to vector<16xi32>
        %parallel_loop3A_1540 = arith.minsi %parallel_loop3A_1539, %broadcast_in_dim3A_423 : vector<16xi32>
        %parallel_loop3A_1541 = arith.constant 5 : i32
        %parallel_loop3A_1542 = arith.index_cast %parallel_loop3A_1541 : i32 to index
        %parallel_loop3A_1543 = arith.index_cast %parallel_loop3A_1467 : i32 to index
        %parallel_loop3A_1544 = tpu.vector_load %arg10[%parallel_loop3A_1542, %parallel_loop3A_1543] {strides = array<i32>} : memref<8x2048xi32, #tpu.memory_space<vmem>>, vector<16xi32>,
        tpu.vector_store %arg10[%parallel_loop3A_1542, %parallel_loop3A_1543], %parallel_loop3A_1540 {strides = array<i32>} : memref<8x2048xi32, #tpu.memory_space<vmem>>, vector<16xi32>,
        %parallel_loop3A_1545 = arith.addi %mul3A_430, %parallel_loop3A_1540 : vector<16xi32>
        tpu.vector_store_idx %arg12[%parallel_loop3A_1545], %broadcast_in_dim3A_427 {add = true} : memref<4096xi32, #tpu.memory_space<vmem>>[vector<16xi32>], vector<16xi32>,
        %parallel_loop3A_1546 = arith.constant 6 : i32
        %parallel_loop3A_1547 = arith.index_cast %parallel_loop3A_1546 : i32 to index
        %parallel_loop3A_1548 = arith.index_cast %parallel_loop3A_1467 : i32 to index
        %parallel_loop3A_1549 = tpu.vector_load %arg8[%parallel_loop3A_1547, %parallel_loop3A_1548] {strides = array<i32>} : memref<8x2048xf32, #tpu.memory_space<vmem>>, vector<16xf32>,
        %parallel_loop3A_1550 = arith.mulf %parallel_loop3A_1549, %select_n3A_416 : vector<16xf32>
        %parallel_loop3A_1551 = arith.addf %parallel_loop3A_1550, %sub3A_421 : vector<16xf32>
        %parallel_loop3A_1552 = arith.fptosi %parallel_loop3A_1551 : vector<16xf32> to vector<16xi32>
        %parallel_loop3A_1553 = arith.minsi %parallel_loop3A_1552, %broadcast_in_dim3A_423 : vector<16xi32>
        %parallel_loop3A_1554 = arith.constant 6 : i32
        %parallel_loop3A_1555 = arith.index_cast %parallel_loop3A_1554 : i32 to index
        %parallel_loop3A_1556 = arith.index_cast %parallel_loop3A_1467 : i32 to index
        %parallel_loop3A_1557 = tpu.vector_load %arg10[%parallel_loop3A_1555, %parallel_loop3A_1556] {strides = array<i32>} : memref<8x2048xi32, #tpu.memory_space<vmem>>, vector<16xi32>,
        tpu.vector_store %arg10[%parallel_loop3A_1555, %parallel_loop3A_1556], %parallel_loop3A_1553 {strides = array<i32>} : memref<8x2048xi32, #tpu.memory_space<vmem>>, vector<16xi32>,
        %parallel_loop3A_1558 = arith.addi %mul3A_430, %parallel_loop3A_1553 : vector<16xi32>
        tpu.vector_store_idx %arg12[%parallel_loop3A_1558], %broadcast_in_dim3A_427 {add = true} : memref<4096xi32, #tpu.memory_space<vmem>>[vector<16xi32>], vector<16xi32>,
        %parallel_loop3A_1559 = arith.constant 7 : i32
        %parallel_loop3A_1560 = arith.index_cast %parallel_loop3A_1559 : i32 to index
        %parallel_loop3A_1561 = arith.index_cast %parallel_loop3A_1467 : i32 to index
        %parallel_loop3A_1562 = tpu.vector_load %arg8[%parallel_loop3A_1560, %parallel_loop3A_1561] {strides = array<i32>} : memref<8x2048xf32, #tpu.memory_space<vmem>>, vector<16xf32>,
        %parallel_loop3A_1563 = arith.mulf %parallel_loop3A_1562, %select_n3A_416 : vector<16xf32>
        %parallel_loop3A_1564 = arith.addf %parallel_loop3A_1563, %sub3A_421 : vector<16xf32>
        %parallel_loop3A_1565 = arith.fptosi %parallel_loop3A_1564 : vector<16xf32> to vector<16xi32>
        %parallel_loop3A_1566 = arith.minsi %parallel_loop3A_1565, %broadcast_in_dim3A_423 : vector<16xi32>
        %parallel_loop3A_1567 = arith.constant 7 : i32
        %parallel_loop3A_1568 = arith.index_cast %parallel_loop3A_1567 : i32 to index
        %parallel_loop3A_1569 = arith.index_cast %parallel_loop3A_1467 : i32 to index
        %parallel_loop3A_1570 = tpu.vector_load %arg10[%parallel_loop3A_1568, %parallel_loop3A_1569] {strides = array<i32>} : memref<8x2048xi32, #tpu.memory_space<vmem>>, vector<16xi32>,
        tpu.vector_store %arg10[%parallel_loop3A_1568, %parallel_loop3A_1569], %parallel_loop3A_1566 {strides = array<i32>} : memref<8x2048xi32, #tpu.memory_space<vmem>>, vector<16xi32>,
        %parallel_loop3A_1571 = arith.addi %mul3A_430, %parallel_loop3A_1566 : vector<16xi32>
        tpu.vector_store_idx %arg12[%parallel_loop3A_1571], %broadcast_in_dim3A_427 {add = true} : memref<4096xi32, #tpu.memory_space<vmem>>[vector<16xi32>], vector<16xi32>,
      } {sc.loop_unroll_factor = 1 : i64, sc.parallel_access}
      %add3A_1408 = arith.constant 1 : i32
      %add3A_1409 = arith.addi %mul3A_1249, %add3A_1408 : i32
      %jit3A_1410 = arith.constant 2 : i32
      %div3A_1411 = arith.divsi %add3A_1409, %jit3A_1410 : i32
      %sign3A_1412 = arith.constant 0 : i32
      %sign3A_1413 = arith.cmpi sgt, %add3A_1409, %sign3A_1412 : i32
      %sign3A_1414 = arith.extui %sign3A_1413 : i1 to i32
      %sign3A_1415 = arith.constant 0 : i32
      %sign3A_1416 = arith.cmpi slt, %add3A_1409, %sign3A_1415 : i32
      %sign3A_1417 = arith.extui %sign3A_1416 : i1 to i32
      %sign3A_1418 = arith.subi %sign3A_1414, %sign3A_1417 : i32
      %sign3A_1419 = arith.constant 0 : i32
      %sign3A_1420 = arith.cmpi sgt, %jit3A_1410, %sign3A_1419 : i32
      %sign3A_1421 = arith.extui %sign3A_1420 : i1 to i32
      %sign3A_1422 = arith.constant 0 : i32
      %sign3A_1423 = arith.cmpi slt, %jit3A_1410, %sign3A_1422 : i32
      %sign3A_1424 = arith.extui %sign3A_1423 : i1 to i32
      %sign3A_1425 = arith.subi %sign3A_1421, %sign3A_1424 : i32
      %ne3A_1426 = arith.cmpi ne, %sign3A_1418, %sign3A_1425 : i32
      %rem3A_1427 = arith.remsi %add3A_1409, %jit3A_1410 : i32
      %ne3A_1428 = arith.constant 0 : i32
      %ne3A_1429 = arith.cmpi ne, %rem3A_1427, %ne3A_1428 : i32
      %and3A_1430 = arith.andi %ne3A_1426, %ne3A_1429 : i1
      %sub3A_1431 = arith.constant 1 : i32
      %sub3A_1432 = arith.subi %div3A_1411, %sub3A_1431 : i32
      %select_n3A_1433 = arith.select %and3A_1430, %sub3A_1432, %div3A_1411 : i32
      %mul3A_1434 = arith.constant 8 : i32
      %mul3A_1435 = arith.muli %select_n3A_1433, %mul3A_1434 : i32
      %add3A_1436 = arith.addi %mul3A_434, %mul3A_1435 : i32
      %jit3A_1437 = arith.constant 2 : i32
      %eq3A_1438 = arith.constant 0 : i32
      %eq3A_1439 = arith.cmpi eq, %jit3A_1437, %eq3A_1438 : i32
      %jit3A_1440 = arith.constant 1 : i32
      %select_n3A_1441 = arith.select %eq3A_1439, %jit3A_1440, %jit3A_1437 : i32
      %rem3A_1442 = arith.remsi %add3A_1409, %select_n3A_1441 : i32
      %ne3A_1443 = arith.constant 0 : i32
      %ne3A_1444 = arith.cmpi ne, %rem3A_1442, %ne3A_1443 : i32
      %lt3A_1445 = arith.constant 0 : i32
      %lt3A_1446 = arith.cmpi slt, %rem3A_1442, %lt3A_1445 : i32
      %lt3A_1447 = arith.constant 0 : i32
      %lt3A_1448 = arith.cmpi slt, %select_n3A_1441, %lt3A_1447 : i32
      %ne3A_1449 = arith.xori %lt3A_1446, %lt3A_1448 : i1
      %and3A_1450 = arith.andi %ne3A_1449, %ne3A_1444 : i1
      %add3A_1451 = arith.addi %rem3A_1442, %select_n3A_1441 : i32
      %select_n3A_1452 = arith.select %and3A_1450, %add3A_1451, %rem3A_1442 : i32
      %mul3A_1453 = arith.constant 2048 : i32
      %mul3A_1454 = arith.muli %select_n3A_1452, %mul3A_1453 : i32
      %dma_start3A_1455 = tpu.memref_slice %arg5[%add3A_1436, %mul3A_1454] : memref<4096x4096xi32, #tpu.memory_space<hbm>> -> memref<8x2048xi32, #tpu.memory_space<hbm>>
      %dma_start3A_1456 = tpu.memref_slice %arg5[%add3A_1436, %mul3A_1454] : memref<4096x4096xi32, #tpu.memory_space<hbm>> -> memref<8x2048xi32, #tpu.memory_space<hbm>>
      tpu.enqueue_dma source(%arg10 : memref<8x2048xi32, #tpu.memory_space<vmem>>) target(%dma_start3A_1456 : memref<8x2048xi32, #tpu.memory_space<hbm>>) target_semaphore(%arg17 : memref<!tpu.dma_semaphore, #tpu.memory_space<semaphore_mem>>)
      %add3A_1457 = arith.constant 3 : i32
      %add3A_1458 = arith.addi %mul3A_1249, %add3A_1457 : i32
      %lt3A_1459 = arith.constant 32 : i32
      %lt3A_1460 = arith.cmpi slt, %add3A_1458, %lt3A_1459 : i32
      %convert_element_type3A_1461 = arith.extui %lt3A_1460 : i1 to i32
      %cond3A_1462 = arith.constant 0 : i32
      %cond3A_1463 = arith.cmpi ne, %convert_element_type3A_1461, %cond3A_1462 : i32
      scf.if %cond3A_1463 {
        %add3A_1465 = arith.constant 3 : i32
        %add3A_1466 = arith.addi %mul3A_1249, %add3A_1465 : i32
        %jit3A_1467 = arith.constant 2 : i32
        %div3A_1468 = arith.divsi %add3A_1466, %jit3A_1467 : i32
        %sign3A_1469 = arith.constant 0 : i32
        %sign3A_1470 = arith.cmpi sgt, %add3A_1466, %sign3A_1469 : i32
        %sign3A_1471 = arith.extui %sign3A_1470 : i1 to i32
        %sign3A_1472 = arith.constant 0 : i32
        %sign3A_1473 = arith.cmpi slt, %add3A_1466, %sign3A_1472 : i32
        %sign3A_1474 = arith.extui %sign3A_1473 : i1 to i32
        %sign3A_1475 = arith.subi %sign3A_1471, %sign3A_1474 : i32
        %sign3A_1476 = arith.constant 0 : i32
        %sign3A_1477 = arith.cmpi sgt, %jit3A_1467, %sign3A_1476 : i32
        %sign3A_1478 = arith.extui %sign3A_1477 : i1 to i32
        %sign3A_1479 = arith.constant 0 : i32
        %sign3A_1480 = arith.cmpi slt, %jit3A_1467, %sign3A_1479 : i32
        %sign3A_1481 = arith.extui %sign3A_1480 : i1 to i32
        %sign3A_1482 = arith.subi %sign3A_1478, %sign3A_1481 : i32
        %ne3A_1483 = arith.cmpi ne, %sign3A_1475, %sign3A_1482 : i32
        %rem3A_1484 = arith.remsi %add3A_1466, %jit3A_1467 : i32
        %ne3A_1485 = arith.constant 0 : i32
        %ne3A_1486 = arith.cmpi ne, %rem3A_1484, %ne3A_1485 : i32
        %and3A_1487 = arith.andi %ne3A_1483, %ne3A_1486 : i1
        %sub3A_1488 = arith.constant 1 : i32
        %sub3A_1489 = arith.subi %div3A_1468, %sub3A_1488 : i32
        %select_n3A_1490 = arith.select %and3A_1487, %sub3A_1489, %div3A_1468 : i32
        %mul3A_1491 = arith.constant 8 : i32
        %mul3A_1492 = arith.muli %select_n3A_1490, %mul3A_1491 : i32
        %add3A_1493 = arith.addi %mul3A_434, %mul3A_1492 : i32
        %jit3A_1494 = arith.constant 2 : i32
        %eq3A_1495 = arith.constant 0 : i32
        %eq3A_1496 = arith.cmpi eq, %jit3A_1494, %eq3A_1495 : i32
        %jit3A_1497 = arith.constant 1 : i32
        %select_n3A_1498 = arith.select %eq3A_1496, %jit3A_1497, %jit3A_1494 : i32
        %rem3A_1499 = arith.remsi %add3A_1466, %select_n3A_1498 : i32
        %ne3A_1500 = arith.constant 0 : i32
        %ne3A_1501 = arith.cmpi ne, %rem3A_1499, %ne3A_1500 : i32
        %lt3A_1502 = arith.constant 0 : i32
        %lt3A_1503 = arith.cmpi slt, %rem3A_1499, %lt3A_1502 : i32
        %lt3A_1504 = arith.constant 0 : i32
        %lt3A_1505 = arith.cmpi slt, %select_n3A_1498, %lt3A_1504 : i32
        %ne3A_1506 = arith.xori %lt3A_1503, %lt3A_1505 : i1
        %and3A_1507 = arith.andi %ne3A_1506, %ne3A_1501 : i1
        %add3A_1508 = arith.addi %rem3A_1499, %select_n3A_1498 : i32
        %select_n3A_1509 = arith.select %and3A_1507, %add3A_1508, %rem3A_1499 : i32
        %mul3A_1510 = arith.constant 2048 : i32
        %mul3A_1511 = arith.muli %select_n3A_1509, %mul3A_1510 : i32
        %dma_start3A_1512 = tpu.memref_slice %arg2[%add3A_1493, %mul3A_1511] : memref<4096x4096xf32, #tpu.memory_space<hbm>> -> memref<8x2048xf32, #tpu.memory_space<hbm>>
        %dma_start3A_1513 = tpu.memref_slice %arg2[%add3A_1493, %mul3A_1511] : memref<4096x4096xf32, #tpu.memory_space<hbm>> -> memref<8x2048xf32, #tpu.memory_space<hbm>>
        tpu.enqueue_dma source(%dma_start3A_1513 : memref<8x2048xf32, #tpu.memory_space<hbm>>) target(%arg8 : memref<8x2048xf32, #tpu.memory_space<vmem>>) target_semaphore(%arg15 : memref<!tpu.dma_semaphore, #tpu.memory_space<semaphore_mem>>)
      } else {
      }
      %scan3A_1464 = arith.constant 0 : i32
      scf.yield %scan3A_1464 : i32
    }
    %scan3A_451 = arith.constant 16 : i32
    %add3A_452 = arith.constant 120 : i32
    %add3A_453 = arith.addi %mul3A_434, %add3A_452 : i32
    %dma_wait3A = arith.constant 0 : i32
    %dma_wait3A_454 = tpu.memref_slice %arg5[%add3A_453, %dma_wait3A] : memref<4096x4096xi32, #tpu.memory_space<hbm>> -> memref<8x2048xi32, #tpu.memory_space<hbm>>
    %dma_wait3A_455 = arith.constant 0 : i32
    %dma_wait3A_456 = tpu.memref_slice %arg5[%add3A_453, %dma_wait3A_455] : memref<4096x4096xi32, #tpu.memory_space<hbm>> -> memref<8x2048xi32, #tpu.memory_space<hbm>>
    tpu.wait_dma2 semaphore(%arg16 : memref<!tpu.dma_semaphore, #tpu.memory_space<semaphore_mem>>) src(%arg9 : memref<8x2048xi32, #tpu.memory_space<vmem>>) dst(%dma_wait3A_456 : memref<8x2048xi32, #tpu.memory_space<hbm>>)
    %add3A_457 = arith.constant 120 : i32
    %add3A_458 = arith.addi %mul3A_434, %add3A_457 : i32
    %dma_wait3A_459 = arith.constant 2048 : i32
    %dma_wait3A_460 = tpu.memref_slice %arg5[%add3A_458, %dma_wait3A_459] : memref<4096x4096xi32, #tpu.memory_space<hbm>> -> memref<8x2048xi32, #tpu.memory_space<hbm>>
    %dma_wait3A_461 = arith.constant 2048 : i32
    %dma_wait3A_462 = tpu.memref_slice %arg5[%add3A_458, %dma_wait3A_461] : memref<4096x4096xi32, #tpu.memory_space<hbm>> -> memref<8x2048xi32, #tpu.memory_space<hbm>>
    tpu.wait_dma2 semaphore(%arg17 : memref<!tpu.dma_semaphore, #tpu.memory_space<semaphore_mem>>) src(%arg10 : memref<8x2048xi32, #tpu.memory_space<vmem>>) dst(%dma_wait3A_462 : memref<8x2048xi32, #tpu.memory_space<hbm>>)
    %get3A_463 = arith.constant 0 : index
    %get3A_464 = tpu.vector_load %arg12[%get3A_463] {strides = array<i32>} : memref<4096xi32, #tpu.memory_space<vmem>>, vector<16xi32>,
    %get3A_465 = arith.constant 256 : index
    %get3A_466 = tpu.vector_load %arg12[%get3A_465] {strides = array<i32>} : memref<4096xi32, #tpu.memory_space<vmem>>, vector<16xi32>,
    %add3A_467 = arith.addi %get3A_464, %get3A_466 : vector<16xi32>
    %get3A_468 = arith.constant 512 : index
    %get3A_469 = tpu.vector_load %arg12[%get3A_468] {strides = array<i32>} : memref<4096xi32, #tpu.memory_space<vmem>>, vector<16xi32>,
    %add3A_470 = arith.addi %add3A_467, %get3A_469 : vector<16xi32>
    %get3A_471 = arith.constant 768 : index
    %get3A_472 = tpu.vector_load %arg12[%get3A_471] {strides = array<i32>} : memref<4096xi32, #tpu.memory_space<vmem>>, vector<16xi32>,
    %add3A_473 = arith.addi %add3A_470, %get3A_472 : vector<16xi32>
    %get3A_474 = arith.constant 1024 : index
    %get3A_475 = tpu.vector_load %arg12[%get3A_474] {strides = array<i32>} : memref<4096xi32, #tpu.memory_space<vmem>>, vector<16xi32>,
    %add3A_476 = arith.addi %add3A_473, %get3A_475 : vector<16xi32>
    %get3A_477 = arith.constant 1280 : index
    %get3A_478 = tpu.vector_load %arg12[%get3A_477] {strides = array<i32>} : memref<4096xi32, #tpu.memory_space<vmem>>, vector<16xi32>,
    %add3A_479 = arith.addi %add3A_476, %get3A_478 : vector<16xi32>
    %get3A_480 = arith.constant 1536 : index
    %get3A_481 = tpu.vector_load %arg12[%get3A_480] {strides = array<i32>} : memref<4096xi32, #tpu.memory_space<vmem>>, vector<16xi32>,
    %add3A_482 = arith.addi %add3A_479, %get3A_481 : vector<16xi32>
    %get3A_483 = arith.constant 1792 : index
    %get3A_484 = tpu.vector_load %arg12[%get3A_483] {strides = array<i32>} : memref<4096xi32, #tpu.memory_space<vmem>>, vector<16xi32>,
    %add3A_485 = arith.addi %add3A_482, %get3A_484 : vector<16xi32>
    %get3A_486 = arith.constant 2048 : index
    %get3A_487 = tpu.vector_load %arg12[%get3A_486] {strides = array<i32>} : memref<4096xi32, #tpu.memory_space<vmem>>, vector<16xi32>,
    %add3A_488 = arith.addi %add3A_485, %get3A_487 : vector<16xi32>
    %get3A_489 = arith.constant 2304 : index
    %get3A_490 = tpu.vector_load %arg12[%get3A_489] {strides = array<i32>} : memref<4096xi32, #tpu.memory_space<vmem>>, vector<16xi32>,
    %add3A_491 = arith.addi %add3A_488, %get3A_490 : vector<16xi32>
    %get3A_492 = arith.constant 2560 : index
    %get3A_493 = tpu.vector_load %arg12[%get3A_492] {strides = array<i32>} : memref<4096xi32, #tpu.memory_space<vmem>>, vector<16xi32>,
    %add3A_494 = arith.addi %add3A_491, %get3A_493 : vector<16xi32>
    %get3A_495 = arith.constant 2816 : index
    %get3A_496 = tpu.vector_load %arg12[%get3A_495] {strides = array<i32>} : memref<4096xi32, #tpu.memory_space<vmem>>, vector<16xi32>,
    %add3A_497 = arith.addi %add3A_494, %get3A_496 : vector<16xi32>
    %get3A_498 = arith.constant 3072 : index
    %get3A_499 = tpu.vector_load %arg12[%get3A_498] {strides = array<i32>} : memref<4096xi32, #tpu.memory_space<vmem>>, vector<16xi32>,
    %add3A_500 = arith.addi %add3A_497, %get3A_499 : vector<16xi32>
    %get3A_501 = arith.constant 3328 : index
    %get3A_502 = tpu.vector_load %arg12[%get3A_501] {strides = array<i32>} : memref<4096xi32, #tpu.memory_space<vmem>>, vector<16xi32>,
    %add3A_503 = arith.addi %add3A_500, %get3A_502 : vector<16xi32>
    %get3A_504 = arith.constant 3584 : index
    %get3A_505 = tpu.vector_load %arg12[%get3A_504] {strides = array<i32>} : memref<4096xi32, #tpu.memory_space<vmem>>, vector<16xi32>,
    %add3A_506 = arith.addi %add3A_503, %get3A_505 : vector<16xi32>
    %get3A_507 = arith.constant 3840 : index
    %get3A_508 = tpu.vector_load %arg12[%get3A_507] {strides = array<i32>} : memref<4096xi32, #tpu.memory_space<vmem>>, vector<16xi32>,
    %add3A_509 = arith.addi %add3A_506, %get3A_508 : vector<16xi32>
    %swap3A = arith.constant 0 : index
    %swap3A_510 = tpu.vector_load %arg13[%swap3A] {strides = array<i32>} : memref<256xi32, #tpu.memory_space<vmem>>, vector<16xi32>,
    tpu.vector_store %arg13[%swap3A], %add3A_509 {strides = array<i32>} : memref<256xi32, #tpu.memory_space<vmem>>, vector<16xi32>,
    %get3A_511 = arith.constant 16 : index
    %get3A_512 = tpu.vector_load %arg12[%get3A_511] {strides = array<i32>} : memref<4096xi32, #tpu.memory_space<vmem>>, vector<16xi32>,
    %get3A_513 = arith.constant 272 : index
    %get3A_514 = tpu.vector_load %arg12[%get3A_513] {strides = array<i32>} : memref<4096xi32, #tpu.memory_space<vmem>>, vector<16xi32>,
    %add3A_515 = arith.addi %get3A_512, %get3A_514 : vector<16xi32>
    %get3A_516 = arith.constant 528 : index
    %get3A_517 = tpu.vector_load %arg12[%get3A_516] {strides = array<i32>} : memref<4096xi32, #tpu.memory_space<vmem>>, vector<16xi32>,
    %add3A_518 = arith.addi %add3A_515, %get3A_517 : vector<16xi32>
    %get3A_519 = arith.constant 784 : index
    %get3A_520 = tpu.vector_load %arg12[%get3A_519] {strides = array<i32>} : memref<4096xi32, #tpu.memory_space<vmem>>, vector<16xi32>,
    %add3A_521 = arith.addi %add3A_518, %get3A_520 : vector<16xi32>
    %get3A_522 = arith.constant 1040 : index
    %get3A_523 = tpu.vector_load %arg12[%get3A_522] {strides = array<i32>} : memref<4096xi32, #tpu.memory_space<vmem>>, vector<16xi32>,
    %add3A_524 = arith.addi %add3A_521, %get3A_523 : vector<16xi32>
    %get3A_525 = arith.constant 1296 : index
    %get3A_526 = tpu.vector_load %arg12[%get3A_525] {strides = array<i32>} : memref<4096xi32, #tpu.memory_space<vmem>>, vector<16xi32>,
    %add3A_527 = arith.addi %add3A_524, %get3A_526 : vector<16xi32>
    %get3A_528 = arith.constant 1552 : index
    %get3A_529 = tpu.vector_load %arg12[%get3A_528] {strides = array<i32>} : memref<4096xi32, #tpu.memory_space<vmem>>, vector<16xi32>,
    %add3A_530 = arith.addi %add3A_527, %get3A_529 : vector<16xi32>
    %get3A_531 = arith.constant 1808 : index
    %get3A_532 = tpu.vector_load %arg12[%get3A_531] {strides = array<i32>} : memref<4096xi32, #tpu.memory_space<vmem>>, vector<16xi32>,
    %add3A_533 = arith.addi %add3A_530, %get3A_532 : vector<16xi32>
    %get3A_534 = arith.constant 2064 : index
    %get3A_535 = tpu.vector_load %arg12[%get3A_534] {strides = array<i32>} : memref<4096xi32, #tpu.memory_space<vmem>>, vector<16xi32>,
    %add3A_536 = arith.addi %add3A_533, %get3A_535 : vector<16xi32>
    %get3A_537 = arith.constant 2320 : index
    %get3A_538 = tpu.vector_load %arg12[%get3A_537] {strides = array<i32>} : memref<4096xi32, #tpu.memory_space<vmem>>, vector<16xi32>,
    %add3A_539 = arith.addi %add3A_536, %get3A_538 : vector<16xi32>
    %get3A_540 = arith.constant 2576 : index
    %get3A_541 = tpu.vector_load %arg12[%get3A_540] {strides = array<i32>} : memref<4096xi32, #tpu.memory_space<vmem>>, vector<16xi32>,
    %add3A_542 = arith.addi %add3A_539, %get3A_541 : vector<16xi32>
    %get3A_543 = arith.constant 2832 : index
    %get3A_544 = tpu.vector_load %arg12[%get3A_543] {strides = array<i32>} : memref<4096xi32, #tpu.memory_space<vmem>>, vector<16xi32>,
    %add3A_545 = arith.addi %add3A_542, %get3A_544 : vector<16xi32>
    %get3A_546 = arith.constant 3088 : index
    %get3A_547 = tpu.vector_load %arg12[%get3A_546] {strides = array<i32>} : memref<4096xi32, #tpu.memory_space<vmem>>, vector<16xi32>,
    %add3A_548 = arith.addi %add3A_545, %get3A_547 : vector<16xi32>
    %get3A_549 = arith.constant 3344 : index
    %get3A_550 = tpu.vector_load %arg12[%get3A_549] {strides = array<i32>} : memref<4096xi32, #tpu.memory_space<vmem>>, vector<16xi32>,
    %add3A_551 = arith.addi %add3A_548, %get3A_550 : vector<16xi32>
    %get3A_552 = arith.constant 3600 : index
    %get3A_553 = tpu.vector_load %arg12[%get3A_552] {strides = array<i32>} : memref<4096xi32, #tpu.memory_space<vmem>>, vector<16xi32>,
    %add3A_554 = arith.addi %add3A_551, %get3A_553 : vector<16xi32>
    %get3A_555 = arith.constant 3856 : index
    %get3A_556 = tpu.vector_load %arg12[%get3A_555] {strides = array<i32>} : memref<4096xi32, #tpu.memory_space<vmem>>, vector<16xi32>,
    %add3A_557 = arith.addi %add3A_554, %get3A_556 : vector<16xi32>
    %swap3A_558 = arith.constant 16 : index
    %swap3A_559 = tpu.vector_load %arg13[%swap3A_558] {strides = array<i32>} : memref<256xi32, #tpu.memory_space<vmem>>, vector<16xi32>,
    tpu.vector_store %arg13[%swap3A_558], %add3A_557 {strides = array<i32>} : memref<256xi32, #tpu.memory_space<vmem>>, vector<16xi32>,
    %get3A_560 = arith.constant 32 : index
    %get3A_561 = tpu.vector_load %arg12[%get3A_560] {strides = array<i32>} : memref<4096xi32, #tpu.memory_space<vmem>>, vector<16xi32>,
    %get3A_562 = arith.constant 288 : index
    %get3A_563 = tpu.vector_load %arg12[%get3A_562] {strides = array<i32>} : memref<4096xi32, #tpu.memory_space<vmem>>, vector<16xi32>,
    %add3A_564 = arith.addi %get3A_561, %get3A_563 : vector<16xi32>
    %get3A_565 = arith.constant 544 : index
    %get3A_566 = tpu.vector_load %arg12[%get3A_565] {strides = array<i32>} : memref<4096xi32, #tpu.memory_space<vmem>>, vector<16xi32>,
    %add3A_567 = arith.addi %add3A_564, %get3A_566 : vector<16xi32>
    %get3A_568 = arith.constant 800 : index
    %get3A_569 = tpu.vector_load %arg12[%get3A_568] {strides = array<i32>} : memref<4096xi32, #tpu.memory_space<vmem>>, vector<16xi32>,
    %add3A_570 = arith.addi %add3A_567, %get3A_569 : vector<16xi32>
    %get3A_571 = arith.constant 1056 : index
    %get3A_572 = tpu.vector_load %arg12[%get3A_571] {strides = array<i32>} : memref<4096xi32, #tpu.memory_space<vmem>>, vector<16xi32>,
    %add3A_573 = arith.addi %add3A_570, %get3A_572 : vector<16xi32>
    %get3A_574 = arith.constant 1312 : index
    %get3A_575 = tpu.vector_load %arg12[%get3A_574] {strides = array<i32>} : memref<4096xi32, #tpu.memory_space<vmem>>, vector<16xi32>,
    %add3A_576 = arith.addi %add3A_573, %get3A_575 : vector<16xi32>
    %get3A_577 = arith.constant 1568 : index
    %get3A_578 = tpu.vector_load %arg12[%get3A_577] {strides = array<i32>} : memref<4096xi32, #tpu.memory_space<vmem>>, vector<16xi32>,
    %add3A_579 = arith.addi %add3A_576, %get3A_578 : vector<16xi32>
    %get3A_580 = arith.constant 1824 : index
    %get3A_581 = tpu.vector_load %arg12[%get3A_580] {strides = array<i32>} : memref<4096xi32, #tpu.memory_space<vmem>>, vector<16xi32>,
    %add3A_582 = arith.addi %add3A_579, %get3A_581 : vector<16xi32>
    %get3A_583 = arith.constant 2080 : index
    %get3A_584 = tpu.vector_load %arg12[%get3A_583] {strides = array<i32>} : memref<4096xi32, #tpu.memory_space<vmem>>, vector<16xi32>,
    %add3A_585 = arith.addi %add3A_582, %get3A_584 : vector<16xi32>
    %get3A_586 = arith.constant 2336 : index
    %get3A_587 = tpu.vector_load %arg12[%get3A_586] {strides = array<i32>} : memref<4096xi32, #tpu.memory_space<vmem>>, vector<16xi32>,
    %add3A_588 = arith.addi %add3A_585, %get3A_587 : vector<16xi32>
    %get3A_589 = arith.constant 2592 : index
    %get3A_590 = tpu.vector_load %arg12[%get3A_589] {strides = array<i32>} : memref<4096xi32, #tpu.memory_space<vmem>>, vector<16xi32>,
    %add3A_591 = arith.addi %add3A_588, %get3A_590 : vector<16xi32>
    %get3A_592 = arith.constant 2848 : index
    %get3A_593 = tpu.vector_load %arg12[%get3A_592] {strides = array<i32>} : memref<4096xi32, #tpu.memory_space<vmem>>, vector<16xi32>,
    %add3A_594 = arith.addi %add3A_591, %get3A_593 : vector<16xi32>
    %get3A_595 = arith.constant 3104 : index
    %get3A_596 = tpu.vector_load %arg12[%get3A_595] {strides = array<i32>} : memref<4096xi32, #tpu.memory_space<vmem>>, vector<16xi32>,
    %add3A_597 = arith.addi %add3A_594, %get3A_596 : vector<16xi32>
    %get3A_598 = arith.constant 3360 : index
    %get3A_599 = tpu.vector_load %arg12[%get3A_598] {strides = array<i32>} : memref<4096xi32, #tpu.memory_space<vmem>>, vector<16xi32>,
    %add3A_600 = arith.addi %add3A_597, %get3A_599 : vector<16xi32>
    %get3A_601 = arith.constant 3616 : index
    %get3A_602 = tpu.vector_load %arg12[%get3A_601] {strides = array<i32>} : memref<4096xi32, #tpu.memory_space<vmem>>, vector<16xi32>,
    %add3A_603 = arith.addi %add3A_600, %get3A_602 : vector<16xi32>
    %get3A_604 = arith.constant 3872 : index
    %get3A_605 = tpu.vector_load %arg12[%get3A_604] {strides = array<i32>} : memref<4096xi32, #tpu.memory_space<vmem>>, vector<16xi32>,
    %add3A_606 = arith.addi %add3A_603, %get3A_605 : vector<16xi32>
    %swap3A_607 = arith.constant 32 : index
    %swap3A_608 = tpu.vector_load %arg13[%swap3A_607] {strides = array<i32>} : memref<256xi32, #tpu.memory_space<vmem>>, vector<16xi32>,
    tpu.vector_store %arg13[%swap3A_607], %add3A_606 {strides = array<i32>} : memref<256xi32, #tpu.memory_space<vmem>>, vector<16xi32>,
    %get3A_609 = arith.constant 48 : index
    %get3A_610 = tpu.vector_load %arg12[%get3A_609] {strides = array<i32>} : memref<4096xi32, #tpu.memory_space<vmem>>, vector<16xi32>,
    %get3A_611 = arith.constant 304 : index
    %get3A_612 = tpu.vector_load %arg12[%get3A_611] {strides = array<i32>} : memref<4096xi32, #tpu.memory_space<vmem>>, vector<16xi32>,
    %add3A_613 = arith.addi %get3A_610, %get3A_612 : vector<16xi32>
    %get3A_614 = arith.constant 560 : index
    %get3A_615 = tpu.vector_load %arg12[%get3A_614] {strides = array<i32>} : memref<4096xi32, #tpu.memory_space<vmem>>, vector<16xi32>,
    %add3A_616 = arith.addi %add3A_613, %get3A_615 : vector<16xi32>
    %get3A_617 = arith.constant 816 : index
    %get3A_618 = tpu.vector_load %arg12[%get3A_617] {strides = array<i32>} : memref<4096xi32, #tpu.memory_space<vmem>>, vector<16xi32>,
    %add3A_619 = arith.addi %add3A_616, %get3A_618 : vector<16xi32>
    %get3A_620 = arith.constant 1072 : index
    %get3A_621 = tpu.vector_load %arg12[%get3A_620] {strides = array<i32>} : memref<4096xi32, #tpu.memory_space<vmem>>, vector<16xi32>,
    %add3A_622 = arith.addi %add3A_619, %get3A_621 : vector<16xi32>
    %get3A_623 = arith.constant 1328 : index
    %get3A_624 = tpu.vector_load %arg12[%get3A_623] {strides = array<i32>} : memref<4096xi32, #tpu.memory_space<vmem>>, vector<16xi32>,
    %add3A_625 = arith.addi %add3A_622, %get3A_624 : vector<16xi32>
    %get3A_626 = arith.constant 1584 : index
    %get3A_627 = tpu.vector_load %arg12[%get3A_626] {strides = array<i32>} : memref<4096xi32, #tpu.memory_space<vmem>>, vector<16xi32>,
    %add3A_628 = arith.addi %add3A_625, %get3A_627 : vector<16xi32>
    %get3A_629 = arith.constant 1840 : index
    %get3A_630 = tpu.vector_load %arg12[%get3A_629] {strides = array<i32>} : memref<4096xi32, #tpu.memory_space<vmem>>, vector<16xi32>,
    %add3A_631 = arith.addi %add3A_628, %get3A_630 : vector<16xi32>
    %get3A_632 = arith.constant 2096 : index
    %get3A_633 = tpu.vector_load %arg12[%get3A_632] {strides = array<i32>} : memref<4096xi32, #tpu.memory_space<vmem>>, vector<16xi32>,
    %add3A_634 = arith.addi %add3A_631, %get3A_633 : vector<16xi32>
    %get3A_635 = arith.constant 2352 : index
    %get3A_636 = tpu.vector_load %arg12[%get3A_635] {strides = array<i32>} : memref<4096xi32, #tpu.memory_space<vmem>>, vector<16xi32>,
    %add3A_637 = arith.addi %add3A_634, %get3A_636 : vector<16xi32>
    %get3A_638 = arith.constant 2608 : index
    %get3A_639 = tpu.vector_load %arg12[%get3A_638] {strides = array<i32>} : memref<4096xi32, #tpu.memory_space<vmem>>, vector<16xi32>,
    %add3A_640 = arith.addi %add3A_637, %get3A_639 : vector<16xi32>
    %get3A_641 = arith.constant 2864 : index
    %get3A_642 = tpu.vector_load %arg12[%get3A_641] {strides = array<i32>} : memref<4096xi32, #tpu.memory_space<vmem>>, vector<16xi32>,
    %add3A_643 = arith.addi %add3A_640, %get3A_642 : vector<16xi32>
    %get3A_644 = arith.constant 3120 : index
    %get3A_645 = tpu.vector_load %arg12[%get3A_644] {strides = array<i32>} : memref<4096xi32, #tpu.memory_space<vmem>>, vector<16xi32>,
    %add3A_646 = arith.addi %add3A_643, %get3A_645 : vector<16xi32>
    %get3A_647 = arith.constant 3376 : index
    %get3A_648 = tpu.vector_load %arg12[%get3A_647] {strides = array<i32>} : memref<4096xi32, #tpu.memory_space<vmem>>, vector<16xi32>,
    %add3A_649 = arith.addi %add3A_646, %get3A_648 : vector<16xi32>
    %get3A_650 = arith.constant 3632 : index
    %get3A_651 = tpu.vector_load %arg12[%get3A_650] {strides = array<i32>} : memref<4096xi32, #tpu.memory_space<vmem>>, vector<16xi32>,
    %add3A_652 = arith.addi %add3A_649, %get3A_651 : vector<16xi32>
    %get3A_653 = arith.constant 3888 : index
    %get3A_654 = tpu.vector_load %arg12[%get3A_653] {strides = array<i32>} : memref<4096xi32, #tpu.memory_space<vmem>>, vector<16xi32>,
    %add3A_655 = arith.addi %add3A_652, %get3A_654 : vector<16xi32>
    %swap3A_656 = arith.constant 48 : index
    %swap3A_657 = tpu.vector_load %arg13[%swap3A_656] {strides = array<i32>} : memref<256xi32, #tpu.memory_space<vmem>>, vector<16xi32>,
    tpu.vector_store %arg13[%swap3A_656], %add3A_655 {strides = array<i32>} : memref<256xi32, #tpu.memory_space<vmem>>, vector<16xi32>,
    %get3A_658 = arith.constant 64 : index
    %get3A_659 = tpu.vector_load %arg12[%get3A_658] {strides = array<i32>} : memref<4096xi32, #tpu.memory_space<vmem>>, vector<16xi32>,
    %get3A_660 = arith.constant 320 : index
    %get3A_661 = tpu.vector_load %arg12[%get3A_660] {strides = array<i32>} : memref<4096xi32, #tpu.memory_space<vmem>>, vector<16xi32>,
    %add3A_662 = arith.addi %get3A_659, %get3A_661 : vector<16xi32>
    %get3A_663 = arith.constant 576 : index
    %get3A_664 = tpu.vector_load %arg12[%get3A_663] {strides = array<i32>} : memref<4096xi32, #tpu.memory_space<vmem>>, vector<16xi32>,
    %add3A_665 = arith.addi %add3A_662, %get3A_664 : vector<16xi32>
    %get3A_666 = arith.constant 832 : index
    %get3A_667 = tpu.vector_load %arg12[%get3A_666] {strides = array<i32>} : memref<4096xi32, #tpu.memory_space<vmem>>, vector<16xi32>,
    %add3A_668 = arith.addi %add3A_665, %get3A_667 : vector<16xi32>
    %get3A_669 = arith.constant 1088 : index
    %get3A_670 = tpu.vector_load %arg12[%get3A_669] {strides = array<i32>} : memref<4096xi32, #tpu.memory_space<vmem>>, vector<16xi32>,
    %add3A_671 = arith.addi %add3A_668, %get3A_670 : vector<16xi32>
    %get3A_672 = arith.constant 1344 : index
    %get3A_673 = tpu.vector_load %arg12[%get3A_672] {strides = array<i32>} : memref<4096xi32, #tpu.memory_space<vmem>>, vector<16xi32>,
    %add3A_674 = arith.addi %add3A_671, %get3A_673 : vector<16xi32>
    %get3A_675 = arith.constant 1600 : index
    %get3A_676 = tpu.vector_load %arg12[%get3A_675] {strides = array<i32>} : memref<4096xi32, #tpu.memory_space<vmem>>, vector<16xi32>,
    %add3A_677 = arith.addi %add3A_674, %get3A_676 : vector<16xi32>
    %get3A_678 = arith.constant 1856 : index
    %get3A_679 = tpu.vector_load %arg12[%get3A_678] {strides = array<i32>} : memref<4096xi32, #tpu.memory_space<vmem>>, vector<16xi32>,
    %add3A_680 = arith.addi %add3A_677, %get3A_679 : vector<16xi32>
    %get3A_681 = arith.constant 2112 : index
    %get3A_682 = tpu.vector_load %arg12[%get3A_681] {strides = array<i32>} : memref<4096xi32, #tpu.memory_space<vmem>>, vector<16xi32>,
    %add3A_683 = arith.addi %add3A_680, %get3A_682 : vector<16xi32>
    %get3A_684 = arith.constant 2368 : index
    %get3A_685 = tpu.vector_load %arg12[%get3A_684] {strides = array<i32>} : memref<4096xi32, #tpu.memory_space<vmem>>, vector<16xi32>,
    %add3A_686 = arith.addi %add3A_683, %get3A_685 : vector<16xi32>
    %get3A_687 = arith.constant 2624 : index
    %get3A_688 = tpu.vector_load %arg12[%get3A_687] {strides = array<i32>} : memref<4096xi32, #tpu.memory_space<vmem>>, vector<16xi32>,
    %add3A_689 = arith.addi %add3A_686, %get3A_688 : vector<16xi32>
    %get3A_690 = arith.constant 2880 : index
    %get3A_691 = tpu.vector_load %arg12[%get3A_690] {strides = array<i32>} : memref<4096xi32, #tpu.memory_space<vmem>>, vector<16xi32>,
    %add3A_692 = arith.addi %add3A_689, %get3A_691 : vector<16xi32>
    %get3A_693 = arith.constant 3136 : index
    %get3A_694 = tpu.vector_load %arg12[%get3A_693] {strides = array<i32>} : memref<4096xi32, #tpu.memory_space<vmem>>, vector<16xi32>,
    %add3A_695 = arith.addi %add3A_692, %get3A_694 : vector<16xi32>
    %get3A_696 = arith.constant 3392 : index
    %get3A_697 = tpu.vector_load %arg12[%get3A_696] {strides = array<i32>} : memref<4096xi32, #tpu.memory_space<vmem>>, vector<16xi32>,
    %add3A_698 = arith.addi %add3A_695, %get3A_697 : vector<16xi32>
    %get3A_699 = arith.constant 3648 : index
    %get3A_700 = tpu.vector_load %arg12[%get3A_699] {strides = array<i32>} : memref<4096xi32, #tpu.memory_space<vmem>>, vector<16xi32>,
    %add3A_701 = arith.addi %add3A_698, %get3A_700 : vector<16xi32>
    %get3A_702 = arith.constant 3904 : index
    %get3A_703 = tpu.vector_load %arg12[%get3A_702] {strides = array<i32>} : memref<4096xi32, #tpu.memory_space<vmem>>, vector<16xi32>,
    %add3A_704 = arith.addi %add3A_701, %get3A_703 : vector<16xi32>
    %swap3A_705 = arith.constant 64 : index
    %swap3A_706 = tpu.vector_load %arg13[%swap3A_705] {strides = array<i32>} : memref<256xi32, #tpu.memory_space<vmem>>, vector<16xi32>,
    tpu.vector_store %arg13[%swap3A_705], %add3A_704 {strides = array<i32>} : memref<256xi32, #tpu.memory_space<vmem>>, vector<16xi32>,
    %get3A_707 = arith.constant 80 : index
    %get3A_708 = tpu.vector_load %arg12[%get3A_707] {strides = array<i32>} : memref<4096xi32, #tpu.memory_space<vmem>>, vector<16xi32>,
    %get3A_709 = arith.constant 336 : index
    %get3A_710 = tpu.vector_load %arg12[%get3A_709] {strides = array<i32>} : memref<4096xi32, #tpu.memory_space<vmem>>, vector<16xi32>,
    %add3A_711 = arith.addi %get3A_708, %get3A_710 : vector<16xi32>
    %get3A_712 = arith.constant 592 : index
    %get3A_713 = tpu.vector_load %arg12[%get3A_712] {strides = array<i32>} : memref<4096xi32, #tpu.memory_space<vmem>>, vector<16xi32>,
    %add3A_714 = arith.addi %add3A_711, %get3A_713 : vector<16xi32>
    %get3A_715 = arith.constant 848 : index
    %get3A_716 = tpu.vector_load %arg12[%get3A_715] {strides = array<i32>} : memref<4096xi32, #tpu.memory_space<vmem>>, vector<16xi32>,
    %add3A_717 = arith.addi %add3A_714, %get3A_716 : vector<16xi32>
    %get3A_718 = arith.constant 1104 : index
    %get3A_719 = tpu.vector_load %arg12[%get3A_718] {strides = array<i32>} : memref<4096xi32, #tpu.memory_space<vmem>>, vector<16xi32>,
    %add3A_720 = arith.addi %add3A_717, %get3A_719 : vector<16xi32>
    %get3A_721 = arith.constant 1360 : index
    %get3A_722 = tpu.vector_load %arg12[%get3A_721] {strides = array<i32>} : memref<4096xi32, #tpu.memory_space<vmem>>, vector<16xi32>,
    %add3A_723 = arith.addi %add3A_720, %get3A_722 : vector<16xi32>
    %get3A_724 = arith.constant 1616 : index
    %get3A_725 = tpu.vector_load %arg12[%get3A_724] {strides = array<i32>} : memref<4096xi32, #tpu.memory_space<vmem>>, vector<16xi32>,
    %add3A_726 = arith.addi %add3A_723, %get3A_725 : vector<16xi32>
    %get3A_727 = arith.constant 1872 : index
    %get3A_728 = tpu.vector_load %arg12[%get3A_727] {strides = array<i32>} : memref<4096xi32, #tpu.memory_space<vmem>>, vector<16xi32>,
    %add3A_729 = arith.addi %add3A_726, %get3A_728 : vector<16xi32>
    %get3A_730 = arith.constant 2128 : index
    %get3A_731 = tpu.vector_load %arg12[%get3A_730] {strides = array<i32>} : memref<4096xi32, #tpu.memory_space<vmem>>, vector<16xi32>,
    %add3A_732 = arith.addi %add3A_729, %get3A_731 : vector<16xi32>
    %get3A_733 = arith.constant 2384 : index
    %get3A_734 = tpu.vector_load %arg12[%get3A_733] {strides = array<i32>} : memref<4096xi32, #tpu.memory_space<vmem>>, vector<16xi32>,
    %add3A_735 = arith.addi %add3A_732, %get3A_734 : vector<16xi32>
    %get3A_736 = arith.constant 2640 : index
    %get3A_737 = tpu.vector_load %arg12[%get3A_736] {strides = array<i32>} : memref<4096xi32, #tpu.memory_space<vmem>>, vector<16xi32>,
    %add3A_738 = arith.addi %add3A_735, %get3A_737 : vector<16xi32>
    %get3A_739 = arith.constant 2896 : index
    %get3A_740 = tpu.vector_load %arg12[%get3A_739] {strides = array<i32>} : memref<4096xi32, #tpu.memory_space<vmem>>, vector<16xi32>,
    %add3A_741 = arith.addi %add3A_738, %get3A_740 : vector<16xi32>
    %get3A_742 = arith.constant 3152 : index
    %get3A_743 = tpu.vector_load %arg12[%get3A_742] {strides = array<i32>} : memref<4096xi32, #tpu.memory_space<vmem>>, vector<16xi32>,
    %add3A_744 = arith.addi %add3A_741, %get3A_743 : vector<16xi32>
    %get3A_745 = arith.constant 3408 : index
    %get3A_746 = tpu.vector_load %arg12[%get3A_745] {strides = array<i32>} : memref<4096xi32, #tpu.memory_space<vmem>>, vector<16xi32>,
    %add3A_747 = arith.addi %add3A_744, %get3A_746 : vector<16xi32>
    %get3A_748 = arith.constant 3664 : index
    %get3A_749 = tpu.vector_load %arg12[%get3A_748] {strides = array<i32>} : memref<4096xi32, #tpu.memory_space<vmem>>, vector<16xi32>,
    %add3A_750 = arith.addi %add3A_747, %get3A_749 : vector<16xi32>
    %get3A_751 = arith.constant 3920 : index
    %get3A_752 = tpu.vector_load %arg12[%get3A_751] {strides = array<i32>} : memref<4096xi32, #tpu.memory_space<vmem>>, vector<16xi32>,
    %add3A_753 = arith.addi %add3A_750, %get3A_752 : vector<16xi32>
    %swap3A_754 = arith.constant 80 : index
    %swap3A_755 = tpu.vector_load %arg13[%swap3A_754] {strides = array<i32>} : memref<256xi32, #tpu.memory_space<vmem>>, vector<16xi32>,
    tpu.vector_store %arg13[%swap3A_754], %add3A_753 {strides = array<i32>} : memref<256xi32, #tpu.memory_space<vmem>>, vector<16xi32>,
    %get3A_756 = arith.constant 96 : index
    %get3A_757 = tpu.vector_load %arg12[%get3A_756] {strides = array<i32>} : memref<4096xi32, #tpu.memory_space<vmem>>, vector<16xi32>,
    %get3A_758 = arith.constant 352 : index
    %get3A_759 = tpu.vector_load %arg12[%get3A_758] {strides = array<i32>} : memref<4096xi32, #tpu.memory_space<vmem>>, vector<16xi32>,
    %add3A_760 = arith.addi %get3A_757, %get3A_759 : vector<16xi32>
    %get3A_761 = arith.constant 608 : index
    %get3A_762 = tpu.vector_load %arg12[%get3A_761] {strides = array<i32>} : memref<4096xi32, #tpu.memory_space<vmem>>, vector<16xi32>,
    %add3A_763 = arith.addi %add3A_760, %get3A_762 : vector<16xi32>
    %get3A_764 = arith.constant 864 : index
    %get3A_765 = tpu.vector_load %arg12[%get3A_764] {strides = array<i32>} : memref<4096xi32, #tpu.memory_space<vmem>>, vector<16xi32>,
    %add3A_766 = arith.addi %add3A_763, %get3A_765 : vector<16xi32>
    %get3A_767 = arith.constant 1120 : index
    %get3A_768 = tpu.vector_load %arg12[%get3A_767] {strides = array<i32>} : memref<4096xi32, #tpu.memory_space<vmem>>, vector<16xi32>,
    %add3A_769 = arith.addi %add3A_766, %get3A_768 : vector<16xi32>
    %get3A_770 = arith.constant 1376 : index
    %get3A_771 = tpu.vector_load %arg12[%get3A_770] {strides = array<i32>} : memref<4096xi32, #tpu.memory_space<vmem>>, vector<16xi32>,
    %add3A_772 = arith.addi %add3A_769, %get3A_771 : vector<16xi32>
    %get3A_773 = arith.constant 1632 : index
    %get3A_774 = tpu.vector_load %arg12[%get3A_773] {strides = array<i32>} : memref<4096xi32, #tpu.memory_space<vmem>>, vector<16xi32>,
    %add3A_775 = arith.addi %add3A_772, %get3A_774 : vector<16xi32>
    %get3A_776 = arith.constant 1888 : index
    %get3A_777 = tpu.vector_load %arg12[%get3A_776] {strides = array<i32>} : memref<4096xi32, #tpu.memory_space<vmem>>, vector<16xi32>,
    %add3A_778 = arith.addi %add3A_775, %get3A_777 : vector<16xi32>
    %get3A_779 = arith.constant 2144 : index
    %get3A_780 = tpu.vector_load %arg12[%get3A_779] {strides = array<i32>} : memref<4096xi32, #tpu.memory_space<vmem>>, vector<16xi32>,
    %add3A_781 = arith.addi %add3A_778, %get3A_780 : vector<16xi32>
    %get3A_782 = arith.constant 2400 : index
    %get3A_783 = tpu.vector_load %arg12[%get3A_782] {strides = array<i32>} : memref<4096xi32, #tpu.memory_space<vmem>>, vector<16xi32>,
    %add3A_784 = arith.addi %add3A_781, %get3A_783 : vector<16xi32>
    %get3A_785 = arith.constant 2656 : index
    %get3A_786 = tpu.vector_load %arg12[%get3A_785] {strides = array<i32>} : memref<4096xi32, #tpu.memory_space<vmem>>, vector<16xi32>,
    %add3A_787 = arith.addi %add3A_784, %get3A_786 : vector<16xi32>
    %get3A_788 = arith.constant 2912 : index
    %get3A_789 = tpu.vector_load %arg12[%get3A_788] {strides = array<i32>} : memref<4096xi32, #tpu.memory_space<vmem>>, vector<16xi32>,
    %add3A_790 = arith.addi %add3A_787, %get3A_789 : vector<16xi32>
    %get3A_791 = arith.constant 3168 : index
    %get3A_792 = tpu.vector_load %arg12[%get3A_791] {strides = array<i32>} : memref<4096xi32, #tpu.memory_space<vmem>>, vector<16xi32>,
    %add3A_793 = arith.addi %add3A_790, %get3A_792 : vector<16xi32>
    %get3A_794 = arith.constant 3424 : index
    %get3A_795 = tpu.vector_load %arg12[%get3A_794] {strides = array<i32>} : memref<4096xi32, #tpu.memory_space<vmem>>, vector<16xi32>,
    %add3A_796 = arith.addi %add3A_793, %get3A_795 : vector<16xi32>
    %get3A_797 = arith.constant 3680 : index
    %get3A_798 = tpu.vector_load %arg12[%get3A_797] {strides = array<i32>} : memref<4096xi32, #tpu.memory_space<vmem>>, vector<16xi32>,
    %add3A_799 = arith.addi %add3A_796, %get3A_798 : vector<16xi32>
    %get3A_800 = arith.constant 3936 : index
    %get3A_801 = tpu.vector_load %arg12[%get3A_800] {strides = array<i32>} : memref<4096xi32, #tpu.memory_space<vmem>>, vector<16xi32>,
    %add3A_802 = arith.addi %add3A_799, %get3A_801 : vector<16xi32>
    %swap3A_803 = arith.constant 96 : index
    %swap3A_804 = tpu.vector_load %arg13[%swap3A_803] {strides = array<i32>} : memref<256xi32, #tpu.memory_space<vmem>>, vector<16xi32>,
    tpu.vector_store %arg13[%swap3A_803], %add3A_802 {strides = array<i32>} : memref<256xi32, #tpu.memory_space<vmem>>, vector<16xi32>,
    %get3A_805 = arith.constant 112 : index
    %get3A_806 = tpu.vector_load %arg12[%get3A_805] {strides = array<i32>} : memref<4096xi32, #tpu.memory_space<vmem>>, vector<16xi32>,
    %get3A_807 = arith.constant 368 : index
    %get3A_808 = tpu.vector_load %arg12[%get3A_807] {strides = array<i32>} : memref<4096xi32, #tpu.memory_space<vmem>>, vector<16xi32>,
    %add3A_809 = arith.addi %get3A_806, %get3A_808 : vector<16xi32>
    %get3A_810 = arith.constant 624 : index
    %get3A_811 = tpu.vector_load %arg12[%get3A_810] {strides = array<i32>} : memref<4096xi32, #tpu.memory_space<vmem>>, vector<16xi32>,
    %add3A_812 = arith.addi %add3A_809, %get3A_811 : vector<16xi32>
    %get3A_813 = arith.constant 880 : index
    %get3A_814 = tpu.vector_load %arg12[%get3A_813] {strides = array<i32>} : memref<4096xi32, #tpu.memory_space<vmem>>, vector<16xi32>,
    %add3A_815 = arith.addi %add3A_812, %get3A_814 : vector<16xi32>
    %get3A_816 = arith.constant 1136 : index
    %get3A_817 = tpu.vector_load %arg12[%get3A_816] {strides = array<i32>} : memref<4096xi32, #tpu.memory_space<vmem>>, vector<16xi32>,
    %add3A_818 = arith.addi %add3A_815, %get3A_817 : vector<16xi32>
    %get3A_819 = arith.constant 1392 : index
    %get3A_820 = tpu.vector_load %arg12[%get3A_819] {strides = array<i32>} : memref<4096xi32, #tpu.memory_space<vmem>>, vector<16xi32>,
    %add3A_821 = arith.addi %add3A_818, %get3A_820 : vector<16xi32>
    %get3A_822 = arith.constant 1648 : index
    %get3A_823 = tpu.vector_load %arg12[%get3A_822] {strides = array<i32>} : memref<4096xi32, #tpu.memory_space<vmem>>, vector<16xi32>,
    %add3A_824 = arith.addi %add3A_821, %get3A_823 : vector<16xi32>
    %get3A_825 = arith.constant 1904 : index
    %get3A_826 = tpu.vector_load %arg12[%get3A_825] {strides = array<i32>} : memref<4096xi32, #tpu.memory_space<vmem>>, vector<16xi32>,
    %add3A_827 = arith.addi %add3A_824, %get3A_826 : vector<16xi32>
    %get3A_828 = arith.constant 2160 : index
    %get3A_829 = tpu.vector_load %arg12[%get3A_828] {strides = array<i32>} : memref<4096xi32, #tpu.memory_space<vmem>>, vector<16xi32>,
    %add3A_830 = arith.addi %add3A_827, %get3A_829 : vector<16xi32>
    %get3A_831 = arith.constant 2416 : index
    %get3A_832 = tpu.vector_load %arg12[%get3A_831] {strides = array<i32>} : memref<4096xi32, #tpu.memory_space<vmem>>, vector<16xi32>,
    %add3A_833 = arith.addi %add3A_830, %get3A_832 : vector<16xi32>
    %get3A_834 = arith.constant 2672 : index
    %get3A_835 = tpu.vector_load %arg12[%get3A_834] {strides = array<i32>} : memref<4096xi32, #tpu.memory_space<vmem>>, vector<16xi32>,
    %add3A_836 = arith.addi %add3A_833, %get3A_835 : vector<16xi32>
    %get3A_837 = arith.constant 2928 : index
    %get3A_838 = tpu.vector_load %arg12[%get3A_837] {strides = array<i32>} : memref<4096xi32, #tpu.memory_space<vmem>>, vector<16xi32>,
    %add3A_839 = arith.addi %add3A_836, %get3A_838 : vector<16xi32>
    %get3A_840 = arith.constant 3184 : index
    %get3A_841 = tpu.vector_load %arg12[%get3A_840] {strides = array<i32>} : memref<4096xi32, #tpu.memory_space<vmem>>, vector<16xi32>,
    %add3A_842 = arith.addi %add3A_839, %get3A_841 : vector<16xi32>
    %get3A_843 = arith.constant 3440 : index
    %get3A_844 = tpu.vector_load %arg12[%get3A_843] {strides = array<i32>} : memref<4096xi32, #tpu.memory_space<vmem>>, vector<16xi32>,
    %add3A_845 = arith.addi %add3A_842, %get3A_844 : vector<16xi32>
    %get3A_846 = arith.constant 3696 : index
    %get3A_847 = tpu.vector_load %arg12[%get3A_846] {strides = array<i32>} : memref<4096xi32, #tpu.memory_space<vmem>>, vector<16xi32>,
    %add3A_848 = arith.addi %add3A_845, %get3A_847 : vector<16xi32>
    %get3A_849 = arith.constant 3952 : index
    %get3A_850 = tpu.vector_load %arg12[%get3A_849] {strides = array<i32>} : memref<4096xi32, #tpu.memory_space<vmem>>, vector<16xi32>,
    %add3A_851 = arith.addi %add3A_848, %get3A_850 : vector<16xi32>
    %swap3A_852 = arith.constant 112 : index
    %swap3A_853 = tpu.vector_load %arg13[%swap3A_852] {strides = array<i32>} : memref<256xi32, #tpu.memory_space<vmem>>, vector<16xi32>,
    tpu.vector_store %arg13[%swap3A_852], %add3A_851 {strides = array<i32>} : memref<256xi32, #tpu.memory_space<vmem>>, vector<16xi32>,
    %get3A_854 = arith.constant 128 : index
    %get3A_855 = tpu.vector_load %arg12[%get3A_854] {strides = array<i32>} : memref<4096xi32, #tpu.memory_space<vmem>>, vector<16xi32>,
    %get3A_856 = arith.constant 384 : index
    %get3A_857 = tpu.vector_load %arg12[%get3A_856] {strides = array<i32>} : memref<4096xi32, #tpu.memory_space<vmem>>, vector<16xi32>,
    %add3A_858 = arith.addi %get3A_855, %get3A_857 : vector<16xi32>
    %get3A_859 = arith.constant 640 : index
    %get3A_860 = tpu.vector_load %arg12[%get3A_859] {strides = array<i32>} : memref<4096xi32, #tpu.memory_space<vmem>>, vector<16xi32>,
    %add3A_861 = arith.addi %add3A_858, %get3A_860 : vector<16xi32>
    %get3A_862 = arith.constant 896 : index
    %get3A_863 = tpu.vector_load %arg12[%get3A_862] {strides = array<i32>} : memref<4096xi32, #tpu.memory_space<vmem>>, vector<16xi32>,
    %add3A_864 = arith.addi %add3A_861, %get3A_863 : vector<16xi32>
    %get3A_865 = arith.constant 1152 : index
    %get3A_866 = tpu.vector_load %arg12[%get3A_865] {strides = array<i32>} : memref<4096xi32, #tpu.memory_space<vmem>>, vector<16xi32>,
    %add3A_867 = arith.addi %add3A_864, %get3A_866 : vector<16xi32>
    %get3A_868 = arith.constant 1408 : index
    %get3A_869 = tpu.vector_load %arg12[%get3A_868] {strides = array<i32>} : memref<4096xi32, #tpu.memory_space<vmem>>, vector<16xi32>,
    %add3A_870 = arith.addi %add3A_867, %get3A_869 : vector<16xi32>
    %get3A_871 = arith.constant 1664 : index
    %get3A_872 = tpu.vector_load %arg12[%get3A_871] {strides = array<i32>} : memref<4096xi32, #tpu.memory_space<vmem>>, vector<16xi32>,
    %add3A_873 = arith.addi %add3A_870, %get3A_872 : vector<16xi32>
    %get3A_874 = arith.constant 1920 : index
    %get3A_875 = tpu.vector_load %arg12[%get3A_874] {strides = array<i32>} : memref<4096xi32, #tpu.memory_space<vmem>>, vector<16xi32>,
    %add3A_876 = arith.addi %add3A_873, %get3A_875 : vector<16xi32>
    %get3A_877 = arith.constant 2176 : index
    %get3A_878 = tpu.vector_load %arg12[%get3A_877] {strides = array<i32>} : memref<4096xi32, #tpu.memory_space<vmem>>, vector<16xi32>,
    %add3A_879 = arith.addi %add3A_876, %get3A_878 : vector<16xi32>
    %get3A_880 = arith.constant 2432 : index
    %get3A_881 = tpu.vector_load %arg12[%get3A_880] {strides = array<i32>} : memref<4096xi32, #tpu.memory_space<vmem>>, vector<16xi32>,
    %add3A_882 = arith.addi %add3A_879, %get3A_881 : vector<16xi32>
    %get3A_883 = arith.constant 2688 : index
    %get3A_884 = tpu.vector_load %arg12[%get3A_883] {strides = array<i32>} : memref<4096xi32, #tpu.memory_space<vmem>>, vector<16xi32>,
    %add3A_885 = arith.addi %add3A_882, %get3A_884 : vector<16xi32>
    %get3A_886 = arith.constant 2944 : index
    %get3A_887 = tpu.vector_load %arg12[%get3A_886] {strides = array<i32>} : memref<4096xi32, #tpu.memory_space<vmem>>, vector<16xi32>,
    %add3A_888 = arith.addi %add3A_885, %get3A_887 : vector<16xi32>
    %get3A_889 = arith.constant 3200 : index
    %get3A_890 = tpu.vector_load %arg12[%get3A_889] {strides = array<i32>} : memref<4096xi32, #tpu.memory_space<vmem>>, vector<16xi32>,
    %add3A_891 = arith.addi %add3A_888, %get3A_890 : vector<16xi32>
    %get3A_892 = arith.constant 3456 : index
    %get3A_893 = tpu.vector_load %arg12[%get3A_892] {strides = array<i32>} : memref<4096xi32, #tpu.memory_space<vmem>>, vector<16xi32>,
    %add3A_894 = arith.addi %add3A_891, %get3A_893 : vector<16xi32>
    %get3A_895 = arith.constant 3712 : index
    %get3A_896 = tpu.vector_load %arg12[%get3A_895] {strides = array<i32>} : memref<4096xi32, #tpu.memory_space<vmem>>, vector<16xi32>,
    %add3A_897 = arith.addi %add3A_894, %get3A_896 : vector<16xi32>
    %get3A_898 = arith.constant 3968 : index
    %get3A_899 = tpu.vector_load %arg12[%get3A_898] {strides = array<i32>} : memref<4096xi32, #tpu.memory_space<vmem>>, vector<16xi32>,
    %add3A_900 = arith.addi %add3A_897, %get3A_899 : vector<16xi32>
    %swap3A_901 = arith.constant 128 : index
    %swap3A_902 = tpu.vector_load %arg13[%swap3A_901] {strides = array<i32>} : memref<256xi32, #tpu.memory_space<vmem>>, vector<16xi32>,
    tpu.vector_store %arg13[%swap3A_901], %add3A_900 {strides = array<i32>} : memref<256xi32, #tpu.memory_space<vmem>>, vector<16xi32>,
    %get3A_903 = arith.constant 144 : index
    %get3A_904 = tpu.vector_load %arg12[%get3A_903] {strides = array<i32>} : memref<4096xi32, #tpu.memory_space<vmem>>, vector<16xi32>,
    %get3A_905 = arith.constant 400 : index
    %get3A_906 = tpu.vector_load %arg12[%get3A_905] {strides = array<i32>} : memref<4096xi32, #tpu.memory_space<vmem>>, vector<16xi32>,
    %add3A_907 = arith.addi %get3A_904, %get3A_906 : vector<16xi32>
    %get3A_908 = arith.constant 656 : index
    %get3A_909 = tpu.vector_load %arg12[%get3A_908] {strides = array<i32>} : memref<4096xi32, #tpu.memory_space<vmem>>, vector<16xi32>,
    %add3A_910 = arith.addi %add3A_907, %get3A_909 : vector<16xi32>
    %get3A_911 = arith.constant 912 : index
    %get3A_912 = tpu.vector_load %arg12[%get3A_911] {strides = array<i32>} : memref<4096xi32, #tpu.memory_space<vmem>>, vector<16xi32>,
    %add3A_913 = arith.addi %add3A_910, %get3A_912 : vector<16xi32>
    %get3A_914 = arith.constant 1168 : index
    %get3A_915 = tpu.vector_load %arg12[%get3A_914] {strides = array<i32>} : memref<4096xi32, #tpu.memory_space<vmem>>, vector<16xi32>,
    %add3A_916 = arith.addi %add3A_913, %get3A_915 : vector<16xi32>
    %get3A_917 = arith.constant 1424 : index
    %get3A_918 = tpu.vector_load %arg12[%get3A_917] {strides = array<i32>} : memref<4096xi32, #tpu.memory_space<vmem>>, vector<16xi32>,
    %add3A_919 = arith.addi %add3A_916, %get3A_918 : vector<16xi32>
    %get3A_920 = arith.constant 1680 : index
    %get3A_921 = tpu.vector_load %arg12[%get3A_920] {strides = array<i32>} : memref<4096xi32, #tpu.memory_space<vmem>>, vector<16xi32>,
    %add3A_922 = arith.addi %add3A_919, %get3A_921 : vector<16xi32>
    %get3A_923 = arith.constant 1936 : index
    %get3A_924 = tpu.vector_load %arg12[%get3A_923] {strides = array<i32>} : memref<4096xi32, #tpu.memory_space<vmem>>, vector<16xi32>,
    %add3A_925 = arith.addi %add3A_922, %get3A_924 : vector<16xi32>
    %get3A_926 = arith.constant 2192 : index
    %get3A_927 = tpu.vector_load %arg12[%get3A_926] {strides = array<i32>} : memref<4096xi32, #tpu.memory_space<vmem>>, vector<16xi32>,
    %add3A_928 = arith.addi %add3A_925, %get3A_927 : vector<16xi32>
    %get3A_929 = arith.constant 2448 : index
    %get3A_930 = tpu.vector_load %arg12[%get3A_929] {strides = array<i32>} : memref<4096xi32, #tpu.memory_space<vmem>>, vector<16xi32>,
    %add3A_931 = arith.addi %add3A_928, %get3A_930 : vector<16xi32>
    %get3A_932 = arith.constant 2704 : index
    %get3A_933 = tpu.vector_load %arg12[%get3A_932] {strides = array<i32>} : memref<4096xi32, #tpu.memory_space<vmem>>, vector<16xi32>,
    %add3A_934 = arith.addi %add3A_931, %get3A_933 : vector<16xi32>
    %get3A_935 = arith.constant 2960 : index
    %get3A_936 = tpu.vector_load %arg12[%get3A_935] {strides = array<i32>} : memref<4096xi32, #tpu.memory_space<vmem>>, vector<16xi32>,
    %add3A_937 = arith.addi %add3A_934, %get3A_936 : vector<16xi32>
    %get3A_938 = arith.constant 3216 : index
    %get3A_939 = tpu.vector_load %arg12[%get3A_938] {strides = array<i32>} : memref<4096xi32, #tpu.memory_space<vmem>>, vector<16xi32>,
    %add3A_940 = arith.addi %add3A_937, %get3A_939 : vector<16xi32>
    %get3A_941 = arith.constant 3472 : index
    %get3A_942 = tpu.vector_load %arg12[%get3A_941] {strides = array<i32>} : memref<4096xi32, #tpu.memory_space<vmem>>, vector<16xi32>,
    %add3A_943 = arith.addi %add3A_940, %get3A_942 : vector<16xi32>
    %get3A_944 = arith.constant 3728 : index
    %get3A_945 = tpu.vector_load %arg12[%get3A_944] {strides = array<i32>} : memref<4096xi32, #tpu.memory_space<vmem>>, vector<16xi32>,
    %add3A_946 = arith.addi %add3A_943, %get3A_945 : vector<16xi32>
    %get3A_947 = arith.constant 3984 : index
    %get3A_948 = tpu.vector_load %arg12[%get3A_947] {strides = array<i32>} : memref<4096xi32, #tpu.memory_space<vmem>>, vector<16xi32>,
    %add3A_949 = arith.addi %add3A_946, %get3A_948 : vector<16xi32>
    %swap3A_950 = arith.constant 144 : index
    %swap3A_951 = tpu.vector_load %arg13[%swap3A_950] {strides = array<i32>} : memref<256xi32, #tpu.memory_space<vmem>>, vector<16xi32>,
    tpu.vector_store %arg13[%swap3A_950], %add3A_949 {strides = array<i32>} : memref<256xi32, #tpu.memory_space<vmem>>, vector<16xi32>,
    %get3A_952 = arith.constant 160 : index
    %get3A_953 = tpu.vector_load %arg12[%get3A_952] {strides = array<i32>} : memref<4096xi32, #tpu.memory_space<vmem>>, vector<16xi32>,
    %get3A_954 = arith.constant 416 : index
    %get3A_955 = tpu.vector_load %arg12[%get3A_954] {strides = array<i32>} : memref<4096xi32, #tpu.memory_space<vmem>>, vector<16xi32>,
    %add3A_956 = arith.addi %get3A_953, %get3A_955 : vector<16xi32>
    %get3A_957 = arith.constant 672 : index
    %get3A_958 = tpu.vector_load %arg12[%get3A_957] {strides = array<i32>} : memref<4096xi32, #tpu.memory_space<vmem>>, vector<16xi32>,
    %add3A_959 = arith.addi %add3A_956, %get3A_958 : vector<16xi32>
    %get3A_960 = arith.constant 928 : index
    %get3A_961 = tpu.vector_load %arg12[%get3A_960] {strides = array<i32>} : memref<4096xi32, #tpu.memory_space<vmem>>, vector<16xi32>,
    %add3A_962 = arith.addi %add3A_959, %get3A_961 : vector<16xi32>
    %get3A_963 = arith.constant 1184 : index
    %get3A_964 = tpu.vector_load %arg12[%get3A_963] {strides = array<i32>} : memref<4096xi32, #tpu.memory_space<vmem>>, vector<16xi32>,
    %add3A_965 = arith.addi %add3A_962, %get3A_964 : vector<16xi32>
    %get3A_966 = arith.constant 1440 : index
    %get3A_967 = tpu.vector_load %arg12[%get3A_966] {strides = array<i32>} : memref<4096xi32, #tpu.memory_space<vmem>>, vector<16xi32>,
    %add3A_968 = arith.addi %add3A_965, %get3A_967 : vector<16xi32>
    %get3A_969 = arith.constant 1696 : index
    %get3A_970 = tpu.vector_load %arg12[%get3A_969] {strides = array<i32>} : memref<4096xi32, #tpu.memory_space<vmem>>, vector<16xi32>,
    %add3A_971 = arith.addi %add3A_968, %get3A_970 : vector<16xi32>
    %get3A_972 = arith.constant 1952 : index
    %get3A_973 = tpu.vector_load %arg12[%get3A_972] {strides = array<i32>} : memref<4096xi32, #tpu.memory_space<vmem>>, vector<16xi32>,
    %add3A_974 = arith.addi %add3A_971, %get3A_973 : vector<16xi32>
    %get3A_975 = arith.constant 2208 : index
    %get3A_976 = tpu.vector_load %arg12[%get3A_975] {strides = array<i32>} : memref<4096xi32, #tpu.memory_space<vmem>>, vector<16xi32>,
    %add3A_977 = arith.addi %add3A_974, %get3A_976 : vector<16xi32>
    %get3A_978 = arith.constant 2464 : index
    %get3A_979 = tpu.vector_load %arg12[%get3A_978] {strides = array<i32>} : memref<4096xi32, #tpu.memory_space<vmem>>, vector<16xi32>,
    %add3A_980 = arith.addi %add3A_977, %get3A_979 : vector<16xi32>
    %get3A_981 = arith.constant 2720 : index
    %get3A_982 = tpu.vector_load %arg12[%get3A_981] {strides = array<i32>} : memref<4096xi32, #tpu.memory_space<vmem>>, vector<16xi32>,
    %add3A_983 = arith.addi %add3A_980, %get3A_982 : vector<16xi32>
    %get3A_984 = arith.constant 2976 : index
    %get3A_985 = tpu.vector_load %arg12[%get3A_984] {strides = array<i32>} : memref<4096xi32, #tpu.memory_space<vmem>>, vector<16xi32>,
    %add3A_986 = arith.addi %add3A_983, %get3A_985 : vector<16xi32>
    %get3A_987 = arith.constant 3232 : index
    %get3A_988 = tpu.vector_load %arg12[%get3A_987] {strides = array<i32>} : memref<4096xi32, #tpu.memory_space<vmem>>, vector<16xi32>,
    %add3A_989 = arith.addi %add3A_986, %get3A_988 : vector<16xi32>
    %get3A_990 = arith.constant 3488 : index
    %get3A_991 = tpu.vector_load %arg12[%get3A_990] {strides = array<i32>} : memref<4096xi32, #tpu.memory_space<vmem>>, vector<16xi32>,
    %add3A_992 = arith.addi %add3A_989, %get3A_991 : vector<16xi32>
    %get3A_993 = arith.constant 3744 : index
    %get3A_994 = tpu.vector_load %arg12[%get3A_993] {strides = array<i32>} : memref<4096xi32, #tpu.memory_space<vmem>>, vector<16xi32>,
    %add3A_995 = arith.addi %add3A_992, %get3A_994 : vector<16xi32>
    %get3A_996 = arith.constant 4000 : index
    %get3A_997 = tpu.vector_load %arg12[%get3A_996] {strides = array<i32>} : memref<4096xi32, #tpu.memory_space<vmem>>, vector<16xi32>,
    %add3A_998 = arith.addi %add3A_995, %get3A_997 : vector<16xi32>
    %swap3A_999 = arith.constant 160 : index
    %swap3A_1000 = tpu.vector_load %arg13[%swap3A_999] {strides = array<i32>} : memref<256xi32, #tpu.memory_space<vmem>>, vector<16xi32>,
    tpu.vector_store %arg13[%swap3A_999], %add3A_998 {strides = array<i32>} : memref<256xi32, #tpu.memory_space<vmem>>, vector<16xi32>,
    %get3A_1001 = arith.constant 176 : index
    %get3A_1002 = tpu.vector_load %arg12[%get3A_1001] {strides = array<i32>} : memref<4096xi32, #tpu.memory_space<vmem>>, vector<16xi32>,
    %get3A_1003 = arith.constant 432 : index
    %get3A_1004 = tpu.vector_load %arg12[%get3A_1003] {strides = array<i32>} : memref<4096xi32, #tpu.memory_space<vmem>>, vector<16xi32>,
    %add3A_1005 = arith.addi %get3A_1002, %get3A_1004 : vector<16xi32>
    %get3A_1006 = arith.constant 688 : index
    %get3A_1007 = tpu.vector_load %arg12[%get3A_1006] {strides = array<i32>} : memref<4096xi32, #tpu.memory_space<vmem>>, vector<16xi32>,
    %add3A_1008 = arith.addi %add3A_1005, %get3A_1007 : vector<16xi32>
    %get3A_1009 = arith.constant 944 : index
    %get3A_1010 = tpu.vector_load %arg12[%get3A_1009] {strides = array<i32>} : memref<4096xi32, #tpu.memory_space<vmem>>, vector<16xi32>,
    %add3A_1011 = arith.addi %add3A_1008, %get3A_1010 : vector<16xi32>
    %get3A_1012 = arith.constant 1200 : index
    %get3A_1013 = tpu.vector_load %arg12[%get3A_1012] {strides = array<i32>} : memref<4096xi32, #tpu.memory_space<vmem>>, vector<16xi32>,
    %add3A_1014 = arith.addi %add3A_1011, %get3A_1013 : vector<16xi32>
    %get3A_1015 = arith.constant 1456 : index
    %get3A_1016 = tpu.vector_load %arg12[%get3A_1015] {strides = array<i32>} : memref<4096xi32, #tpu.memory_space<vmem>>, vector<16xi32>,
    %add3A_1017 = arith.addi %add3A_1014, %get3A_1016 : vector<16xi32>
    %get3A_1018 = arith.constant 1712 : index
    %get3A_1019 = tpu.vector_load %arg12[%get3A_1018] {strides = array<i32>} : memref<4096xi32, #tpu.memory_space<vmem>>, vector<16xi32>,
    %add3A_1020 = arith.addi %add3A_1017, %get3A_1019 : vector<16xi32>
    %get3A_1021 = arith.constant 1968 : index
    %get3A_1022 = tpu.vector_load %arg12[%get3A_1021] {strides = array<i32>} : memref<4096xi32, #tpu.memory_space<vmem>>, vector<16xi32>,
    %add3A_1023 = arith.addi %add3A_1020, %get3A_1022 : vector<16xi32>
    %get3A_1024 = arith.constant 2224 : index
    %get3A_1025 = tpu.vector_load %arg12[%get3A_1024] {strides = array<i32>} : memref<4096xi32, #tpu.memory_space<vmem>>, vector<16xi32>,
    %add3A_1026 = arith.addi %add3A_1023, %get3A_1025 : vector<16xi32>
    %get3A_1027 = arith.constant 2480 : index
    %get3A_1028 = tpu.vector_load %arg12[%get3A_1027] {strides = array<i32>} : memref<4096xi32, #tpu.memory_space<vmem>>, vector<16xi32>,
    %add3A_1029 = arith.addi %add3A_1026, %get3A_1028 : vector<16xi32>
    %get3A_1030 = arith.constant 2736 : index
    %get3A_1031 = tpu.vector_load %arg12[%get3A_1030] {strides = array<i32>} : memref<4096xi32, #tpu.memory_space<vmem>>, vector<16xi32>,
    %add3A_1032 = arith.addi %add3A_1029, %get3A_1031 : vector<16xi32>
    %get3A_1033 = arith.constant 2992 : index
    %get3A_1034 = tpu.vector_load %arg12[%get3A_1033] {strides = array<i32>} : memref<4096xi32, #tpu.memory_space<vmem>>, vector<16xi32>,
    %add3A_1035 = arith.addi %add3A_1032, %get3A_1034 : vector<16xi32>
    %get3A_1036 = arith.constant 3248 : index
    %get3A_1037 = tpu.vector_load %arg12[%get3A_1036] {strides = array<i32>} : memref<4096xi32, #tpu.memory_space<vmem>>, vector<16xi32>,
    %add3A_1038 = arith.addi %add3A_1035, %get3A_1037 : vector<16xi32>
    %get3A_1039 = arith.constant 3504 : index
    %get3A_1040 = tpu.vector_load %arg12[%get3A_1039] {strides = array<i32>} : memref<4096xi32, #tpu.memory_space<vmem>>, vector<16xi32>,
    %add3A_1041 = arith.addi %add3A_1038, %get3A_1040 : vector<16xi32>
    %get3A_1042 = arith.constant 3760 : index
    %get3A_1043 = tpu.vector_load %arg12[%get3A_1042] {strides = array<i32>} : memref<4096xi32, #tpu.memory_space<vmem>>, vector<16xi32>,
    %add3A_1044 = arith.addi %add3A_1041, %get3A_1043 : vector<16xi32>
    %get3A_1045 = arith.constant 4016 : index
    %get3A_1046 = tpu.vector_load %arg12[%get3A_1045] {strides = array<i32>} : memref<4096xi32, #tpu.memory_space<vmem>>, vector<16xi32>,
    %add3A_1047 = arith.addi %add3A_1044, %get3A_1046 : vector<16xi32>
    %swap3A_1048 = arith.constant 176 : index
    %swap3A_1049 = tpu.vector_load %arg13[%swap3A_1048] {strides = array<i32>} : memref<256xi32, #tpu.memory_space<vmem>>, vector<16xi32>,
    tpu.vector_store %arg13[%swap3A_1048], %add3A_1047 {strides = array<i32>} : memref<256xi32, #tpu.memory_space<vmem>>, vector<16xi32>,
    %get3A_1050 = arith.constant 192 : index
    %get3A_1051 = tpu.vector_load %arg12[%get3A_1050] {strides = array<i32>} : memref<4096xi32, #tpu.memory_space<vmem>>, vector<16xi32>,
    %get3A_1052 = arith.constant 448 : index
    %get3A_1053 = tpu.vector_load %arg12[%get3A_1052] {strides = array<i32>} : memref<4096xi32, #tpu.memory_space<vmem>>, vector<16xi32>,
    %add3A_1054 = arith.addi %get3A_1051, %get3A_1053 : vector<16xi32>
    %get3A_1055 = arith.constant 704 : index
    %get3A_1056 = tpu.vector_load %arg12[%get3A_1055] {strides = array<i32>} : memref<4096xi32, #tpu.memory_space<vmem>>, vector<16xi32>,
    %add3A_1057 = arith.addi %add3A_1054, %get3A_1056 : vector<16xi32>
    %get3A_1058 = arith.constant 960 : index
    %get3A_1059 = tpu.vector_load %arg12[%get3A_1058] {strides = array<i32>} : memref<4096xi32, #tpu.memory_space<vmem>>, vector<16xi32>,
    %add3A_1060 = arith.addi %add3A_1057, %get3A_1059 : vector<16xi32>
    %get3A_1061 = arith.constant 1216 : index
    %get3A_1062 = tpu.vector_load %arg12[%get3A_1061] {strides = array<i32>} : memref<4096xi32, #tpu.memory_space<vmem>>, vector<16xi32>,
    %add3A_1063 = arith.addi %add3A_1060, %get3A_1062 : vector<16xi32>
    %get3A_1064 = arith.constant 1472 : index
    %get3A_1065 = tpu.vector_load %arg12[%get3A_1064] {strides = array<i32>} : memref<4096xi32, #tpu.memory_space<vmem>>, vector<16xi32>,
    %add3A_1066 = arith.addi %add3A_1063, %get3A_1065 : vector<16xi32>
    %get3A_1067 = arith.constant 1728 : index
    %get3A_1068 = tpu.vector_load %arg12[%get3A_1067] {strides = array<i32>} : memref<4096xi32, #tpu.memory_space<vmem>>, vector<16xi32>,
    %add3A_1069 = arith.addi %add3A_1066, %get3A_1068 : vector<16xi32>
    %get3A_1070 = arith.constant 1984 : index
    %get3A_1071 = tpu.vector_load %arg12[%get3A_1070] {strides = array<i32>} : memref<4096xi32, #tpu.memory_space<vmem>>, vector<16xi32>,
    %add3A_1072 = arith.addi %add3A_1069, %get3A_1071 : vector<16xi32>
    %get3A_1073 = arith.constant 2240 : index
    %get3A_1074 = tpu.vector_load %arg12[%get3A_1073] {strides = array<i32>} : memref<4096xi32, #tpu.memory_space<vmem>>, vector<16xi32>,
    %add3A_1075 = arith.addi %add3A_1072, %get3A_1074 : vector<16xi32>
    %get3A_1076 = arith.constant 2496 : index
    %get3A_1077 = tpu.vector_load %arg12[%get3A_1076] {strides = array<i32>} : memref<4096xi32, #tpu.memory_space<vmem>>, vector<16xi32>,
    %add3A_1078 = arith.addi %add3A_1075, %get3A_1077 : vector<16xi32>
    %get3A_1079 = arith.constant 2752 : index
    %get3A_1080 = tpu.vector_load %arg12[%get3A_1079] {strides = array<i32>} : memref<4096xi32, #tpu.memory_space<vmem>>, vector<16xi32>,
    %add3A_1081 = arith.addi %add3A_1078, %get3A_1080 : vector<16xi32>
    %get3A_1082 = arith.constant 3008 : index
    %get3A_1083 = tpu.vector_load %arg12[%get3A_1082] {strides = array<i32>} : memref<4096xi32, #tpu.memory_space<vmem>>, vector<16xi32>,
    %add3A_1084 = arith.addi %add3A_1081, %get3A_1083 : vector<16xi32>
    %get3A_1085 = arith.constant 3264 : index
    %get3A_1086 = tpu.vector_load %arg12[%get3A_1085] {strides = array<i32>} : memref<4096xi32, #tpu.memory_space<vmem>>, vector<16xi32>,
    %add3A_1087 = arith.addi %add3A_1084, %get3A_1086 : vector<16xi32>
    %get3A_1088 = arith.constant 3520 : index
    %get3A_1089 = tpu.vector_load %arg12[%get3A_1088] {strides = array<i32>} : memref<4096xi32, #tpu.memory_space<vmem>>, vector<16xi32>,
    %add3A_1090 = arith.addi %add3A_1087, %get3A_1089 : vector<16xi32>
    %get3A_1091 = arith.constant 3776 : index
    %get3A_1092 = tpu.vector_load %arg12[%get3A_1091] {strides = array<i32>} : memref<4096xi32, #tpu.memory_space<vmem>>, vector<16xi32>,
    %add3A_1093 = arith.addi %add3A_1090, %get3A_1092 : vector<16xi32>
    %get3A_1094 = arith.constant 4032 : index
    %get3A_1095 = tpu.vector_load %arg12[%get3A_1094] {strides = array<i32>} : memref<4096xi32, #tpu.memory_space<vmem>>, vector<16xi32>,
    %add3A_1096 = arith.addi %add3A_1093, %get3A_1095 : vector<16xi32>
    %swap3A_1097 = arith.constant 192 : index
    %swap3A_1098 = tpu.vector_load %arg13[%swap3A_1097] {strides = array<i32>} : memref<256xi32, #tpu.memory_space<vmem>>, vector<16xi32>,
    tpu.vector_store %arg13[%swap3A_1097], %add3A_1096 {strides = array<i32>} : memref<256xi32, #tpu.memory_space<vmem>>, vector<16xi32>,
    %get3A_1099 = arith.constant 208 : index
    %get3A_1100 = tpu.vector_load %arg12[%get3A_1099] {strides = array<i32>} : memref<4096xi32, #tpu.memory_space<vmem>>, vector<16xi32>,
    %get3A_1101 = arith.constant 464 : index
    %get3A_1102 = tpu.vector_load %arg12[%get3A_1101] {strides = array<i32>} : memref<4096xi32, #tpu.memory_space<vmem>>, vector<16xi32>,
    %add3A_1103 = arith.addi %get3A_1100, %get3A_1102 : vector<16xi32>
    %get3A_1104 = arith.constant 720 : index
    %get3A_1105 = tpu.vector_load %arg12[%get3A_1104] {strides = array<i32>} : memref<4096xi32, #tpu.memory_space<vmem>>, vector<16xi32>,
    %add3A_1106 = arith.addi %add3A_1103, %get3A_1105 : vector<16xi32>
    %get3A_1107 = arith.constant 976 : index
    %get3A_1108 = tpu.vector_load %arg12[%get3A_1107] {strides = array<i32>} : memref<4096xi32, #tpu.memory_space<vmem>>, vector<16xi32>,
    %add3A_1109 = arith.addi %add3A_1106, %get3A_1108 : vector<16xi32>
    %get3A_1110 = arith.constant 1232 : index
    %get3A_1111 = tpu.vector_load %arg12[%get3A_1110] {strides = array<i32>} : memref<4096xi32, #tpu.memory_space<vmem>>, vector<16xi32>,
    %add3A_1112 = arith.addi %add3A_1109, %get3A_1111 : vector<16xi32>
    %get3A_1113 = arith.constant 1488 : index
    %get3A_1114 = tpu.vector_load %arg12[%get3A_1113] {strides = array<i32>} : memref<4096xi32, #tpu.memory_space<vmem>>, vector<16xi32>,
    %add3A_1115 = arith.addi %add3A_1112, %get3A_1114 : vector<16xi32>
    %get3A_1116 = arith.constant 1744 : index
    %get3A_1117 = tpu.vector_load %arg12[%get3A_1116] {strides = array<i32>} : memref<4096xi32, #tpu.memory_space<vmem>>, vector<16xi32>,
    %add3A_1118 = arith.addi %add3A_1115, %get3A_1117 : vector<16xi32>
    %get3A_1119 = arith.constant 2000 : index
    %get3A_1120 = tpu.vector_load %arg12[%get3A_1119] {strides = array<i32>} : memref<4096xi32, #tpu.memory_space<vmem>>, vector<16xi32>,
    %add3A_1121 = arith.addi %add3A_1118, %get3A_1120 : vector<16xi32>
    %get3A_1122 = arith.constant 2256 : index
    %get3A_1123 = tpu.vector_load %arg12[%get3A_1122] {strides = array<i32>} : memref<4096xi32, #tpu.memory_space<vmem>>, vector<16xi32>,
    %add3A_1124 = arith.addi %add3A_1121, %get3A_1123 : vector<16xi32>
    %get3A_1125 = arith.constant 2512 : index
    %get3A_1126 = tpu.vector_load %arg12[%get3A_1125] {strides = array<i32>} : memref<4096xi32, #tpu.memory_space<vmem>>, vector<16xi32>,
    %add3A_1127 = arith.addi %add3A_1124, %get3A_1126 : vector<16xi32>
    %get3A_1128 = arith.constant 2768 : index
    %get3A_1129 = tpu.vector_load %arg12[%get3A_1128] {strides = array<i32>} : memref<4096xi32, #tpu.memory_space<vmem>>, vector<16xi32>,
    %add3A_1130 = arith.addi %add3A_1127, %get3A_1129 : vector<16xi32>
    %get3A_1131 = arith.constant 3024 : index
    %get3A_1132 = tpu.vector_load %arg12[%get3A_1131] {strides = array<i32>} : memref<4096xi32, #tpu.memory_space<vmem>>, vector<16xi32>,
    %add3A_1133 = arith.addi %add3A_1130, %get3A_1132 : vector<16xi32>
    %get3A_1134 = arith.constant 3280 : index
    %get3A_1135 = tpu.vector_load %arg12[%get3A_1134] {strides = array<i32>} : memref<4096xi32, #tpu.memory_space<vmem>>, vector<16xi32>,
    %add3A_1136 = arith.addi %add3A_1133, %get3A_1135 : vector<16xi32>
    %get3A_1137 = arith.constant 3536 : index
    %get3A_1138 = tpu.vector_load %arg12[%get3A_1137] {strides = array<i32>} : memref<4096xi32, #tpu.memory_space<vmem>>, vector<16xi32>,
    %add3A_1139 = arith.addi %add3A_1136, %get3A_1138 : vector<16xi32>
    %get3A_1140 = arith.constant 3792 : index
    %get3A_1141 = tpu.vector_load %arg12[%get3A_1140] {strides = array<i32>} : memref<4096xi32, #tpu.memory_space<vmem>>, vector<16xi32>,
    %add3A_1142 = arith.addi %add3A_1139, %get3A_1141 : vector<16xi32>
    %get3A_1143 = arith.constant 4048 : index
    %get3A_1144 = tpu.vector_load %arg12[%get3A_1143] {strides = array<i32>} : memref<4096xi32, #tpu.memory_space<vmem>>, vector<16xi32>,
    %add3A_1145 = arith.addi %add3A_1142, %get3A_1144 : vector<16xi32>
    %swap3A_1146 = arith.constant 208 : index
    %swap3A_1147 = tpu.vector_load %arg13[%swap3A_1146] {strides = array<i32>} : memref<256xi32, #tpu.memory_space<vmem>>, vector<16xi32>,
    tpu.vector_store %arg13[%swap3A_1146], %add3A_1145 {strides = array<i32>} : memref<256xi32, #tpu.memory_space<vmem>>, vector<16xi32>,
    %get3A_1148 = arith.constant 224 : index
    %get3A_1149 = tpu.vector_load %arg12[%get3A_1148] {strides = array<i32>} : memref<4096xi32, #tpu.memory_space<vmem>>, vector<16xi32>,
    %get3A_1150 = arith.constant 480 : index
    %get3A_1151 = tpu.vector_load %arg12[%get3A_1150] {strides = array<i32>} : memref<4096xi32, #tpu.memory_space<vmem>>, vector<16xi32>,
    %add3A_1152 = arith.addi %get3A_1149, %get3A_1151 : vector<16xi32>
    %get3A_1153 = arith.constant 736 : index
    %get3A_1154 = tpu.vector_load %arg12[%get3A_1153] {strides = array<i32>} : memref<4096xi32, #tpu.memory_space<vmem>>, vector<16xi32>,
    %add3A_1155 = arith.addi %add3A_1152, %get3A_1154 : vector<16xi32>
    %get3A_1156 = arith.constant 992 : index
    %get3A_1157 = tpu.vector_load %arg12[%get3A_1156] {strides = array<i32>} : memref<4096xi32, #tpu.memory_space<vmem>>, vector<16xi32>,
    %add3A_1158 = arith.addi %add3A_1155, %get3A_1157 : vector<16xi32>
    %get3A_1159 = arith.constant 1248 : index
    %get3A_1160 = tpu.vector_load %arg12[%get3A_1159] {strides = array<i32>} : memref<4096xi32, #tpu.memory_space<vmem>>, vector<16xi32>,
    %add3A_1161 = arith.addi %add3A_1158, %get3A_1160 : vector<16xi32>
    %get3A_1162 = arith.constant 1504 : index
    %get3A_1163 = tpu.vector_load %arg12[%get3A_1162] {strides = array<i32>} : memref<4096xi32, #tpu.memory_space<vmem>>, vector<16xi32>,
    %add3A_1164 = arith.addi %add3A_1161, %get3A_1163 : vector<16xi32>
    %get3A_1165 = arith.constant 1760 : index
    %get3A_1166 = tpu.vector_load %arg12[%get3A_1165] {strides = array<i32>} : memref<4096xi32, #tpu.memory_space<vmem>>, vector<16xi32>,
    %add3A_1167 = arith.addi %add3A_1164, %get3A_1166 : vector<16xi32>
    %get3A_1168 = arith.constant 2016 : index
    %get3A_1169 = tpu.vector_load %arg12[%get3A_1168] {strides = array<i32>} : memref<4096xi32, #tpu.memory_space<vmem>>, vector<16xi32>,
    %add3A_1170 = arith.addi %add3A_1167, %get3A_1169 : vector<16xi32>
    %get3A_1171 = arith.constant 2272 : index
    %get3A_1172 = tpu.vector_load %arg12[%get3A_1171] {strides = array<i32>} : memref<4096xi32, #tpu.memory_space<vmem>>, vector<16xi32>,
    %add3A_1173 = arith.addi %add3A_1170, %get3A_1172 : vector<16xi32>
    %get3A_1174 = arith.constant 2528 : index
    %get3A_1175 = tpu.vector_load %arg12[%get3A_1174] {strides = array<i32>} : memref<4096xi32, #tpu.memory_space<vmem>>, vector<16xi32>,
    %add3A_1176 = arith.addi %add3A_1173, %get3A_1175 : vector<16xi32>
    %get3A_1177 = arith.constant 2784 : index
    %get3A_1178 = tpu.vector_load %arg12[%get3A_1177] {strides = array<i32>} : memref<4096xi32, #tpu.memory_space<vmem>>, vector<16xi32>,
    %add3A_1179 = arith.addi %add3A_1176, %get3A_1178 : vector<16xi32>
    %get3A_1180 = arith.constant 3040 : index
    %get3A_1181 = tpu.vector_load %arg12[%get3A_1180] {strides = array<i32>} : memref<4096xi32, #tpu.memory_space<vmem>>, vector<16xi32>,
    %add3A_1182 = arith.addi %add3A_1179, %get3A_1181 : vector<16xi32>
    %get3A_1183 = arith.constant 3296 : index
    %get3A_1184 = tpu.vector_load %arg12[%get3A_1183] {strides = array<i32>} : memref<4096xi32, #tpu.memory_space<vmem>>, vector<16xi32>,
    %add3A_1185 = arith.addi %add3A_1182, %get3A_1184 : vector<16xi32>
    %get3A_1186 = arith.constant 3552 : index
    %get3A_1187 = tpu.vector_load %arg12[%get3A_1186] {strides = array<i32>} : memref<4096xi32, #tpu.memory_space<vmem>>, vector<16xi32>,
    %add3A_1188 = arith.addi %add3A_1185, %get3A_1187 : vector<16xi32>
    %get3A_1189 = arith.constant 3808 : index
    %get3A_1190 = tpu.vector_load %arg12[%get3A_1189] {strides = array<i32>} : memref<4096xi32, #tpu.memory_space<vmem>>, vector<16xi32>,
    %add3A_1191 = arith.addi %add3A_1188, %get3A_1190 : vector<16xi32>
    %get3A_1192 = arith.constant 4064 : index
    %get3A_1193 = tpu.vector_load %arg12[%get3A_1192] {strides = array<i32>} : memref<4096xi32, #tpu.memory_space<vmem>>, vector<16xi32>,
    %add3A_1194 = arith.addi %add3A_1191, %get3A_1193 : vector<16xi32>
    %swap3A_1195 = arith.constant 224 : index
    %swap3A_1196 = tpu.vector_load %arg13[%swap3A_1195] {strides = array<i32>} : memref<256xi32, #tpu.memory_space<vmem>>, vector<16xi32>,
    tpu.vector_store %arg13[%swap3A_1195], %add3A_1194 {strides = array<i32>} : memref<256xi32, #tpu.memory_space<vmem>>, vector<16xi32>,
    %get3A_1197 = arith.constant 240 : index
    %get3A_1198 = tpu.vector_load %arg12[%get3A_1197] {strides = array<i32>} : memref<4096xi32, #tpu.memory_space<vmem>>, vector<16xi32>,
    %get3A_1199 = arith.constant 496 : index
    %get3A_1200 = tpu.vector_load %arg12[%get3A_1199] {strides = array<i32>} : memref<4096xi32, #tpu.memory_space<vmem>>, vector<16xi32>,
    %add3A_1201 = arith.addi %get3A_1198, %get3A_1200 : vector<16xi32>
    %get3A_1202 = arith.constant 752 : index
    %get3A_1203 = tpu.vector_load %arg12[%get3A_1202] {strides = array<i32>} : memref<4096xi32, #tpu.memory_space<vmem>>, vector<16xi32>,
    %add3A_1204 = arith.addi %add3A_1201, %get3A_1203 : vector<16xi32>
    %get3A_1205 = arith.constant 1008 : index
    %get3A_1206 = tpu.vector_load %arg12[%get3A_1205] {strides = array<i32>} : memref<4096xi32, #tpu.memory_space<vmem>>, vector<16xi32>,
    %add3A_1207 = arith.addi %add3A_1204, %get3A_1206 : vector<16xi32>
    %get3A_1208 = arith.constant 1264 : index
    %get3A_1209 = tpu.vector_load %arg12[%get3A_1208] {strides = array<i32>} : memref<4096xi32, #tpu.memory_space<vmem>>, vector<16xi32>,
    %add3A_1210 = arith.addi %add3A_1207, %get3A_1209 : vector<16xi32>
    %get3A_1211 = arith.constant 1520 : index
    %get3A_1212 = tpu.vector_load %arg12[%get3A_1211] {strides = array<i32>} : memref<4096xi32, #tpu.memory_space<vmem>>, vector<16xi32>,
    %add3A_1213 = arith.addi %add3A_1210, %get3A_1212 : vector<16xi32>
    %get3A_1214 = arith.constant 1776 : index
    %get3A_1215 = tpu.vector_load %arg12[%get3A_1214] {strides = array<i32>} : memref<4096xi32, #tpu.memory_space<vmem>>, vector<16xi32>,
    %add3A_1216 = arith.addi %add3A_1213, %get3A_1215 : vector<16xi32>
    %get3A_1217 = arith.constant 2032 : index
    %get3A_1218 = tpu.vector_load %arg12[%get3A_1217] {strides = array<i32>} : memref<4096xi32, #tpu.memory_space<vmem>>, vector<16xi32>,
    %add3A_1219 = arith.addi %add3A_1216, %get3A_1218 : vector<16xi32>
    %get3A_1220 = arith.constant 2288 : index
    %get3A_1221 = tpu.vector_load %arg12[%get3A_1220] {strides = array<i32>} : memref<4096xi32, #tpu.memory_space<vmem>>, vector<16xi32>,
    %add3A_1222 = arith.addi %add3A_1219, %get3A_1221 : vector<16xi32>
    %get3A_1223 = arith.constant 2544 : index
    %get3A_1224 = tpu.vector_load %arg12[%get3A_1223] {strides = array<i32>} : memref<4096xi32, #tpu.memory_space<vmem>>, vector<16xi32>,
    %add3A_1225 = arith.addi %add3A_1222, %get3A_1224 : vector<16xi32>
    %get3A_1226 = arith.constant 2800 : index
    %get3A_1227 = tpu.vector_load %arg12[%get3A_1226] {strides = array<i32>} : memref<4096xi32, #tpu.memory_space<vmem>>, vector<16xi32>,
    %add3A_1228 = arith.addi %add3A_1225, %get3A_1227 : vector<16xi32>
    %get3A_1229 = arith.constant 3056 : index
    %get3A_1230 = tpu.vector_load %arg12[%get3A_1229] {strides = array<i32>} : memref<4096xi32, #tpu.memory_space<vmem>>, vector<16xi32>,
    %add3A_1231 = arith.addi %add3A_1228, %get3A_1230 : vector<16xi32>
    %get3A_1232 = arith.constant 3312 : index
    %get3A_1233 = tpu.vector_load %arg12[%get3A_1232] {strides = array<i32>} : memref<4096xi32, #tpu.memory_space<vmem>>, vector<16xi32>,
    %add3A_1234 = arith.addi %add3A_1231, %get3A_1233 : vector<16xi32>
    %get3A_1235 = arith.constant 3568 : index
    %get3A_1236 = tpu.vector_load %arg12[%get3A_1235] {strides = array<i32>} : memref<4096xi32, #tpu.memory_space<vmem>>, vector<16xi32>,
    %add3A_1237 = arith.addi %add3A_1234, %get3A_1236 : vector<16xi32>
    %get3A_1238 = arith.constant 3824 : index
    %get3A_1239 = tpu.vector_load %arg12[%get3A_1238] {strides = array<i32>} : memref<4096xi32, #tpu.memory_space<vmem>>, vector<16xi32>,
    %add3A_1240 = arith.addi %add3A_1237, %get3A_1239 : vector<16xi32>
    %get3A_1241 = arith.constant 4080 : index
    %get3A_1242 = tpu.vector_load %arg12[%get3A_1241] {strides = array<i32>} : memref<4096xi32, #tpu.memory_space<vmem>>, vector<16xi32>,
    %add3A_1243 = arith.addi %add3A_1240, %get3A_1242 : vector<16xi32>
    %swap3A_1244 = arith.constant 240 : index
    %swap3A_1245 = tpu.vector_load %arg13[%swap3A_1244] {strides = array<i32>} : memref<256xi32, #tpu.memory_space<vmem>>, vector<16xi32>,
    tpu.vector_store %arg13[%swap3A_1244], %add3A_1243 {strides = array<i32>} : memref<256xi32, #tpu.memory_space<vmem>>, vector<16xi32>,
    "tpu.region"() ({
      %run_scoped3A = tpu.sem_alloc : memref<!tpu.dma_semaphore, #tpu.memory_space<semaphore_mem>>
      %dma_start3A_1246 = arith.constant 0 : i32
      %dma_start3A_1247 = tpu.memref_slice %arg6[%add3A, %dma_start3A_1246] : memref<32x256xi32, #tpu.memory_space<hbm>> -> memref<1x256xi32, #tpu.memory_space<hbm>>
      %dma_start3A_1248 = tpu.memref_squeeze %dma_start3A_1247 : memref<1x256xi32, #tpu.memory_space<hbm>> -> memref<256xi32, #tpu.memory_space<hbm>>
      %dma_start3A_1249 = arith.constant 0 : i32
      %dma_start3A_1250 = tpu.memref_slice %arg6[%add3A, %dma_start3A_1249] : memref<32x256xi32, #tpu.memory_space<hbm>> -> memref<1x256xi32, #tpu.memory_space<hbm>>
      %dma_start3A_1251 = tpu.memref_squeeze %dma_start3A_1250 : memref<1x256xi32, #tpu.memory_space<hbm>> -> memref<256xi32, #tpu.memory_space<hbm>>
      tpu.enqueue_dma source(%arg13 : memref<256xi32, #tpu.memory_space<vmem>>) target(%dma_start3A_1251 : memref<256xi32, #tpu.memory_space<hbm>>) target_semaphore(%run_scoped3A : memref<!tpu.dma_semaphore, #tpu.memory_space<semaphore_mem>>)
      %dma_wait3A_1252 = arith.constant 0 : i32
      %dma_wait3A_1253 = tpu.memref_slice %arg6[%add3A, %dma_wait3A_1252] : memref<32x256xi32, #tpu.memory_space<hbm>> -> memref<1x256xi32, #tpu.memory_space<hbm>>
      %dma_wait3A_1254 = tpu.memref_squeeze %dma_wait3A_1253 : memref<1x256xi32, #tpu.memory_space<hbm>> -> memref<256xi32, #tpu.memory_space<hbm>>
      %dma_wait3A_1255 = arith.constant 0 : i32
      %dma_wait3A_1256 = tpu.memref_slice %arg6[%add3A, %dma_wait3A_1255] : memref<32x256xi32, #tpu.memory_space<hbm>> -> memref<1x256xi32, #tpu.memory_space<hbm>>
      %dma_wait3A_1257 = tpu.memref_squeeze %dma_wait3A_1256 : memref<1x256xi32, #tpu.memory_space<hbm>> -> memref<256xi32, #tpu.memory_space<hbm>>
      tpu.wait_dma2 semaphore(%run_scoped3A : memref<!tpu.dma_semaphore, #tpu.memory_space<semaphore_mem>>) src(%arg13 : memref<256xi32, #tpu.memory_space<vmem>>) dst(%dma_wait3A_1257 : memref<256xi32, #tpu.memory_space<hbm>>)
      tpu.yield
    }) : () -> ()
    return
  }
}

module attributes {stable_mosaic.version = 14 : i64} {
  func.func @_final_body(%arg0: memref<32x256xi32, #tpu.memory_space<vmem>>, %arg1: memref<32x16xf32, #tpu.memory_space<vmem>>, %arg2: memref<32x16xf32, #tpu.memory_space<vmem>>, %arg3: memref<1x1xf32, #tpu.memory_space<vmem>>, %arg4: memref<1x1xf32, #tpu.memory_space<vmem>>, %arg5: memref<1x1xf32, #tpu.memory_space<vmem>>) attributes {dimension_semantics = [], scalar_prefetch = 0 : i64, scratch_operands = 0 : i64, tpu.core_type = #tpu.core_type<tc>} {
    %get3A = arith.constant 0 : index
    %get3A_0 = arith.constant 0 : index
    %get3A_1 = vector.load %arg1[%get3A, %get3A_0] : memref<32x16xf32, #tpu.memory_space<vmem>>, vector<32x16xf32>
    %reduce_min3A = vector.shape_cast %get3A_1 : vector<32x16xf32> to vector<1x32x16xf32>
    %reduce_min3A_2 = arith.constant dense<0x7F800000> : vector<1xf32>
    %reduce_min3A_3 = vector.multi_reduction <minimumf>, %reduce_min3A, %reduce_min3A_2 [1, 2] : vector<1x32x16xf32> to vector<1xf32>
    %reduce_min3A_4 = vector.shape_cast %reduce_min3A_3 : vector<1xf32> to vector<1x1x1xf32>
    %reduce_min3A_5 = vector.extract %reduce_min3A_4[0, 0, 0] : f32 from vector<1x1x1xf32>
    %get3A_6 = arith.constant 0 : index
    %get3A_7 = arith.constant 0 : index
    %get3A_8 = vector.load %arg2[%get3A_6, %get3A_7] : memref<32x16xf32, #tpu.memory_space<vmem>>, vector<32x16xf32>
    %reduce_max3A = vector.shape_cast %get3A_8 : vector<32x16xf32> to vector<1x32x16xf32>
    %reduce_max3A_9 = arith.constant dense<0xFF800000> : vector<1xf32>
    %reduce_max3A_10 = vector.multi_reduction <maximumf>, %reduce_max3A, %reduce_max3A_9 [1, 2] : vector<1x32x16xf32> to vector<1xf32>
    %reduce_max3A_11 = vector.shape_cast %reduce_max3A_10 : vector<1xf32> to vector<1x1x1xf32>
    %reduce_max3A_12 = vector.extract %reduce_max3A_11[0, 0, 0] : f32 from vector<1x1x1xf32>
    %get3A_13 = arith.constant 0 : index
    %get3A_14 = arith.constant 0 : index
    %get3A_15 = vector.load %arg0[%get3A_13, %get3A_14] : memref<32x256xi32, #tpu.memory_space<vmem>>, vector<32x256xi32>
    %convert_element_type3A = arith.sitofp %get3A_15 : vector<32x256xi32> to vector<32x256xf32>
    %reduce_sum3A = arith.constant dense<0.000000e+00> : vector<256xf32>
    %reduce_sum3A_16 = vector.multi_reduction <add>, %convert_element_type3A, %reduce_sum3A [0] : vector<32x256xf32> to vector<256xf32>
    %reduce_sum3A_17 = vector.shape_cast %reduce_sum3A_16 : vector<256xf32> to vector<1x256xf32>
    %reduce_sum3A_18 = arith.constant dense<0.000000e+00> : vector<1xf32>
    %reduce_sum3A_19 = vector.multi_reduction <add>, %reduce_sum3A_17, %reduce_sum3A_18 [1] : vector<1x256xf32> to vector<1xf32>
    %reduce_sum3A_20 = vector.shape_cast %reduce_sum3A_19 : vector<1xf32> to vector<1x1xf32>
    %reduce_sum3A_21 = vector.extract %reduce_sum3A_20[0, 0] : f32 from vector<1x1xf32>
    %div3A = vector.broadcast %reduce_sum3A_21 : f32 to vector<256xf32>
    %div3A_22 = arith.divf %reduce_sum3A_16, %div3A : vector<256xf32>
    %add3A = arith.constant 1.000000e-10 : f32
    %add3A_23 = vector.broadcast %add3A : f32 to vector<256xf32>
    %add3A_24 = arith.addf %div3A_22, %add3A_23 : vector<256xf32>
    %log3A = math.log %add3A_24 : vector<256xf32>
    %mul3A = arith.constant 1.44269502 : f32
    %mul3A_25 = vector.broadcast %mul3A : f32 to vector<256xf32>
    %mul3A_26 = arith.mulf %log3A, %mul3A_25 : vector<256xf32>
    %mul3A_27 = arith.mulf %div3A_22, %mul3A_26 : vector<256xf32>
    %reduce_sum3A_28 = vector.shape_cast %mul3A_27 : vector<256xf32> to vector<1x256xf32>
    %reduce_sum3A_29 = arith.constant dense<0.000000e+00> : vector<1xf32>
    %reduce_sum3A_30 = vector.multi_reduction <add>, %reduce_sum3A_28, %reduce_sum3A_29 [1] : vector<1x256xf32> to vector<1xf32>
    %reduce_sum3A_31 = vector.shape_cast %reduce_sum3A_30 : vector<1xf32> to vector<1x1xf32>
    %reduce_sum3A_32 = vector.extract %reduce_sum3A_31[0, 0] : f32 from vector<1x1xf32>
    %neg3A = arith.constant 0.000000e+00 : f32
    %neg3A_33 = arith.subf %neg3A, %reduce_sum3A_32 : f32
    %broadcast_in_dim3A = vector.broadcast %reduce_min3A_5 : f32 to vector<1x1xf32>
    %swap3A = arith.constant 0 : index
    %swap3A_34 = arith.constant 0 : index
    %swap3A_35 = vector.load %arg3[%swap3A, %swap3A_34] : memref<1x1xf32, #tpu.memory_space<vmem>>, vector<1x1xf32>
    tpu.vector_store %arg3[%swap3A, %swap3A_34], %broadcast_in_dim3A {strides = array<i32>} : memref<1x1xf32, #tpu.memory_space<vmem>>, vector<1x1xf32>,
    %broadcast_in_dim3A_36 = vector.broadcast %reduce_max3A_12 : f32 to vector<1x1xf32>
    %swap3A_37 = arith.constant 0 : index
    %swap3A_38 = arith.constant 0 : index
    %swap3A_39 = vector.load %arg4[%swap3A_37, %swap3A_38] : memref<1x1xf32, #tpu.memory_space<vmem>>, vector<1x1xf32>
    tpu.vector_store %arg4[%swap3A_37, %swap3A_38], %broadcast_in_dim3A_36 {strides = array<i32>} : memref<1x1xf32, #tpu.memory_space<vmem>>, vector<1x1xf32>,
    %broadcast_in_dim3A_40 = vector.broadcast %neg3A_33 : f32 to vector<1x1xf32>
    %swap3A_41 = arith.constant 0 : index
    %swap3A_42 = arith.constant 0 : index
    %swap3A_43 = vector.load %arg5[%swap3A_41, %swap3A_42] : memref<1x1xf32, #tpu.memory_space<vmem>>, vector<1x1xf32>
    tpu.vector_store %arg5[%swap3A_41, %swap3A_42], %broadcast_in_dim3A_40 {strides = array<i32>} : memref<1x1xf32, #tpu.memory_space<vmem>>, vector<1x1xf32>,
    return
  }
}

module attributes {stable_mosaic.version = 14 : i64} {
  func.func @_minmax_tc_body(%arg0: i32, %arg1: memref<512x4096xf32, #tpu.memory_space<vmem>>, %arg2: memref<32x16xf32, #tpu.memory_space<vmem>>, %arg3: memref<32x16xf32, #tpu.memory_space<vmem>>, %arg4: memref<1xf32, #tpu.memory_space<smem>>, %arg5: memref<1xf32, #tpu.memory_space<smem>>) attributes {dimension_semantics = [#tpu.dimension_semantics<arbitrary>], iteration_bounds = array<i64: 8>, scalar_prefetch = 0 : i64, scratch_operands = 2 : i64, tpu.core_type = #tpu.core_type<tc>, window_params = [{transform_indices = @transform_0, window_bounds = array<i64: 512, 4096>}, {pipeline_mode = #tpu.pipeline_mode<synchronous>, transform_indices = @transform_1, window_bounds = array<i64: 32, 16>}, {pipeline_mode = #tpu.pipeline_mode<synchronous>, transform_indices = @transform_2, window_bounds = array<i64: 32, 16>}]} {
    %eq3A = arith.constant 0 : i32
    %eq3A_0 = arith.cmpi eq, %arg0, %eq3A : i32
    %convert_element_type3A = arith.extui %eq3A_0 : i1 to i32
    %cond3A = arith.constant 0 : i32
    %cond3A_1 = arith.cmpi ne, %convert_element_type3A, %cond3A : i32
    scf.if %cond3A_1 {
      %swap3A_27 = arith.constant 0x7F800000 : f32
      %swap3A_28 = arith.constant 0 : index
      %swap3A_29 = memref.load %arg4[%swap3A_28] : memref<1xf32, #tpu.memory_space<smem>>
      memref.store %swap3A_27, %arg4[%swap3A_28] : memref<1xf32, #tpu.memory_space<smem>>
      %swap3A_30 = arith.constant 0xFF800000 : f32
      %swap3A_31 = arith.constant 0 : index
      %swap3A_32 = memref.load %arg5[%swap3A_31] : memref<1xf32, #tpu.memory_space<smem>>
      memref.store %swap3A_30, %arg5[%swap3A_31] : memref<1xf32, #tpu.memory_space<smem>>
    } else {
    }
    %get3A = arith.constant 0 : index
    %get3A_2 = memref.load %arg4[%get3A] : memref<1xf32, #tpu.memory_space<smem>>
    %get3A_3 = arith.constant 0 : index
    %get3A_4 = arith.constant 0 : index
    %get3A_5 = vector.load %arg1[%get3A_3, %get3A_4] : memref<512x4096xf32, #tpu.memory_space<vmem>>, vector<512x4096xf32>
    %reduce_min3A = vector.shape_cast %get3A_5 : vector<512x4096xf32> to vector<1x512x4096xf32>
    %reduce_min3A_6 = arith.constant dense<0x7F800000> : vector<1xf32>
    %reduce_min3A_7 = vector.multi_reduction <minimumf>, %reduce_min3A, %reduce_min3A_6 [1, 2] : vector<1x512x4096xf32> to vector<1xf32>
    %reduce_min3A_8 = vector.shape_cast %reduce_min3A_7 : vector<1xf32> to vector<1x1x1xf32>
    %reduce_min3A_9 = vector.extract %reduce_min3A_8[0, 0, 0] : f32 from vector<1x1x1xf32>
    %min3A = arith.minimumf %get3A_2, %reduce_min3A_9 : f32
    %swap3A = arith.constant 0 : index
    %swap3A_10 = memref.load %arg4[%swap3A] : memref<1xf32, #tpu.memory_space<smem>>
    memref.store %min3A, %arg4[%swap3A] : memref<1xf32, #tpu.memory_space<smem>>
    %get3A_11 = arith.constant 0 : index
    %get3A_12 = memref.load %arg5[%get3A_11] : memref<1xf32, #tpu.memory_space<smem>>
    %get3A_13 = arith.constant 0 : index
    %get3A_14 = arith.constant 0 : index
    %get3A_15 = vector.load %arg1[%get3A_13, %get3A_14] : memref<512x4096xf32, #tpu.memory_space<vmem>>, vector<512x4096xf32>
    %reduce_max3A = vector.shape_cast %get3A_15 : vector<512x4096xf32> to vector<1x512x4096xf32>
    %reduce_max3A_16 = arith.constant dense<0xFF800000> : vector<1xf32>
    %reduce_max3A_17 = vector.multi_reduction <maximumf>, %reduce_max3A, %reduce_max3A_16 [1, 2] : vector<1x512x4096xf32> to vector<1xf32>
    %reduce_max3A_18 = vector.shape_cast %reduce_max3A_17 : vector<1xf32> to vector<1x1x1xf32>
    %reduce_max3A_19 = vector.extract %reduce_max3A_18[0, 0, 0] : f32 from vector<1x1x1xf32>
    %max3A = arith.maximumf %get3A_12, %reduce_max3A_19 : f32
    %swap3A_20 = arith.constant 0 : index
    %swap3A_21 = memref.load %arg5[%swap3A_20] : memref<1xf32, #tpu.memory_space<smem>>
    memref.store %max3A, %arg5[%swap3A_20] : memref<1xf32, #tpu.memory_space<smem>>
    %eq3A_22 = arith.constant 7 : i32
    %eq3A_23 = arith.cmpi eq, %arg0, %eq3A_22 : i32
    %convert_element_type3A_24 = arith.extui %eq3A_23 : i1 to i32
    %cond3A_25 = arith.constant 0 : i32
    %cond3A_26 = arith.cmpi ne, %convert_element_type3A_24, %cond3A_25 : i32
    scf.if %cond3A_26 {
      %get3A_27 = arith.constant 0 : index
      %get3A_28 = memref.load %arg4[%get3A_27] : memref<1xf32, #tpu.memory_space<smem>>
      %broadcast_in_dim3A = vector.broadcast %get3A_28 : f32 to vector<32x16xf32>
      %swap3A_29 = arith.constant 0 : index
      %swap3A_30 = arith.constant 0 : index
      %swap3A_31 = vector.load %arg2[%swap3A_29, %swap3A_30] : memref<32x16xf32, #tpu.memory_space<vmem>>, vector<32x16xf32>
      tpu.vector_store %arg2[%swap3A_29, %swap3A_30], %broadcast_in_dim3A {strides = array<i32>} : memref<32x16xf32, #tpu.memory_space<vmem>>, vector<32x16xf32>,
      %get3A_32 = arith.constant 0 : index
      %get3A_33 = memref.load %arg5[%get3A_32] : memref<1xf32, #tpu.memory_space<smem>>
      %broadcast_in_dim3A_34 = vector.broadcast %get3A_33 : f32 to vector<32x16xf32>
      %swap3A_35 = arith.constant 0 : index
      %swap3A_36 = arith.constant 0 : index
      %swap3A_37 = vector.load %arg3[%swap3A_35, %swap3A_36] : memref<32x16xf32, #tpu.memory_space<vmem>>, vector<32x16xf32>
      tpu.vector_store %arg3[%swap3A_35, %swap3A_36], %broadcast_in_dim3A_34 {strides = array<i32>} : memref<32x16xf32, #tpu.memory_space<vmem>>, vector<32x16xf32>,
    } else {
    }
    return
  }
  func.func @transform_0(%arg0: i32) -> (i32, i32) {
    %c0_i32 = arith.constant 0 : i32
    %c0_i32_0 = arith.constant 0 : i32
    return %arg0, %c0_i32 : i32, i32
  }
  func.func @transform_1(%arg0: i32) -> (i32, i32) {
    %c0_i32 = arith.constant 0 : i32
    %c0_i32_0 = arith.constant 0 : i32
    %c0_i32_1 = arith.constant 0 : i32
    return %c0_i32, %c0_i32_0 : i32, i32
  }
  func.func @transform_2(%arg0: i32) -> (i32, i32) {
    %c0_i32 = arith.constant 0 : i32
    %c0_i32_0 = arith.constant 0 : i32
    %c0_i32_1 = arith.constant 0 : i32
    return %c0_i32, %c0_i32_0 : i32, i32
  }
}

</mosaic_0001>

<sc_bundles>
// kernel: kernel.5.cloned.1.call-start
scs
__scs_entry_jumppad:
0x0: {  	(pc) =	sbr.rel $0x88, $3  }
0x1: {  	(tag) =	ssettag $0x0;
	lr =	simm.s32 $0x1  }
0x2: {  	[smem:$0x3FA0] =	sst lr;
	_ =	strace $0xD0000000  }
0x3: {  	_ = 	snop  }
0x4: {  	_ = 	snop  }
0x5: {  	_ = 	snop  }
0x6: {  	_ = 	snop  }
0x7: {  	_ = 	snop  }
__scs_overlays_trampoline_lowered:
0x8: {  	[smem:$0x3FAF] =	sst s0  }
0x9: {  	[smem:$0x3FB0] =	sst s1  }
0xa: {  	[smem:$0x3FB1] =	sst s2  }
0xb: {  	[smem:$0x3FB2] =	sst s3  }
0xc: {  	[smem:$0x3FB3] =	sst s4  }
0xd: {  	[smem:$0x3FB4] =	sst s5  }
0xe: {  	[smem:$0x3FB5] =	sst s6  }
0xf: {  	[smem:$0x3FB6] =	sst s7  }
0x10: {  	[smem:$0x3FB7] =	sst s8  }
0x11: {  	[smem:$0x3FB8] =	sst s9;
	s0 =	simm.s32 @!p0 $0x0  }
0x12: {  	s1 =	sld [smem:$0x3F9E];
	s0 =	simm.s32 @p0 $0x1  }
0x13: {  	[smem:$0x3FB9] =	sst s0;
	s0 =	simm.s32 @!p1 $0x0  }
0x14: {  	s2 =	sld [smem:$0x3F9D];
	s0 =	simm.s32 @p1 $0x1  }
0x15: {  	[smem:$0x3FBA] =	sst s0;
	s0 =	simm.s32 @!p2 $0x0  }
0x16: {  	s3 =	sld [smem:$0x3FDB];
	s0 =	simm.s32 @p2 $0x1  }
0x17: {  	s4 =	simm.s32 $0x1BF5;
	[smem:$0x3FBC] =	sst s0  }
0x18: {  	s0 =	sld [smem:$0x3F9F];
	_ =	swait.ge [sflag:s4], $0x0  }
0x19: {  	s7 =	sld [smem:$0x3FA0]  }
0x1a: {  	s8 =	sadd.s32 $0xFFFFE003, lr  }
0x1b: {  	s9 =	sadd.s32 $0xFFFFFEF7, lr;
	s5 =	simm.s32 $0xFFFFFFFF;
	p2 =	slt.u32 s8, $0xFFFFF086  }
0x1c: {  	p1 =	slt.u32 s9, $0xF7A;
	s5 =	simm.s32 @!p2 $0x0  }
0x1d: {  	s5 =	simm.s32 @p1 $0x1;
	p0 =	seq.s32 s7, s2  }
0x1e: {  	s7 =	smul.u32 @!p0 $0xF7A, s2;
	p2 =	seq.s32 @!p0 s5, $0x0  }
0x1f: {  	s9 =	smul.u32 $0xF7A, s1;
	s8 =	simm.s32 @!p0 $0x1BF5;
	p2 =	por !p2, p0  }
0x20: {  	[sflag:s8] =	ssyncset.s32 @!p0 $0xFFFFF086;
	s6 =	sadd.s32 @!p0 s3, s7;
	s7 =	simm.s32 @!p0 $0x108  }
0x21: {  	s3 =	sadd.s32 s3, s9;
	s6 =	sadd.s32 @!p0 $0x88, s6;
	s7 =	simm.s32 @p2 $0x1082  }
0x22: {  	[simem:s7], [sflag:s8] =	dma.local @!p0 [hbm:s6], $0xF7A  }
0x23: {  	s9 =	sor.u32 $0xD0000000, s2;
	s6 =	simm.s32 $0x108;
	_ =	swait.ge @!p0 [sflag:s8], $0x0  }
0x24: {  	s3 =	sadd.s32 $0x88, s3;
	s6 =	simm.s32 @!p1 $0x1082;
	[sflag:s4] =	ssyncset.s32 $0xFFFFF086  }
0x25: {  	[simem:s6], [sflag:s4] =	dma.local [hbm:s3], $0xF7A  }
0x26: {  	[smem:$0x3FA0] =	sst s1;
	(tag) =	ssettag s2;
	_ =	strace s9  }
0x27: {  	s1 =	sld [smem:$0x3FB0]  }
0x28: {  	s2 =	sld [smem:$0x3FB1]  }
0x29: {  	s4 =	sld [smem:$0x3FB3]  }
0x2a: {  	p0 =	seq.s32 s5, $0x0;
	s5 =	sld [smem:$0x3FB4]  }
0x2b: {  	s6 =	sld [smem:$0x3FB5]  }
0x2c: {  	s7 =	sld [smem:$0x3FB6]  }
0x2d: {  	s3 =	simm.s32 $0x108;
	s8 =	sld [smem:$0x3FB7]  }
0x2e: {  	s3 =	simm.s32 @!p0 $0x1082;
	s9 =	sld [smem:$0x3FB8]  }
0x2f: {  	lr =	sadd.s32 s0, s3;
	s0 =	sld [smem:$0x3FAF]  }
0x30: {  	s3 =	sld [smem:$0x3FB2]  }
0x31: {  	[smem:$0x3FBB] =	sst s10  }
0x32: {  	s10 =	sld [smem:$0x3FB9];
	_ =	sdelay $0x3  }
0x33: {  	p0 =	seq.s32 s10, $0x1;
	s10 =	sld [smem:$0x3FBB];
	_ =	sdelay $0x3  }
0x34: {  	[smem:$0x3FBB] =	sst s10  }
0x35: {  	s10 =	sld [smem:$0x3FBA];
	_ =	sdelay $0x3  }
0x36: {  	p1 =	seq.s32 s10, $0x1;
	s10 =	sld [smem:$0x3FBB];
	_ =	sdelay $0x3  }
0x37: {  	[smem:$0x3FBB] =	sst s10  }
0x38: {  	s10 =	sld [smem:$0x3FBC]  }
0x39: {  	_ = 	snop;
	(pc) =	sbr.ind lr, $3  }
0x3a: {  	_ = 	snop  }
0x3b: {  	_ = 	snop  }
0x3c: {  	p2 =	seq.s32 s10, $0x1;
	s10 =	sld [smem:$0x3FBB]  }
0x3d: {  	_ =	shalt  }
0x3e: {  	_ =	shalt  }
0x3f: {  	_ =	shalt  }
0x40: {  	_ =	shalt  }
0x41: {  	_ =	shalt  }
0x42: {  	_ =	shalt  }
0x43: {  	_ =	shalt  }
0x44: {  	_ =	shalt  }
0x45: {  	_ =	shalt  }
0x46: {  	_ =	shalt  }
0x47: {  	_ =	shalt  }
0x48: {  	_ =	shalt  }
0x49: {  	_ =	shalt  }
0x4a: {  	_ =	shalt  }
0x4b: {  	_ =	shalt  }
0x4c: {  	_ =	shalt  }
0x4d: {  	_ =	shalt  }
0x4e: {  	_ =	shalt  }
0x4f: {  	_ =	shalt  }
0x50: {  	_ =	shalt  }
0x51: {  	_ =	shalt  }
0x52: {  	_ =	shalt  }
0x53: {  	_ =	shalt  }
0x54: {  	_ =	shalt  }
0x55: {  	_ =	shalt  }
0x56: {  	_ =	shalt  }
0x57: {  	_ =	shalt  }
0x58: {  	_ =	shalt  }
0x59: {  	_ =	shalt  }
0x5a: {  	_ =	shalt  }
0x5b: {  	_ =	shalt  }
0x5c: {  	_ =	shalt  }
0x5d: {  	_ =	shalt  }
0x5e: {  	_ =	shalt  }
0x5f: {  	_ =	shalt  }
0x60: {  	_ =	shalt  }
0x61: {  	_ =	shalt  }
0x62: {  	_ =	shalt  }
0x63: {  	_ =	shalt  }
0x64: {  	_ =	shalt  }
0x65: {  	_ =	shalt  }
0x66: {  	_ =	shalt  }
0x67: {  	_ =	shalt  }
0x68: {  	_ =	shalt  }
0x69: {  	_ =	shalt  }
0x6a: {  	_ =	shalt  }
0x6b: {  	_ =	shalt  }
0x6c: {  	_ =	shalt  }
0x6d: {  	_ =	shalt  }
0x6e: {  	_ =	shalt  }
0x6f: {  	_ =	shalt  }
0x70: {  	_ =	shalt  }
0x71: {  	_ =	shalt  }
0x72: {  	_ =	shalt  }
0x73: {  	_ =	shalt  }
0x74: {  	_ =	shalt  }
0x75: {  	_ =	shalt  }
0x76: {  	_ =	shalt  }
0x77: {  	_ =	shalt  }
0x78: {  	_ =	shalt  }
0x79: {  	_ =	shalt  }
0x7a: {  	_ =	shalt  }
0x7b: {  	_ =	shalt  }
0x7c: {  	_ =	shalt  }
0x7d: {  	_ =	shalt  }
0x7e: {  	_ =	shalt  }
0x7f: {  	_ =	shalt  }
0x80: {  	_ =	shalt  }
0x81: {  	_ =	shalt  }
0x82: {  	_ =	shalt  }
0x83: {  	_ =	shalt  }
0x84: {  	_ =	shalt  }
0x85: {  	_ =	shalt  }
0x86: {  	_ =	shalt  }
0x87: {  	_ =	shalt  }
.Lfunc_end0:
.L_simem_size_0:
called_computation_lowered:
.L_overlay_start_0:
0x88: {  	s2 =	sld [smem:$0x3FD9]  }
0x89: {  	s3 =	sld [smem:$0x3FFE];
	_ =	sdelay $0x1  }
0x8a: {  	s1 =	srdreg.scid  }
0x8b: {  	s0 =	sand.u32 $0x1, s1  }
0x8c: {  	s14 =	sshll.u32 s0, $0xA;
	s2 =	sadd.s32 s3, s2  }
0x8d: {  	s2 =	sadd.s32 s2, s14  }
0x8e: {  	[smem:$0x3FC7] =	sst s2  }
0x8f: {  	_ = 	snop  }
0x90: {  	s2 =	sld [smem:$0x3FD0];
	_ =	sdelay $0x2  }
0x91: {  	s4 =	simm.s32 $0xA;
	s5 =	simm.s32 $0x10;
	s15 =	sld [smem:$0x3FC9]  }
0x92: {  	[smem:s5], [sflag:s4] =	dma.local [hbm:s2], $0x1  }
0x93: {  	_ =	swait.eq [sflag:s4], $0x1  }
0x94: {  	[sflag:s4] =	ssyncset.done $0x0  }
0x95: {  	[sflag:s4] =	ssyncadd.s32 $0xFFFFFFFF  }
0x96: {  	s16 =	sld [smem:$0x10];
	(tm) =	ssettm $0x1  }
0x97: {  	s17 =	sld [smem:$0x3FFB];
	_ =	sdelay $0x3  }
0x98: {  	_ =	strace s17  }
0x99: {  	s4 =	sld [smem:$0x3FFC];
	_ =	sdelay $0x3  }
0x9a: {  	_ =	strace s4  }
0x9b: {  	s4 =	sld [smem:$0x3FFD];
	_ =	sdelay $0x3  }
0x9c: {  	_ =	strace s4  }
0x9d: {  	_ =	strace $0x8FFFFFFF  }
0x9e: {  	s18 =	sld [smem:$0x3FDB];
	_ =	sdelay $0x1  }
0x9f: {  	s19 =	simm.s32 $_scs_section_size  }
0xa0: {  	s6 =	simm.s32 $_size__tile_overlayer_lowered;
	s7 =	simm.s32 $_tile_overlayer_lowered  }
0xa1: {  	s22 =	simm.s32 $0x1BFF;
	s21 =	sshll.u32 s7, $0x1;
	s4 =	sadd.s32 s19, s18  }
0xa2: {  	s8 =	simm.s32 $0x0;
	s20 =	sshll.u32 s6, $0x1;
	s6 =	sadd.s32 s21, s4  }
0xa3: {  	[timem:s8], [sflag:s22] =	dma.local [hbm:s6], s20  }
0xa4: {  	_ =	swait.ge [sflag:s22], s20  }
0xa5: {  	s5 =	ssub.s32 $0x0, s20;
	[sflag:s22] =	ssyncset.done $0x0  }
0xa6: {  	[sflag:s22] =	ssyncadd.s32 s5;
	_ =	sdelay $0x1  }
0xa7: {  	s23 =	simm.s32 $0x1B8B  }
0xa8: {  	_ =	swait.ge [sflag:s23], $0x1  }
0xa9: {  	[sflag:s23] =	ssyncset.done $0x0  }
0xaa: {  	s25 =	simm.s32 $0x1B8E;
	s24 =	sld [smem:$0x3FFE];
	[sflag:s23] =	ssyncadd.s32 $0xFFFFFFFF  }
0xab: {  	s26 =	simm.s32 $execute0_lowered;
	[smem:$0x3FD2] =	sst s25  }
0xac: {  	s6 =	sshll.u32 s26, $0x1;
	_ =	strace $0x80000046;
	[dreg:$0x1] =	wrdreg $0xFFFFFFFF  }
0xad: {  	s28 =	simm.s32 $_size_execute0_lowered;
	s4 =	sadd.s32 s4, s6;
	[dreg:$0x0] =	wrdreg $0x0  }
0xae: {  	s6 =	sshll.u32 s28, $0x1;
	[dreg:$0x2] =	wrdreg s4  }
0xaf: {  	[dreg:$0x3] =	wrdreg s6  }
0xb0: {  	[dreg:$0x4] =	wrdreg $0xC0  }
0xb1: {  	_ =	task [dreg:s8], $0x5FFFF  }
0xb2: {  	[dreg:$0x1] =	wrdreg $0xFFFFFFFF  }
0xb3: {  	[dreg:$0x0] =	wrdreg $0x60  }
0xb4: {  	[dreg:$0x2] =	wrdreg s15  }
0xb5: {  	[dreg:$0x3] =	wrdreg s24  }
0xb6: {  	[dreg:$0x4] =	wrdreg s16  }
0xb7: {  	[dreg:$0x5] =	wrdreg $0x9  }
0xb8: {  	_ =	task.clear_ibuf [dreg:s8], $0x6FFFF;
	_ =	strace $0x90000046  }
0xb9: {  	s29 =	simm.s32 $0x9;
	_ =	strace $0x80000048  }
0xba: {  	_ =	swait.ge [sflag:s29], $0x1  }
0xbb: {  	[sflag:s29] =	ssyncadd.s32 $0xFFFFFFFF  }
0xbc: {  	_ =	strace $0x90000048  }
0xbd: {  	_ =	sfence  }
0xbe: {  	s30 =	sld [smem:$0x0];
	_ =	sdelay $0x2  }
0xbf: {  	s31 =	sshll.u32 s1, $0xD;
	s1 =	sshrl.u32 s1, $0x2  }
0xc0: {  	s3 =	sand.u32 $0x4000, s31;
	s1 =	sadd.s32 s1, s30  }
0xc1: {  	s0 =	sor.u32 s3, s0;
	s1 =	sshll.u32 s1, $0x11  }
0xc2: {  	s0 =	sor.u32 s1, s0  }
0xc3: {  	s0 =	sadd.s32 $0x8F2B, s0  }
0xc4: {  	[sflag:s0] =	ssyncadd.remote.s32 $0x1  }
0xc5: {  	_ =	sfence.sel $0xFFFF  }
0xc6: {  	[dreg:$0x0] =	wrdreg $0xFFFFFFFF;
	(pc) =	sbr.abs _section_cstart, $3  }
0xc7: {  	[dreg:$0x1] =	wrdreg $0xFFFFFFFF  }
0xc8: {  	_ =	task.clear_ibuf [dreg:s8], $0x2FFFF;
	_ =	strace $0x9FFFFFFF  }
0xc9: {  	(tm) =	ssettm $0x7FFFFFFF  }
tec
execute0_lowered:
.L_overlay_start_1:
0x0: {  	(tag) =	ssettag $0x1  }
0x1: {  	s0 =	rddreg [dreg:$0x0]  }
0x2: {  	s1 =	rddreg [dreg:$0x1]  }
0x3: {  	s6 =	rddreg [dreg:$0x2]  }
0x4: {  	s3 =	simm.s32 $0x0;
	s5 =	stileid.u32;
	s4 =	srdreg.scid  }
0x5: {  	s17 =	simm.s32 $0x1;
	s18 =	simm.s32 $0x11000;
	s29 =	simm.s32 $0x0  }
0x6: {  	[smem:$0x7FF] =	sst s3;
	s2 =	sadd.s32 $0x1600, s1;
	s19 =	sadd.s32 $0x1800, s1  }
0x7: {  	s20 =	sshll.u32 s5, $0x6;
	s4 =	sand.u32 $0x1, s4;
	s5 =	sshll.u32 s5, $0x1  }
0x8: {  	s28 =	sadd.s32 $0x800, s6;
	_ =	strace $0x80000047;
	[dreg:$0x4] =	wrdreg s2  }
0x9: {  	[dreg:$0x5] =	wrdreg s19;
	s2 =	sand.u32 $0x300, s20;
	s21 =	ssub.s32 $0x2, s4  }
0xa: {  	s4 =	sor.u32 s4, s5;
	[dreg:$0xa] =	wrdreg s28;
	s20 =	simm.s32 $0x2  }
0xb: {  	s1 =	sadd.s32 s2, s1;
	s22 =	sshrl.u32 s21, $0x1;
	s7 =	sshll.u32 s4, $0x10  }
0xc: {  	s4 =	sshll.u32 s4, $0x4;
	[dreg:$0x6] =	wrdreg s7;
	s23 =	sadd.s32 s0, s7  }
0xd: {  	s2 =	ssub.s32 s21, s22;
	s25 =	sadd.s32 $0x800, s23;
	[dreg:$0x7] =	wrdreg s23  }
.Ltmp0:
0xe: {  	s26 =	sadd.s32 $0x1000, s23;
	[dreg:$0x8] =	wrdreg s25;
	(pc) =	sbr.rel .LBB2_1-.Ltmp0, $4  }
0xf: {  	s24 =	sand.u32 $0x70, s4;
	s30 =	sadd.s32 $0x1800, s23;
	[dreg:$0x9] =	wrdreg s26  }
0x10: {  	v1 =	vlaneseq.u32;
	s0 =	sadd.s32 s24, s1;
	s31 =	smax.u32 s2, $0x1;
	[dreg:$0xb] =	wrdreg s30  }
0x11: {  	v1 =	vmul.u32 $0x100, v1;
	s21 =	simm.s32 $0x4;
	s0 =	sadd.s32 $0x1A00, s0;
	[dreg:$0xd] =	wrdreg s31  }
0x12: {  	v0 =	vimm.s32 $0x0;
	v2 =	vimm.s32 $0x1;
	s2 =	simm.s32 $0x5;
	s1 =	simm.s32 $0x0;
	[dreg:$0xc] =	wrdreg s0  }
.LBB2_14:
0x13: {  	s0 =	simm.s32 $0x3  }
0x14: {  	_ =	swait.ge [sflag:s0], $0x4000  }
0x15: {  	[sflag:s0] =	ssyncset.done $0x0  }
0x16: {  	[sflag:s0] =	ssyncadd.s32 $0xFFFFC000  }
0x17: {  	_ =	swait.ge [sflag:s21], $0x4000  }
0x18: {  	[sflag:s21] =	ssyncset.done $0x0  }
0x19: {  	[sflag:s21] =	ssyncadd.s32 $0xFFFFC000  }
0x1a: {  	v3 =	vld [tilespmem:$0x11510];
	_ =	sdelay $0x4  }
0x1b: {  	[tilespmem:$0x1F7D0] =	vst v3;
	v3 =	vld [tilespmem:$0x11610];
	_ =	sdelay $0x4  }
0x1c: {  	[tilespmem:$0x1F7E0] =	vst v3;
	v3 =	vld [tilespmem:$0x11710]  }
0x1d: {  	v15 =	vld [tilespmem:$0x11000]  }
0x1e: {  	v12 =	vld [tilespmem:$0x11100]  }
0x1f: {  	v16 =	vld [tilespmem:$0x11200]  }
0x20: {  	v18 =	vld [tilespmem:$0x11300]  }
0x21: {  	[tilespmem:$0x1F7F0] =	vst v3;
	v3 =	vld [tilespmem:$0x11810]  }
0x22: {  	v20 =	vld [tilespmem:$0x11400]  }
0x23: {  	v21 =	vld [tilespmem:$0x11500]  }
0x24: {  	v24 =	vld [tilespmem:$0x11600]  }
0x25: {  	v62 =	vld [tilespmem:$0x11700]  }
0x26: {  	[tilespmem:$0x1F800] =	vst v3;
	v3 =	vld [tilespmem:$0x11910]  }
0x27: {  	v27 =	vld [tilespmem:$0x11800]  }
0x28: {  	v30 =	vld [tilespmem:$0x11900]  }
0x29: {  	v31 =	vld [tilespmem:$0x11A00]  }
0x2a: {  	v33 =	vld [tilespmem:$0x11B00]  }
0x2b: {  	[tilespmem:$0x1F810] =	vst v3;
	v3 =	vld [tilespmem:$0x11A10]  }
0x2c: {  	v39 =	vld [tilespmem:$0x11C00]  }
0x2d: {  	v43 =	vld [tilespmem:$0x11D00]  }
0x2e: {  	v47 =	vld [tilespmem:$0x11E00]  }
0x2f: {  	v51 =	vld [tilespmem:$0x11F00]  }
0x30: {  	[tilespmem:$0x1F820] =	vst v3;
	v3 =	vld [tilespmem:$0x11B10]  }
0x31: {  	v40 =	vld [tilespmem:$0x11010]  }
0x32: {  	v34 =	vld [tilespmem:$0x11110]  }
0x33: {  	v44 =	vld [tilespmem:$0x11210]  }
0x34: {  	v52 =	vld [tilespmem:$0x11310]  }
0x35: {  	v58 =	vld [tilespmem:$0x11410];
	[tilespmem:$0x1F840] =	vst v3  }
0x36: {  	v3 =	vld [tilespmem:$0x11C10]  }
0x37: {  	v13 =	vld [tilespmem:$0x11020]  }
0x38: {  	v9 =	vld [tilespmem:$0x11120]  }
0x39: {  	v14 =	vld [tilespmem:$0x11220]  }
0x3a: {  	v22 =	vld [tilespmem:$0x11320]  }
0x3b: {  	v26 =	vld [tilespmem:$0x11420]  }
0x3c: {  	v32 =	vld [tilespmem:$0x11520]  }
0x3d: {  	v45 =	vld [tilespmem:$0x11620]  }
0x3e: {  	v53 =	vld [tilespmem:$0x11720]  }
0x3f: {  	v59 =	vld [tilespmem:$0x11820]  }
0x40: {  	v4 =	vld [tilespmem:$0x11030]  }
0x41: {  	v5 =	vld [tilespmem:$0x11230]  }
0x42: {  	v6 =	vld [tilespmem:$0x11330]  }
0x43: {  	v7 =	vld [tilespmem:$0x11430]  }
0x44: {  	v10 =	vld [tilespmem:$0x11530]  }
0x45: {  	v19 =	vld [tilespmem:$0x11630]  }
0x46: {  	v25 =	vld [tilespmem:$0x11730]  }
0x47: {  	v28 =	vld [tilespmem:$0x11830]  }
0x48: {  	v35 =	vld [tilespmem:$0x11930]  }
0x49: {  	v48 =	vld [tilespmem:$0x11A30]  }
0x4a: {  	v57 =	vld [tilespmem:$0x11B30]  }
0x4b: {  	v8 =	vld [tilespmem:$0x11C30]  }
0x4c: {  	v61 =	vld [tilespmem:$0x11D30]  }
0x4d: {  	v63 =	vld [tilespmem:$0x11E30]  }
0x4e: {  	v17 =	vld [tilespmem:$0x11F30]  }
0x4f: {  	v23 =	vld [tilespmem:$0x11040]  }
0x50: {  	v29 =	vld [tilespmem:$0x11140]  }
0x51: {  	v36 =	vld [tilespmem:$0x11240]  }
0x52: {  	v37 =	vld [tilespmem:$0x11340]  }
0x53: {  	v38 =	vld [tilespmem:$0x11440]  }
0x54: {  	v41 =	vld [tilespmem:$0x11540]  }
0x55: {  	v42 =	vld [tilespmem:$0x11640]  }
0x56: {  	v12 =	vadd.s32 v15, v12;
	v46 =	vld [tilespmem:$0x11740]  }
0x57: {  	v12 =	vadd.s32 v16, v12;
	v49 =	vld [tilespmem:$0x11840]  }
0x58: {  	v12 =	vadd.s32 v18, v12;
	v50 =	vld [tilespmem:$0x11940]  }
0x59: {  	v12 =	vadd.s32 v20, v12;
	v54 =	vld [tilespmem:$0x11A40]  }
0x5a: {  	v12 =	vadd.s32 v21, v12;
	v55 =	vld [tilespmem:$0x11B40]  }
0x5b: {  	v12 =	vadd.s32 v24, v12;
	v56 =	vld [tilespmem:$0x11C40]  }
0x5c: {  	v12 =	vadd.s32 v62, v12;
	v60 =	vld [tilespmem:$0x11D40]  }
0x5d: {  	v12 =	vadd.s32 v27, v12;
	v11 =	vld [tilespmem:$0x11060]  }
0x5e: {  	v12 =	vadd.s32 v30, v12;
	v18 =	vld [tilespmem:$0x11DA0]  }
0x5f: {  	v12 =	vadd.s32 v31, v12;
	v20 =	vld [tilespmem:$0x11EA0]  }
0x60: {  	v12 =	vadd.s32 v33, v12;
	v21 =	vld [tilespmem:$0x11FA0]  }
0x61: {  	v12 =	vadd.s32 v39, v12;
	v24 =	vld [tilespmem:$0x110B0]  }
0x62: {  	v12 =	vadd.s32 v43, v12;
	v62 =	vld [tilespmem:$0x111B0]  }
0x63: {  	v30 =	vadd.s32 v40, v34;
	v12 =	vadd.s32 v47, v12;
	v27 =	vld [tilespmem:$0x117B0]  }
0x64: {  	v31 =	vadd.s32 v44, v30;
	v12 =	vadd.s32 v51, v12;
	v33 =	vld [tilespmem:$0x119B0]  }
0x65: {  	[tilespmem:$0x1FFC0] =	vst v12;
	v12 =	vadd.s32 v52, v31;
	v34 =	vld [tilespmem:$0x11AB0]  }
0x66: {  	v39 =	vadd.s32 v58, v12;
	v58 =	vld [tilespmem:$0x11BB0]  }
0x67: {  	v40 =	vld [tilespmem:$0x1F7D0]  }
0x68: {  	v44 =	vld [tilespmem:$0x11CB0]  }
0x69: {  	v47 =	vld [tilespmem:$0x1F7E0]  }
0x6a: {  	v52 =	vld [tilespmem:$0x1F7F0]  }
0x6b: {  	v12 =	vld [tilespmem:$0x1F810]  }
0x6c: {  	v15 =	vld [tilespmem:$0x1F840]  }
0x6d: {  	[tilespmem:$0x1F860] =	vst v3;
	v3 =	vld [tilespmem:$0x11D10]  }
0x6e: {  	[tilespmem:$0x1F8F0] =	vst v61;
	v61 =	vld [tilespmem:$0x11E40]  }
0x6f: {  	[tilespmem:$0x1F910] =	vst v63;
	v63 =	vld [tilespmem:$0x11F40]  }
0x70: {  	[tilespmem:$0x1F980] =	vst v41;
	v41 =	vld [tilespmem:$0x11050]  }
0x71: {  	[tilespmem:$0x1F950] =	vst v36;
	v36 =	vld [tilespmem:$0x11150]  }
0x72: {  	[tilespmem:$0x1F9B0] =	vst v46;
	v46 =	vld [tilespmem:$0x11250]  }
0x73: {  	[tilespmem:$0x1FA10] =	vst v54;
	v54 =	vld [tilespmem:$0x11350]  }
0x74: {  	[tilespmem:$0x1FAA0] =	vst v60;
	v60 =	vld [tilespmem:$0x11450]  }
0x75: {  	[tilespmem:$0x1F940] =	vst v17;
	v17 =	vld [tilespmem:$0x11550]  }
0x76: {  	[tilespmem:$0x1F920] =	vst v23;
	v23 =	vld [tilespmem:$0x11650]  }
0x77: {  	[tilespmem:$0x1F930] =	vst v29;
	v29 =	vld [tilespmem:$0x11750]  }
0x78: {  	[tilespmem:$0x1F960] =	vst v37;
	v37 =	vld [tilespmem:$0x11850]  }
0x79: {  	[tilespmem:$0x1F970] =	vst v38;
	v38 =	vld [tilespmem:$0x11950]  }
0x7a: {  	[tilespmem:$0x1F990] =	vst v42;
	v42 =	vld [tilespmem:$0x11A50]  }
0x7b: {  	[tilespmem:$0x1F9D0] =	vst v49;
	v49 =	vld [tilespmem:$0x11B50]  }
0x7c: {  	[tilespmem:$0x1F9F0] =	vst v50;
	v50 =	vld [tilespmem:$0x11C50]  }
0x7d: {  	[tilespmem:$0x1FA40] =	vst v55;
	v55 =	vld [tilespmem:$0x11D50]  }
0x7e: {  	[tilespmem:$0x1FA70] =	vst v56;
	v56 =	vld [tilespmem:$0x11E50]  }
0x7f: {  	[tilespmem:$0x1F8C0] =	vst v8;
	v8 =	vld [tilespmem:$0x11160]  }
0x80: {  	[tilespmem:$0x1FF70] =	vst v18;
	v18 =	vld [tilespmem:$0x113B0]  }
0x81: {  	[tilespmem:$0x1FF90] =	vst v20;
	v20 =	vld [tilespmem:$0x114B0]  }
0x82: {  	[tilespmem:$0x1FFA0] =	vst v21;
	v21 =	vld [tilespmem:$0x115B0]  }
0x83: {  	[tilespmem:$0x1FE40] =	vst v24;
	v24 =	vld [tilespmem:$0x116B0]  }
0x84: {  	v9 =	vadd.s32 v13, v9;
	v13 =	vld [tilespmem:$0x1F820]  }
0x85: {  	v31 =	vld [tilespmem:$0x1F910]  }
0x86: {  	[tilespmem:$0x1FF30] =	vst v33;
	v9 =	vadd.s32 v14, v9;
	v33 =	vld [tilespmem:$0x1F930]  }
0x87: {  	[tilespmem:$0x1FF50] =	vst v34;
	v34 =	vld [tilespmem:$0x1F940];
	v9 =	vadd.s32 v22, v9  }
0x88: {  	v43 =	vadd.s32 v26, v9;
	v9 =	vld [tilespmem:$0x11EB0]  }
0x89: {  	v51 =	vadd.s32 v32, v43;
	v32 =	vld [tilespmem:$0x1F920]  }
0x8a: {  	v43 =	vld [tilespmem:$0x1F970]  }
0x8b: {  	[tilespmem:$0x1F880] =	vst v3;
	v3 =	vld [tilespmem:$0x11E10]  }
0x8c: {  	[tilespmem:$0x1FAD0] =	vst v61;
	v61 =	vld [tilespmem:$0x11F50]  }
0x8d: {  	[tilespmem:$0x1F9A0] =	vst v17;
	v17 =	vld [tilespmem:$0x11260]  }
0x8e: {  	[tilespmem:$0x1F9C0] =	vst v23;
	v23 =	vld [tilespmem:$0x11360]  }
0x8f: {  	[tilespmem:$0x1F9E0] =	vst v29;
	v29 =	vld [tilespmem:$0x11460]  }
0x90: {  	[tilespmem:$0x1FA00] =	vst v37;
	v37 =	vld [tilespmem:$0x11560]  }
0x91: {  	[tilespmem:$0x1FA80] =	vst v49;
	v49 =	vld [tilespmem:$0x11660]  }
0x92: {  	[tilespmem:$0x1FAE0] =	vst v55;
	v55 =	vld [tilespmem:$0x11760]  }
0x93: {  	[tilespmem:$0x1FA20] =	vst v38;
	v38 =	vld [tilespmem:$0x11860]  }
0x94: {  	[tilespmem:$0x1FB00] =	vst v63;
	v63 =	vld [tilespmem:$0x11960]  }
0x95: {  	[tilespmem:$0x1FA50] =	vst v42;
	v42 =	vld [tilespmem:$0x11A60]  }
0x96: {  	[tilespmem:$0x1FAB0] =	vst v50;
	v50 =	vld [tilespmem:$0x11B60]  }
0x97: {  	[tilespmem:$0x1FB10] =	vst v56;
	v56 =	vld [tilespmem:$0x11C60]  }
0x98: {  	[tilespmem:$0x1FE80] =	vst v18;
	v18 =	vld [tilespmem:$0x1F860]  }
0x99: {  	[tilespmem:$0x1FEA0] =	vst v20;
	v20 =	vld [tilespmem:$0x1F880]  }
0x9a: {  	[tilespmem:$0x1FFB0] =	vst v9;
	v9 =	vld [tilespmem:$0x11FB0]  }
0x9b: {  	[tilespmem:$0x1F8A0] =	vst v3;
	v3 =	vld [tilespmem:$0x11F10]  }
0x9c: {  	[tilespmem:$0x1FB30] =	vst v61;
	v61 =	vld [tilespmem:$0x11D60]  }
0x9d: {  	[tilespmem:$0x1FA60] =	vst v63;
	v63 =	vld [tilespmem:$0x11E60]  }
0x9e: {  	[tilespmem:$0x1FA90] =	vst v42;
	v42 =	vld [tilespmem:$0x11F60]  }
0x9f: {  	[tilespmem:$0x1FAC0] =	vst v50;
	v50 =	vld [tilespmem:$0x11070]  }
0xa0: {  	[tilespmem:$0x1FAF0] =	vst v56;
	v56 =	vld [tilespmem:$0x11170]  }
0xa1: {  	v8 =	vadd.s32 v11, v8;
	[tilespmem:$0x1FA30] =	vst v38;
	v38 =	vld [tilespmem:$0x11190]  }
0xa2: {  	v8 =	vadd.s32 v17, v8;
	v17 =	vld [tilespmem:$0x11AC0]  }
0xa3: {  	v22 =	vld [tilespmem:$0x1F8A0];
	v8 =	vadd.s32 v23, v8  }
0xa4: {  	v23 =	vld [tilespmem:$0x11CC0];
	v8 =	vadd.s32 v29, v8  }
0xa5: {  	v8 =	vadd.s32 v37, v8;
	v37 =	vld [tilespmem:$0x1FA90]  }
0xa6: {  	v8 =	vadd.s32 v49, v8;
	v49 =	vld [tilespmem:$0x1FB10]  }
0xa7: {  	[tilespmem:$0x1F8D0] =	vst v3;
	v3 =	vld [tilespmem:$0x11920]  }
0xa8: {  	[tilespmem:$0x1FB20] =	vst v61;
	v61 =	vld [tilespmem:$0x11270]  }
0xa9: {  	[tilespmem:$0x1FB40] =	vst v63;
	v63 =	vld [tilespmem:$0x11370]  }
0xaa: {  	[tilespmem:$0x1FB70] =	vst v42;
	v42 =	vld [tilespmem:$0x11470]  }
0xab: {  	[tilespmem:$0x1FB50] =	vst v50;
	v50 =	vld [tilespmem:$0x11570]  }
0xac: {  	[tilespmem:$0x1FB60] =	vst v56;
	v56 =	vld [tilespmem:$0x11670]  }
0xad: {  	v26 =	vld [tilespmem:$0x1F8D0]  }
0xae: {  	v8 =	vadd.s32 v55, v8;
	v55 =	vld [tilespmem:$0x1FB60]  }
0xaf: {  	[tilespmem:$0x1F830] =	vst v3;
	v3 =	vld [tilespmem:$0x11A20]  }
0xb0: {  	[tilespmem:$0x1FB80] =	vst v61;
	v61 =	vld [tilespmem:$0x11770]  }
0xb1: {  	[tilespmem:$0x1FBB0] =	vst v63;
	v63 =	vld [tilespmem:$0x11870]  }
0xb2: {  	[tilespmem:$0x1FBD0] =	vst v42;
	v42 =	vld [tilespmem:$0x11970]  }
0xb3: {  	[tilespmem:$0x1FBF0] =	vst v50;
	v50 =	vld [tilespmem:$0x11A70]  }
0xb4: {  	[tilespmem:$0x1FC10] =	vst v56;
	v56 =	vld [tilespmem:$0x11B70]  }
0xb5: {  	v14 =	vld [tilespmem:$0x1F830]  }
0xb6: {  	[tilespmem:$0x1F850] =	vst v3;
	v3 =	vld [tilespmem:$0x11B20]  }
0xb7: {  	[tilespmem:$0x1FC30] =	vst v61;
	v61 =	vld [tilespmem:$0x11C70]  }
0xb8: {  	[tilespmem:$0x1FC60] =	vst v63;
	v63 =	vld [tilespmem:$0x11D70]  }
0xb9: {  	[tilespmem:$0x1FC90] =	vst v42;
	v42 =	vld [tilespmem:$0x11E70]  }
0xba: {  	[tilespmem:$0x1FCC0] =	vst v50;
	v50 =	vld [tilespmem:$0x11F70]  }
0xbb: {  	[tilespmem:$0x1FCF0] =	vst v56;
	v56 =	vld [tilespmem:$0x11080]  }
0xbc: {  	v16 =	vld [tilespmem:$0x1F850]  }
0xbd: {  	[tilespmem:$0x1F870] =	vst v3;
	v3 =	vld [tilespmem:$0x11C20]  }
0xbe: {  	[tilespmem:$0x1FD20] =	vst v61;
	v61 =	vld [tilespmem:$0x11180]  }
0xbf: {  	[tilespmem:$0x1FD50] =	vst v63;
	v63 =	vld [tilespmem:$0x11280]  }
0xc0: {  	[tilespmem:$0x1FD80] =	vst v42;
	v42 =	vld [tilespmem:$0x11380]  }
0xc1: {  	[tilespmem:$0x1FDB0] =	vst v50;
	v50 =	vld [tilespmem:$0x11480]  }
0xc2: {  	[tilespmem:$0x1FB90] =	vst v56;
	v56 =	vld [tilespmem:$0x11580]  }
0xc3: {  	[tilespmem:$0x1F890] =	vst v3;
	v3 =	vld [tilespmem:$0x11D20]  }
0xc4: {  	[tilespmem:$0x1FBA0] =	vst v61;
	v61 =	vld [tilespmem:$0x11680]  }
0xc5: {  	[tilespmem:$0x1FBC0] =	vst v63;
	v63 =	vld [tilespmem:$0x11780]  }
0xc6: {  	[tilespmem:$0x1FBE0] =	vst v42;
	v42 =	vld [tilespmem:$0x11880]  }
0xc7: {  	[tilespmem:$0x1FC00] =	vst v50;
	v50 =	vld [tilespmem:$0x11980]  }
0xc8: {  	[tilespmem:$0x1FC20] =	vst v56;
	v56 =	vld [tilespmem:$0x11A80]  }
0xc9: {  	[tilespmem:$0x1FEC0] =	vst v21;
	v21 =	vld [tilespmem:$0x1F890]  }
0xca: {  	[tilespmem:$0x1F8B0] =	vst v3;
	v3 =	vld [tilespmem:$0x11E20]  }
0xcb: {  	[tilespmem:$0x1FC40] =	vst v61;
	v61 =	vld [tilespmem:$0x11B80]  }
0xcc: {  	[tilespmem:$0x1FC70] =	vst v63;
	v63 =	vld [tilespmem:$0x11C80]  }
0xcd: {  	[tilespmem:$0x1FCA0] =	vst v42;
	v42 =	vld [tilespmem:$0x11D80]  }
0xce: {  	[tilespmem:$0x1FCD0] =	vst v50;
	v50 =	vld [tilespmem:$0x11E80]  }
0xcf: {  	[tilespmem:$0x1FD00] =	vst v56;
	v56 =	vld [tilespmem:$0x11F80]  }
0xd0: {  	[tilespmem:$0x1FEE0] =	vst v24;
	v24 =	vld [tilespmem:$0x1F8B0]  }
0xd1: {  	[tilespmem:$0x1F8E0] =	vst v3;
	v3 =	vld [tilespmem:$0x11F20]  }
0xd2: {  	[tilespmem:$0x1FD90] =	vst v42;
	v42 =	vld [tilespmem:$0x11090]  }
0xd3: {  	[tilespmem:$0x1FDC0] =	vst v50;
	v50 =	vld [tilespmem:$0x11290]  }
0xd4: {  	[tilespmem:$0x1FD30] =	vst v61;
	v61 =	vld [tilespmem:$0x11590]  }
0xd5: {  	[tilespmem:$0x1FDE0] =	vst v56;
	v56 =	vld [tilespmem:$0x11390]  }
0xd6: {  	[tilespmem:$0x1FD60] =	vst v63;
	v63 =	vld [tilespmem:$0x11490]  }
0xd7: {  	[tilespmem:$0x1FF00] =	vst v27;
	v27 =	vld [tilespmem:$0x1F8E0]  }
0xd8: {  	[tilespmem:$0x1F900] =	vst v3;
	v3 =	vld [tilespmem:$0x11130]  }
0xd9: {  	[tilespmem:$0x1FC50] =	vst v61;
	v61 =	vld [tilespmem:$0x11690]  }
0xda: {  	v38 =	vadd.s32 v42, v38;
	v42 =	vld [tilespmem:$0x1FBD0]  }
0xdb: {  	v30 =	vld [tilespmem:$0x1F900]  }
0xdc: {  	v29 =	vadd.s32 v50, v38;
	v50 =	vld [tilespmem:$0x1FC30]  }
0xdd: {  	v29 =	vadd.s32 v56, v29;
	v56 =	vld [tilespmem:$0x1FC90]  }
0xde: {  	v29 =	vadd.s32 v63, v29;
	v63 =	vld [tilespmem:$0x1FCD0]  }
0xdf: {  	[tilespmem:$0x1FC80] =	vst v61;
	v61 =	vld [tilespmem:$0x11790]  }
0xe0: {  	v3 =	vadd.s32 v4, v3;
	v4 =	vadd.s32 v40, v39;
	v40 =	vld [tilespmem:$0x1F960]  }
0xe1: {  	v39 =	vadd.s32 v41, v36;
	v36 =	vld [tilespmem:$0x1FA80]  }
0xe2: {  	v3 =	vadd.s32 v5, v3;
	v5 =	vld [tilespmem:$0x11DB0]  }
0xe3: {  	v41 =	vadd.s32 v46, v39;
	v46 =	vld [tilespmem:$0x1F990]  }
0xe4: {  	v4 =	vadd.s32 v47, v4;
	v47 =	vld [tilespmem:$0x1F9A0]  }
0xe5: {  	v39 =	vld [tilespmem:$0x1FAA0]  }
0xe6: {  	v3 =	vadd.s32 v6, v3;
	v6 =	vadd.s32 v45, v51;
	v45 =	vld [tilespmem:$0x1F980]  }
0xe7: {  	v51 =	vld [tilespmem:$0x1F9C0]  }
0xe8: {  	v4 =	vadd.s32 v52, v4;
	v52 =	vld [tilespmem:$0x1F9D0]  }
0xe9: {  	[tilespmem:$0x1FF80] =	vst v44;
	v44 =	vadd.s32 v54, v41;
	v54 =	vld [tilespmem:$0x1F9F0]  }
0xea: {  	v41 =	vld [tilespmem:$0x1FAB0]  }
0xeb: {  	v3 =	vadd.s32 v7, v3;
	v7 =	vld [tilespmem:$0x110C0]  }
0xec: {  	v6 =	vadd.s32 v53, v6;
	v53 =	vld [tilespmem:$0x1F9E0]  }
0xed: {  	v11 =	vadd.s32 v60, v44;
	v60 =	vld [tilespmem:$0x1FA20]  }
0xee: {  	v44 =	vld [tilespmem:$0x1FAC0]  }
0xef: {  	v3 =	vadd.s32 v10, v3;
	v10 =	vld [tilespmem:$0x1F800]  }
0xf0: {  	v6 =	vadd.s32 v59, v6;
	v59 =	vld [tilespmem:$0x1FA10]  }
0xf1: {  	[tilespmem:$0x1FCB0] =	vst v61;
	v61 =	vld [tilespmem:$0x11890]  }
0xf2: {  	v3 =	vadd.s32 v19, v3;
	v19 =	vld [tilespmem:$0x1F870]  }
0xf3: {  	v6 =	vadd.s32 v14, v6;
	v14 =	vld [tilespmem:$0x113C0]  }
0xf4: {  	v3 =	vadd.s32 v25, v3;
	v25 =	vld [tilespmem:$0x1F8C0]  }
0xf5: {  	v6 =	vadd.s32 v16, v6;
	v16 =	vld [tilespmem:$0x115C0]  }
0xf6: {  	v11 =	vadd.s32 v47, v11;
	v47 =	vld [tilespmem:$0x1FAF0]  }
0xf7: {  	v3 =	vadd.s32 v28, v3;
	v28 =	vld [tilespmem:$0x1F8F0]  }
0xf8: {  	v11 =	vadd.s32 v51, v11;
	v51 =	vld [tilespmem:$0x1FB20]  }
0xf9: {  	v3 =	vadd.s32 v35, v3;
	v35 =	vld [tilespmem:$0x1F950]  }
0xfa: {  	v11 =	vadd.s32 v53, v11;
	v53 =	vld [tilespmem:$0x1FB40]  }
0xfb: {  	v3 =	vadd.s32 v48, v3;
	v48 =	vld [tilespmem:$0x1F9B0]  }
0xfc: {  	v4 =	vadd.s32 v10, v4;
	[tilespmem:$0x1FCE0] =	vst v61;
	v61 =	vld [tilespmem:$0x11990]  }
0xfd: {  	v4 =	vadd.s32 v12, v4;
	v12 =	vld [tilespmem:$0x111C0]  }
0xfe: {  	v6 =	vadd.s32 v19, v6;
	v19 =	vld [tilespmem:$0x117C0]  }
0xff: {  	v3 =	vadd.s32 v57, v3;
	v57 =	vld [tilespmem:$0x1FA00]  }
0x100: {  	v4 =	vadd.s32 v13, v4;
	v13 =	vld [tilespmem:$0x112C0]  }
0x101: {  	v6 =	vadd.s32 v21, v6;
	v21 =	vld [tilespmem:$0x119C0]  }
0x102: {  	v3 =	vadd.s32 v25, v3;
	v25 =	vld [tilespmem:$0x11EC0]  }
0x103: {  	v4 =	vadd.s32 v15, v4;
	v15 =	vld [tilespmem:$0x114C0]  }
0x104: {  	v10 =	vadd.s32 v24, v6;
	v24 =	vld [tilespmem:$0x11DC0]  }
0x105: {  	v3 =	vadd.s32 v28, v3;
	v4 =	vadd.s32 v18, v4;
	v18 =	vld [tilespmem:$0x116C0]  }
0x106: {  	v3 =	vadd.s32 v31, v3;
	v31 =	vld [tilespmem:$0x1FA40]  }
0x107: {  	v4 =	vadd.s32 v20, v4;
	v20 =	vld [tilespmem:$0x118C0]  }
0x108: {  	v3 =	vadd.s32 v34, v3;
	v34 =	vld [tilespmem:$0x110D0]  }
0x109: {  	[tilespmem:$0x1FD10] =	vst v61;
	v61 =	vld [tilespmem:$0x11A90]  }
0x10a: {  	v4 =	vadd.s32 v22, v4;
	v22 =	vld [tilespmem:$0x11BC0]  }
0x10b: {  	v11 =	vadd.s32 v57, v11;
	v57 =	vld [tilespmem:$0x1FB70]  }
0x10c: {  	v7 =	vadd.s32 v7, v12;
	v12 =	vld [tilespmem:$0x117E0]  }
0x10d: {  	v6 =	vadd.s32 v26, v4;
	v26 =	vld [tilespmem:$0x11FC0]  }
0x10e: {  	v4 =	vadd.s32 v27, v10;
	v10 =	vadd.s32 v32, v33;
	v32 =	vld [tilespmem:$0x1FA50]  }
0x10f: {  	v33 =	vld [tilespmem:$0x1FA60]  }
0x110: {  	v11 =	vadd.s32 v60, v11;
	v60 =	vld [tilespmem:$0x1FB90]  }
0x111: {  	v7 =	vadd.s32 v13, v7;
	v13 =	vld [tilespmem:$0x118E0]  }
0x112: {  	v4 =	vadd.s32 v30, v4;
	v30 =	vld [tilespmem:$0x1FA30]  }
0x113: {  	v10 =	vadd.s32 v35, v10;
	v35 =	vld [tilespmem:$0x1FA70]  }
0x114: {  	v7 =	vadd.s32 v14, v7;
	v14 =	vld [tilespmem:$0x119E0]  }
0x115: {  	v10 =	vadd.s32 v40, v10;
	v40 =	vld [tilespmem:$0x111D0]  }
0x116: {  	[tilespmem:$0x1FD40] =	vst v61;
	v61 =	vld [tilespmem:$0x11B90]  }
0x117: {  	v7 =	vadd.s32 v15, v7;
	v15 =	vld [tilespmem:$0x11AE0]  }
0x118: {  	v10 =	vadd.s32 v43, v10;
	v43 =	vld [tilespmem:$0x112D0]  }
0x119: {  	v7 =	vadd.s32 v16, v7;
	v16 =	vld [tilespmem:$0x11BE0]  }
0x11a: {  	v10 =	vadd.s32 v45, v10;
	v45 =	vld [tilespmem:$0x1FAD0]  }
0x11b: {  	[tilespmem:$0x1FD70] =	vst v61;
	v61 =	vld [tilespmem:$0x11C90]  }
0x11c: {  	v7 =	vadd.s32 v18, v7;
	v18 =	vld [tilespmem:$0x11CE0]  }
0x11d: {  	v10 =	vadd.s32 v46, v10;
	v46 =	vld [tilespmem:$0x1FAE0]  }
0x11e: {  	v11 =	vadd.s32 v32, v11;
	v32 =	vld [tilespmem:$0x1FBA0]  }
0x11f: {  	v7 =	vadd.s32 v19, v7;
	v19 =	vld [tilespmem:$0x11DE0]  }
0x120: {  	[tilespmem:$0x1FDA0] =	vst v61;
	v61 =	vld [tilespmem:$0x11D90]  }
0x121: {  	v10 =	vadd.s32 v48, v10;
	v48 =	vld [tilespmem:$0x1FB00]  }
0x122: {  	v11 =	vadd.s32 v36, v11;
	v36 =	vld [tilespmem:$0x117D0]  }
0x123: {  	v8 =	vadd.s32 v30, v8;
	v30 =	vld [tilespmem:$0x11CD0]  }
0x124: {  	v7 =	vadd.s32 v20, v7;
	v20 =	vld [tilespmem:$0x11EE0]  }
0x125: {  	[tilespmem:$0x1FDD0] =	vst v61;
	v61 =	vld [tilespmem:$0x11E90]  }
0x126: {  	v11 =	vadd.s32 v41, v11;
	v41 =	vld [tilespmem:$0x114D0]  }
0x127: {  	v10 =	vadd.s32 v52, v10;
	v52 =	vld [tilespmem:$0x1FB30]  }
0x128: {  	v8 =	vadd.s32 v33, v8;
	v33 =	vld [tilespmem:$0x1FBB0]  }
0x129: {  	v7 =	vadd.s32 v21, v7;
	v21 =	vld [tilespmem:$0x11FE0]  }
0x12a: {  	[tilespmem:$0x1FDF0] =	vst v61;
	v61 =	vld [tilespmem:$0x11F90]  }
0x12b: {  	v10 =	vadd.s32 v54, v10;
	v54 =	vld [tilespmem:$0x1FB50]  }
0x12c: {  	v8 =	vadd.s32 v37, v8;
	v37 =	vld [tilespmem:$0x116D0]  }
0x12d: {  	v7 =	vadd.s32 v17, v7;
	v17 =	vld [tilespmem:$0x110F0]  }
0x12e: {  	v8 =	vadd.s32 v44, v8;
	v44 =	vld [tilespmem:$0x113D0]  }
0x12f: {  	[tilespmem:$0x1FE20] =	vst v61;
	v61 =	vld [tilespmem:$0x110A0]  }
0x130: {  	v10 =	vadd.s32 v59, v10;
	v59 =	vld [tilespmem:$0x1FB80]  }
0x131: {  	v7 =	vadd.s32 v22, v7;
	v22 =	vld [tilespmem:$0x111F0]  }
0x132: {  	v27 =	vadd.s32 v46, v11;
	v46 =	vld [tilespmem:$0x1FBF0]  }
0x133: {  	v8 =	vadd.s32 v47, v8;
	v47 =	vld [tilespmem:$0x1FC00]  }
0x134: {  	[tilespmem:$0x1FE00] =	vst v61;
	v61 =	vld [tilespmem:$0x111A0]  }
0x135: {  	v28 =	vadd.s32 v60, v32;
	v32 =	vld [tilespmem:$0x11AD0]  }
0x136: {  	v10 =	vadd.s32 v31, v10;
	v31 =	vld [tilespmem:$0x11BD0]  }
0x137: {  	v60 =	vld [tilespmem:$0x1FCC0]  }
0x138: {  	v7 =	vadd.s32 v23, v7;
	v23 =	vld [tilespmem:$0x112F0]  }
0x139: {  	[tilespmem:$0x1FE10] =	vst v61;
	v61 =	vld [tilespmem:$0x112A0]  }
0x13a: {  	v10 =	vadd.s32 v35, v10;
	v35 =	vld [tilespmem:$0x1FBC0]  }
0x13b: {  	v8 =	vadd.s32 v51, v8;
	v51 =	vld [tilespmem:$0x1FC40]  }
0x13c: {  	v10 =	vadd.s32 v39, v10;
	v39 =	vld [tilespmem:$0x115D0]  }
0x13d: {  	v8 =	vadd.s32 v53, v8;
	v53 =	vld [tilespmem:$0x1FC60]  }
0x13e: {  	[tilespmem:$0x1FE30] =	vst v61;
	v61 =	vld [tilespmem:$0x113A0]  }
0x13f: {  	v10 =	vadd.s32 v45, v10;
	v45 =	vld [tilespmem:$0x1FBE0]  }
0x140: {  	v8 =	vadd.s32 v57, v8;
	v57 =	vld [tilespmem:$0x1FCA0]  }
0x141: {  	v11 =	vadd.s32 v48, v10;
	v48 =	vld [tilespmem:$0x1FC10]  }
0x142: {  	v10 =	vadd.s32 v49, v27;
	v49 =	vld [tilespmem:$0x1FC20]  }
0x143: {  	[tilespmem:$0x1FE50] =	vst v61;
	v61 =	vld [tilespmem:$0x114A0]  }
0x144: {  	v27 =	vadd.s32 v54, v55;
	v54 =	vld [tilespmem:$0x1FC70]  }
0x145: {  	v55 =	vld [tilespmem:$0x1FC80]  }
0x146: {  	v10 =	vadd.s32 v52, v10;
	v52 =	vld [tilespmem:$0x1FC50]  }
0x147: {  	v27 =	vadd.s32 v59, v27;
	v59 =	vld [tilespmem:$0x1FCB0]  }
0x148: {  	[tilespmem:$0x1FE70] =	vst v61;
	v61 =	vld [tilespmem:$0x115A0]  }
0x149: {  	v27 =	vadd.s32 v33, v27;
	v28 =	vadd.s32 v35, v28;
	v35 =	vld [tilespmem:$0x118D0]  }
0x14a: {  	v33 =	vld [tilespmem:$0x119D0];
	v27 =	vadd.s32 v42, v27  }
0x14b: {  	v27 =	vadd.s32 v46, v27;
	v46 =	vld [tilespmem:$0x110E0]  }
0x14c: {  	v27 =	vadd.s32 v48, v27;
	v48 =	vld [tilespmem:$0x1FCE0]  }
0x14d: {  	v28 =	vadd.s32 v45, v28;
	[tilespmem:$0x1FE90] =	vst v61;
	v61 =	vld [tilespmem:$0x116A0]  }
0x14e: {  	v28 =	vadd.s32 v47, v28;
	v47 =	vld [tilespmem:$0x111E0]  }
0x14f: {  	v28 =	vadd.s32 v49, v28;
	v49 =	vld [tilespmem:$0x1FCF0]  }
0x150: {  	v27 =	vadd.s32 v50, v27;
	v50 =	vld [tilespmem:$0x1FD00]  }
0x151: {  	v29 =	vadd.s32 v52, v29;
	v52 =	vld [tilespmem:$0x1FD20]  }
0x152: {  	[tilespmem:$0x1FEB0] =	vst v61;
	v61 =	vld [tilespmem:$0x117A0]  }
0x153: {  	v38 =	vadd.s32 v53, v27;
	v27 =	vld [tilespmem:$0x11DD0]  }
0x154: {  	v28 =	vadd.s32 v51, v28;
	v51 =	vld [tilespmem:$0x1FD10]  }
0x155: {  	v53 =	vld [tilespmem:$0x1FD30]  }
0x156: {  	v29 =	vadd.s32 v55, v29;
	v55 =	vld [tilespmem:$0x1FD50]  }
0x157: {  	[tilespmem:$0x1FED0] =	vst v61;
	v61 =	vld [tilespmem:$0x118A0]  }
0x158: {  	v28 =	vadd.s32 v54, v28;
	v54 =	vld [tilespmem:$0x1FD40]  }
0x159: {  	v38 =	vadd.s32 v56, v38;
	v56 =	vld [tilespmem:$0x1FD60]  }
0x15a: {  	v29 =	vadd.s32 v59, v29;
	v59 =	vld [tilespmem:$0x1FD80]  }
0x15b: {  	v42 =	vadd.s32 v57, v28;
	v28 =	vld [tilespmem:$0x11ED0]  }
0x15c: {  	[tilespmem:$0x1FEF0] =	vst v61;
	v61 =	vld [tilespmem:$0x119A0]  }
0x15d: {  	v57 =	vld [tilespmem:$0x1FD70]  }
0x15e: {  	v38 =	vadd.s32 v60, v38;
	v60 =	vld [tilespmem:$0x1FD90]  }
0x15f: {  	v45 =	vadd.s32 v48, v29;
	v29 =	vld [tilespmem:$0x11FD0]  }
0x160: {  	v48 =	vld [tilespmem:$0x112E0]  }
0x161: {  	[tilespmem:$0x1FF10] =	vst v61;
	v61 =	vld [tilespmem:$0x11AA0]  }
0x162: {  	v42 =	vadd.s32 v63, v42;
	v63 =	vld [tilespmem:$0x1FDA0]  }
0x163: {  	v38 =	vadd.s32 v49, v38;
	v49 =	vld [tilespmem:$0x113E0]  }
0x164: {  	v42 =	vadd.s32 v50, v42;
	v50 =	vld [tilespmem:$0x114E0]  }
0x165: {  	v38 =	vadd.s32 v52, v38;
	v52 =	vld [tilespmem:$0x1FDB0]  }
0x166: {  	[tilespmem:$0x1FF20] =	vst v61;
	v61 =	vld [tilespmem:$0x11BA0]  }
0x167: {  	v45 =	vadd.s32 v51, v45;
	v42 =	vadd.s32 v53, v42;
	v53 =	vld [tilespmem:$0x1FDC0]  }
0x168: {  	v45 =	vadd.s32 v54, v45;
	v54 =	vld [tilespmem:$0x1FDD0]  }
0x169: {  	v38 =	vadd.s32 v55, v38;
	v55 =	vld [tilespmem:$0x1FDE0]  }
0x16a: {  	v42 =	vadd.s32 v56, v42;
	v56 =	vld [tilespmem:$0x1FDF0]  }
0x16b: {  	[tilespmem:$0x1FF40] =	vst v61;
	v61 =	vld [tilespmem:$0x11CA0]  }
0x16c: {  	v38 =	vadd.s32 v59, v38;
	v42 =	vadd.s32 v60, v42;
	v60 =	vld [tilespmem:$0x1FE20]  }
0x16d: {  	v38 =	vadd.s32 v52, v38;
	v52 =	vld [tilespmem:$0x115E0]  }
0x16e: {  	v45 =	vadd.s32 v57, v45;
	v57 =	vld [tilespmem:$0x1FE00]  }
0x16f: {  	v59 =	vld [tilespmem:$0x1FE10]  }
0x170: {  	v45 =	vadd.s32 v63, v45;
	[tilespmem:$0x1FF60] =	vst v61;
	v61 =	vld [tilespmem:$0x112B0]  }
0x171: {  	v45 =	vadd.s32 v54, v45;
	v54 =	vld [tilespmem:$0x116E0]  }
0x172: {  	v63 =	vld [tilespmem:$0x1FE30]  }
0x173: {  	v45 =	vadd.s32 v56, v45;
	v56 =	vld [tilespmem:$0x1FE40]  }
0x174: {  	v51 =	vadd.s32 v57, v59;
	v57 =	vld [tilespmem:$0x1FE50]  }
0x175: {  	v45 =	vadd.s32 v60, v45;
	v60 =	vld [tilespmem:$0x1FE70];
	[tilespmem:$0x1FE60] =	vst v61  }
0x176: {  	v59 =	vld [tilespmem:$0x1FE60]  }
0x177: {  	v51 =	vadd.s32 v63, v51;
	v63 =	vld [tilespmem:$0x1FE90]  }
0x178: {  	v42 =	vadd.s32 v53, v42;
	v53 =	vadd.s32 v56, v62;
	v62 =	vld [tilespmem:$0x1FE80]  }
0x179: {  	v51 =	vadd.s32 v57, v51;
	v57 =	vld [tilespmem:$0x1FEA0]  }
0x17a: {  	v51 =	vadd.s32 v60, v51;
	v60 =	vld [tilespmem:$0x1FEC0]  }
0x17b: {  	v53 =	vadd.s32 v59, v53;
	v59 =	vld [tilespmem:$0x1FEB0]  }
0x17c: {  	v51 =	vadd.s32 v63, v51;
	v63 =	vld [tilespmem:$0x1FEE0]  }
0x17d: {  	v53 =	vadd.s32 v62, v53;
	v62 =	vld [tilespmem:$0x1FED0]  }
0x17e: {  	v61 =	vld [tilespmem:$0x118B0]  }
0x17f: {  	v53 =	vadd.s32 v57, v53;
	v57 =	vld [tilespmem:$0x1FEF0]  }
0x180: {  	v51 =	vadd.s32 v59, v51;
	v59 =	vld [tilespmem:$0x1FF00]  }
0x181: {  	v53 =	vadd.s32 v60, v53;
	v60 =	vld [tilespmem:$0x1FF10]  }
0x182: {  	v51 =	vadd.s32 v62, v51;
	v62 =	vld [tilespmem:$0x1FF20]  }
0x183: {  	v53 =	vadd.s32 v63, v53;
	v63 =	vld [tilespmem:$0x1FF30]  }
0x184: {  	v51 =	vadd.s32 v57, v51;
	v57 =	vld [tilespmem:$0x1FF40]  }
0x185: {  	v53 =	vadd.s32 v59, v53;
	v59 =	vld [tilespmem:$0x1FF50]  }
0x186: {  	v51 =	vadd.s32 v60, v51;
	v60 =	vld [tilespmem:$0x1FF60]  }
0x187: {  	v51 =	vadd.s32 v62, v51;
	v62 =	vld [tilespmem:$0x1FF80]  }
0x188: {  	v53 =	vadd.s32 v61, v53;
	v61 =	vld [tilespmem:$0x1FF70]  }
0x189: {  	v53 =	vadd.s32 v63, v53;
	v51 =	vadd.s32 v57, v51;
	v57 =	vld [tilespmem:$0x1FFB0]  }
0x18a: {  	v7 =	vadd.s32 v24, v7;
	v42 =	vadd.s32 v55, v42;
	v55 =	vld [tilespmem:$0x119F0];
	v53 =	vadd.s32 v59, v53  }
0x18b: {  	v7 =	vadd.s32 v25, v7;
	v63 =	vld [tilespmem:$0x1FF90];
	v53 =	vadd.s32 v58, v53  }
0x18c: {  	v7 =	vadd.s32 v26, v7;
	v17 =	vadd.s32 v17, v22;
	v56 =	vld [tilespmem:$0x1FFA0];
	v53 =	vadd.s32 v62, v53  }
0x18d: {  	v17 =	vadd.s32 v23, v17;
	v51 =	vadd.s32 v60, v51;
	v58 =	vld [tilespmem:$0x113F0];
	v5 =	vadd.s32 v5, v53  }
0x18e: {  	v60 =	vld [tilespmem:$0x114F0];
	v59 =	vadd.s32 v34, v40;
	v51 =	vadd.s32 v61, v51;
	v5 =	vadd.s32 v57, v5  }
0x18f: {  	v61 =	vadd.s32 v46, v47;
	v62 =	vld [tilespmem:$0x115F0];
	v5 =	vadd.s32 v9, v5;
	v9 =	vadd.s32 v43, v59  }
0x190: {  	[tilespmem:$0x12030] =	vst v3;
	v40 =	vld [tilespmem:$0x116F0];
	v51 =	vadd.s32 v63, v51;
	v26 =	vadd.s32 v48, v61;
	v9 =	vadd.s32 v44, v9  }
0x191: {  	[tilespmem:$0x12010] =	vst v6;
	v46 =	vld [tilespmem:$0x117F0];
	v51 =	vadd.s32 v56, v51;
	v44 =	vadd.s32 v49, v26;
	v43 =	vadd.s32 v41, v9  }
0x192: {  	[tilespmem:$0x12020] =	vst v4;
	v49 =	vadd.s32 v58, v17;
	v48 =	vadd.s32 v50, v44;
	v50 =	vld [tilespmem:$0x118F0];
	v47 =	vadd.s32 v39, v43  }
0x193: {  	[tilespmem:$0x12060] =	vst v8;
	v63 =	vld [tilespmem:$0x1FFC0];
	v53 =	vadd.s32 v60, v49;
	v52 =	vadd.s32 v52, v48;
	v3 =	vadd.s32 v37, v47  }
0x194: {  	[tilespmem:$0x120C0] =	vst v7;
	v56 =	vld [tilespmem:$0x11AF0];
	v6 =	vadd.s32 v62, v53;
	v4 =	vadd.s32 v54, v52;
	v3 =	vadd.s32 v36, v3  }
0x195: {  	[tilespmem:$0x12040] =	vst v11;
	v57 =	vld [tilespmem:$0x11BF0];
	v6 =	vadd.s32 v40, v6;
	v4 =	vadd.s32 v12, v4;
	v3 =	vadd.s32 v35, v3  }
0x196: {  	[tilespmem:$0x12050] =	vst v10;
	v58 =	vld [tilespmem:$0x11CF0];
	v6 =	vadd.s32 v46, v6;
	v4 =	vadd.s32 v13, v4;
	v3 =	vadd.s32 v33, v3  }
0x197: {  	[tilespmem:$0x12070] =	vst v38;
	v59 =	vld [tilespmem:$0x11DF0];
	v4 =	vadd.s32 v14, v4;
	v6 =	vadd.s32 v50, v6;
	v3 =	vadd.s32 v32, v3  }
0x198: {  	[tilespmem:$0x12080] =	vst v42;
	v60 =	vld [tilespmem:$0x11EF0];
	v4 =	vadd.s32 v15, v4;
	v6 =	vadd.s32 v55, v6;
	v3 =	vadd.s32 v31, v3  }
0x199: {  	[tilespmem:$0x12090] =	vst v45;
	v61 =	vld [tilespmem:$0x11FF0];
	v4 =	vadd.s32 v16, v4;
	v6 =	vadd.s32 v56, v6;
	v3 =	vadd.s32 v30, v3  }
0x19a: {  	[tilespmem:$0x120A0] =	vst v51;
	v4 =	vadd.s32 v18, v4;
	v6 =	vadd.s32 v57, v6;
	v3 =	vadd.s32 v27, v3  }
0x19b: {  	[tilespmem:$0x120B0] =	vst v5;
	v4 =	vadd.s32 v19, v4;
	v62 =	vadd.s32 v58, v6;
	v3 =	vadd.s32 v28, v3  }
0x19c: {  	[tilespmem:$0x12000] =	vst v63;
	v4 =	vadd.s32 v20, v4;
	v5 =	vadd.s32 v59, v62;
	v3 =	vadd.s32 v29, v3  }
0x19d: {  	v63 =	vadd.s32 v60, v5;
	[tilespmem:$0x120D0] =	vst v3;
	v3 =	vadd.s32 v21, v4  }
0x19e: {  	s1 =	simm.s32 $0x80;
	[tilespmem:$0x120E0] =	vst v3;
	v3 =	vadd.s32 v61, v63  }
0x19f: {  	s2 =	simm.s32 $0x400;
	s4 =	simm.s32 $0x12000;
	s28 =	rddreg [dreg:$0xc];
	[tilespmem:$0x120F0] =	vst v3  }
0x1a0: {  	[hbm4b:s28+s1] =	stream.strided.scatter [tilespmem:s4], [sflag:$0x5], $0x100, s2, s1, $0x38;
	[tilespmem:$0x12100] =	vst v63  }
0x1a1: {  	s2 =	simm.s32 $0x5  }
0x1a2: {  	_ =	swait.ge [sflag:s2], $0x100  }
0x1a3: {  	s30 =	rddreg [dreg:$0xe]  }
0x1a4: {  	s31 =	rddreg [dreg:$0xd];
	s1 =	sadd.s32 $0x1, s30  }
0x1a5: {  	p0 =	sne.s32 s1, s31  }
.Ltmp1:
0x1a6: {  	_ = 	snop;
	(pc) =	sbr.rel @!p0 .LBB2_15-.Ltmp1, $3  }
0x1a7: {  	_ =	sdelay $0x1  }
0x1a8: {  	[sflag:s2] =	ssyncset.done $0x0  }
0x1a9: {  	[sflag:s2] =	ssyncadd.s32 $0xFFFFFF00  }
.LBB2_1:
0x1aa: {  	[dreg:$0xe] =	wrdreg s1  }
0x1ab: {  	s0 =	rddreg [dreg:$0x4];
	s30 =	simm.s32 $0x10000  }
0x1ac: {  	[tilespmem:s30], [sflag:$0x5] =	stream.linear.gather [hbm4b:s0+s3], $0x1000, $0x38;
	[tilespmem:$0x12100] =	vst v63  }
0x1ad: {  	_ =	swait.ge [sflag:s2], $0x1000  }
0x1ae: {  	[sflag:s2] =	ssyncset.done $0x0  }
0x1af: {  	[sflag:s2] =	ssyncadd.s32 $0xFFFFF000  }
0x1b0: {  	v25 =	vld [tilespmem:$0x10000]  }
0x1b1: {  	v28 =	vld [tilespmem:$0x10080]  }
0x1b2: {  	v29 =	vld [tilespmem:$0x10100]  }
0x1b3: {  	v30 =	vld [tilespmem:$0x10180]  }
0x1b4: {  	v31 =	vld [tilespmem:$0x10200]  }
0x1b5: {  	v32 =	vld [tilespmem:$0x10280]  }
0x1b6: {  	v33 =	vld [tilespmem:$0x10300]  }
0x1b7: {  	v34 =	vld [tilespmem:$0x10380]  }
0x1b8: {  	v35 =	vld [tilespmem:$0x10400]  }
0x1b9: {  	v36 =	vld [tilespmem:$0x10480]  }
0x1ba: {  	v37 =	vld [tilespmem:$0x10500]  }
0x1bb: {  	v38 =	vld [tilespmem:$0x10580]  }
0x1bc: {  	v39 =	vld [tilespmem:$0x10600]  }
0x1bd: {  	v40 =	vld [tilespmem:$0x10680]  }
0x1be: {  	v41 =	vld [tilespmem:$0x10700]  }
0x1bf: {  	v42 =	vld [tilespmem:$0x10780]  }
0x1c0: {  	v43 =	vld [tilespmem:$0x10800]  }
0x1c1: {  	v3 =	vld [tilespmem:$0x10E80]  }
0x1c2: {  	v44 =	vld [tilespmem:$0x10880]  }
0x1c3: {  	v26 =	vld [tilespmem:$0x10900]  }
0x1c4: {  	v23 =	vld [tilespmem:$0x10980]  }
0x1c5: {  	v21 =	vld [tilespmem:$0x10A00]  }
0x1c6: {  	[tilespmem:$0x1FFD0] =	vst v3;
	v3 =	vld [tilespmem:$0x10F00]  }
0x1c7: {  	v19 =	vld [tilespmem:$0x10A80]  }
0x1c8: {  	v17 =	vld [tilespmem:$0x10B00]  }
0x1c9: {  	v15 =	vld [tilespmem:$0x10B80]  }
0x1ca: {  	v13 =	vld [tilespmem:$0x10C00]  }
0x1cb: {  	[tilespmem:$0x1FFE0] =	vst v3;
	v3 =	vld [tilespmem:$0x10F80]  }
0x1cc: {  	v11 =	vld [tilespmem:$0x10C80]  }
0x1cd: {  	v9 =	vld [tilespmem:$0x10D00]  }
0x1ce: {  	s31 =	rddreg [dreg:$0x5];
	v8 =	vld [tilespmem:$0x10D80]  }
0x1cf: {  	v6 =	vld [tilespmem:$0x10E00];
	[tilespmem:s30], [sflag:$0x5] =	stream.linear.gather [hbm4b:s31+s3], $0x1000, $0x38  }
0x1d0: {  	[tilespmem:$0x1FFF0] =	vst v3  }
0x1d1: {  	_ =	swait.ge [sflag:s2], $0x1000  }
0x1d2: {  	[sflag:s2] =	ssyncset.done $0x0  }
0x1d3: {  	[sflag:s2] =	ssyncadd.s32 $0xFFFFF000  }
0x1d4: {  	v3 =	vld [tilespmem:$0x10000]  }
0x1d5: {  	v5 =	vld [tilespmem:$0x10080]  }
0x1d6: {  	v4 =	vld [tilespmem:$0x10100]  }
0x1d7: {  	v63 =	vld [tilespmem:$0x10180]  }
0x1d8: {  	v62 =	vld [tilespmem:$0x10200]  }
0x1d9: {  	v61 =	vld [tilespmem:$0x10280]  }
0x1da: {  	v60 =	vld [tilespmem:$0x10300]  }
0x1db: {  	v59 =	vld [tilespmem:$0x10380]  }
0x1dc: {  	v58 =	vld [tilespmem:$0x10400]  }
0x1dd: {  	v57 =	vld [tilespmem:$0x10480]  }
0x1de: {  	v56 =	vld [tilespmem:$0x10500]  }
0x1df: {  	v55 =	vld [tilespmem:$0x10580]  }
0x1e0: {  	v54 =	vld [tilespmem:$0x10600]  }
0x1e1: {  	v53 =	vld [tilespmem:$0x10680]  }
0x1e2: {  	v52 =	vld [tilespmem:$0x10700]  }
0x1e3: {  	v50 =	vld [tilespmem:$0x10780]  }
0x1e4: {  	v51 =	vld [tilespmem:$0x10800]  }
0x1e5: {  	v49 =	vld [tilespmem:$0x10880]  }
0x1e6: {  	v48 =	vld [tilespmem:$0x10900]  }
0x1e7: {  	v47 =	vld [tilespmem:$0x10980]  }
0x1e8: {  	v46 =	vld [tilespmem:$0x10A00]  }
0x1e9: {  	v45 =	vld [tilespmem:$0x10A80]  }
0x1ea: {  	v27 =	vld [tilespmem:$0x10B00]  }
0x1eb: {  	v24 =	vld [tilespmem:$0x10B80]  }
0x1ec: {  	v22 =	vld [tilespmem:$0x10C00]  }
0x1ed: {  	v20 =	vld [tilespmem:$0x10C80]  }
0x1ee: {  	v18 =	vld [tilespmem:$0x10D00]  }
0x1ef: {  	v16 =	vld [tilespmem:$0x10D80]  }
0x1f0: {  	v14 =	vld [tilespmem:$0x10E00]  }
0x1f1: {  	v12 =	vld [tilespmem:$0x10E80]  }
0x1f2: {  	s0 =	simm.s32 $0x11040;
	v10 =	vld [tilespmem:$0x10F00]  }
0x1f3: {  	v7 =	vld [tilespmem:$0x10F80];
	[tilespmem:s0+$0xFFFFFFC0] =	vst v0  }
0x1f4: {  	[tilespmem:s0+$0x30] =	vst v0  }
0x1f5: {  	[tilespmem:s0+$0x20] =	vst v0  }
0x1f6: {  	[tilespmem:s0+$0x10] =	vst v0  }
0x1f7: {  	[tilespmem:s0+$0x0] =	vst v0  }
0x1f8: {  	[tilespmem:s0+$0xFFFFFFF0] =	vst v0  }
0x1f9: {  	s1 =	simm.s32 $0x0;
	[tilespmem:s0+$0xFFFFFFE0] =	vst v0  }
.LBB2_2:
0x1fa: {  	s1 =	sadd.s32 $0x8, s1;
	[tilespmem:s0+$0xFFFFFFD0] =	vst v0;
	s0 =	sadd.s32 $0x80, s0  }
0x1fb: {  	[tilespmem:s0+$0xFFFFFFC0] =	vst v0;
	p0 =	slt.u32 s1, $0xF8  }
0x1fc: {  	[tilespmem:s0+$0x30] =	vst v0  }
.Ltmp2:
0x1fd: {  	[tilespmem:s0+$0x20] =	vst v0;
	(pc) =	sbr.rel @p0 .LBB2_2-.Ltmp2, $4  }
0x1fe: {  	[tilespmem:s0+$0x10] =	vst v0  }
0x1ff: {  	[tilespmem:s0+$0x0] =	vst v0  }
0x200: {  	[tilespmem:s0+$0xFFFFFFF0] =	vst v0  }
0x201: {  	[tilespmem:s0+$0xFFFFFFE0] =	vst v0  }
0x202: {  	v25 =	vmin.f32 v25, v28  }
0x203: {  	v25 =	vmin.f32 v25, v29  }
0x204: {  	v25 =	vmin.f32 v25, v30  }
0x205: {  	v25 =	vmin.f32 v25, v31  }
0x206: {  	v25 =	vmin.f32 v25, v32  }
0x207: {  	v25 =	vmin.f32 v25, v33  }
0x208: {  	v25 =	vmin.f32 v25, v34  }
0x209: {  	v25 =	vmin.f32 v25, v35  }
0x20a: {  	v25 =	vmin.f32 v25, v36  }
0x20b: {  	v25 =	vmin.f32 v25, v37  }
0x20c: {  	v25 =	vmin.f32 v25, v38  }
0x20d: {  	v25 =	vmin.f32 v25, v39  }
0x20e: {  	v25 =	vmin.f32 v25, v40  }
0x20f: {  	v25 =	vmin.f32 v25, v41  }
0x210: {  	v25 =	vmin.f32 v25, v42  }
0x211: {  	v25 =	vmin.f32 v25, v43  }
0x212: {  	v25 =	vmin.f32 v25, v44  }
0x213: {  	v3 =	vmax.f32 v3, v5;
	v5 =	vmin.f32 v25, v26  }
0x214: {  	v3 =	vmax.f32 v3, v4;
	v4 =	vmin.f32 v5, v23  }
0x215: {  	v4 =	vmin.f32 v4, v21  }
0x216: {  	v4 =	vmin.f32 v4, v19  }
0x217: {  	v4 =	vmin.f32 v4, v17  }
0x218: {  	v4 =	vmin.f32 v4, v15  }
0x219: {  	v5 =	vld [tilespmem:$0x1FFD0];
	v4 =	vmin.f32 v4, v13  }
0x21a: {  	v4 =	vmin.f32 v4, v11  }
0x21b: {  	v4 =	vmin.f32 v4, v9  }
0x21c: {  	v3 =	vmax.f32 v3, v63;
	v4 =	vmin.f32 v4, v8  }
0x21d: {  	v3 =	vmax.f32 v3, v62;
	v4 =	vmin.f32 v4, v6  }
0x21e: {  	v3 =	vmax.f32 v3, v61;
	v4 =	vmin.f32 v4, v5;
	v5 =	vld [tilespmem:$0x1FFE0]  }
0x21f: {  	v3 =	vmax.f32 v3, v60  }
0x220: {  	v3 =	vmax.f32 v3, v59  }
0x221: {  	v3 =	vmax.f32 v3, v58  }
0x222: {  	v3 =	vmax.f32 v3, v57  }
0x223: {  	v3 =	vmax.f32 v3, v56;
	v4 =	vmin.f32 v4, v5;
	v5 =	vld [tilespmem:$0x1FFF0]  }
0x224: {  	v3 =	vmax.f32 v3, v55  }
0x225: {  	v3 =	vmax.f32 v3, v54  }
0x226: {  	v3 =	vmax.f32 v3, v53  }
0x227: {  	v3 =	vmax.f32 v3, v52  }
0x228: {  	v3 =	vmax.f32 v3, v50;
	v4 =	vmin.f32 v4, v5  }
0x229: {  	v3 =	vmax.f32 v3, v51;
	(v2sf) =	vpush v4, $0x0  }
0x22a: {  	v3 =	vmax.f32 v3, v49;
	(v2sf) =	vpush v4, $0x1  }
0x22b: {  	v3 =	vmax.f32 v3, v48;
	(v2sf) =	vpush v4, $0x2  }
0x22c: {  	v3 =	vmax.f32 v3, v47;
	(v2sf) =	vpush v4, $0x3  }
0x22d: {  	v3 =	vmax.f32 v3, v46;
	(v2sf) =	vpush v4, $0x4  }
0x22e: {  	v3 =	vmax.f32 v3, v45;
	(v2sf) =	vpush v4, $0x5  }
0x22f: {  	v3 =	vmax.f32 v3, v27;
	(v2sf) =	vpush v4, $0x6  }
0x230: {  	v3 =	vmax.f32 v3, v24;
	(v2sf) =	vpush v4, $0x7  }
0x231: {  	v3 =	vmax.f32 v3, v22;
	(v2sf) =	vpush v4, $0x8  }
0x232: {  	v3 =	vmax.f32 v3, v20;
	(v2sf) =	vpush v4, $0x9  }
0x233: {  	v3 =	vmax.f32 v3, v18;
	(v2sf) =	vpush v4, $0xA  }
0x234: {  	v3 =	vmax.f32 v3, v16;
	(v2sf) =	vpush v4, $0xB  }
0x235: {  	v3 =	vmax.f32 v3, v14;
	(v2sf) =	vpush v4, $0xC  }
0x236: {  	v3 =	vmax.f32 v3, v12;
	(v2sf) =	vpush v4, $0xD  }
0x237: {  	v3 =	vmax.f32 v3, v10;
	(v2sf) =	vpush v4, $0xE  }
0x238: {  	v3 =	vmax.f32 v3, v7;
	(v2sf) =	vpush v4, $0xF;
	s1 =	spop (v2sf)  }
0x239: {  	s2 =	spop (v2sf);
	(v2sf) =	vpush v3, $0x0  }
0x23a: {  	s4 =	spop (v2sf);
	(v2sf) =	vpush v3, $0x1  }
0x23b: {  	s5 =	spop (v2sf);
	(v2sf) =	vpush v3, $0x2  }
0x23c: {  	s1 =	smin.f32 s1, s2;
	s14 =	spop (v2sf);
	(v2sf) =	vpush v3, $0x3  }
0x23d: {  	s1 =	smin.f32 s1, s4;
	s15 =	spop (v2sf);
	(v2sf) =	vpush v3, $0x4  }
0x23e: {  	s1 =	smin.f32 s1, s5;
	s16 =	spop (v2sf);
	(v2sf) =	vpush v3, $0x5  }
0x23f: {  	s1 =	smin.f32 s1, s14;
	s19 =	spop (v2sf);
	(v2sf) =	vpush v3, $0x6  }
0x240: {  	s1 =	smin.f32 s1, s15;
	s22 =	spop (v2sf);
	(v2sf) =	vpush v3, $0x7  }
0x241: {  	s1 =	smin.f32 s1, s16;
	s23 =	spop (v2sf);
	(v2sf) =	vpush v3, $0x8  }
0x242: {  	s1 =	smin.f32 s1, s19;
	s24 =	spop (v2sf);
	(v2sf) =	vpush v3, $0x9  }
0x243: {  	s1 =	smin.f32 s1, s22;
	s25 =	spop (v2sf);
	(v2sf) =	vpush v3, $0xA  }
0x244: {  	s1 =	smin.f32 s1, s23;
	s26 =	spop (v2sf);
	(v2sf) =	vpush v3, $0xB  }
0x245: {  	s1 =	smin.f32 s1, s24;
	s28 =	spop (v2sf);
	(v2sf) =	vpush v3, $0xC  }
0x246: {  	s1 =	smin.f32 s1, s25;
	s31 =	spop (v2sf);
	(v2sf) =	vpush v3, $0xD  }
0x247: {  	s1 =	smin.f32 s1, s26;
	s6 =	spop (v2sf);
	(v2sf) =	vpush v3, $0xE  }
0x248: {  	s1 =	smin.f32 s1, s28;
	s7 =	spop (v2sf);
	(v2sf) =	vpush v3, $0xF  }
0x249: {  	s1 =	smin.f32 s1, s31;
	s8 =	spop (v2sf)  }
0x24a: {  	s2 =	smax.f32 s7, s8;
	s9 =	spop (v2sf)  }
0x24b: {  	s2 =	smax.f32 s2, s9;
	s10 =	spop (v2sf)  }
0x24c: {  	s2 =	smax.f32 s2, s10;
	s11 =	spop (v2sf)  }
0x24d: {  	s2 =	smax.f32 s2, s11;
	s12 =	spop (v2sf)  }
0x24e: {  	s2 =	smax.f32 s2, s12;
	s13 =	spop (v2sf)  }
0x24f: {  	s2 =	smax.f32 s2, s13;
	s14 =	spop (v2sf)  }
0x250: {  	s2 =	smax.f32 s2, s14;
	s15 =	spop (v2sf)  }
0x251: {  	s2 =	smax.f32 s2, s15;
	s16 =	spop (v2sf)  }
0x252: {  	s2 =	smax.f32 s2, s16;
	s19 =	spop (v2sf)  }
0x253: {  	s2 =	smax.f32 s2, s19;
	s22 =	spop (v2sf)  }
0x254: {  	s2 =	smax.f32 s2, s22;
	s23 =	spop (v2sf)  }
0x255: {  	s2 =	smax.f32 s2, s23;
	s24 =	spop (v2sf)  }
0x256: {  	s2 =	smax.f32 s2, s24;
	s25 =	spop (v2sf)  }
0x257: {  	s2 =	smax.f32 s2, s25;
	s26 =	spop (v2sf)  }
0x258: {  	s1 =	smin.f32 s1, s6;
	s2 =	smax.f32 s2, s26  }
0x259: {  	s2 =	ssub.f32 s2, s1;
	_ =	sdelay $0x1  }
0x25a: {  	p0 =	sgt.f32 s2, $0.0e+00;
	_ =	sdelay $0x1  }
0x25b: {  	s2 =	simm.s32 @!p0 $0x3F800000  }
0x25c: {  	v3 =	vmov s2  }
0x25d: {  	(erf) = vrcp.f32 v3;
	_ =	sdelay $0x8  }
0x25e: {  	v3 =	vpop (erf)  }
0x25f: {  	v3 =	vmul.f32 $2.550000000e+02, v3  }
0x260: {  	[tilespmem:s0+$0xFFFFFFD0] =	vst v0  }
0x261: {  	s0 =	rddreg [dreg:$0x7];
	v3 =	vpsel !p0, $0x0, v3  }
0x262: {  	[tilespmem:s29], [sflag:$0x1] =	stream.linear.gather [hbm4b:s0+s29], $0x4000, $0x38;
	v4 =	vmul.f32 s1, v3;
	[tilespmem:$0x12100] =	vst v63  }
0x263: {  	s30 =	simm.s32 $0x0;
	s28 =	rddreg [dreg:$0x8];
	s31 =	simm.s32 $0x4000  }
0x264: {  	[tilespmem:s31], [sflag:$0x2] =	stream.linear.gather [hbm4b:s28+s29], $0x4000, $0x38;
	v4 =	vsub.f32 $5.000000000e-01, v4;
	[tilespmem:$0x12100] =	vst v63  }
.LBB2_4:
0x265: {  	_ =	swait.ge [sflag:s17], $0x4000  }
0x266: {  	p0 =	seq.s32 s30, $0x0;
	[sflag:s17] =	ssyncset.done $0x0  }
0x267: {  	s0 =	simm.s32 @!p0 $0x3;
	[sflag:s17] =	ssyncadd.s32 $0xFFFFC000  }
0x268: {  	_ =	swait.ge @!p0 [sflag:s0], $0x4000  }
0x269: {  	s1 =	sand.u32 $0x70, s29;
	s2 =	sand.u32 $0x3C00, s29;
	[sflag:s0] =	ssyncset.done @!p0 $0x0  }
0x26a: {  	s1 =	sor.u32 s1, s2;
	[sflag:s0] =	ssyncadd.s32 @!p0 $0xFFFFC000  }
0x26b: {  	v5 =	vld [tilespmem:s1+$0x0];
	_ =	sdelay $0x4  }
0x26c: {  	v5 =	vmul.f32 v5, v3;
	_ =	sdelay $0x1  }
0x26d: {  	v5 =	vadd.f32 v5, v4;
	_ =	sdelay $0x1  }
0x26e: {  	v5 =	vtrunc.f32 v5  }
0x26f: {  	v5 =	vcvt.f32.s32 v5;
	_ =	sdelay $0x1  }
0x270: {  	vm0 =	vlt.s32 v5, $0xFF  }
0x271: {  	v5 =	vnsel vm0, $0xFF, v5  }
0x272: {  	v6 =	vadd.s32 v1, v5  }
0x273: {  	s25 =	simm.s32 $0x80;
	s2 =	simm.s32 $0x10  }
0x274: {  	s4 =	sand.u32 $0x3C00, s25;
	s0 =	sand.u32 $0x70, s2  }
0x275: {  	s0 =	sor.u32 s0, s4  }
0x276: {  	v7 =	vld [tilespmem:s0+$0x0];
	[tilespmem:s1+$0x8000] =	vst v5  }
0x277: {  	[tilespmem:v6+s18+$0x0] =	vst.idx.add.s32.msk $0xffff, v2  }
0x278: {  	v5 =	vld [tilespmem:s1+$0x80];
	_ =	sdelay $0x2  }
0x279: {  	v6 =	vmul.f32 v7, v3;
	_ =	sdelay $0x1  }
0x27a: {  	v6 =	vadd.f32 v6, v4;
	v5 =	vmul.f32 v5, v3;
	_ =	sdelay $0x1  }
0x27b: {  	v6 =	vtrunc.f32 v6;
	v5 =	vadd.f32 v5, v4  }
0x27c: {  	v6 =	vcvt.f32.s32 v6  }
0x27d: {  	v5 =	vtrunc.f32 v5  }
0x27e: {  	vm0 =	vlt.s32 v6, $0xFF;
	v5 =	vcvt.f32.s32 v5  }
0x27f: {  	s2 =	simm.s32 $0x100;
	s4 =	simm.s32 $0x20;
	v6 =	vnsel vm0, $0xFF, v6  }
0x280: {  	s5 =	sand.u32 $0x3C00, s2;
	s4 =	sand.u32 $0x70, s4;
	v7 =	vadd.s32 v1, v6;
	vm0 =	vlt.s32 v5, $0xFF  }
0x281: {  	s24 =	sor.u32 s4, s5;
	v5 =	vnsel vm0, $0xFF, v5  }
0x282: {  	v9 =	vld [tilespmem:s24+$0x0];
	v8 =	vadd.s32 v1, v5;
	_ =	sdelay $0x1  }
0x283: {  	[tilespmem:s0+$0x8000] =	vst v6  }
0x284: {  	[tilespmem:v7+s18+$0x0] =	vst.idx.add.s32.msk $0xffff, v2  }
0x285: {  	v6 =	vld [tilespmem:s0+$0x80];
	[tilespmem:s1+$0x8080] =	vst v5  }
0x286: {  	v5 =	vmul.f32 v9, v3;
	[tilespmem:v8+s18+$0x0] =	vst.idx.add.s32.msk $0xffff, v2  }
0x287: {  	v7 =	vld [tilespmem:s1+$0x100]  }
0x288: {  	v5 =	vadd.f32 v5, v4;
	_ =	sdelay $0x1  }
0x289: {  	v5 =	vtrunc.f32 v5;
	v6 =	vmul.f32 v6, v3  }
0x28a: {  	v5 =	vcvt.f32.s32 v5  }
0x28b: {  	v6 =	vadd.f32 v6, v4;
	v7 =	vmul.f32 v7, v3  }
0x28c: {  	vm0 =	vlt.s32 v5, $0xFF  }
0x28d: {  	v5 =	vnsel vm0, $0xFF, v5;
	v6 =	vtrunc.f32 v6;
	v7 =	vadd.f32 v7, v4  }
0x28e: {  	v8 =	vadd.s32 v1, v5;
	v6 =	vcvt.f32.s32 v6  }
0x28f: {  	s14 =	simm.s32 $0x180;
	s5 =	simm.s32 $0x30;
	v7 =	vtrunc.f32 v7  }
0x290: {  	s6 =	sand.u32 $0x3C00, s14;
	s4 =	sand.u32 $0x70, s5;
	vm0 =	vlt.s32 v6, $0xFF;
	v7 =	vcvt.f32.s32 v7  }
0x291: {  	s4 =	sor.u32 s4, s6;
	v6 =	vnsel vm0, $0xFF, v6  }
0x292: {  	v10 =	vld [tilespmem:s4+$0x0];
	[tilespmem:s24+$0x8000] =	vst v5;
	v9 =	vadd.s32 v1, v6;
	vm0 =	vlt.s32 v7, $0xFF  }
0x293: {  	[tilespmem:v8+s18+$0x0] =	vst.idx.add.s32.msk $0xffff, v2;
	v5 =	vnsel vm0, $0xFF, v7  }
0x294: {  	v8 =	vld [tilespmem:s24+$0x80];
	v7 =	vadd.s32 v1, v5;
	_ =	sdelay $0x1  }
0x295: {  	[tilespmem:s0+$0x8080] =	vst v6  }
0x296: {  	v6 =	vmul.f32 v10, v3;
	[tilespmem:v9+s18+$0x0] =	vst.idx.add.s32.msk $0xffff, v2  }
0x297: {  	v9 =	vld [tilespmem:s0+$0x100];
	[tilespmem:s1+$0x8100] =	vst v5  }
0x298: {  	v5 =	vadd.f32 v6, v4;
	v6 =	vmul.f32 v8, v3;
	[tilespmem:v7+s18+$0x0] =	vst.idx.add.s32.msk $0xffff, v2  }
0x299: {  	v7 =	vld [tilespmem:s1+$0x180]  }
0x29a: {  	v5 =	vtrunc.f32 v5;
	v6 =	vadd.f32 v6, v4  }
0x29b: {  	v5 =	vcvt.f32.s32 v5  }
0x29c: {  	v6 =	vtrunc.f32 v6;
	v8 =	vmul.f32 v9, v3  }
0x29d: {  	vm0 =	vlt.s32 v5, $0xFF;
	v6 =	vcvt.f32.s32 v6  }
0x29e: {  	v5 =	vnsel vm0, $0xFF, v5;
	v8 =	vadd.f32 v8, v4;
	v7 =	vmul.f32 v7, v3  }
0x29f: {  	vm0 =	vlt.s32 v6, $0xFF;
	v9 =	vadd.s32 v1, v5  }
0x2a0: {  	s5 =	simm.s32 $0x200;
	s6 =	simm.s32 $0x40;
	v6 =	vnsel vm0, $0xFF, v6;
	v8 =	vtrunc.f32 v8;
	v7 =	vadd.f32 v7, v4  }
0x2a1: {  	s7 =	sand.u32 $0x3C00, s5;
	s6 =	sand.u32 $0x70, s6;
	v10 =	vadd.s32 v1, v6;
	v8 =	vcvt.f32.s32 v8  }
0x2a2: {  	s8 =	sor.u32 s6, s7;
	v7 =	vtrunc.f32 v7  }
0x2a3: {  	v11 =	vld [tilespmem:s8+$0x0];
	[tilespmem:s4+$0x8000] =	vst v5;
	vm0 =	vlt.s32 v8, $0xFF;
	v7 =	vcvt.f32.s32 v7  }
0x2a4: {  	[tilespmem:v9+s18+$0x0] =	vst.idx.add.s32.msk $0xffff, v2;
	v5 =	vnsel vm0, $0xFF, v8  }
0x2a5: {  	[tilespmem:s24+$0x8080] =	vst v6;
	v9 =	vld [tilespmem:s4+$0x80];
	v8 =	vadd.s32 v1, v5;
	vm0 =	vlt.s32 v7, $0xFF  }
0x2a6: {  	[tilespmem:v10+s18+$0x0] =	vst.idx.add.s32.msk $0xffff, v2;
	v6 =	vnsel vm0, $0xFF, v7  }
0x2a7: {  	v10 =	vld [tilespmem:s24+$0x100];
	v7 =	vadd.s32 v1, v6  }
0x2a8: {  	v11 =	vmul.f32 v11, v3  }
0x2a9: {  	[tilespmem:s0+$0x8100] =	vst v5  }
0x2aa: {  	v5 =	vadd.f32 v11, v4;
	[tilespmem:v8+s18+$0x0] =	vst.idx.add.s32.msk $0xffff, v2;
	v8 =	vmul.f32 v9, v3  }
0x2ab: {  	v9 =	vld [tilespmem:s0+$0x180];
	[tilespmem:s1+$0x8180] =	vst v6  }
0x2ac: {  	v5 =	vtrunc.f32 v5;
	v6 =	vmul.f32 v10, v3;
	[tilespmem:v7+s18+$0x0] =	vst.idx.add.s32.msk $0xffff, v2;
	v7 =	vadd.f32 v8, v4  }
0x2ad: {  	v5 =	vcvt.f32.s32 v5;
	v8 =	vld [tilespmem:s1+$0x200]  }
0x2ae: {  	v6 =	vadd.f32 v6, v4;
	v7 =	vtrunc.f32 v7  }
0x2af: {  	vm0 =	vlt.s32 v5, $0xFF;
	v7 =	vcvt.f32.s32 v7  }
0x2b0: {  	v5 =	vnsel vm0, $0xFF, v5;
	v6 =	vtrunc.f32 v6;
	v9 =	vmul.f32 v9, v3  }
0x2b1: {  	v10 =	vadd.s32 v1, v5;
	v6 =	vcvt.f32.s32 v6;
	vm0 =	vlt.s32 v7, $0xFF  }
0x2b2: {  	s12 =	simm.s32 $0x280;
	s7 =	simm.s32 $0x50;
	v9 =	vadd.f32 v9, v4;
	v8 =	vmul.f32 v8, v3;
	v7 =	vnsel vm0, $0xFF, v7  }
0x2b3: {  	s9 =	sand.u32 $0x3C00, s12;
	s6 =	sand.u32 $0x70, s7;
	vm0 =	vlt.s32 v6, $0xFF;
	v11 =	vadd.s32 v1, v7  }
0x2b4: {  	s13 =	sor.u32 s6, s9;
	v9 =	vtrunc.f32 v9;
	v6 =	vnsel vm0, $0xFF, v6;
	v8 =	vadd.f32 v8, v4  }
0x2b5: {  	v12 =	vld [tilespmem:s13+$0x0];
	[tilespmem:s8+$0x8000] =	vst v5;
	v9 =	vcvt.f32.s32 v9;
	v5 =	vadd.s32 v1, v6  }
0x2b6: {  	[tilespmem:v10+s18+$0x0] =	vst.idx.add.s32.msk $0xffff, v2;
	v8 =	vtrunc.f32 v8  }
0x2b7: {  	v10 =	vld [tilespmem:s8+$0x80];
	vm0 =	vlt.s32 v9, $0xFF;
	[tilespmem:s4+$0x8080] =	vst v7;
	v8 =	vcvt.f32.s32 v8  }
0x2b8: {  	v7 =	vnsel vm0, $0xFF, v9;
	[tilespmem:v11+s18+$0x0] =	vst.idx.add.s32.msk $0xffff, v2  }
0x2b9: {  	[tilespmem:s24+$0x8100] =	vst v6;
	v9 =	vadd.s32 v1, v7;
	vm0 =	vlt.s32 v8, $0xFF;
	v11 =	vld [tilespmem:s4+$0x100]  }
0x2ba: {  	[tilespmem:v5+s18+$0x0] =	vst.idx.add.s32.msk $0xffff, v2;
	v6 =	vnsel vm0, $0xFF, v8;
	v8 =	vmul.f32 v12, v3  }
0x2bb: {  	v12 =	vld [tilespmem:s24+$0x180];
	v5 =	vadd.s32 v1, v6  }
0x2bc: {  	v10 =	vmul.f32 v10, v3;
	v8 =	vadd.f32 v8, v4  }
0x2bd: {  	[tilespmem:s0+$0x8180] =	vst v7  }
0x2be: {  	[tilespmem:v9+s18+$0x0] =	vst.idx.add.s32.msk $0xffff, v2;
	v9 =	vadd.f32 v10, v4;
	v7 =	vtrunc.f32 v8;
	v8 =	vmul.f32 v11, v3  }
0x2bf: {  	[tilespmem:s1+$0x8200] =	vst v6;
	v6 =	vcvt.f32.s32 v7;
	v7 =	vld [tilespmem:s0+$0x200]  }
0x2c0: {  	v9 =	vtrunc.f32 v9;
	[tilespmem:v5+s18+$0x0] =	vst.idx.add.s32.msk $0xffff, v2;
	v5 =	vadd.f32 v8, v4;
	v8 =	vmul.f32 v12, v3  }
0x2c1: {  	v9 =	vcvt.f32.s32 v9;
	v10 =	vld [tilespmem:s1+$0x280]  }
0x2c2: {  	vm0 =	vlt.s32 v6, $0xFF;
	v5 =	vtrunc.f32 v5;
	v8 =	vadd.f32 v8, v4  }
0x2c3: {  	v6 =	vnsel vm0, $0xFF, v6;
	vm0 =	vlt.s32 v9, $0xFF;
	v5 =	vcvt.f32.s32 v5  }
0x2c4: {  	s10 =	simm.s32 $0x60;
	s7 =	simm.s32 $0x300;
	v11 =	vadd.s32 v1, v6;
	v9 =	vnsel vm0, $0xFF, v9;
	v7 =	vmul.f32 v7, v3  }
0x2c5: {  	s6 =	sand.u32 $0x70, s10;
	s9 =	sand.u32 $0x3C00, s7;
	v8 =	vtrunc.f32 v8;
	v12 =	vadd.s32 v1, v9  }
0x2c6: {  	s23 =	sor.u32 s6, s9;
	vm0 =	vlt.s32 v5, $0xFF;
	v7 =	vadd.f32 v7, v4;
	v10 =	vmul.f32 v10, v3  }
0x2c7: {  	v13 =	vld [tilespmem:s23+$0x0];
	v8 =	vcvt.f32.s32 v8;
	v5 =	vnsel vm0, $0xFF, v5  }
0x2c8: {  	[tilespmem:s13+$0x8000] =	vst v6;
	v6 =	vadd.s32 v1, v5;
	v7 =	vtrunc.f32 v7;
	v10 =	vadd.f32 v10, v4  }
0x2c9: {  	vm0 =	vlt.s32 v8, $0xFF;
	[tilespmem:v11+s18+$0x0] =	vst.idx.add.s32.msk $0xffff, v2;
	v7 =	vcvt.f32.s32 v7  }
0x2ca: {  	[tilespmem:s8+$0x8080] =	vst v9;
	v8 =	vnsel vm0, $0xFF, v8;
	v11 =	vld [tilespmem:s13+$0x80];
	v9 =	vtrunc.f32 v10  }
0x2cb: {  	[tilespmem:v12+s18+$0x0] =	vst.idx.add.s32.msk $0xffff, v2;
	v10 =	vadd.s32 v1, v8;
	vm0 =	vlt.s32 v7, $0xFF;
	v9 =	vcvt.f32.s32 v9  }
0x2cc: {  	[tilespmem:s4+$0x8100] =	vst v5;
	v12 =	vld [tilespmem:s8+$0x100];
	v5 =	vnsel vm0, $0xFF, v7;
	v7 =	vmul.f32 v13, v3  }
0x2cd: {  	[tilespmem:v6+s18+$0x0] =	vst.idx.add.s32.msk $0xffff, v2;
	v6 =	vadd.s32 v1, v5;
	vm0 =	vlt.s32 v9, $0xFF  }
0x2ce: {  	v13 =	vld [tilespmem:s4+$0x180];
	v9 =	vnsel vm0, $0xFF, v9;
	v7 =	vadd.f32 v7, v4  }
0x2cf: {  	[tilespmem:s24+$0x8180] =	vst v8;
	v11 =	vmul.f32 v11, v3;
	v8 =	vadd.s32 v1, v9  }
0x2d0: {  	[tilespmem:v10+s18+$0x0] =	vst.idx.add.s32.msk $0xffff, v2;
	v7 =	vtrunc.f32 v7  }
0x2d1: {  	[tilespmem:s0+$0x8200] =	vst v5;
	v10 =	vmul.f32 v12, v3;
	v11 =	vadd.f32 v11, v4;
	v5 =	vcvt.f32.s32 v7;
	v7 =	vld [tilespmem:s24+$0x200]  }
0x2d2: {  	[tilespmem:v6+s18+$0x0] =	vst.idx.add.s32.msk $0xffff, v2  }
0x2d3: {  	[tilespmem:s1+$0x8280] =	vst v9;
	v6 =	vadd.f32 v10, v4;
	v10 =	vmul.f32 v13, v3;
	v11 =	vtrunc.f32 v11;
	v9 =	vld [tilespmem:s0+$0x280]  }
0x2d4: {  	vm0 =	vlt.s32 v5, $0xFF;
	v11 =	vcvt.f32.s32 v11;
	[tilespmem:v8+s18+$0x0] =	vst.idx.add.s32.msk $0xffff, v2  }
0x2d5: {  	v6 =	vtrunc.f32 v6;
	v8 =	vadd.f32 v10, v4;
	v5 =	vnsel vm0, $0xFF, v5;
	v10 =	vld [tilespmem:s1+$0x300]  }
0x2d6: {  	v6 =	vcvt.f32.s32 v6;
	vm0 =	vlt.s32 v11, $0xFF;
	v7 =	vmul.f32 v7, v3  }
0x2d7: {  	v12 =	vadd.s32 v1, v5;
	v11 =	vnsel vm0, $0xFF, v11;
	v8 =	vtrunc.f32 v8  }
0x2d8: {  	s15 =	simm.s32 $0x380;
	s11 =	simm.s32 $0x70;
	vm0 =	vlt.s32 v6, $0xFF;
	v13 =	vadd.s32 v1, v11;
	v7 =	vadd.f32 v7, v4  }
0x2d9: {  	s16 =	sand.u32 $0x3C00, s15;
	s6 =	sand.u32 $0x70, s11;
	v8 =	vcvt.f32.s32 v8;
	v9 =	vmul.f32 v9, v3;
	v6 =	vnsel vm0, $0xFF, v6  }
0x2da: {  	s26 =	sor.u32 s6, s16;
	[tilespmem:s23+$0x8000] =	vst v5;
	v5 =	vadd.s32 v1, v6;
	v7 =	vtrunc.f32 v7;
	v10 =	vmul.f32 v10, v3  }
0x2db: {  	v14 =	vld [tilespmem:s26+$0x0];
	[tilespmem:s13+$0x8080] =	vst v11;
	vm0 =	vlt.s32 v8, $0xFF;
	v9 =	vadd.f32 v9, v4;
	v7 =	vcvt.f32.s32 v7  }
0x2dc: {  	[tilespmem:v12+s18+$0x0] =	vst.idx.add.s32.msk $0xffff, v2;
	v8 =	vnsel vm0, $0xFF, v8;
	v10 =	vadd.f32 v10, v4  }
0x2dd: {  	[tilespmem:s8+$0x8100] =	vst v6;
	v12 =	vld [tilespmem:s23+$0x80];
	v11 =	vadd.s32 v1, v8;
	v9 =	vtrunc.f32 v9;
	vm0 =	vlt.s32 v7, $0xFF  }
0x2de: {  	[tilespmem:v13+s18+$0x0] =	vst.idx.add.s32.msk $0xffff, v2;
	v9 =	vcvt.f32.s32 v9;
	v6 =	vnsel vm0, $0xFF, v7;
	v7 =	vtrunc.f32 v10  }
0x2df: {  	v13 =	vld [tilespmem:s13+$0x100];
	v7 =	vcvt.f32.s32 v7  }
0x2e0: {  	v10 =	vmul.f32 v14, v3;
	[tilespmem:v5+s18+$0x0] =	vst.idx.add.s32.msk $0xffff, v2;
	v5 =	vadd.s32 v1, v6;
	vm0 =	vlt.s32 v9, $0xFF  }
0x2e1: {  	[tilespmem:s4+$0x8180] =	vst v8;
	v14 =	vld [tilespmem:s8+$0x180];
	v9 =	vnsel vm0, $0xFF, v9;
	vm0 =	vlt.s32 v7, $0xFF  }
0x2e2: {  	[tilespmem:s24+$0x8200] =	vst v6;
	v10 =	vadd.f32 v10, v4;
	v8 =	vadd.s32 v1, v9;
	v7 =	vnsel vm0, $0xFF, v7  }
0x2e3: {  	v12 =	vmul.f32 v12, v3;
	[tilespmem:v11+s18+$0x0] =	vst.idx.add.s32.msk $0xffff, v2;
	v6 =	vadd.s32 v1, v7  }
0x2e4: {  	[tilespmem:s0+$0x8280] =	vst v9;
	v10 =	vtrunc.f32 v10;
	v11 =	vmul.f32 v13, v3;
	v13 =	vld [tilespmem:s4+$0x200]  }
0x2e5: {  	v12 =	vadd.f32 v12, v4;
	v10 =	vcvt.f32.s32 v10;
	[tilespmem:v5+s18+$0x0] =	vst.idx.add.s32.msk $0xffff, v2  }
0x2e6: {  	[tilespmem:s1+$0x8300] =	vst v7;
	v5 =	vadd.f32 v11, v4;
	v11 =	vmul.f32 v14, v3;
	v14 =	vld [tilespmem:s24+$0x280]  }
0x2e7: {  	s19 =	sand.u32 $0x7, s29;
	v9 =	vtrunc.f32 v12;
	vm0 =	vlt.s32 v10, $0xFF;
	[tilespmem:v8+s18+$0x0] =	vst.idx.add.s32.msk $0xffff, v2  }
0x2e8: {  	s22 =	sshll.u32 s19, $0x4;
	v8 =	vcvt.f32.s32 v9;
	v5 =	vtrunc.f32 v5;
	v9 =	vadd.f32 v11, v4;
	[tilespmem:v6+s18+$0x0] =	vst.idx.add.s32.msk $0xffff, v2  }
0x2e9: {  	s1 =	sadd.s32 $0x0, s22;
	v11 =	vnsel vm0, $0xFF, v10;
	v10 =	vcvt.f32.s32 v5;
	v6 =	vld [tilespmem:s0+$0x300]  }
0x2ea: {  	s1 =	sor.u32 $0x380, s1;
	v7 =	vmul.f32 v13, v3;
	vm0 =	vlt.s32 v8, $0xFF;
	v5 =	vtrunc.f32 v9  }
0x2eb: {  	s28 =	simm.s32 $0x38;
	v13 =	vadd.s32 v1, v11;
	v12 =	vnsel vm0, $0xFF, v8;
	v8 =	vcvt.f32.s32 v5;
	v5 =	vld [tilespmem:s1+$0x0]  }
0x2ec: {  	s31 =	simm.s32 $0x80;
	s9 =	simm.s32 $0x0;
	s16 =	simm.s32 $0x400;
	vm0 =	vlt.s32 v10, $0xFF;
	v9 =	vadd.f32 v7, v4;
	v7 =	vmul.f32 v14, v3  }
.LBB2_5:
0x2ed: {  	s6 =	sand.u32 $0x70, s31;
	s11 =	sand.u32 $0x3C00, s16;
	v14 =	vadd.s32 v1, v12;
	v10 =	vnsel vm0, $0xFF, v10;
	vm0 =	vlt.s32 v8, $0xFF;
	s19 =	smov.u32 s14  }
0x2ee: {  	s14 =	smov.u32 s5;
	s5 =	smov.u32 s12;
	s11 =	sor.u32 s6, s11;
	v9 =	vtrunc.f32 v9;
	v7 =	vadd.f32 v7, v4;
	v6 =	vmul.f32 v6, v3  }
0x2ef: {  	s12 =	smov.u32 s7;
	s7 =	smov.u32 s15;
	s15 =	smov.u32 s16;
	v8 =	vnsel vm0, $0xFF, v8;
	v15 =	vld [tilespmem:s11+$0x0];
	[tilespmem:s26+$0x8000] =	vst v11;
	v11 =	vadd.s32 v1, v10;
	v9 =	vcvt.f32.s32 v9  }
0x2f0: {  	[tilespmem:v13+s18+$0x0] =	vst.idx.add.s32.msk $0xffff, v2;
	v7 =	vtrunc.f32 v7;
	v6 =	vadd.f32 v6, v4;
	v5 =	vmul.f32 v5, v3  }
0x2f1: {  	v13 =	vld [tilespmem:s26+$0x80];
	[tilespmem:s23+$0x8080] =	vst v12;
	v12 =	vadd.s32 v1, v8;
	vm0 =	vlt.s32 v9, $0xFF;
	v7 =	vcvt.f32.s32 v7  }
0x2f2: {  	[tilespmem:v14+s18+$0x0] =	vst.idx.add.s32.msk $0xffff, v2;
	v9 =	vnsel vm0, $0xFF, v9;
	v6 =	vtrunc.f32 v6;
	v5 =	vadd.f32 v5, v4  }
0x2f3: {  	v14 =	vld [tilespmem:s23+$0x100];
	[tilespmem:s13+$0x8100] =	vst v10;
	v10 =	vadd.s32 v1, v9;
	vm0 =	vlt.s32 v7, $0xFF;
	v6 =	vcvt.f32.s32 v6  }
0x2f4: {  	v15 =	vmul.f32 v15, v3;
	[tilespmem:v11+s18+$0x0] =	vst.idx.add.s32.msk $0xffff, v2;
	v7 =	vnsel vm0, $0xFF, v7;
	v5 =	vtrunc.f32 v5  }
0x2f5: {  	v11 =	vld [tilespmem:s13+$0x180];
	[tilespmem:s8+$0x8180] =	vst v8;
	v8 =	vadd.s32 v1, v7;
	vm0 =	vlt.s32 v6, $0xFF;
	v5 =	vcvt.f32.s32 v5  }
0x2f6: {  	v15 =	vadd.f32 v15, v4;
	[tilespmem:v12+s18+$0x0] =	vst.idx.add.s32.msk $0xffff, v2;
	v6 =	vnsel vm0, $0xFF, v6  }
0x2f7: {  	v12 =	vmul.f32 v13, v3;
	[tilespmem:s4+$0x8200] =	vst v9;
	v9 =	vadd.s32 v1, v6;
	vm0 =	vlt.s32 v5, $0xFF  }
0x2f8: {  	v13 =	vtrunc.f32 v15;
	v14 =	vmul.f32 v14, v3;
	[tilespmem:v10+s18+$0x0] =	vst.idx.add.s32.msk $0xffff, v2;
	v5 =	vnsel vm0, $0xFF, v5  }
0x2f9: {  	s9 =	sadd.s32 $0x1, s9;
	v12 =	vadd.f32 v12, v4;
	v10 =	vcvt.f32.s32 v13;
	v13 =	vld [tilespmem:s8+$0x200];
	[tilespmem:s24+$0x8280] =	vst v7;
	v7 =	vadd.s32 v1, v5  }
0x2fa: {  	s28 =	sadd.s32 $0x8, s28;
	s6 =	sand.u32 $0x7, s9;
	v14 =	vadd.f32 v14, v4;
	v11 =	vmul.f32 v11, v3;
	[tilespmem:v8+s18+$0x0] =	vst.idx.add.s32.msk $0xffff, v2  }
0x2fb: {  	p1 =	slt.u32 s28, $0x3F8;
	v8 =	vtrunc.f32 v12;
	vm0 =	vlt.s32 v10, $0xFF;
	v15 =	vld [tilespmem:s4+$0x280];
	[tilespmem:s0+$0x8300] =	vst v6;
	s0 =	smov.u32 s24;
	s24 =	smov.u32 s4  }
.Ltmp3:
0x2fc: {  	s6 =	sshll.u32 s6, $0x4;
	v8 =	vcvt.f32.s32 v8;
	s4 =	smov.u32 s8;
	v6 =	vtrunc.f32 v14;
	v12 =	vadd.f32 v11, v4;
	[tilespmem:v9+s18+$0x0] =	vst.idx.add.s32.msk $0xffff, v2;
	(pc) =	sbr.rel @p1 .LBB2_5-.Ltmp3, $4  }
0x2fd: {  	s6 =	sadd.s32 s6, s25;
	s8 =	smov.u32 s13;
	v11 =	vnsel vm0, $0xFF, v10;
	v10 =	vcvt.f32.s32 v6;
	v6 =	vld [tilespmem:s0+$0x300];
	[tilespmem:s1+$0x8000] =	vst v5  }
0x2fe: {  	s13 =	smov.u32 s23;
	vm0 =	vlt.s32 v8, $0xFF;
	s1 =	sor.u32 $0x380, s6;
	v5 =	vtrunc.f32 v12;
	v9 =	vmul.f32 v13, v3;
	[tilespmem:v7+s18+$0x0] =	vst.idx.add.s32.msk $0xffff, v2  }
0x2ff: {  	s25 =	smov.u32 s2;
	s23 =	smov.u32 s26;
	s26 =	smov.u32 s11;
	v13 =	vadd.s32 v1, v11;
	v12 =	vnsel vm0, $0xFF, v8;
	v8 =	vcvt.f32.s32 v5;
	v5 =	vld [tilespmem:s1+$0x0]  }
0x300: {  	s16 =	sadd.s32 $0x80, s16;
	s31 =	sadd.s32 $0x10, s31;
	s2 =	smov.u32 s19;
	vm0 =	vlt.s32 v10, $0xFF;
	v9 =	vadd.f32 v9, v4;
	v7 =	vmul.f32 v15, v3  }
0x301: {  	_ =	sdelay $0x2  }
0x302: {  	[tilespmem:s26+$0x8000] =	vst v11  }
0x303: {  	[tilespmem:v13+s18+$0x0] =	vst.idx.add.s32.msk $0xffff, v2  }
0x304: {  	v49 =	vld [tilespmem:s26+$0x80]  }
0x305: {  	v50 =	vadd.s32 v1, v12;
	_ =	sdelay $0x3  }
0x306: {  	[tilespmem:s23+$0x8080] =	vst v12;
	v11 =	vmul.f32 v49, v3  }
0x307: {  	[tilespmem:v50+s18+$0x0] =	vst.idx.add.s32.msk $0xffff, v2  }
0x308: {  	v51 =	vld [tilespmem:s23+$0x100];
	v11 =	vadd.f32 v11, v4;
	_ =	sdelay $0x1  }
0x309: {  	v11 =	vtrunc.f32 v11  }
0x30a: {  	v11 =	vcvt.f32.s32 v11;
	_ =	sdelay $0x1  }
0x30b: {  	v12 =	vmul.f32 v51, v3;
	vm1 =	vlt.s32 v11, $0xFF  }
0x30c: {  	v11 =	vnsel vm1, $0xFF, v11  }
0x30d: {  	v12 =	vadd.f32 v12, v4;
	v14 =	vadd.s32 v1, v11;
	_ =	sdelay $0x1  }
0x30e: {  	v12 =	vtrunc.f32 v12  }
0x30f: {  	v12 =	vcvt.f32.s32 v12  }
0x310: {  	[tilespmem:s26+$0x8080] =	vst v11  }
0x311: {  	vm8 =	vlt.s32 v12, $0xFF;
	[tilespmem:v14+s18+$0x0] =	vst.idx.add.s32.msk $0xffff, v2  }
0x312: {  	v12 =	vnsel vm8, $0xFF, v12;
	v52 =	vld [tilespmem:s26+$0x100]  }
0x313: {  	v54 =	vadd.s32 v1, v12;
	_ =	sdelay $0x3  }
0x314: {  	[tilespmem:s23+$0x8100] =	vst v12;
	v11 =	vmul.f32 v52, v3  }
0x315: {  	[tilespmem:v54+s18+$0x0] =	vst.idx.add.s32.msk $0xffff, v2  }
0x316: {  	v56 =	vld [tilespmem:s23+$0x180];
	v11 =	vadd.f32 v11, v4;
	_ =	sdelay $0x1  }
0x317: {  	v10 =	vnsel vm0, $0xFF, v10;
	v11 =	vtrunc.f32 v11  }
0x318: {  	v53 =	vadd.s32 v1, v10;
	v11 =	vcvt.f32.s32 v11;
	_ =	sdelay $0x1  }
0x319: {  	v12 =	vmul.f32 v56, v3;
	vm9 =	vlt.s32 v11, $0xFF  }
0x31a: {  	v11 =	vnsel vm9, $0xFF, v11  }
0x31b: {  	[tilespmem:s13+$0x8100] =	vst v10;
	v12 =	vadd.f32 v12, v4;
	v55 =	vadd.s32 v1, v11  }
0x31c: {  	[tilespmem:v53+s18+$0x0] =	vst.idx.add.s32.msk $0xffff, v2  }
0x31d: {  	v13 =	vld [tilespmem:s13+$0x180];
	v12 =	vtrunc.f32 v12  }
0x31e: {  	v12 =	vcvt.f32.s32 v12  }
0x31f: {  	[tilespmem:s26+$0x8100] =	vst v11  }
0x320: {  	vm12 =	vlt.s32 v12, $0xFF;
	[tilespmem:v55+s18+$0x0] =	vst.idx.add.s32.msk $0xffff, v2  }
0x321: {  	v12 =	vnsel vm12, $0xFF, v12;
	v10 =	vld [tilespmem:s26+$0x180]  }
0x322: {  	v57 =	vmul.f32 v13, v3;
	v60 =	vadd.s32 v1, v12  }
0x323: {  	vm10 =	vlt.s32 v8, $0xFF  }
0x324: {  	v8 =	vnsel vm10, $0xFF, v8;
	v11 =	vadd.f32 v57, v4  }
0x325: {  	v58 =	vadd.s32 v1, v8  }
0x326: {  	v11 =	vtrunc.f32 v11;
	[tilespmem:s23+$0x8180] =	vst v12;
	v10 =	vmul.f32 v10, v3  }
0x327: {  	v11 =	vcvt.f32.s32 v11;
	[tilespmem:v60+s18+$0x0] =	vst.idx.add.s32.msk $0xffff, v2  }
0x328: {  	v63 =	vld [tilespmem:s23+$0x200];
	v10 =	vadd.f32 v10, v4  }
0x329: {  	[tilespmem:s8+$0x8180] =	vst v8;
	vm11 =	vlt.s32 v11, $0xFF  }
0x32a: {  	[tilespmem:v58+s18+$0x0] =	vst.idx.add.s32.msk $0xffff, v2;
	v11 =	vnsel vm11, $0xFF, v11;
	v10 =	vtrunc.f32 v10  }
0x32b: {  	v13 =	vld [tilespmem:s8+$0x200];
	v59 =	vadd.s32 v1, v11;
	v10 =	vcvt.f32.s32 v10  }
0x32c: {  	v9 =	vtrunc.f32 v9  }
0x32d: {  	v62 =	vcvt.f32.s32 v9;
	v9 =	vmul.f32 v63, v3;
	vm13 =	vlt.s32 v10, $0xFF  }
0x32e: {  	v10 =	vnsel vm13, $0xFF, v10  }
0x32f: {  	[tilespmem:s13+$0x8180] =	vst v11;
	v9 =	vadd.f32 v9, v4;
	v61 =	vadd.s32 v1, v10  }
0x330: {  	v15 =	vmul.f32 v13, v3;
	[tilespmem:v59+s18+$0x0] =	vst.idx.add.s32.msk $0xffff, v2  }
0x331: {  	v14 =	vld [tilespmem:s13+$0x200];
	v9 =	vtrunc.f32 v9  }
0x332: {  	vm14 =	vlt.s32 v62, $0xFF;
	[tilespmem:s26+$0x8180] =	vst v10;
	v10 =	vadd.f32 v15, v4;
	v9 =	vcvt.f32.s32 v9  }
0x333: {  	v8 =	vnsel vm14, $0xFF, v62  }
0x334: {  	v17 =	vadd.s32 v1, v8;
	v10 =	vtrunc.f32 v10;
	vm5 =	vlt.s32 v9, $0xFF;
	[tilespmem:v61+s18+$0x0] =	vst.idx.add.s32.msk $0xffff, v2  }
0x335: {  	v10 =	vcvt.f32.s32 v10;
	v9 =	vnsel vm5, $0xFF, v9;
	v11 =	vld [tilespmem:s26+$0x200]  }
0x336: {  	v16 =	vmul.f32 v14, v3;
	v22 =	vadd.s32 v1, v9  }
0x337: {  	vm15 =	vlt.s32 v10, $0xFF  }
0x338: {  	[tilespmem:s4+$0x8200] =	vst v8;
	v12 =	vadd.f32 v16, v4;
	v10 =	vnsel vm15, $0xFF, v10  }
0x339: {  	v7 =	vadd.f32 v7, v4;
	[tilespmem:v17+s18+$0x0] =	vst.idx.add.s32.msk $0xffff, v2;
	v20 =	vadd.s32 v1, v10  }
0x33a: {  	v19 =	vld [tilespmem:s4+$0x280];
	v12 =	vtrunc.f32 v12;
	[tilespmem:s23+$0x8200] =	vst v9;
	v11 =	vmul.f32 v11, v3  }
0x33b: {  	v7 =	vtrunc.f32 v7;
	v18 =	vcvt.f32.s32 v12;
	[tilespmem:v22+s18+$0x0] =	vst.idx.add.s32.msk $0xffff, v2  }
0x33c: {  	v7 =	vcvt.f32.s32 v7;
	[tilespmem:s8+$0x8200] =	vst v10;
	v10 =	vld [tilespmem:s23+$0x280];
	v11 =	vadd.f32 v11, v4  }
0x33d: {  	vm4 =	vlt.s32 v18, $0xFF  }
0x33e: {  	vm7 =	vlt.s32 v7, $0xFF;
	v8 =	vnsel vm4, $0xFF, v18;
	[tilespmem:v20+s18+$0x0] =	vst.idx.add.s32.msk $0xffff, v2;
	v11 =	vtrunc.f32 v11  }
0x33f: {  	v12 =	vmul.f32 v19, v3;
	v21 =	vadd.s32 v1, v8;
	v13 =	vld [tilespmem:s8+$0x280];
	v11 =	vcvt.f32.s32 v11  }
0x340: {  	v7 =	vnsel vm7, $0xFF, v7  }
0x341: {  	v12 =	vadd.f32 v12, v4;
	v10 =	vmul.f32 v10, v3;
	vm6 =	vlt.s32 v11, $0xFF  }
0x342: {  	v26 =	vadd.s32 v1, v7;
	v11 =	vnsel vm6, $0xFF, v11  }
0x343: {  	[tilespmem:s13+$0x8200] =	vst v8;
	v24 =	vtrunc.f32 v12;
	v10 =	vadd.f32 v10, v4;
	v23 =	vadd.s32 v1, v11  }
0x344: {  	v9 =	vcvt.f32.s32 v24;
	[tilespmem:v21+s18+$0x0] =	vst.idx.add.s32.msk $0xffff, v2;
	v25 =	vmul.f32 v13, v3  }
0x345: {  	[tilespmem:s24+$0x8280] =	vst v7;
	v14 =	vld [tilespmem:s13+$0x280];
	v10 =	vtrunc.f32 v10  }
0x346: {  	vm8 =	vlt.s32 v9, $0xFF;
	[tilespmem:s26+$0x8200] =	vst v11;
	v11 =	vadd.f32 v25, v4;
	v10 =	vcvt.f32.s32 v10  }
0x347: {  	[tilespmem:v26+s18+$0x0] =	vst.idx.add.s32.msk $0xffff, v2;
	v9 =	vnsel vm8, $0xFF, v9  }
0x348: {  	v29 =	vadd.s32 v1, v9;
	v11 =	vtrunc.f32 v11;
	vm11 =	vlt.s32 v10, $0xFF;
	[tilespmem:v23+s18+$0x0] =	vst.idx.add.s32.msk $0xffff, v2  }
0x349: {  	v11 =	vcvt.f32.s32 v11;
	v10 =	vnsel vm11, $0xFF, v10;
	v27 =	vld [tilespmem:s26+$0x280]  }
0x34a: {  	v8 =	vld [tilespmem:s24+$0x300];
	v28 =	vmul.f32 v14, v3;
	v35 =	vadd.s32 v1, v10  }
0x34b: {  	vm9 =	vlt.s32 v11, $0xFF  }
0x34c: {  	[tilespmem:s4+$0x8280] =	vst v9;
	v13 =	vadd.f32 v28, v4;
	v30 =	vnsel vm9, $0xFF, v11  }
0x34d: {  	v6 =	vmul.f32 v6, v3;
	[tilespmem:v29+s18+$0x0] =	vst.idx.add.s32.msk $0xffff, v2;
	v32 =	vadd.s32 v1, v30  }
0x34e: {  	v33 =	vld [tilespmem:s4+$0x300];
	v7 =	vtrunc.f32 v13;
	[tilespmem:s23+$0x8280] =	vst v10;
	v12 =	vmul.f32 v27, v3  }
0x34f: {  	v8 =	vmul.f32 v8, v3;
	v7 =	vcvt.f32.s32 v7;
	[tilespmem:v35+s18+$0x0] =	vst.idx.add.s32.msk $0xffff, v2  }
0x350: {  	v6 =	vadd.f32 v6, v4;
	v39 =	vld [tilespmem:s23+$0x300];
	v31 =	vadd.f32 v12, v4  }
0x351: {  	v8 =	vadd.f32 v8, v4;
	vm10 =	vlt.s32 v7, $0xFF;
	[tilespmem:s8+$0x8280] =	vst v30  }
0x352: {  	v6 =	vtrunc.f32 v6;
	v7 =	vnsel vm10, $0xFF, v7;
	[tilespmem:v32+s18+$0x0] =	vst.idx.add.s32.msk $0xffff, v2;
	v11 =	vtrunc.f32 v31  }
0x353: {  	v8 =	vtrunc.f32 v8;
	v34 =	vadd.s32 v1, v7;
	v37 =	vld [tilespmem:s8+$0x300];
	v11 =	vcvt.f32.s32 v11  }
0x354: {  	v6 =	vcvt.f32.s32 v6;
	v8 =	vcvt.f32.s32 v8  }
0x355: {  	v36 =	vmul.f32 v33, v3;
	v10 =	vmul.f32 v39, v3;
	vm12 =	vlt.s32 v11, $0xFF  }
0x356: {  	vm13 =	vlt.s32 v6, $0xFF;
	vm14 =	vlt.s32 v8, $0xFF;
	v11 =	vnsel vm12, $0xFF, v11  }
0x357: {  	[tilespmem:s13+$0x8280] =	vst v7;
	v12 =	vadd.f32 v36, v4;
	v10 =	vadd.f32 v10, v4;
	v7 =	vadd.s32 v1, v11  }
0x358: {  	v6 =	vnsel vm13, $0xFF, v6;
	v8 =	vnsel vm14, $0xFF, v8;
	[tilespmem:v34+s18+$0x0] =	vst.idx.add.s32.msk $0xffff, v2;
	v40 =	vmul.f32 v37, v3  }
0x359: {  	v43 =	vadd.s32 v1, v8;
	v14 =	vld [tilespmem:s13+$0x300];
	v38 =	vtrunc.f32 v12;
	v10 =	vtrunc.f32 v10  }
0x35a: {  	v9 =	vcvt.f32.s32 v38;
	[tilespmem:s26+$0x8280] =	vst v11;
	v11 =	vadd.f32 v40, v4;
	v10 =	vcvt.f32.s32 v10  }
0x35b: {  	s6 =	sadd.s32 $0x1, s9;
	[tilespmem:s0+$0x8300] =	vst v6  }
0x35c: {  	s9 =	sand.u32 $0x7, s6;
	s6 =	sadd.s32 $0x1, s6;
	vm15 =	vlt.s32 v9, $0xFF;
	v11 =	vtrunc.f32 v11;
	vm6 =	vlt.s32 v10, $0xFF;
	[tilespmem:v7+s18+$0x0] =	vst.idx.add.s32.msk $0xffff, v2  }
0x35d: {  	s9 =	sshll.u32 s9, $0x4;
	s28 =	sand.u32 $0x7, s6;
	[tilespmem:s24+$0x8300] =	vst v8;
	v11 =	vcvt.f32.s32 v11;
	v10 =	vnsel vm6, $0xFF, v10;
	v7 =	vadd.s32 v1, v6;
	v41 =	vld [tilespmem:s26+$0x300]  }
0x35e: {  	s6 =	sadd.s32 $0x1, s6;
	s25 =	sadd.s32 s9, s25;
	s9 =	sshll.u32 s28, $0x4;
	[tilespmem:v43+s18+$0x0] =	vst.idx.add.s32.msk $0xffff, v2;
	v42 =	vmul.f32 v14, v3;
	v9 =	vnsel vm15, $0xFF, v9;
	v51 =	vadd.s32 v1, v10  }
0x35f: {  	s10 =	sand.u32 $0x7, s6;
	s2 =	sadd.s32 s9, s2;
	[tilespmem:s4+$0x8300] =	vst v9;
	v6 =	vadd.s32 v1, v9;
	vm4 =	vlt.s32 v11, $0xFF  }
0x360: {  	s6 =	sadd.s32 $0x1, s6;
	s9 =	sshll.u32 s10, $0x4;
	s2 =	sor.u32 $0x380, s2;
	v13 =	vadd.f32 v42, v4;
	[tilespmem:s23+$0x8300] =	vst v10;
	v45 =	vnsel vm4, $0xFF, v11  }
0x361: {  	s11 =	sadd.s32 s9, s14;
	s14 =	sand.u32 $0x7, s6;
	s6 =	sadd.s32 $0x1, s6;
	v47 =	vld [tilespmem:s2+$0x0];
	[tilespmem:s8+$0x8300] =	vst v45  }
0x362: {  	s16 =	sand.u32 $0x7, s6;
	s19 =	sadd.s32 $0x1, s6;
	[tilespmem:v7+s18+$0x0] =	vst.idx.add.s32.msk $0xffff, v2;
	v7 =	vtrunc.f32 v13;
	v12 =	vmul.f32 v41, v3  }
0x363: {  	s24 =	sand.u32 $0x7, s19;
	v48 =	vadd.s32 v1, v45;
	s8 =	sshll.u32 s16, $0x4;
	[tilespmem:v51+s18+$0x0] =	vst.idx.add.s32.msk $0xffff, v2;
	v7 =	vcvt.f32.s32 v7  }
0x364: {  	s0 =	sor.u32 $0x380, s25;
	s22 =	sadd.s32 s8, s12;
	s8 =	sshll.u32 s24, $0x4;
	[tilespmem:v6+s18+$0x0] =	vst.idx.add.s32.msk $0xffff, v2;
	v46 =	vadd.f32 v12, v4  }
0x365: {  	v5 =	vmul.f32 v5, v3;
	s4 =	sor.u32 $0x380, s11;
	s7 =	sadd.s32 s8, s7;
	v44 =	vld [tilespmem:s0+$0x0];
	vm5 =	vlt.s32 v7, $0xFF  }
0x366: {  	s9 =	sshll.u32 s14, $0x4;
	s7 =	sor.u32 $0x380, s7;
	v49 =	vld [tilespmem:s4+$0x0];
	v6 =	vnsel vm5, $0xFF, v7;
	v7 =	vtrunc.f32 v46  }
0x367: {  	v5 =	vadd.f32 v5, v4;
	s5 =	sadd.s32 s9, s5;
	v56 =	vld [tilespmem:s7+$0x0];
	v50 =	vadd.s32 v1, v6;
	v7 =	vcvt.f32.s32 v7  }
0x368: {  	s5 =	sor.u32 $0x380, s5;
	[tilespmem:v48+s18+$0x0] =	vst.idx.add.s32.msk $0xffff, v2;
	v12 =	vmul.f32 v47, v3  }
0x369: {  	v5 =	vtrunc.f32 v5;
	v53 =	vld [tilespmem:s5+$0x0];
	vm7 =	vlt.s32 v7, $0xFF  }
0x36a: {  	v5 =	vcvt.f32.s32 v5;
	v12 =	vadd.f32 v12, v4;
	v7 =	vnsel vm7, $0xFF, v7  }
0x36b: {  	[tilespmem:s13+$0x8300] =	vst v6;
	v13 =	vmul.f32 v44, v3;
	v11 =	vmul.f32 v49, v3;
	v6 =	vadd.s32 v1, v7  }
0x36c: {  	s9 =	sadd.s32 $0x1, s19;
	vm8 =	vlt.s32 v5, $0xFF;
	s6 =	sor.u32 $0x380, s22;
	v10 =	vmul.f32 v56, v3;
	v54 =	vtrunc.f32 v12;
	[tilespmem:v50+s18+$0x0] =	vst.idx.add.s32.msk $0xffff, v2  }
0x36d: {  	s25 =	sand.u32 $0x7, s9;
	v52 =	vadd.f32 v13, v4;
	v11 =	vadd.f32 v11, v4;
	v55 =	vcvt.f32.s32 v54;
	v14 =	vld [tilespmem:s6+$0x0]  }
0x36e: {  	v5 =	vnsel vm8, $0xFF, v5;
	s8 =	sshll.u32 s25, $0x4;
	v57 =	vmul.f32 v53, v3;
	v10 =	vadd.f32 v10, v4  }
0x36f: {  	s8 =	sadd.s32 s8, s15;
	v9 =	vtrunc.f32 v52;
	[tilespmem:s26+$0x8300] =	vst v7;
	v7 =	vtrunc.f32 v11;
	vm10 =	vlt.s32 v55, $0xFF  }
0x370: {  	s8 =	sor.u32 $0x380, s8;
	v11 =	vadd.f32 v57, v4;
	v10 =	vtrunc.f32 v10;
	v9 =	vcvt.f32.s32 v9;
	[tilespmem:v6+s18+$0x0] =	vst.idx.add.s32.msk $0xffff, v2  }
0x371: {  	v7 =	vcvt.f32.s32 v7;
	v10 =	vcvt.f32.s32 v10;
	v6 =	vadd.s32 v1, v5;
	v58 =	vld [tilespmem:s8+$0x0]  }
0x372: {  	v8 =	vnsel vm10, $0xFF, v55;
	v11 =	vtrunc.f32 v11;
	v59 =	vmul.f32 v14, v3  }
0x373: {  	[tilespmem:s1+$0x8000] =	vst v5;
	vm9 =	vlt.s32 v9, $0xFF;
	vm11 =	vlt.s32 v7, $0xFF;
	v11 =	vcvt.f32.s32 v11  }
0x374: {  	[tilespmem:s2+$0x8000] =	vst v8;
	vm14 =	vlt.s32 v10, $0xFF;
	v9 =	vnsel vm9, $0xFF, v9;
	v13 =	vadd.f32 v59, v4  }
0x375: {  	v7 =	vnsel vm11, $0xFF, v7;
	v63 =	vnsel vm14, $0xFF, v10;
	v5 =	vadd.s32 v1, v8;
	[tilespmem:s0+$0x8000] =	vst v9  }
0x376: {  	v60 =	vadd.s32 v1, v9;
	[tilespmem:v6+s18+$0x0] =	vst.idx.add.s32.msk $0xffff, v2;
	v6 =	vtrunc.f32 v13;
	v12 =	vmul.f32 v58, v3  }
0x377: {  	v61 =	vadd.s32 v1, v7;
	vm12 =	vlt.s32 v11, $0xFF;
	[tilespmem:s4+$0x8000] =	vst v7;
	v6 =	vcvt.f32.s32 v6  }
0x378: {  	v10 =	vadd.s32 v1, v63;
	[tilespmem:s7+$0x8000] =	vst v63;
	v11 =	vnsel vm12, $0xFF, v11;
	v12 =	vadd.f32 v12, v4  }
0x379: {  	v62 =	vadd.s32 v1, v11;
	[tilespmem:s5+$0x8000] =	vst v11;
	vm13 =	vlt.s32 v6, $0xFF  }
0x37a: {  	[tilespmem:v5+s18+$0x0] =	vst.idx.add.s32.msk $0xffff, v2;
	v5 =	vnsel vm13, $0xFF, v6;
	v6 =	vtrunc.f32 v12  }
0x37b: {  	[tilespmem:v60+s18+$0x0] =	vst.idx.add.s32.msk $0xffff, v2;
	v7 =	vadd.s32 v1, v5;
	v6 =	vcvt.f32.s32 v6  }
0x37c: {  	[tilespmem:v61+s18+$0x0] =	vst.idx.add.s32.msk $0xffff, v2  }
0x37d: {  	[tilespmem:v10+s18+$0x0] =	vst.idx.add.s32.msk $0xffff, v2;
	vm15 =	vlt.s32 v6, $0xFF  }
0x37e: {  	[tilespmem:v62+s18+$0x0] =	vst.idx.add.s32.msk $0xffff, v2;
	v6 =	vnsel vm15, $0xFF, v6  }
0x37f: {  	[tilespmem:s6+$0x8000] =	vst v5;
	v5 =	vadd.s32 v1, v6  }
0x380: {  	p1 =	sne.s32 s30, $0xF;
	[tilespmem:v7+s18+$0x0] =	vst.idx.add.s32.msk $0xffff, v2  }
.Ltmp4:
0x381: {  	[tilespmem:s8+$0x8000] =	vst v6;
	(pc) =	sbr.rel @p1 .LBB2_8-.Ltmp4, $4  }
0x382: {  	s31 =	sshll.u32 s30, $0xC;
	s0 =	rddreg [dreg:$0x6]  }
0x383: {  	s26 =	rddreg [dreg:$0x2];
	s0 =	sor.u32 s0, s31  }
0x384: {  	s28 =	simm.s32 $0x8000;
	s1 =	sadd.s32 s26, s0;
	[tilespmem:v5+s18+$0x0] =	vst.idx.add.s32.msk $0xffff, v2  }
0x385: {  	[hbm4b:s1+s3] =	stream.linear.scatter [tilespmem:s28], [sflag:$0x3], $0x4000, $0x38;
	[tilespmem:$0x12100] =	vst v63  }
.Ltmp5:
0x386: {  	(pc) =	sbr.rel .LBB2_9-.Ltmp5, $4  }
0x387: {  	_ = 	snop  }
0x388: {  	_ =	swait.ge [sflag:s20], $0x4000  }
0x389: {  	[sflag:s20] =	ssyncset.done $0x0  }
0x38a: {  	[sflag:s20] =	ssyncadd.s32 $0xFFFFC000  }
.LBB2_8:
0x38b: {  	s1 =	rddreg [dreg:$0x9]  }
.Ltmp6:
0x38c: {  	s1 =	sadd.s32 s31, s1;
	(pc) =	sbr.rel @p0 .LBB2_10-.Ltmp6, $4  }
0x38d: {  	[tilespmem:s3], [sflag:$0x1] =	stream.linear.gather [hbm4b:s1+s3], $0x4000, $0x38;
	[tilespmem:$0x12100] =	vst v63  }
0x38e: {  	_ =	swait.ge [sflag:s20], $0x4000  }
0x38f: {  	[sflag:s20] =	ssyncset.done $0x0  }
0x390: {  	[sflag:s20] =	ssyncadd.s32 $0xFFFFC000  }
.LBB2_9:
0x391: {  	_ =	swait.ge [sflag:s21], $0x4000  }
0x392: {  	[sflag:s21] =	ssyncset.done $0x0  }
0x393: {  	[sflag:s21] =	ssyncadd.s32 $0xFFFFC000  }
.LBB2_10:
0x394: {  	s2 =	simm.s32 $0x0  }
0x395: {  	s1 =	sand.u32 $0x70, s2;
	s4 =	sand.u32 $0x3C00, s2  }
0x396: {  	s9 =	sor.u32 s1, s4  }
0x397: {  	v5 =	vld [tilespmem:s9+$0x4000];
	_ =	sdelay $0x4  }
0x398: {  	v5 =	vmul.f32 v5, v3;
	_ =	sdelay $0x1  }
0x399: {  	v5 =	vadd.f32 v5, v4;
	_ =	sdelay $0x1  }
0x39a: {  	v5 =	vtrunc.f32 v5  }
0x39b: {  	v5 =	vcvt.f32.s32 v5;
	_ =	sdelay $0x1  }
0x39c: {  	vm0 =	vlt.s32 v5, $0xFF  }
0x39d: {  	v5 =	vnsel vm0, $0xFF, v5  }
0x39e: {  	v6 =	vadd.s32 v1, v5  }
0x39f: {  	s14 =	simm.s32 $0x80;
	s19 =	simm.s32 $0x10  }
0x3a0: {  	s22 =	sand.u32 $0x3C00, s14;
	s1 =	sand.u32 $0x70, s19  }
0x3a1: {  	s24 =	sor.u32 s1, s22  }
0x3a2: {  	v7 =	vld [tilespmem:s24+$0x4000];
	[tilespmem:s9+$0xC000] =	vst v5  }
0x3a3: {  	[tilespmem:v6+s18+$0x0] =	vst.idx.add.s32.msk $0xffff, v2  }
0x3a4: {  	v5 =	vld [tilespmem:s9+$0x4080];
	_ =	sdelay $0x2  }
0x3a5: {  	v6 =	vmul.f32 v7, v3;
	_ =	sdelay $0x1  }
0x3a6: {  	v6 =	vadd.f32 v6, v4;
	v5 =	vmul.f32 v5, v3;
	_ =	sdelay $0x1  }
0x3a7: {  	v6 =	vtrunc.f32 v6;
	v5 =	vadd.f32 v5, v4  }
0x3a8: {  	v6 =	vcvt.f32.s32 v6  }
0x3a9: {  	v5 =	vtrunc.f32 v5  }
0x3aa: {  	vm0 =	vlt.s32 v6, $0xFF;
	v5 =	vcvt.f32.s32 v5  }
0x3ab: {  	s25 =	simm.s32 $0x100;
	s23 =	simm.s32 $0x20;
	v6 =	vnsel vm0, $0xFF, v6  }
0x3ac: {  	s26 =	sand.u32 $0x3C00, s25;
	s1 =	sand.u32 $0x70, s23;
	v7 =	vadd.s32 v1, v6;
	vm0 =	vlt.s32 v5, $0xFF  }
0x3ad: {  	s26 =	sor.u32 s1, s26;
	v5 =	vnsel vm0, $0xFF, v5  }
0x3ae: {  	v9 =	vld [tilespmem:s26+$0x4000];
	v8 =	vadd.s32 v1, v5;
	_ =	sdelay $0x1  }
0x3af: {  	[tilespmem:s24+$0xC000] =	vst v6  }
0x3b0: {  	[tilespmem:v7+s18+$0x0] =	vst.idx.add.s32.msk $0xffff, v2  }
0x3b1: {  	v6 =	vld [tilespmem:s24+$0x4080];
	[tilespmem:s9+$0xC080] =	vst v5  }
0x3b2: {  	v5 =	vmul.f32 v9, v3;
	[tilespmem:v8+s18+$0x0] =	vst.idx.add.s32.msk $0xffff, v2  }
0x3b3: {  	v7 =	vld [tilespmem:s9+$0x4100]  }
0x3b4: {  	v5 =	vadd.f32 v5, v4;
	_ =	sdelay $0x1  }
0x3b5: {  	v5 =	vtrunc.f32 v5;
	v6 =	vmul.f32 v6, v3  }
0x3b6: {  	v5 =	vcvt.f32.s32 v5  }
0x3b7: {  	v6 =	vadd.f32 v6, v4;
	v7 =	vmul.f32 v7, v3  }
0x3b8: {  	vm0 =	vlt.s32 v5, $0xFF  }
0x3b9: {  	v5 =	vnsel vm0, $0xFF, v5;
	v6 =	vtrunc.f32 v6;
	v7 =	vadd.f32 v7, v4  }
0x3ba: {  	v8 =	vadd.s32 v1, v5;
	v6 =	vcvt.f32.s32 v6  }
0x3bb: {  	s5 =	simm.s32 $0x30;
	s4 =	simm.s32 $0x180;
	v7 =	vtrunc.f32 v7  }
0x3bc: {  	s1 =	sand.u32 $0x70, s5;
	s5 =	sand.u32 $0x3C00, s4;
	vm0 =	vlt.s32 v6, $0xFF;
	v7 =	vcvt.f32.s32 v7  }
0x3bd: {  	s5 =	sor.u32 s1, s5;
	v6 =	vnsel vm0, $0xFF, v6  }
0x3be: {  	v10 =	vld [tilespmem:s5+$0x4000];
	[tilespmem:s26+$0xC000] =	vst v5;
	v9 =	vadd.s32 v1, v6;
	vm0 =	vlt.s32 v7, $0xFF  }
0x3bf: {  	[tilespmem:v8+s18+$0x0] =	vst.idx.add.s32.msk $0xffff, v2;
	v5 =	vnsel vm0, $0xFF, v7  }
0x3c0: {  	v8 =	vld [tilespmem:s26+$0x4080];
	v7 =	vadd.s32 v1, v5;
	_ =	sdelay $0x1  }
0x3c1: {  	[tilespmem:s24+$0xC080] =	vst v6  }
0x3c2: {  	v6 =	vmul.f32 v10, v3;
	[tilespmem:v9+s18+$0x0] =	vst.idx.add.s32.msk $0xffff, v2  }
0x3c3: {  	v9 =	vld [tilespmem:s24+$0x4100];
	[tilespmem:s9+$0xC100] =	vst v5  }
0x3c4: {  	v5 =	vadd.f32 v6, v4;
	v6 =	vmul.f32 v8, v3;
	[tilespmem:v7+s18+$0x0] =	vst.idx.add.s32.msk $0xffff, v2  }
0x3c5: {  	v7 =	vld [tilespmem:s9+$0x4180]  }
0x3c6: {  	v5 =	vtrunc.f32 v5;
	v6 =	vadd.f32 v6, v4  }
0x3c7: {  	v5 =	vcvt.f32.s32 v5  }
0x3c8: {  	v6 =	vtrunc.f32 v6;
	v8 =	vmul.f32 v9, v3  }
0x3c9: {  	vm0 =	vlt.s32 v5, $0xFF;
	v6 =	vcvt.f32.s32 v6  }
0x3ca: {  	v5 =	vnsel vm0, $0xFF, v5;
	v8 =	vadd.f32 v8, v4;
	v7 =	vmul.f32 v7, v3  }
0x3cb: {  	vm0 =	vlt.s32 v6, $0xFF;
	v9 =	vadd.s32 v1, v5  }
0x3cc: {  	s8 =	simm.s32 $0x200;
	s6 =	simm.s32 $0x40;
	v6 =	vnsel vm0, $0xFF, v6;
	v8 =	vtrunc.f32 v8;
	v7 =	vadd.f32 v7, v4  }
0x3cd: {  	s1 =	sand.u32 $0x70, s6;
	s6 =	sand.u32 $0x3C00, s8;
	v10 =	vadd.s32 v1, v6;
	v8 =	vcvt.f32.s32 v8  }
0x3ce: {  	s12 =	sor.u32 s1, s6;
	v7 =	vtrunc.f32 v7  }
0x3cf: {  	v11 =	vld [tilespmem:s12+$0x4000];
	[tilespmem:s5+$0xC000] =	vst v5;
	vm0 =	vlt.s32 v8, $0xFF;
	v7 =	vcvt.f32.s32 v7  }
0x3d0: {  	[tilespmem:v9+s18+$0x0] =	vst.idx.add.s32.msk $0xffff, v2;
	v5 =	vnsel vm0, $0xFF, v8  }
0x3d1: {  	[tilespmem:s26+$0xC080] =	vst v6;
	v9 =	vld [tilespmem:s5+$0x4080];
	v8 =	vadd.s32 v1, v5;
	vm0 =	vlt.s32 v7, $0xFF  }
0x3d2: {  	[tilespmem:v10+s18+$0x0] =	vst.idx.add.s32.msk $0xffff, v2;
	v6 =	vnsel vm0, $0xFF, v7  }
0x3d3: {  	v10 =	vld [tilespmem:s26+$0x4100];
	v7 =	vadd.s32 v1, v6  }
0x3d4: {  	v11 =	vmul.f32 v11, v3  }
0x3d5: {  	[tilespmem:s24+$0xC100] =	vst v5  }
0x3d6: {  	v5 =	vadd.f32 v11, v4;
	[tilespmem:v8+s18+$0x0] =	vst.idx.add.s32.msk $0xffff, v2;
	v8 =	vmul.f32 v9, v3  }
0x3d7: {  	v9 =	vld [tilespmem:s24+$0x4180];
	[tilespmem:s9+$0xC180] =	vst v6  }
0x3d8: {  	v5 =	vtrunc.f32 v5;
	v6 =	vmul.f32 v10, v3;
	[tilespmem:v7+s18+$0x0] =	vst.idx.add.s32.msk $0xffff, v2;
	v7 =	vadd.f32 v8, v4  }
0x3d9: {  	v5 =	vcvt.f32.s32 v5;
	v8 =	vld [tilespmem:s9+$0x4200]  }
0x3da: {  	v6 =	vadd.f32 v6, v4;
	v7 =	vtrunc.f32 v7  }
0x3db: {  	vm0 =	vlt.s32 v5, $0xFF;
	v7 =	vcvt.f32.s32 v7  }
0x3dc: {  	v5 =	vnsel vm0, $0xFF, v5;
	v6 =	vtrunc.f32 v6;
	v9 =	vmul.f32 v9, v3  }
0x3dd: {  	v10 =	vadd.s32 v1, v5;
	v6 =	vcvt.f32.s32 v6;
	vm0 =	vlt.s32 v7, $0xFF  }
0x3de: {  	s13 =	simm.s32 $0x280;
	s7 =	simm.s32 $0x50;
	v9 =	vadd.f32 v9, v4;
	v8 =	vmul.f32 v8, v3;
	v7 =	vnsel vm0, $0xFF, v7  }
0x3df: {  	s10 =	sand.u32 $0x3C00, s13;
	s1 =	sand.u32 $0x70, s7;
	vm0 =	vlt.s32 v6, $0xFF;
	v11 =	vadd.s32 v1, v7  }
0x3e0: {  	s7 =	sor.u32 s1, s10;
	v9 =	vtrunc.f32 v9;
	v6 =	vnsel vm0, $0xFF, v6;
	v8 =	vadd.f32 v8, v4  }
0x3e1: {  	v12 =	vld [tilespmem:s7+$0x4000];
	[tilespmem:s12+$0xC000] =	vst v5;
	v9 =	vcvt.f32.s32 v9;
	v5 =	vadd.s32 v1, v6  }
0x3e2: {  	[tilespmem:v10+s18+$0x0] =	vst.idx.add.s32.msk $0xffff, v2;
	v8 =	vtrunc.f32 v8  }
0x3e3: {  	v10 =	vld [tilespmem:s12+$0x4080];
	vm0 =	vlt.s32 v9, $0xFF;
	[tilespmem:s5+$0xC080] =	vst v7;
	v8 =	vcvt.f32.s32 v8  }
0x3e4: {  	v7 =	vnsel vm0, $0xFF, v9;
	[tilespmem:v11+s18+$0x0] =	vst.idx.add.s32.msk $0xffff, v2  }
0x3e5: {  	[tilespmem:s26+$0xC100] =	vst v6;
	v9 =	vadd.s32 v1, v7;
	vm0 =	vlt.s32 v8, $0xFF;
	v11 =	vld [tilespmem:s5+$0x4100]  }
0x3e6: {  	[tilespmem:v5+s18+$0x0] =	vst.idx.add.s32.msk $0xffff, v2;
	v6 =	vnsel vm0, $0xFF, v8;
	v8 =	vmul.f32 v12, v3  }
0x3e7: {  	v12 =	vld [tilespmem:s26+$0x4180];
	v5 =	vadd.s32 v1, v6  }
0x3e8: {  	v10 =	vmul.f32 v10, v3;
	v8 =	vadd.f32 v8, v4  }
0x3e9: {  	[tilespmem:s24+$0xC180] =	vst v7  }
0x3ea: {  	[tilespmem:v9+s18+$0x0] =	vst.idx.add.s32.msk $0xffff, v2;
	v9 =	vadd.f32 v10, v4;
	v7 =	vtrunc.f32 v8;
	v8 =	vmul.f32 v11, v3  }
0x3eb: {  	[tilespmem:s9+$0xC200] =	vst v6;
	v6 =	vcvt.f32.s32 v7;
	v7 =	vld [tilespmem:s24+$0x4200]  }
0x3ec: {  	v9 =	vtrunc.f32 v9;
	[tilespmem:v5+s18+$0x0] =	vst.idx.add.s32.msk $0xffff, v2;
	v5 =	vadd.f32 v8, v4;
	v8 =	vmul.f32 v12, v3  }
0x3ed: {  	v9 =	vcvt.f32.s32 v9;
	v10 =	vld [tilespmem:s9+$0x4280]  }
0x3ee: {  	vm0 =	vlt.s32 v6, $0xFF;
	v5 =	vtrunc.f32 v5;
	v8 =	vadd.f32 v8, v4  }
0x3ef: {  	v6 =	vnsel vm0, $0xFF, v6;
	vm0 =	vlt.s32 v9, $0xFF;
	v5 =	vcvt.f32.s32 v5  }
0x3f0: {  	s11 =	simm.s32 $0x60;
	s23 =	simm.s32 $0x300;
	v11 =	vadd.s32 v1, v6;
	v9 =	vnsel vm0, $0xFF, v9;
	v7 =	vmul.f32 v7, v3  }
0x3f1: {  	s15 =	sand.u32 $0x3C00, s23;
	s1 =	sand.u32 $0x70, s11;
	v8 =	vtrunc.f32 v8;
	v12 =	vadd.s32 v1, v9  }
0x3f2: {  	s15 =	sor.u32 s1, s15;
	vm0 =	vlt.s32 v5, $0xFF;
	v7 =	vadd.f32 v7, v4;
	v10 =	vmul.f32 v10, v3  }
0x3f3: {  	v13 =	vld [tilespmem:s15+$0x4000];
	v8 =	vcvt.f32.s32 v8;
	v5 =	vnsel vm0, $0xFF, v5  }
0x3f4: {  	[tilespmem:s7+$0xC000] =	vst v6;
	v6 =	vadd.s32 v1, v5;
	v7 =	vtrunc.f32 v7;
	v10 =	vadd.f32 v10, v4  }
0x3f5: {  	vm0 =	vlt.s32 v8, $0xFF;
	[tilespmem:v11+s18+$0x0] =	vst.idx.add.s32.msk $0xffff, v2;
	v7 =	vcvt.f32.s32 v7  }
0x3f6: {  	[tilespmem:s12+$0xC080] =	vst v9;
	v8 =	vnsel vm0, $0xFF, v8;
	v11 =	vld [tilespmem:s7+$0x4080];
	v9 =	vtrunc.f32 v10  }
0x3f7: {  	[tilespmem:v12+s18+$0x0] =	vst.idx.add.s32.msk $0xffff, v2;
	v10 =	vadd.s32 v1, v8;
	vm0 =	vlt.s32 v7, $0xFF;
	v9 =	vcvt.f32.s32 v9  }
0x3f8: {  	[tilespmem:s5+$0xC100] =	vst v5;
	v12 =	vld [tilespmem:s12+$0x4100];
	v5 =	vnsel vm0, $0xFF, v7;
	v7 =	vmul.f32 v13, v3  }
0x3f9: {  	[tilespmem:v6+s18+$0x0] =	vst.idx.add.s32.msk $0xffff, v2;
	v6 =	vadd.s32 v1, v5;
	vm0 =	vlt.s32 v9, $0xFF  }
0x3fa: {  	v13 =	vld [tilespmem:s5+$0x4180];
	v9 =	vnsel vm0, $0xFF, v9;
	v7 =	vadd.f32 v7, v4  }
0x3fb: {  	[tilespmem:s26+$0xC180] =	vst v8;
	v11 =	vmul.f32 v11, v3;
	v8 =	vadd.s32 v1, v9  }
0x3fc: {  	[tilespmem:v10+s18+$0x0] =	vst.idx.add.s32.msk $0xffff, v2;
	v7 =	vtrunc.f32 v7  }
0x3fd: {  	[tilespmem:s24+$0xC200] =	vst v5;
	v10 =	vmul.f32 v12, v3;
	v11 =	vadd.f32 v11, v4;
	v5 =	vcvt.f32.s32 v7;
	v7 =	vld [tilespmem:s26+$0x4200]  }
0x3fe: {  	[tilespmem:v6+s18+$0x0] =	vst.idx.add.s32.msk $0xffff, v2  }
0x3ff: {  	[tilespmem:s9+$0xC280] =	vst v9;
	v6 =	vadd.f32 v10, v4;
	v10 =	vmul.f32 v13, v3;
	v11 =	vtrunc.f32 v11;
	v9 =	vld [tilespmem:s24+$0x4280]  }
0x400: {  	vm0 =	vlt.s32 v5, $0xFF;
	v11 =	vcvt.f32.s32 v11;
	[tilespmem:v8+s18+$0x0] =	vst.idx.add.s32.msk $0xffff, v2  }
0x401: {  	v6 =	vtrunc.f32 v6;
	v8 =	vadd.f32 v10, v4;
	v5 =	vnsel vm0, $0xFF, v5;
	v10 =	vld [tilespmem:s9+$0x4300]  }
0x402: {  	v6 =	vcvt.f32.s32 v6;
	vm0 =	vlt.s32 v11, $0xFF;
	v7 =	vmul.f32 v7, v3  }
0x403: {  	v12 =	vadd.s32 v1, v5;
	v11 =	vnsel vm0, $0xFF, v11;
	v8 =	vtrunc.f32 v8  }
0x404: {  	s28 =	simm.s32 $0x380;
	s16 =	simm.s32 $0x70;
	vm0 =	vlt.s32 v6, $0xFF;
	v13 =	vadd.s32 v1, v11;
	v7 =	vadd.f32 v7, v4  }
0x405: {  	s19 =	sand.u32 $0x3C00, s28;
	s1 =	sand.u32 $0x70, s16;
	v8 =	vcvt.f32.s32 v8;
	v9 =	vmul.f32 v9, v3;
	v6 =	vnsel vm0, $0xFF, v6  }
0x406: {  	s1 =	sor.u32 s1, s19;
	[tilespmem:s15+$0xC000] =	vst v5;
	v5 =	vadd.s32 v1, v6;
	v7 =	vtrunc.f32 v7;
	v10 =	vmul.f32 v10, v3  }
0x407: {  	v14 =	vld [tilespmem:s1+$0x4000];
	[tilespmem:s7+$0xC080] =	vst v11;
	vm0 =	vlt.s32 v8, $0xFF;
	v9 =	vadd.f32 v9, v4;
	v7 =	vcvt.f32.s32 v7  }
0x408: {  	[tilespmem:v12+s18+$0x0] =	vst.idx.add.s32.msk $0xffff, v2;
	v8 =	vnsel vm0, $0xFF, v8;
	v10 =	vadd.f32 v10, v4  }
0x409: {  	[tilespmem:s12+$0xC100] =	vst v6;
	v12 =	vld [tilespmem:s15+$0x4080];
	v11 =	vadd.s32 v1, v8;
	v9 =	vtrunc.f32 v9;
	vm0 =	vlt.s32 v7, $0xFF  }
0x40a: {  	[tilespmem:v13+s18+$0x0] =	vst.idx.add.s32.msk $0xffff, v2;
	v9 =	vcvt.f32.s32 v9;
	v6 =	vnsel vm0, $0xFF, v7;
	v7 =	vtrunc.f32 v10  }
0x40b: {  	v13 =	vld [tilespmem:s7+$0x4100];
	v7 =	vcvt.f32.s32 v7  }
0x40c: {  	v10 =	vmul.f32 v14, v3;
	[tilespmem:v5+s18+$0x0] =	vst.idx.add.s32.msk $0xffff, v2;
	v5 =	vadd.s32 v1, v6;
	vm0 =	vlt.s32 v9, $0xFF  }
0x40d: {  	[tilespmem:s5+$0xC180] =	vst v8;
	v14 =	vld [tilespmem:s12+$0x4180];
	v9 =	vnsel vm0, $0xFF, v9;
	vm0 =	vlt.s32 v7, $0xFF  }
0x40e: {  	[tilespmem:s26+$0xC200] =	vst v6;
	v10 =	vadd.f32 v10, v4;
	v8 =	vadd.s32 v1, v9;
	v7 =	vnsel vm0, $0xFF, v7  }
0x40f: {  	v12 =	vmul.f32 v12, v3;
	[tilespmem:v11+s18+$0x0] =	vst.idx.add.s32.msk $0xffff, v2;
	v6 =	vadd.s32 v1, v7  }
0x410: {  	[tilespmem:s24+$0xC280] =	vst v9;
	v10 =	vtrunc.f32 v10;
	v11 =	vmul.f32 v13, v3;
	v13 =	vld [tilespmem:s5+$0x4200]  }
0x411: {  	v12 =	vadd.f32 v12, v4;
	v10 =	vcvt.f32.s32 v10;
	[tilespmem:v5+s18+$0x0] =	vst.idx.add.s32.msk $0xffff, v2  }
0x412: {  	[tilespmem:s9+$0xC300] =	vst v7;
	v5 =	vadd.f32 v11, v4;
	v11 =	vmul.f32 v14, v3;
	v14 =	vld [tilespmem:s26+$0x4280]  }
0x413: {  	s22 =	sand.u32 $0x7, s2;
	v9 =	vtrunc.f32 v12;
	vm0 =	vlt.s32 v10, $0xFF;
	[tilespmem:v8+s18+$0x0] =	vst.idx.add.s32.msk $0xffff, v2  }
0x414: {  	s6 =	sshll.u32 s22, $0x4;
	v8 =	vcvt.f32.s32 v9;
	v5 =	vtrunc.f32 v5;
	v9 =	vadd.f32 v11, v4;
	[tilespmem:v6+s18+$0x0] =	vst.idx.add.s32.msk $0xffff, v2  }
0x415: {  	s6 =	sadd.s32 $0x0, s6;
	v11 =	vnsel vm0, $0xFF, v10;
	v10 =	vcvt.f32.s32 v5;
	v6 =	vld [tilespmem:s24+$0x4300]  }
0x416: {  	s9 =	sor.u32 $0x380, s6;
	v7 =	vmul.f32 v13, v3;
	vm0 =	vlt.s32 v8, $0xFF;
	v5 =	vtrunc.f32 v9  }
0x417: {  	v13 =	vadd.s32 v1, v11;
	v12 =	vnsel vm0, $0xFF, v8;
	v8 =	vcvt.f32.s32 v5;
	v5 =	vld [tilespmem:s9+$0x4000]  }
0x418: {  	s22 =	simm.s32 $0x80;
	s16 =	simm.s32 $0x38;
	s19 =	simm.s32 $0x400;
	vm0 =	vlt.s32 v10, $0xFF;
	v9 =	vadd.f32 v7, v4;
	v7 =	vmul.f32 v14, v3  }
.LBB2_11:
0x419: {  	s6 =	sand.u32 $0x70, s22;
	s10 =	sand.u32 $0x3C00, s19;
	v14 =	vadd.s32 v1, v12;
	v10 =	vnsel vm0, $0xFF, v10;
	vm0 =	vlt.s32 v8, $0xFF;
	s11 =	smov.u32 s4  }
0x41a: {  	s4 =	smov.u32 s8;
	s8 =	smov.u32 s13;
	s6 =	sor.u32 s6, s10;
	v9 =	vtrunc.f32 v9;
	v7 =	vadd.f32 v7, v4;
	v6 =	vmul.f32 v6, v3  }
0x41b: {  	s13 =	smov.u32 s23;
	s23 =	smov.u32 s28;
	s28 =	smov.u32 s19;
	v8 =	vnsel vm0, $0xFF, v8;
	v15 =	vld [tilespmem:s6+$0x4000];
	[tilespmem:s1+$0xC000] =	vst v11;
	v11 =	vadd.s32 v1, v10;
	v9 =	vcvt.f32.s32 v9  }
0x41c: {  	[tilespmem:v13+s18+$0x0] =	vst.idx.add.s32.msk $0xffff, v2;
	v7 =	vtrunc.f32 v7;
	v6 =	vadd.f32 v6, v4;
	v5 =	vmul.f32 v5, v3  }
0x41d: {  	v13 =	vld [tilespmem:s1+$0x4080];
	[tilespmem:s15+$0xC080] =	vst v12;
	v12 =	vadd.s32 v1, v8;
	vm0 =	vlt.s32 v9, $0xFF;
	v7 =	vcvt.f32.s32 v7  }
0x41e: {  	[tilespmem:v14+s18+$0x0] =	vst.idx.add.s32.msk $0xffff, v2;
	v9 =	vnsel vm0, $0xFF, v9;
	v6 =	vtrunc.f32 v6;
	v5 =	vadd.f32 v5, v4  }
0x41f: {  	v14 =	vld [tilespmem:s15+$0x4100];
	[tilespmem:s7+$0xC100] =	vst v10;
	v10 =	vadd.s32 v1, v9;
	vm0 =	vlt.s32 v7, $0xFF;
	v6 =	vcvt.f32.s32 v6  }
0x420: {  	v15 =	vmul.f32 v15, v3;
	[tilespmem:v11+s18+$0x0] =	vst.idx.add.s32.msk $0xffff, v2;
	v7 =	vnsel vm0, $0xFF, v7;
	v5 =	vtrunc.f32 v5  }
0x421: {  	v11 =	vld [tilespmem:s7+$0x4180];
	[tilespmem:s12+$0xC180] =	vst v8;
	v8 =	vadd.s32 v1, v7;
	vm0 =	vlt.s32 v6, $0xFF;
	v5 =	vcvt.f32.s32 v5  }
0x422: {  	v15 =	vadd.f32 v15, v4;
	[tilespmem:v12+s18+$0x0] =	vst.idx.add.s32.msk $0xffff, v2;
	v6 =	vnsel vm0, $0xFF, v6  }
0x423: {  	v12 =	vmul.f32 v13, v3;
	[tilespmem:s5+$0xC200] =	vst v9;
	v9 =	vadd.s32 v1, v6;
	vm0 =	vlt.s32 v5, $0xFF  }
0x424: {  	v13 =	vtrunc.f32 v15;
	v14 =	vmul.f32 v14, v3;
	[tilespmem:v10+s18+$0x0] =	vst.idx.add.s32.msk $0xffff, v2;
	v5 =	vnsel vm0, $0xFF, v5  }
0x425: {  	s2 =	sadd.s32 $0x1, s2;
	v12 =	vadd.f32 v12, v4;
	v10 =	vcvt.f32.s32 v13;
	v13 =	vld [tilespmem:s12+$0x4200];
	[tilespmem:s26+$0xC280] =	vst v7;
	v7 =	vadd.s32 v1, v5  }
0x426: {  	s16 =	sadd.s32 $0x8, s16;
	s10 =	sand.u32 $0x7, s2;
	v14 =	vadd.f32 v14, v4;
	v11 =	vmul.f32 v11, v3;
	[tilespmem:v8+s18+$0x0] =	vst.idx.add.s32.msk $0xffff, v2  }
0x427: {  	p0 =	slt.u32 s16, $0x3F8;
	v8 =	vtrunc.f32 v12;
	vm0 =	vlt.s32 v10, $0xFF;
	v15 =	vld [tilespmem:s5+$0x4280];
	[tilespmem:s24+$0xC300] =	vst v6;
	s24 =	smov.u32 s26;
	s26 =	smov.u32 s5  }
.Ltmp7:
0x428: {  	s10 =	sshll.u32 s10, $0x4;
	v8 =	vcvt.f32.s32 v8;
	s5 =	smov.u32 s12;
	v6 =	vtrunc.f32 v14;
	v12 =	vadd.f32 v11, v4;
	[tilespmem:v9+s18+$0x0] =	vst.idx.add.s32.msk $0xffff, v2;
	(pc) =	sbr.rel @p0 .LBB2_11-.Ltmp7, $4  }
0x429: {  	s10 =	sadd.s32 s10, s14;
	s12 =	smov.u32 s7;
	v11 =	vnsel vm0, $0xFF, v10;
	v10 =	vcvt.f32.s32 v6;
	v6 =	vld [tilespmem:s24+$0x4300];
	[tilespmem:s9+$0xC000] =	vst v5  }
0x42a: {  	s7 =	smov.u32 s15;
	vm0 =	vlt.s32 v8, $0xFF;
	s9 =	sor.u32 $0x380, s10;
	v5 =	vtrunc.f32 v12;
	v9 =	vmul.f32 v13, v3;
	[tilespmem:v7+s18+$0x0] =	vst.idx.add.s32.msk $0xffff, v2  }
0x42b: {  	s14 =	smov.u32 s25;
	s15 =	smov.u32 s1;
	s1 =	smov.u32 s6;
	v13 =	vadd.s32 v1, v11;
	v12 =	vnsel vm0, $0xFF, v8;
	v8 =	vcvt.f32.s32 v5;
	v5 =	vld [tilespmem:s9+$0x4000]  }
0x42c: {  	s19 =	sadd.s32 $0x80, s19;
	s22 =	sadd.s32 $0x10, s22;
	s25 =	smov.u32 s11;
	vm0 =	vlt.s32 v10, $0xFF;
	v9 =	vadd.f32 v9, v4;
	v7 =	vmul.f32 v15, v3  }
0x42d: {  	_ =	sdelay $0x2  }
0x42e: {  	[tilespmem:s1+$0xC000] =	vst v11  }
0x42f: {  	[tilespmem:v13+s18+$0x0] =	vst.idx.add.s32.msk $0xffff, v2  }
0x430: {  	v49 =	vld [tilespmem:s1+$0x4080];
	_ =	sdelay $0x1  }
0x431: {  	v50 =	vadd.s32 v1, v12;
	_ =	sdelay $0x2  }
0x432: {  	v11 =	vmul.f32 v49, v3  }
0x433: {  	[tilespmem:s15+$0xC080] =	vst v12  }
0x434: {  	[tilespmem:v50+s18+$0x0] =	vst.idx.add.s32.msk $0xffff, v2;
	v11 =	vadd.f32 v11, v4  }
0x435: {  	v51 =	vld [tilespmem:s15+$0x4100]  }
0x436: {  	v11 =	vtrunc.f32 v11  }
0x437: {  	v11 =	vcvt.f32.s32 v11;
	_ =	sdelay $0x1  }
0x438: {  	vm1 =	vlt.s32 v11, $0xFF  }
0x439: {  	v12 =	vmul.f32 v51, v3;
	v11 =	vnsel vm1, $0xFF, v11  }
0x43a: {  	v14 =	vadd.s32 v1, v11  }
0x43b: {  	v12 =	vadd.f32 v12, v4;
	_ =	sdelay $0x1  }
0x43c: {  	v12 =	vtrunc.f32 v12  }
0x43d: {  	[tilespmem:s1+$0xC080] =	vst v11;
	v12 =	vcvt.f32.s32 v12  }
0x43e: {  	[tilespmem:v14+s18+$0x0] =	vst.idx.add.s32.msk $0xffff, v2  }
0x43f: {  	vm8 =	vlt.s32 v12, $0xFF;
	v52 =	vld [tilespmem:s1+$0x4100]  }
0x440: {  	v12 =	vnsel vm8, $0xFF, v12  }
0x441: {  	v54 =	vadd.s32 v1, v12;
	_ =	sdelay $0x2  }
0x442: {  	v11 =	vmul.f32 v52, v3  }
0x443: {  	[tilespmem:s15+$0xC100] =	vst v12  }
0x444: {  	[tilespmem:v54+s18+$0x0] =	vst.idx.add.s32.msk $0xffff, v2;
	v11 =	vadd.f32 v11, v4  }
0x445: {  	v56 =	vld [tilespmem:s15+$0x4180]  }
0x446: {  	v10 =	vnsel vm0, $0xFF, v10;
	v11 =	vtrunc.f32 v11  }
0x447: {  	v53 =	vadd.s32 v1, v10;
	v11 =	vcvt.f32.s32 v11;
	_ =	sdelay $0x1  }
0x448: {  	vm9 =	vlt.s32 v11, $0xFF  }
0x449: {  	v12 =	vmul.f32 v56, v3;
	v11 =	vnsel vm9, $0xFF, v11  }
0x44a: {  	[tilespmem:s7+$0xC100] =	vst v10;
	v55 =	vadd.s32 v1, v11  }
0x44b: {  	[tilespmem:v53+s18+$0x0] =	vst.idx.add.s32.msk $0xffff, v2;
	v12 =	vadd.f32 v12, v4  }
0x44c: {  	v13 =	vld [tilespmem:s7+$0x4180]  }
0x44d: {  	v12 =	vtrunc.f32 v12  }
0x44e: {  	[tilespmem:s1+$0xC100] =	vst v11;
	v12 =	vcvt.f32.s32 v12  }
0x44f: {  	[tilespmem:v55+s18+$0x0] =	vst.idx.add.s32.msk $0xffff, v2  }
0x450: {  	vm12 =	vlt.s32 v12, $0xFF;
	v10 =	vld [tilespmem:s1+$0x4180]  }
0x451: {  	v57 =	vmul.f32 v13, v3;
	v12 =	vnsel vm12, $0xFF, v12  }
0x452: {  	v60 =	vadd.s32 v1, v12  }
0x453: {  	v11 =	vadd.f32 v57, v4;
	_ =	sdelay $0x1  }
0x454: {  	v11 =	vtrunc.f32 v11;
	v10 =	vmul.f32 v10, v3  }
0x455: {  	vm10 =	vlt.s32 v8, $0xFF;
	v11 =	vcvt.f32.s32 v11;
	[tilespmem:s15+$0xC180] =	vst v12  }
0x456: {  	v8 =	vnsel vm10, $0xFF, v8;
	[tilespmem:v60+s18+$0x0] =	vst.idx.add.s32.msk $0xffff, v2;
	v10 =	vadd.f32 v10, v4  }
0x457: {  	v58 =	vadd.s32 v1, v8;
	vm11 =	vlt.s32 v11, $0xFF;
	v63 =	vld [tilespmem:s15+$0x4200]  }
0x458: {  	v11 =	vnsel vm11, $0xFF, v11;
	v10 =	vtrunc.f32 v10  }
0x459: {  	v59 =	vadd.s32 v1, v11;
	v10 =	vcvt.f32.s32 v10;
	_ =	sdelay $0x1  }
0x45a: {  	v9 =	vtrunc.f32 v9;
	[tilespmem:s12+$0xC180] =	vst v8;
	vm13 =	vlt.s32 v10, $0xFF  }
0x45b: {  	v62 =	vcvt.f32.s32 v9;
	[tilespmem:v58+s18+$0x0] =	vst.idx.add.s32.msk $0xffff, v2;
	v9 =	vmul.f32 v63, v3;
	v10 =	vnsel vm13, $0xFF, v10  }
0x45c: {  	v13 =	vld [tilespmem:s12+$0x4200];
	[tilespmem:s7+$0xC180] =	vst v11;
	v61 =	vadd.s32 v1, v10  }
0x45d: {  	[tilespmem:v59+s18+$0x0] =	vst.idx.add.s32.msk $0xffff, v2;
	v9 =	vadd.f32 v9, v4  }
0x45e: {  	v14 =	vld [tilespmem:s7+$0x4200]  }
0x45f: {  	v9 =	vtrunc.f32 v9  }
0x460: {  	vm14 =	vlt.s32 v62, $0xFF;
	[tilespmem:s1+$0xC180] =	vst v10;
	v9 =	vcvt.f32.s32 v9  }
0x461: {  	v8 =	vnsel vm14, $0xFF, v62;
	v15 =	vmul.f32 v13, v3;
	[tilespmem:v61+s18+$0x0] =	vst.idx.add.s32.msk $0xffff, v2  }
0x462: {  	v17 =	vadd.s32 v1, v8;
	vm5 =	vlt.s32 v9, $0xFF;
	v11 =	vld [tilespmem:s1+$0x4200]  }
0x463: {  	v16 =	vmul.f32 v14, v3;
	v10 =	vadd.f32 v15, v4;
	v9 =	vnsel vm5, $0xFF, v9  }
0x464: {  	v22 =	vadd.s32 v1, v9  }
0x465: {  	v12 =	vadd.f32 v16, v4;
	v10 =	vtrunc.f32 v10  }
0x466: {  	[tilespmem:s5+$0xC200] =	vst v8;
	v10 =	vcvt.f32.s32 v10  }
0x467: {  	[tilespmem:v17+s18+$0x0] =	vst.idx.add.s32.msk $0xffff, v2;
	v12 =	vtrunc.f32 v12;
	v11 =	vmul.f32 v11, v3  }
0x468: {  	v19 =	vld [tilespmem:s5+$0x4280];
	v18 =	vcvt.f32.s32 v12;
	[tilespmem:s15+$0xC200] =	vst v9;
	vm15 =	vlt.s32 v10, $0xFF  }
0x469: {  	v10 =	vnsel vm15, $0xFF, v10;
	[tilespmem:v22+s18+$0x0] =	vst.idx.add.s32.msk $0xffff, v2;
	v11 =	vadd.f32 v11, v4  }
0x46a: {  	vm4 =	vlt.s32 v18, $0xFF;
	v20 =	vadd.s32 v1, v10;
	[tilespmem:s12+$0xC200] =	vst v10;
	v10 =	vld [tilespmem:s15+$0x4280]  }
0x46b: {  	v7 =	vadd.f32 v7, v4;
	v8 =	vnsel vm4, $0xFF, v18;
	v11 =	vtrunc.f32 v11  }
0x46c: {  	v21 =	vadd.s32 v1, v8;
	v11 =	vcvt.f32.s32 v11  }
0x46d: {  	v7 =	vtrunc.f32 v7;
	v12 =	vmul.f32 v19, v3  }
0x46e: {  	v7 =	vcvt.f32.s32 v7;
	vm6 =	vlt.s32 v11, $0xFF  }
0x46f: {  	v12 =	vadd.f32 v12, v4;
	[tilespmem:v20+s18+$0x0] =	vst.idx.add.s32.msk $0xffff, v2;
	v10 =	vmul.f32 v10, v3;
	v11 =	vnsel vm6, $0xFF, v11  }
0x470: {  	[tilespmem:s7+$0xC200] =	vst v8;
	v13 =	vld [tilespmem:s12+$0x4280];
	v23 =	vadd.s32 v1, v11  }
0x471: {  	vm7 =	vlt.s32 v7, $0xFF;
	v24 =	vtrunc.f32 v12;
	[tilespmem:v21+s18+$0x0] =	vst.idx.add.s32.msk $0xffff, v2;
	v10 =	vadd.f32 v10, v4  }
0x472: {  	v7 =	vnsel vm7, $0xFF, v7;
	v9 =	vcvt.f32.s32 v24;
	v14 =	vld [tilespmem:s7+$0x4280]  }
0x473: {  	v26 =	vadd.s32 v1, v7;
	v10 =	vtrunc.f32 v10  }
0x474: {  	vm8 =	vlt.s32 v9, $0xFF;
	[tilespmem:s1+$0xC200] =	vst v11;
	v10 =	vcvt.f32.s32 v10  }
0x475: {  	v9 =	vnsel vm8, $0xFF, v9;
	v25 =	vmul.f32 v13, v3;
	[tilespmem:v23+s18+$0x0] =	vst.idx.add.s32.msk $0xffff, v2  }
0x476: {  	v29 =	vadd.s32 v1, v9;
	vm11 =	vlt.s32 v10, $0xFF;
	v27 =	vld [tilespmem:s1+$0x4280]  }
0x477: {  	[tilespmem:s26+$0xC280] =	vst v7;
	v28 =	vmul.f32 v14, v3;
	v11 =	vadd.f32 v25, v4;
	v10 =	vnsel vm11, $0xFF, v10  }
0x478: {  	[tilespmem:v26+s18+$0x0] =	vst.idx.add.s32.msk $0xffff, v2;
	v35 =	vadd.s32 v1, v10  }
0x479: {  	v8 =	vld [tilespmem:s26+$0x4300];
	v13 =	vadd.f32 v28, v4;
	v11 =	vtrunc.f32 v11  }
0x47a: {  	[tilespmem:s5+$0xC280] =	vst v9;
	v11 =	vcvt.f32.s32 v11  }
0x47b: {  	[tilespmem:v29+s18+$0x0] =	vst.idx.add.s32.msk $0xffff, v2;
	v7 =	vtrunc.f32 v13;
	v12 =	vmul.f32 v27, v3  }
0x47c: {  	v33 =	vld [tilespmem:s5+$0x4300];
	v7 =	vcvt.f32.s32 v7;
	[tilespmem:s15+$0xC280] =	vst v10;
	vm9 =	vlt.s32 v11, $0xFF  }
0x47d: {  	v6 =	vmul.f32 v6, v3;
	v30 =	vnsel vm9, $0xFF, v11;
	[tilespmem:v35+s18+$0x0] =	vst.idx.add.s32.msk $0xffff, v2;
	v31 =	vadd.f32 v12, v4  }
0x47e: {  	v8 =	vmul.f32 v8, v3;
	vm10 =	vlt.s32 v7, $0xFF;
	v32 =	vadd.s32 v1, v30;
	v39 =	vld [tilespmem:s15+$0x4300]  }
0x47f: {  	v6 =	vadd.f32 v6, v4;
	v7 =	vnsel vm10, $0xFF, v7;
	v11 =	vtrunc.f32 v31  }
0x480: {  	v8 =	vadd.f32 v8, v4;
	v34 =	vadd.s32 v1, v7;
	v11 =	vcvt.f32.s32 v11  }
0x481: {  	v6 =	vtrunc.f32 v6  }
0x482: {  	v6 =	vcvt.f32.s32 v6;
	v8 =	vtrunc.f32 v8;
	[tilespmem:s12+$0xC280] =	vst v30;
	vm12 =	vlt.s32 v11, $0xFF  }
0x483: {  	v36 =	vmul.f32 v33, v3;
	[tilespmem:v32+s18+$0x0] =	vst.idx.add.s32.msk $0xffff, v2;
	v10 =	vmul.f32 v39, v3;
	v11 =	vnsel vm12, $0xFF, v11  }
0x484: {  	v8 =	vcvt.f32.s32 v8;
	[tilespmem:s7+$0xC280] =	vst v7;
	v37 =	vld [tilespmem:s12+$0x4300];
	v7 =	vadd.s32 v1, v11  }
0x485: {  	vm13 =	vlt.s32 v6, $0xFF;
	[tilespmem:v34+s18+$0x0] =	vst.idx.add.s32.msk $0xffff, v2;
	v12 =	vadd.f32 v36, v4;
	v10 =	vadd.f32 v10, v4  }
0x486: {  	v6 =	vnsel vm13, $0xFF, v6;
	vm14 =	vlt.s32 v8, $0xFF;
	v14 =	vld [tilespmem:s7+$0x4300]  }
0x487: {  	s2 =	sadd.s32 $0x1, s2;
	[tilespmem:s24+$0xC300] =	vst v6;
	v8 =	vnsel vm14, $0xFF, v8;
	v38 =	vtrunc.f32 v12;
	v10 =	vtrunc.f32 v10  }
0x488: {  	s6 =	sand.u32 $0x7, s2;
	s10 =	sadd.s32 $0x1, s2;
	v43 =	vadd.s32 v1, v8;
	v9 =	vcvt.f32.s32 v38;
	[tilespmem:s1+$0xC280] =	vst v11;
	v10 =	vcvt.f32.s32 v10  }
0x489: {  	s6 =	sshll.u32 s6, $0x4;
	s24 =	sand.u32 $0x7, s10;
	s10 =	sadd.s32 $0x1, s10;
	v40 =	vmul.f32 v37, v3;
	[tilespmem:v7+s18+$0x0] =	vst.idx.add.s32.msk $0xffff, v2  }
0x48a: {  	s22 =	sadd.s32 s6, s14;
	s11 =	sand.u32 $0x7, s10;
	vm15 =	vlt.s32 v9, $0xFF;
	vm6 =	vlt.s32 v10, $0xFF;
	v7 =	vadd.s32 v1, v6;
	v41 =	vld [tilespmem:s1+$0x4300]  }
0x48b: {  	s2 =	sor.u32 $0x380, s22;
	s6 =	sshll.u32 s24, $0x4;
	s11 =	sshll.u32 s11, $0x4;
	v42 =	vmul.f32 v14, v3;
	v11 =	vadd.f32 v40, v4;
	v10 =	vnsel vm6, $0xFF, v10  }
0x48c: {  	s6 =	sadd.s32 s6, s25;
	s4 =	sadd.s32 s11, s4;
	s11 =	sadd.s32 $0x1, s10;
	[tilespmem:s26+$0xC300] =	vst v8;
	v9 =	vnsel vm15, $0xFF, v9;
	v51 =	vadd.s32 v1, v10  }
0x48d: {  	s6 =	sor.u32 $0x380, s6;
	s10 =	sand.u32 $0x7, s11;
	s14 =	sadd.s32 $0x1, s11;
	[tilespmem:v43+s18+$0x0] =	vst.idx.add.s32.msk $0xffff, v2;
	v13 =	vadd.f32 v42, v4;
	v11 =	vtrunc.f32 v11;
	v6 =	vadd.s32 v1, v9  }
0x48e: {  	s10 =	sshll.u32 s10, $0x4;
	s19 =	sand.u32 $0x7, s14;
	s22 =	sadd.s32 $0x1, s14;
	[tilespmem:s5+$0xC300] =	vst v9;
	v11 =	vcvt.f32.s32 v11  }
0x48f: {  	s16 =	sadd.s32 s10, s8;
	s8 =	sshll.u32 s19, $0x4;
	s25 =	sand.u32 $0x7, s22;
	[tilespmem:v7+s18+$0x0] =	vst.idx.add.s32.msk $0xffff, v2;
	v7 =	vtrunc.f32 v13;
	v12 =	vmul.f32 v41, v3  }
0x490: {  	s24 =	sadd.s32 s8, s13;
	s8 =	sshll.u32 s25, $0x4;
	v47 =	vld [tilespmem:s6+$0x4000];
	[tilespmem:s15+$0xC300] =	vst v10;
	vm4 =	vlt.s32 v11, $0xFF;
	v7 =	vcvt.f32.s32 v7  }
0x491: {  	s8 =	sadd.s32 s8, s23;
	v45 =	vnsel vm4, $0xFF, v11;
	[tilespmem:v51+s18+$0x0] =	vst.idx.add.s32.msk $0xffff, v2;
	v46 =	vadd.f32 v12, v4  }
0x492: {  	s8 =	sor.u32 $0x380, s8;
	v48 =	vadd.s32 v1, v45;
	[tilespmem:v6+s18+$0x0] =	vst.idx.add.s32.msk $0xffff, v2;
	vm5 =	vlt.s32 v7, $0xFF  }
0x493: {  	v56 =	vld [tilespmem:s8+$0x4000];
	v6 =	vnsel vm5, $0xFF, v7;
	v7 =	vtrunc.f32 v46  }
0x494: {  	v5 =	vmul.f32 v5, v3;
	s4 =	sor.u32 $0x380, s4;
	v44 =	vld [tilespmem:s2+$0x4000];
	v50 =	vadd.s32 v1, v6;
	v7 =	vcvt.f32.s32 v7  }
0x495: {  	v49 =	vld [tilespmem:s4+$0x4000]  }
0x496: {  	v5 =	vadd.f32 v5, v4;
	[tilespmem:s12+$0xC300] =	vst v45;
	vm7 =	vlt.s32 v7, $0xFF  }
0x497: {  	s5 =	sor.u32 $0x380, s16;
	[tilespmem:v48+s18+$0x0] =	vst.idx.add.s32.msk $0xffff, v2;
	v12 =	vmul.f32 v47, v3;
	v7 =	vnsel vm7, $0xFF, v7  }
0x498: {  	v5 =	vtrunc.f32 v5;
	v53 =	vld [tilespmem:s5+$0x4000];
	[tilespmem:s7+$0xC300] =	vst v6;
	v6 =	vadd.s32 v1, v7  }
0x499: {  	v5 =	vcvt.f32.s32 v5;
	s10 =	sadd.s32 $0x1, s22;
	v12 =	vadd.f32 v12, v4;
	s7 =	sor.u32 $0x380, s24;
	v10 =	vmul.f32 v56, v3;
	[tilespmem:v50+s18+$0x0] =	vst.idx.add.s32.msk $0xffff, v2  }
0x49a: {  	s10 =	sand.u32 $0x7, s10;
	v13 =	vmul.f32 v44, v3;
	v11 =	vmul.f32 v49, v3;
	v14 =	vld [tilespmem:s7+$0x4000]  }
0x49b: {  	s10 =	sshll.u32 s10, $0x4;
	vm8 =	vlt.s32 v5, $0xFF;
	v54 =	vtrunc.f32 v12;
	v10 =	vadd.f32 v10, v4  }
0x49c: {  	s26 =	sadd.s32 s10, s28;
	v52 =	vadd.f32 v13, v4;
	v11 =	vadd.f32 v11, v4;
	v55 =	vcvt.f32.s32 v54;
	[tilespmem:s1+$0xC300] =	vst v7  }
0x49d: {  	v5 =	vnsel vm8, $0xFF, v5;
	v57 =	vmul.f32 v53, v3;
	v10 =	vtrunc.f32 v10;
	s1 =	sor.u32 $0x380, s26;
	[tilespmem:v6+s18+$0x0] =	vst.idx.add.s32.msk $0xffff, v2  }
0x49e: {  	v9 =	vtrunc.f32 v52;
	v7 =	vtrunc.f32 v11;
	v6 =	vadd.s32 v1, v5;
	v58 =	vld [tilespmem:s1+$0x4000]  }
0x49f: {  	v11 =	vadd.f32 v57, v4;
	v10 =	vcvt.f32.s32 v10;
	v59 =	vmul.f32 v14, v3  }
0x4a0: {  	vm10 =	vlt.s32 v55, $0xFF;
	v9 =	vcvt.f32.s32 v9;
	v7 =	vcvt.f32.s32 v7  }
0x4a1: {  	v8 =	vnsel vm10, $0xFF, v55;
	v11 =	vtrunc.f32 v11;
	v13 =	vadd.f32 v59, v4  }
0x4a2: {  	[tilespmem:s9+$0xC000] =	vst v5;
	vm14 =	vlt.s32 v10, $0xFF;
	vm9 =	vlt.s32 v9, $0xFF;
	v5 =	vadd.s32 v1, v8  }
0x4a3: {  	vm11 =	vlt.s32 v7, $0xFF;
	[tilespmem:v6+s18+$0x0] =	vst.idx.add.s32.msk $0xffff, v2;
	v6 =	vtrunc.f32 v13;
	v12 =	vmul.f32 v58, v3  }
0x4a4: {  	[tilespmem:s6+$0xC000] =	vst v8;
	v11 =	vcvt.f32.s32 v11;
	v63 =	vnsel vm14, $0xFF, v10;
	v6 =	vcvt.f32.s32 v6  }
0x4a5: {  	v9 =	vnsel vm9, $0xFF, v9;
	v10 =	vadd.s32 v1, v63;
	[tilespmem:s8+$0xC000] =	vst v63;
	v12 =	vadd.f32 v12, v4  }
0x4a6: {  	v7 =	vnsel vm11, $0xFF, v7;
	v60 =	vadd.s32 v1, v9;
	[tilespmem:s2+$0xC000] =	vst v9;
	vm13 =	vlt.s32 v6, $0xFF  }
0x4a7: {  	vm12 =	vlt.s32 v11, $0xFF;
	[tilespmem:v5+s18+$0x0] =	vst.idx.add.s32.msk $0xffff, v2;
	v5 =	vnsel vm13, $0xFF, v6;
	v6 =	vtrunc.f32 v12  }
0x4a8: {  	v61 =	vadd.s32 v1, v7;
	[tilespmem:s4+$0xC000] =	vst v7;
	v11 =	vnsel vm12, $0xFF, v11;
	v6 =	vcvt.f32.s32 v6  }
0x4a9: {  	v62 =	vadd.s32 v1, v11;
	[tilespmem:s5+$0xC000] =	vst v11  }
0x4aa: {  	[tilespmem:v10+s18+$0x0] =	vst.idx.add.s32.msk $0xffff, v2;
	v7 =	vadd.s32 v1, v5;
	vm15 =	vlt.s32 v6, $0xFF  }
0x4ab: {  	[tilespmem:v60+s18+$0x0] =	vst.idx.add.s32.msk $0xffff, v2;
	v6 =	vnsel vm15, $0xFF, v6  }
0x4ac: {  	[tilespmem:s7+$0xC000] =	vst v5;
	v5 =	vadd.s32 v1, v6  }
0x4ad: {  	[tilespmem:v61+s18+$0x0] =	vst.idx.add.s32.msk $0xffff, v2  }
0x4ae: {  	[tilespmem:v62+s18+$0x0] =	vst.idx.add.s32.msk $0xffff, v2  }
0x4af: {  	p0 =	seq.s32 s30, $0xF;
	[tilespmem:v7+s18+$0x0] =	vst.idx.add.s32.msk $0xffff, v2  }
.Ltmp8:
0x4b0: {  	[tilespmem:s1+$0xC000] =	vst v6;
	(pc) =	sbr.rel @p0 .LBB2_14-.Ltmp8, $4  }
0x4b1: {  	[tilespmem:v5+s18+$0x0] =	vst.idx.add.s32.msk $0xffff, v2  }
0x4b2: {  	s1 =	rddreg [dreg:$0xa]  }
0x4b3: {  	s28 =	simm.s32 $0xC000;
	s0 =	sadd.s32 s0, s1  }
0x4b4: {  	[hbm4b:s0+s3] =	stream.linear.scatter [tilespmem:s28], [sflag:$0x4], $0x4000, $0x38;
	[tilespmem:$0x12100] =	vst v63  }
.Ltmp9:
0x4b5: {  	(pc) =	sbr.rel .LBB2_4-.Ltmp9, $4  }
0x4b6: {  	_ = 	snop  }
0x4b7: {  	s0 =	rddreg [dreg:$0xb]  }
0x4b8: {  	s1 =	simm.s32 $0x4000;
	s30 =	sadd.s32 $0x1, s30;
	s0 =	sadd.s32 s31, s0  }
0x4b9: {  	[tilespmem:s1], [sflag:$0x2] =	stream.linear.gather [hbm4b:s0+s3], $0x4000, $0x38;
	[tilespmem:$0x12100] =	vst v63  }
.LBB2_15:
0x4ba: {  	_ =	sfence.sel $0x180000  }
0x4bb: {  	[bflag:$0x0] =	sbarrier.arrive $0xFFFF  }
0x4bc: {  	_ =	strace $0x90000047  }
0x4bd: {  	s0 =	stileid.u32;
	[bflag:$0x2] =	sbarrier.arrive $0xFFFF  }
0x4be: {  	p0 =	sne.s32 s0, $0x0;
	s0 =	rddreg [dreg:$0x3]  }
0x4bf: {  	s0 =	sadd.s32 @!p0 $0x100000, s0  }
0x4c0: {  	[sflag:s0] =	ssyncadd.tile.s32 @!p0 $0x1;
	_ =	shalt  }
.Lfunc_end2:
_tile_overlayer_lowered:
.L_overlay_start_2:
0x4c1: {  	(tag) =	ssettag $0x2  }
0x4c2: {  	s0 =	rddreg [dreg:$0x0];
	s2 =	stileid.u32  }
0x4c3: {  	s1 =	rddreg [dreg:$0x1];
	p0 =	sne.s32 s2, $0x0  }
0x4c4: {  	s3 =	rddreg [dreg:$0x2];
	[bflag:$0x3] =	sbarrier.arrive $0xFFFF;
	s2 =	simm.s32 @!p0 $0x1C05  }
0x4c5: {  	[timem:s3], [sflag:s2] =	dma.local @!p0 [hbm:s0], s1  }
0x4c6: {  	s0 =	simm.s32 @!p0 $0x5  }
0x4c7: {  	_ =	swait.ge @!p0 [sflag:s0], s1  }
0x4c8: {  	s1 =	ssub.s32 @!p0 $0x0, s1;
	[sflag:s0] =	ssyncset.done @!p0 $0x0  }
0x4c9: {  	[sflag:s0] =	ssyncadd.s32 @!p0 s1  }
0x4ca: {  	[bflag:$0x3] =	sbarrier.arrive $0xFFFF  }
0x4cb: {  	_ =	shalt  }

</sc_bundles>
